<compile_context>
chip_gen: v7x
topology: tpu7x:2x2x1
jax: 0.10.2.dev20260603
libtpu: 0.0.44.dev20260713+nightly
codegen_flags: <defaults>
</compile_context>

<pallas_src>
import functools

import numpy as np
import jax
import jax.numpy as jnp
from jax import lax
from jax.experimental import pallas as pl
from jax.experimental.pallas import tpu as pltpu
from jax.experimental.pallas import tpu_sc as plsc

B = 64
C = 80
CPAD = 128
D = 128
P = B * (B - 1) // 2
PPAD = 2048

_OFF = [i * (B - 1) - i * (i - 1) // 2 for i in range(B)]



def _gram_body(x_ref, out_ref):
    x = x_ref[...]
    g = lax.dot_general(
        x, x, (((2,), (2,)), ((1,), (1,))),
        preferred_element_type=jnp.float32)
    nsq = jnp.sum(x * x, axis=2).T
    den = nsq[:, :, None] * nsq[:, None, :]
    gn = g * lax.rsqrt(jnp.maximum(den, 1e-18))
    t = gn.reshape(C, B * B).T
    out_ref[:, :C] = t


def _gram_tc(x):
    return pl.pallas_call(
        _gram_body,
        out_shape=jax.ShapeDtypeStruct((B * B, CPAD), jnp.float32),
    )(x)


_NC = 2
_NS = 16
_NW = _NC * _NS
_BPW = PPAD // _NW

_mesh = plsc.VectorSubcoreMesh(core_axis_name="c", subcore_axis_name="s")


@functools.partial(
    pl.kernel,
    mesh=_mesh,
    out_type=jax.ShapeDtypeStruct((P * CPAD,), jnp.float32),
    scratch_types=[
        pltpu.VMEM(((B - 1) * CPAD,), jnp.float32),
        pltpu.SemaphoreType.DMA,
        pltpu.SemaphoreType.DMA,
        pltpu.SemaphoreType.DMA,
        pltpu.SemaphoreType.DMA,
    ],
)
def _pair_gather_sc(table_hbm, out_hbm, buf_v, sem_a, sem_b, sem_c, sem_d):
    wid = lax.axis_index("s") * _NC + lax.axis_index("c")

    def seg(i):
        n = (B - 1) - i
        return (i * (B + 1) + 1) * CPAD, _OFF[i] * CPAD, n * CPAD

    for w in range(_NW):
        ia, ib = w, (B - 1) - w
        sa, da, na = seg(ia)
        sb, db, nb = seg(ib)

        @pl.when(wid == w)
        def _(sa=sa, da=da, na=na, sb=sb, db=db, nb=nb):
            ca = pltpu.make_async_copy(
                table_hbm.at[pl.ds(sa, na)], buf_v.at[pl.ds(0, na)], sem_a)
            ca.start()
            if nb:
                cb = pltpu.make_async_copy(
                    table_hbm.at[pl.ds(sb, nb)], buf_v.at[pl.ds(na, nb)],
                    sem_b)
                cb.start()
            ca.wait()
            sta = pltpu.make_async_copy(
                buf_v.at[pl.ds(0, na)], out_hbm.at[pl.ds(da, na)], sem_c)
            sta.start()
            if nb:
                cb.wait()
                stb = pltpu.make_async_copy(
                    buf_v.at[pl.ds(na, nb)], out_hbm.at[pl.ds(db, nb)],
                    sem_d)
                stb.start()
                stb.wait()
            sta.wait()


def kernel(input, target):
    table = _gram_tc(input)
    out = _pair_gather_sc(table.reshape(B * B * CPAD))
    return out.reshape(P, CPAD)[:, :C]

# --- scband reference (transcript-rebuilt; emitter-appended) ---
"""Pipeline reference for scband-instance-contrastive-loss-14302241095974 (READ-ONLY COPY).

The authoritative reference and input builder live on the scoring server;
editing this copy changes nothing except your own understanding.
"""

import jax, jax.numpy as jnp
import numpy as np

BATCH = 64
CLS = 80
DIM = 128

def setup_inputs(seed: int = 0) -> dict:
    key = jax.random.key(seed)
    k1, k2 = jax.random.split(key)
    inp = jax.random.normal(k1, (BATCH, CLS, DIM), dtype=jnp.float32)
    # target values in {-1, 0, 1} as in the torch module's contract
    target = (jax.random.randint(k2, (BATCH, CLS), 0, 3) - 1).astype(jnp.int32)
    return {"input": inp, "target": target}

def reference(input, target):
    # InstanceContrastiveLoss with reduce=None returns the pairwise cosine
    # similarity `distance`; the target-derived masks do not affect the output.
    B = input.shape[0]
    i0, i1 = np.triu_indices(B, k=1)  # same ordering as getConcatIndex
    a = input[i0]  # (P, CLS, DIM) gather
    b = input[i1]  # (P, CLS, DIM) gather
    dot = jnp.sum(a * b, axis=2)
    n1 = jnp.sqrt(jnp.sum(a * a, axis=2))
    n2 = jnp.sqrt(jnp.sum(b * b, axis=2))
    # torch.nn.CosineSimilarity(dim=2, eps=1e-9)
    distance = dot / jnp.maximum(n1 * n2, 1e-9)
    return distance

if __name__ == "__main__":
    import jax
    _d = setup_inputs()
    print(jax.jit(kernel)(*tuple(_d.values())))

</pallas_src>

<mosaic_0001>
#map = affine_map<(d0, d1) -> (0)>
module attributes {stable_mosaic.version = 14 : i64} {
  func.func @_pair_gather_sc(%arg0: i32, %arg1: i32, %arg2: memref<524288xf32, #tpu.memory_space<hbm>>, %arg3: memref<258048xf32, #tpu.memory_space<hbm>>, %arg4: memref<8064xf32, #tpu.memory_space<vmem>>, %arg5: memref<!tpu.dma_semaphore, #tpu.memory_space<semaphore_mem>>, %arg6: memref<!tpu.dma_semaphore, #tpu.memory_space<semaphore_mem>>, %arg7: memref<!tpu.dma_semaphore, #tpu.memory_space<semaphore_mem>>, %arg8: memref<!tpu.dma_semaphore, #tpu.memory_space<semaphore_mem>>) attributes {dimension_semantics = [#tpu.dimension_semantics<core_parallel>, #tpu.dimension_semantics<subcore_parallel>], iteration_bounds = array<i64: 2, 16>, scalar_prefetch = 0 : i64, scratch_operands = 5 : i64, tpu.core_type = #tpu.core_type<sc_vector_subcore>, window_params = [{transform_indices = #map}, {transform_indices = #map}]} {
    %mul3A = arith.constant 2 : i32
    %mul3A_0 = arith.muli %arg1, %mul3A : i32
    %add3A = arith.addi %mul3A_0, %arg0 : i32
    %eq3A = arith.constant 0 : i32
    %eq3A_1 = arith.cmpi eq, %add3A, %eq3A : i32
    %convert_element_type3A = arith.extui %eq3A_1 : i1 to i32
    %cond3A = arith.constant 0 : i32
    %cond3A_2 = arith.cmpi ne, %convert_element_type3A, %cond3A : i32
    scf.if %cond3A_2 {
      %dma_start3A = arith.constant 0 : i32
      %dma_start3A_158 = tpu.memref_slice %arg4[%dma_start3A] : memref<8064xf32, #tpu.memory_space<vmem>> -> memref<8064xf32, #tpu.memory_space<vmem>>
      %dma_start3A_159 = arith.constant 128 : i32
      %dma_start3A_160 = tpu.memref_slice %arg2[%dma_start3A_159] : memref<524288xf32, #tpu.memory_space<hbm>> -> memref<8064xf32, #tpu.memory_space<hbm>>
      %dma_start3A_161 = arith.constant 0 : i32
      %dma_start3A_162 = tpu.memref_slice %arg4[%dma_start3A_161] : memref<8064xf32, #tpu.memory_space<vmem>> -> memref<8064xf32, #tpu.memory_space<vmem>>
      %dma_start3A_163 = arith.constant 128 : i32
      %dma_start3A_164 = tpu.memref_slice %arg2[%dma_start3A_163] : memref<524288xf32, #tpu.memory_space<hbm>> -> memref<8064xf32, #tpu.memory_space<hbm>>
      tpu.enqueue_dma source(%dma_start3A_164 : memref<8064xf32, #tpu.memory_space<hbm>>) target(%dma_start3A_162 : memref<8064xf32, #tpu.memory_space<vmem>>) target_semaphore(%arg5 : memref<!tpu.dma_semaphore, #tpu.memory_space<semaphore_mem>>)
      %dma_wait3A = arith.constant 0 : i32
      %dma_wait3A_165 = tpu.memref_slice %arg4[%dma_wait3A] : memref<8064xf32, #tpu.memory_space<vmem>> -> memref<8064xf32, #tpu.memory_space<vmem>>
      %dma_wait3A_166 = arith.constant 128 : i32
      %dma_wait3A_167 = tpu.memref_slice %arg2[%dma_wait3A_166] : memref<524288xf32, #tpu.memory_space<hbm>> -> memref<8064xf32, #tpu.memory_space<hbm>>
      %dma_wait3A_168 = arith.constant 0 : i32
      %dma_wait3A_169 = tpu.memref_slice %arg4[%dma_wait3A_168] : memref<8064xf32, #tpu.memory_space<vmem>> -> memref<8064xf32, #tpu.memory_space<vmem>>
      %dma_wait3A_170 = arith.constant 128 : i32
      %dma_wait3A_171 = tpu.memref_slice %arg2[%dma_wait3A_170] : memref<524288xf32, #tpu.memory_space<hbm>> -> memref<8064xf32, #tpu.memory_space<hbm>>
      tpu.wait_dma2 semaphore(%arg5 : memref<!tpu.dma_semaphore, #tpu.memory_space<semaphore_mem>>) src(%dma_wait3A_171 : memref<8064xf32, #tpu.memory_space<hbm>>) dst(%dma_wait3A_169 : memref<8064xf32, #tpu.memory_space<vmem>>)
      %dma_start3A_172 = arith.constant 0 : i32
      %dma_start3A_173 = tpu.memref_slice %arg4[%dma_start3A_172] : memref<8064xf32, #tpu.memory_space<vmem>> -> memref<8064xf32, #tpu.memory_space<vmem>>
      %dma_start3A_174 = arith.constant 0 : i32
      %dma_start3A_175 = tpu.memref_slice %arg3[%dma_start3A_174] : memref<258048xf32, #tpu.memory_space<hbm>> -> memref<8064xf32, #tpu.memory_space<hbm>>
      %dma_start3A_176 = arith.constant 0 : i32
      %dma_start3A_177 = tpu.memref_slice %arg3[%dma_start3A_176] : memref<258048xf32, #tpu.memory_space<hbm>> -> memref<8064xf32, #tpu.memory_space<hbm>>
      %dma_start3A_178 = arith.constant 0 : i32
      %dma_start3A_179 = tpu.memref_slice %arg4[%dma_start3A_178] : memref<8064xf32, #tpu.memory_space<vmem>> -> memref<8064xf32, #tpu.memory_space<vmem>>
      tpu.enqueue_dma source(%dma_start3A_179 : memref<8064xf32, #tpu.memory_space<vmem>>) target(%dma_start3A_177 : memref<8064xf32, #tpu.memory_space<hbm>>) target_semaphore(%arg7 : memref<!tpu.dma_semaphore, #tpu.memory_space<semaphore_mem>>)
      %dma_wait3A_180 = arith.constant 0 : i32
      %dma_wait3A_181 = tpu.memref_slice %arg4[%dma_wait3A_180] : memref<8064xf32, #tpu.memory_space<vmem>> -> memref<8064xf32, #tpu.memory_space<vmem>>
      %dma_wait3A_182 = arith.constant 0 : i32
      %dma_wait3A_183 = tpu.memref_slice %arg3[%dma_wait3A_182] : memref<258048xf32, #tpu.memory_space<hbm>> -> memref<8064xf32, #tpu.memory_space<hbm>>
      %dma_wait3A_184 = arith.constant 0 : i32
      %dma_wait3A_185 = tpu.memref_slice %arg3[%dma_wait3A_184] : memref<258048xf32, #tpu.memory_space<hbm>> -> memref<8064xf32, #tpu.memory_space<hbm>>
      %dma_wait3A_186 = arith.constant 0 : i32
      %dma_wait3A_187 = tpu.memref_slice %arg4[%dma_wait3A_186] : memref<8064xf32, #tpu.memory_space<vmem>> -> memref<8064xf32, #tpu.memory_space<vmem>>
      tpu.wait_dma2 semaphore(%arg7 : memref<!tpu.dma_semaphore, #tpu.memory_space<semaphore_mem>>) src(%dma_wait3A_187 : memref<8064xf32, #tpu.memory_space<vmem>>) dst(%dma_wait3A_185 : memref<8064xf32, #tpu.memory_space<hbm>>)
    } else {
    }
    %eq3A_3 = arith.constant 1 : i32
    %eq3A_4 = arith.cmpi eq, %add3A, %eq3A_3 : i32
    %convert_element_type3A_5 = arith.extui %eq3A_4 : i1 to i32
    %cond3A_6 = arith.constant 0 : i32
    %cond3A_7 = arith.cmpi ne, %convert_element_type3A_5, %cond3A_6 : i32
    scf.if %cond3A_7 {
      %dma_start3A = arith.constant 0 : i32
      %dma_start3A_158 = tpu.memref_slice %arg4[%dma_start3A] : memref<8064xf32, #tpu.memory_space<vmem>> -> memref<7936xf32, #tpu.memory_space<vmem>>
      %dma_start3A_159 = arith.constant 8448 : i32
      %dma_start3A_160 = tpu.memref_slice %arg2[%dma_start3A_159] : memref<524288xf32, #tpu.memory_space<hbm>> -> memref<7936xf32, #tpu.memory_space<hbm>>
      %dma_start3A_161 = arith.constant 0 : i32
      %dma_start3A_162 = tpu.memref_slice %arg4[%dma_start3A_161] : memref<8064xf32, #tpu.memory_space<vmem>> -> memref<7936xf32, #tpu.memory_space<vmem>>
      %dma_start3A_163 = arith.constant 8448 : i32
      %dma_start3A_164 = tpu.memref_slice %arg2[%dma_start3A_163] : memref<524288xf32, #tpu.memory_space<hbm>> -> memref<7936xf32, #tpu.memory_space<hbm>>
      tpu.enqueue_dma source(%dma_start3A_164 : memref<7936xf32, #tpu.memory_space<hbm>>) target(%dma_start3A_162 : memref<7936xf32, #tpu.memory_space<vmem>>) target_semaphore(%arg5 : memref<!tpu.dma_semaphore, #tpu.memory_space<semaphore_mem>>)
      %dma_start3A_165 = arith.constant 7936 : i32
      %dma_start3A_166 = tpu.memref_slice %arg4[%dma_start3A_165] : memref<8064xf32, #tpu.memory_space<vmem>> -> memref<128xf32, #tpu.memory_space<vmem>>
      %dma_start3A_167 = arith.constant 515968 : i32
      %dma_start3A_168 = tpu.memref_slice %arg2[%dma_start3A_167] : memref<524288xf32, #tpu.memory_space<hbm>> -> memref<128xf32, #tpu.memory_space<hbm>>
      %dma_start3A_169 = arith.constant 7936 : i32
      %dma_start3A_170 = tpu.memref_slice %arg4[%dma_start3A_169] : memref<8064xf32, #tpu.memory_space<vmem>> -> memref<128xf32, #tpu.memory_space<vmem>>
      %dma_start3A_171 = arith.constant 515968 : i32
      %dma_start3A_172 = tpu.memref_slice %arg2[%dma_start3A_171] : memref<524288xf32, #tpu.memory_space<hbm>> -> memref<128xf32, #tpu.memory_space<hbm>>
      tpu.enqueue_dma source(%dma_start3A_172 : memref<128xf32, #tpu.memory_space<hbm>>) target(%dma_start3A_170 : memref<128xf32, #tpu.memory_space<vmem>>) target_semaphore(%arg6 : memref<!tpu.dma_semaphore, #tpu.memory_space<semaphore_mem>>)
      %dma_wait3A = arith.constant 0 : i32
      %dma_wait3A_173 = tpu.memref_slice %arg4[%dma_wait3A] : memref<8064xf32, #tpu.memory_space<vmem>> -> memref<7936xf32, #tpu.memory_space<vmem>>
      %dma_wait3A_174 = arith.constant 8448 : i32
      %dma_wait3A_175 = tpu.memref_slice %arg2[%dma_wait3A_174] : memref<524288xf32, #tpu.memory_space<hbm>> -> memref<7936xf32, #tpu.memory_space<hbm>>
      %dma_wait3A_176 = arith.constant 0 : i32
      %dma_wait3A_177 = tpu.memref_slice %arg4[%dma_wait3A_176] : memref<8064xf32, #tpu.memory_space<vmem>> -> memref<7936xf32, #tpu.memory_space<vmem>>
      %dma_wait3A_178 = arith.constant 8448 : i32
      %dma_wait3A_179 = tpu.memref_slice %arg2[%dma_wait3A_178] : memref<524288xf32, #tpu.memory_space<hbm>> -> memref<7936xf32, #tpu.memory_space<hbm>>
      tpu.wait_dma2 semaphore(%arg5 : memref<!tpu.dma_semaphore, #tpu.memory_space<semaphore_mem>>) src(%dma_wait3A_179 : memref<7936xf32, #tpu.memory_space<hbm>>) dst(%dma_wait3A_177 : memref<7936xf32, #tpu.memory_space<vmem>>)
      %dma_start3A_180 = arith.constant 0 : i32
      %dma_start3A_181 = tpu.memref_slice %arg4[%dma_start3A_180] : memref<8064xf32, #tpu.memory_space<vmem>> -> memref<7936xf32, #tpu.memory_space<vmem>>
      %dma_start3A_182 = arith.constant 8064 : i32
      %dma_start3A_183 = tpu.memref_slice %arg3[%dma_start3A_182] : memref<258048xf32, #tpu.memory_space<hbm>> -> memref<7936xf32, #tpu.memory_space<hbm>>
      %dma_start3A_184 = arith.constant 8064 : i32
      %dma_start3A_185 = tpu.memref_slice %arg3[%dma_start3A_184] : memref<258048xf32, #tpu.memory_space<hbm>> -> memref<7936xf32, #tpu.memory_space<hbm>>
      %dma_start3A_186 = arith.constant 0 : i32
      %dma_start3A_187 = tpu.memref_slice %arg4[%dma_start3A_186] : memref<8064xf32, #tpu.memory_space<vmem>> -> memref<7936xf32, #tpu.memory_space<vmem>>
      tpu.enqueue_dma source(%dma_start3A_187 : memref<7936xf32, #tpu.memory_space<vmem>>) target(%dma_start3A_185 : memref<7936xf32, #tpu.memory_space<hbm>>) target_semaphore(%arg7 : memref<!tpu.dma_semaphore, #tpu.memory_space<semaphore_mem>>)
      %dma_wait3A_188 = arith.constant 7936 : i32
      %dma_wait3A_189 = tpu.memref_slice %arg4[%dma_wait3A_188] : memref<8064xf32, #tpu.memory_space<vmem>> -> memref<128xf32, #tpu.memory_space<vmem>>
      %dma_wait3A_190 = arith.constant 515968 : i32
      %dma_wait3A_191 = tpu.memref_slice %arg2[%dma_wait3A_190] : memref<524288xf32, #tpu.memory_space<hbm>> -> memref<128xf32, #tpu.memory_space<hbm>>
      %dma_wait3A_192 = arith.constant 7936 : i32
      %dma_wait3A_193 = tpu.memref_slice %arg4[%dma_wait3A_192] : memref<8064xf32, #tpu.memory_space<vmem>> -> memref<128xf32, #tpu.memory_space<vmem>>
      %dma_wait3A_194 = arith.constant 515968 : i32
      %dma_wait3A_195 = tpu.memref_slice %arg2[%dma_wait3A_194] : memref<524288xf32, #tpu.memory_space<hbm>> -> memref<128xf32, #tpu.memory_space<hbm>>
      tpu.wait_dma2 semaphore(%arg6 : memref<!tpu.dma_semaphore, #tpu.memory_space<semaphore_mem>>) src(%dma_wait3A_195 : memref<128xf32, #tpu.memory_space<hbm>>) dst(%dma_wait3A_193 : memref<128xf32, #tpu.memory_space<vmem>>)
      %dma_start3A_196 = arith.constant 7936 : i32
      %dma_start3A_197 = tpu.memref_slice %arg4[%dma_start3A_196] : memref<8064xf32, #tpu.memory_space<vmem>> -> memref<128xf32, #tpu.memory_space<vmem>>
      %dma_start3A_198 = arith.constant 257920 : i32
      %dma_start3A_199 = tpu.memref_slice %arg3[%dma_start3A_198] : memref<258048xf32, #tpu.memory_space<hbm>> -> memref<128xf32, #tpu.memory_space<hbm>>
      %dma_start3A_200 = arith.constant 257920 : i32
      %dma_start3A_201 = tpu.memref_slice %arg3[%dma_start3A_200] : memref<258048xf32, #tpu.memory_space<hbm>> -> memref<128xf32, #tpu.memory_space<hbm>>
      %dma_start3A_202 = arith.constant 7936 : i32
      %dma_start3A_203 = tpu.memref_slice %arg4[%dma_start3A_202] : memref<8064xf32, #tpu.memory_space<vmem>> -> memref<128xf32, #tpu.memory_space<vmem>>
      tpu.enqueue_dma source(%dma_start3A_203 : memref<128xf32, #tpu.memory_space<vmem>>) target(%dma_start3A_201 : memref<128xf32, #tpu.memory_space<hbm>>) target_semaphore(%arg8 : memref<!tpu.dma_semaphore, #tpu.memory_space<semaphore_mem>>)
      %dma_wait3A_204 = arith.constant 7936 : i32
      %dma_wait3A_205 = tpu.memref_slice %arg4[%dma_wait3A_204] : memref<8064xf32, #tpu.memory_space<vmem>> -> memref<128xf32, #tpu.memory_space<vmem>>
      %dma_wait3A_206 = arith.constant 257920 : i32
      %dma_wait3A_207 = tpu.memref_slice %arg3[%dma_wait3A_206] : memref<258048xf32, #tpu.memory_space<hbm>> -> memref<128xf32, #tpu.memory_space<hbm>>
      %dma_wait3A_208 = arith.constant 257920 : i32
      %dma_wait3A_209 = tpu.memref_slice %arg3[%dma_wait3A_208] : memref<258048xf32, #tpu.memory_space<hbm>> -> memref<128xf32, #tpu.memory_space<hbm>>
      %dma_wait3A_210 = arith.constant 7936 : i32
      %dma_wait3A_211 = tpu.memref_slice %arg4[%dma_wait3A_210] : memref<8064xf32, #tpu.memory_space<vmem>> -> memref<128xf32, #tpu.memory_space<vmem>>
      tpu.wait_dma2 semaphore(%arg8 : memref<!tpu.dma_semaphore, #tpu.memory_space<semaphore_mem>>) src(%dma_wait3A_211 : memref<128xf32, #tpu.memory_space<vmem>>) dst(%dma_wait3A_209 : memref<128xf32, #tpu.memory_space<hbm>>)
      %dma_wait3A_212 = arith.constant 0 : i32
      %dma_wait3A_213 = tpu.memref_slice %arg4[%dma_wait3A_212] : memref<8064xf32, #tpu.memory_space<vmem>> -> memref<7936xf32, #tpu.memory_space<vmem>>
      %dma_wait3A_214 = arith.constant 8064 : i32
      %dma_wait3A_215 = tpu.memref_slice %arg3[%dma_wait3A_214] : memref<258048xf32, #tpu.memory_space<hbm>> -> memref<7936xf32, #tpu.memory_space<hbm>>
      %dma_wait3A_216 = arith.constant 8064 : i32
      %dma_wait3A_217 = tpu.memref_slice %arg3[%dma_wait3A_216] : memref<258048xf32, #tpu.memory_space<hbm>> -> memref<7936xf32, #tpu.memory_space<hbm>>
      %dma_wait3A_218 = arith.constant 0 : i32
      %dma_wait3A_219 = tpu.memref_slice %arg4[%dma_wait3A_218] : memref<8064xf32, #tpu.memory_space<vmem>> -> memref<7936xf32, #tpu.memory_space<vmem>>
      tpu.wait_dma2 semaphore(%arg7 : memref<!tpu.dma_semaphore, #tpu.memory_space<semaphore_mem>>) src(%dma_wait3A_219 : memref<7936xf32, #tpu.memory_space<vmem>>) dst(%dma_wait3A_217 : memref<7936xf32, #tpu.memory_space<hbm>>)
    } else {
    }
    %eq3A_8 = arith.constant 2 : i32
    %eq3A_9 = arith.cmpi eq, %add3A, %eq3A_8 : i32
    %convert_element_type3A_10 = arith.extui %eq3A_9 : i1 to i32
    %cond3A_11 = arith.constant 0 : i32
    %cond3A_12 = arith.cmpi ne, %convert_element_type3A_10, %cond3A_11 : i32
    scf.if %cond3A_12 {
      %dma_start3A = arith.constant 0 : i32
      %dma_start3A_158 = tpu.memref_slice %arg4[%dma_start3A] : memref<8064xf32, #tpu.memory_space<vmem>> -> memref<7808xf32, #tpu.memory_space<vmem>>
      %dma_start3A_159 = arith.constant 16768 : i32
      %dma_start3A_160 = tpu.memref_slice %arg2[%dma_start3A_159] : memref<524288xf32, #tpu.memory_space<hbm>> -> memref<7808xf32, #tpu.memory_space<hbm>>
      %dma_start3A_161 = arith.constant 0 : i32
      %dma_start3A_162 = tpu.memref_slice %arg4[%dma_start3A_161] : memref<8064xf32, #tpu.memory_space<vmem>> -> memref<7808xf32, #tpu.memory_space<vmem>>
      %dma_start3A_163 = arith.constant 16768 : i32
      %dma_start3A_164 = tpu.memref_slice %arg2[%dma_start3A_163] : memref<524288xf32, #tpu.memory_space<hbm>> -> memref<7808xf32, #tpu.memory_space<hbm>>
      tpu.enqueue_dma source(%dma_start3A_164 : memref<7808xf32, #tpu.memory_space<hbm>>) target(%dma_start3A_162 : memref<7808xf32, #tpu.memory_space<vmem>>) target_semaphore(%arg5 : memref<!tpu.dma_semaphore, #tpu.memory_space<semaphore_mem>>)
      %dma_start3A_165 = arith.constant 7808 : i32
      %dma_start3A_166 = tpu.memref_slice %arg4[%dma_start3A_165] : memref<8064xf32, #tpu.memory_space<vmem>> -> memref<256xf32, #tpu.memory_space<vmem>>
      %dma_start3A_167 = arith.constant 507648 : i32
      %dma_start3A_168 = tpu.memref_slice %arg2[%dma_start3A_167] : memref<524288xf32, #tpu.memory_space<hbm>> -> memref<256xf32, #tpu.memory_space<hbm>>
      %dma_start3A_169 = arith.constant 7808 : i32
      %dma_start3A_170 = tpu.memref_slice %arg4[%dma_start3A_169] : memref<8064xf32, #tpu.memory_space<vmem>> -> memref<256xf32, #tpu.memory_space<vmem>>
      %dma_start3A_171 = arith.constant 507648 : i32
      %dma_start3A_172 = tpu.memref_slice %arg2[%dma_start3A_171] : memref<524288xf32, #tpu.memory_space<hbm>> -> memref<256xf32, #tpu.memory_space<hbm>>
      tpu.enqueue_dma source(%dma_start3A_172 : memref<256xf32, #tpu.memory_space<hbm>>) target(%dma_start3A_170 : memref<256xf32, #tpu.memory_space<vmem>>) target_semaphore(%arg6 : memref<!tpu.dma_semaphore, #tpu.memory_space<semaphore_mem>>)
      %dma_wait3A = arith.constant 0 : i32
      %dma_wait3A_173 = tpu.memref_slice %arg4[%dma_wait3A] : memref<8064xf32, #tpu.memory_space<vmem>> -> memref<7808xf32, #tpu.memory_space<vmem>>
      %dma_wait3A_174 = arith.constant 16768 : i32
      %dma_wait3A_175 = tpu.memref_slice %arg2[%dma_wait3A_174] : memref<524288xf32, #tpu.memory_space<hbm>> -> memref<7808xf32, #tpu.memory_space<hbm>>
      %dma_wait3A_176 = arith.constant 0 : i32
      %dma_wait3A_177 = tpu.memref_slice %arg4[%dma_wait3A_176] : memref<8064xf32, #tpu.memory_space<vmem>> -> memref<7808xf32, #tpu.memory_space<vmem>>
      %dma_wait3A_178 = arith.constant 16768 : i32
      %dma_wait3A_179 = tpu.memref_slice %arg2[%dma_wait3A_178] : memref<524288xf32, #tpu.memory_space<hbm>> -> memref<7808xf32, #tpu.memory_space<hbm>>
      tpu.wait_dma2 semaphore(%arg5 : memref<!tpu.dma_semaphore, #tpu.memory_space<semaphore_mem>>) src(%dma_wait3A_179 : memref<7808xf32, #tpu.memory_space<hbm>>) dst(%dma_wait3A_177 : memref<7808xf32, #tpu.memory_space<vmem>>)
      %dma_start3A_180 = arith.constant 0 : i32
      %dma_start3A_181 = tpu.memref_slice %arg4[%dma_start3A_180] : memref<8064xf32, #tpu.memory_space<vmem>> -> memref<7808xf32, #tpu.memory_space<vmem>>
      %dma_start3A_182 = arith.constant 16000 : i32
      %dma_start3A_183 = tpu.memref_slice %arg3[%dma_start3A_182] : memref<258048xf32, #tpu.memory_space<hbm>> -> memref<7808xf32, #tpu.memory_space<hbm>>
      %dma_start3A_184 = arith.constant 16000 : i32
      %dma_start3A_185 = tpu.memref_slice %arg3[%dma_start3A_184] : memref<258048xf32, #tpu.memory_space<hbm>> -> memref<7808xf32, #tpu.memory_space<hbm>>
      %dma_start3A_186 = arith.constant 0 : i32
      %dma_start3A_187 = tpu.memref_slice %arg4[%dma_start3A_186] : memref<8064xf32, #tpu.memory_space<vmem>> -> memref<7808xf32, #tpu.memory_space<vmem>>
      tpu.enqueue_dma source(%dma_start3A_187 : memref<7808xf32, #tpu.memory_space<vmem>>) target(%dma_start3A_185 : memref<7808xf32, #tpu.memory_space<hbm>>) target_semaphore(%arg7 : memref<!tpu.dma_semaphore, #tpu.memory_space<semaphore_mem>>)
      %dma_wait3A_188 = arith.constant 7808 : i32
      %dma_wait3A_189 = tpu.memref_slice %arg4[%dma_wait3A_188] : memref<8064xf32, #tpu.memory_space<vmem>> -> memref<256xf32, #tpu.memory_space<vmem>>
      %dma_wait3A_190 = arith.constant 507648 : i32
      %dma_wait3A_191 = tpu.memref_slice %arg2[%dma_wait3A_190] : memref<524288xf32, #tpu.memory_space<hbm>> -> memref<256xf32, #tpu.memory_space<hbm>>
      %dma_wait3A_192 = arith.constant 7808 : i32
      %dma_wait3A_193 = tpu.memref_slice %arg4[%dma_wait3A_192] : memref<8064xf32, #tpu.memory_space<vmem>> -> memref<256xf32, #tpu.memory_space<vmem>>
      %dma_wait3A_194 = arith.constant 507648 : i32
      %dma_wait3A_195 = tpu.memref_slice %arg2[%dma_wait3A_194] : memref<524288xf32, #tpu.memory_space<hbm>> -> memref<256xf32, #tpu.memory_space<hbm>>
      tpu.wait_dma2 semaphore(%arg6 : memref<!tpu.dma_semaphore, #tpu.memory_space<semaphore_mem>>) src(%dma_wait3A_195 : memref<256xf32, #tpu.memory_space<hbm>>) dst(%dma_wait3A_193 : memref<256xf32, #tpu.memory_space<vmem>>)
      %dma_start3A_196 = arith.constant 7808 : i32
      %dma_start3A_197 = tpu.memref_slice %arg4[%dma_start3A_196] : memref<8064xf32, #tpu.memory_space<vmem>> -> memref<256xf32, #tpu.memory_space<vmem>>
      %dma_start3A_198 = arith.constant 257664 : i32
      %dma_start3A_199 = tpu.memref_slice %arg3[%dma_start3A_198] : memref<258048xf32, #tpu.memory_space<hbm>> -> memref<256xf32, #tpu.memory_space<hbm>>
      %dma_start3A_200 = arith.constant 257664 : i32
      %dma_start3A_201 = tpu.memref_slice %arg3[%dma_start3A_200] : memref<258048xf32, #tpu.memory_space<hbm>> -> memref<256xf32, #tpu.memory_space<hbm>>
      %dma_start3A_202 = arith.constant 7808 : i32
      %dma_start3A_203 = tpu.memref_slice %arg4[%dma_start3A_202] : memref<8064xf32, #tpu.memory_space<vmem>> -> memref<256xf32, #tpu.memory_space<vmem>>
      tpu.enqueue_dma source(%dma_start3A_203 : memref<256xf32, #tpu.memory_space<vmem>>) target(%dma_start3A_201 : memref<256xf32, #tpu.memory_space<hbm>>) target_semaphore(%arg8 : memref<!tpu.dma_semaphore, #tpu.memory_space<semaphore_mem>>)
      %dma_wait3A_204 = arith.constant 7808 : i32
      %dma_wait3A_205 = tpu.memref_slice %arg4[%dma_wait3A_204] : memref<8064xf32, #tpu.memory_space<vmem>> -> memref<256xf32, #tpu.memory_space<vmem>>
      %dma_wait3A_206 = arith.constant 257664 : i32
      %dma_wait3A_207 = tpu.memref_slice %arg3[%dma_wait3A_206] : memref<258048xf32, #tpu.memory_space<hbm>> -> memref<256xf32, #tpu.memory_space<hbm>>
      %dma_wait3A_208 = arith.constant 257664 : i32
      %dma_wait3A_209 = tpu.memref_slice %arg3[%dma_wait3A_208] : memref<258048xf32, #tpu.memory_space<hbm>> -> memref<256xf32, #tpu.memory_space<hbm>>
      %dma_wait3A_210 = arith.constant 7808 : i32
      %dma_wait3A_211 = tpu.memref_slice %arg4[%dma_wait3A_210] : memref<8064xf32, #tpu.memory_space<vmem>> -> memref<256xf32, #tpu.memory_space<vmem>>
      tpu.wait_dma2 semaphore(%arg8 : memref<!tpu.dma_semaphore, #tpu.memory_space<semaphore_mem>>) src(%dma_wait3A_211 : memref<256xf32, #tpu.memory_space<vmem>>) dst(%dma_wait3A_209 : memref<256xf32, #tpu.memory_space<hbm>>)
      %dma_wait3A_212 = arith.constant 0 : i32
      %dma_wait3A_213 = tpu.memref_slice %arg4[%dma_wait3A_212] : memref<8064xf32, #tpu.memory_space<vmem>> -> memref<7808xf32, #tpu.memory_space<vmem>>
      %dma_wait3A_214 = arith.constant 16000 : i32
      %dma_wait3A_215 = tpu.memref_slice %arg3[%dma_wait3A_214] : memref<258048xf32, #tpu.memory_space<hbm>> -> memref<7808xf32, #tpu.memory_space<hbm>>
      %dma_wait3A_216 = arith.constant 16000 : i32
      %dma_wait3A_217 = tpu.memref_slice %arg3[%dma_wait3A_216] : memref<258048xf32, #tpu.memory_space<hbm>> -> memref<7808xf32, #tpu.memory_space<hbm>>
      %dma_wait3A_218 = arith.constant 0 : i32
      %dma_wait3A_219 = tpu.memref_slice %arg4[%dma_wait3A_218] : memref<8064xf32, #tpu.memory_space<vmem>> -> memref<7808xf32, #tpu.memory_space<vmem>>
      tpu.wait_dma2 semaphore(%arg7 : memref<!tpu.dma_semaphore, #tpu.memory_space<semaphore_mem>>) src(%dma_wait3A_219 : memref<7808xf32, #tpu.memory_space<vmem>>) dst(%dma_wait3A_217 : memref<7808xf32, #tpu.memory_space<hbm>>)
    } else {
    }
    %eq3A_13 = arith.constant 3 : i32
    %eq3A_14 = arith.cmpi eq, %add3A, %eq3A_13 : i32
    %convert_element_type3A_15 = arith.extui %eq3A_14 : i1 to i32
    %cond3A_16 = arith.constant 0 : i32
    %cond3A_17 = arith.cmpi ne, %convert_element_type3A_15, %cond3A_16 : i32
    scf.if %cond3A_17 {
      %dma_start3A = arith.constant 0 : i32
      %dma_start3A_158 = tpu.memref_slice %arg4[%dma_start3A] : memref<8064xf32, #tpu.memory_space<vmem>> -> memref<7680xf32, #tpu.memory_space<vmem>>
      %dma_start3A_159 = arith.constant 25088 : i32
      %dma_start3A_160 = tpu.memref_slice %arg2[%dma_start3A_159] : memref<524288xf32, #tpu.memory_space<hbm>> -> memref<7680xf32, #tpu.memory_space<hbm>>
      %dma_start3A_161 = arith.constant 0 : i32
      %dma_start3A_162 = tpu.memref_slice %arg4[%dma_start3A_161] : memref<8064xf32, #tpu.memory_space<vmem>> -> memref<7680xf32, #tpu.memory_space<vmem>>
      %dma_start3A_163 = arith.constant 25088 : i32
      %dma_start3A_164 = tpu.memref_slice %arg2[%dma_start3A_163] : memref<524288xf32, #tpu.memory_space<hbm>> -> memref<7680xf32, #tpu.memory_space<hbm>>
      tpu.enqueue_dma source(%dma_start3A_164 : memref<7680xf32, #tpu.memory_space<hbm>>) target(%dma_start3A_162 : memref<7680xf32, #tpu.memory_space<vmem>>) target_semaphore(%arg5 : memref<!tpu.dma_semaphore, #tpu.memory_space<semaphore_mem>>)
      %dma_start3A_165 = arith.constant 7680 : i32
      %dma_start3A_166 = tpu.memref_slice %arg4[%dma_start3A_165] : memref<8064xf32, #tpu.memory_space<vmem>> -> memref<384xf32, #tpu.memory_space<vmem>>
      %dma_start3A_167 = arith.constant 499328 : i32
      %dma_start3A_168 = tpu.memref_slice %arg2[%dma_start3A_167] : memref<524288xf32, #tpu.memory_space<hbm>> -> memref<384xf32, #tpu.memory_space<hbm>>
      %dma_start3A_169 = arith.constant 7680 : i32
      %dma_start3A_170 = tpu.memref_slice %arg4[%dma_start3A_169] : memref<8064xf32, #tpu.memory_space<vmem>> -> memref<384xf32, #tpu.memory_space<vmem>>
      %dma_start3A_171 = arith.constant 499328 : i32
      %dma_start3A_172 = tpu.memref_slice %arg2[%dma_start3A_171] : memref<524288xf32, #tpu.memory_space<hbm>> -> memref<384xf32, #tpu.memory_space<hbm>>
      tpu.enqueue_dma source(%dma_start3A_172 : memref<384xf32, #tpu.memory_space<hbm>>) target(%dma_start3A_170 : memref<384xf32, #tpu.memory_space<vmem>>) target_semaphore(%arg6 : memref<!tpu.dma_semaphore, #tpu.memory_space<semaphore_mem>>)
      %dma_wait3A = arith.constant 0 : i32
      %dma_wait3A_173 = tpu.memref_slice %arg4[%dma_wait3A] : memref<8064xf32, #tpu.memory_space<vmem>> -> memref<7680xf32, #tpu.memory_space<vmem>>
      %dma_wait3A_174 = arith.constant 25088 : i32
      %dma_wait3A_175 = tpu.memref_slice %arg2[%dma_wait3A_174] : memref<524288xf32, #tpu.memory_space<hbm>> -> memref<7680xf32, #tpu.memory_space<hbm>>
      %dma_wait3A_176 = arith.constant 0 : i32
      %dma_wait3A_177 = tpu.memref_slice %arg4[%dma_wait3A_176] : memref<8064xf32, #tpu.memory_space<vmem>> -> memref<7680xf32, #tpu.memory_space<vmem>>
      %dma_wait3A_178 = arith.constant 25088 : i32
      %dma_wait3A_179 = tpu.memref_slice %arg2[%dma_wait3A_178] : memref<524288xf32, #tpu.memory_space<hbm>> -> memref<7680xf32, #tpu.memory_space<hbm>>
      tpu.wait_dma2 semaphore(%arg5 : memref<!tpu.dma_semaphore, #tpu.memory_space<semaphore_mem>>) src(%dma_wait3A_179 : memref<7680xf32, #tpu.memory_space<hbm>>) dst(%dma_wait3A_177 : memref<7680xf32, #tpu.memory_space<vmem>>)
      %dma_start3A_180 = arith.constant 0 : i32
      %dma_start3A_181 = tpu.memref_slice %arg4[%dma_start3A_180] : memref<8064xf32, #tpu.memory_space<vmem>> -> memref<7680xf32, #tpu.memory_space<vmem>>
      %dma_start3A_182 = arith.constant 23808 : i32
      %dma_start3A_183 = tpu.memref_slice %arg3[%dma_start3A_182] : memref<258048xf32, #tpu.memory_space<hbm>> -> memref<7680xf32, #tpu.memory_space<hbm>>
      %dma_start3A_184 = arith.constant 23808 : i32
      %dma_start3A_185 = tpu.memref_slice %arg3[%dma_start3A_184] : memref<258048xf32, #tpu.memory_space<hbm>> -> memref<7680xf32, #tpu.memory_space<hbm>>
      %dma_start3A_186 = arith.constant 0 : i32
      %dma_start3A_187 = tpu.memref_slice %arg4[%dma_start3A_186] : memref<8064xf32, #tpu.memory_space<vmem>> -> memref<7680xf32, #tpu.memory_space<vmem>>
      tpu.enqueue_dma source(%dma_start3A_187 : memref<7680xf32, #tpu.memory_space<vmem>>) target(%dma_start3A_185 : memref<7680xf32, #tpu.memory_space<hbm>>) target_semaphore(%arg7 : memref<!tpu.dma_semaphore, #tpu.memory_space<semaphore_mem>>)
      %dma_wait3A_188 = arith.constant 7680 : i32
      %dma_wait3A_189 = tpu.memref_slice %arg4[%dma_wait3A_188] : memref<8064xf32, #tpu.memory_space<vmem>> -> memref<384xf32, #tpu.memory_space<vmem>>
      %dma_wait3A_190 = arith.constant 499328 : i32
      %dma_wait3A_191 = tpu.memref_slice %arg2[%dma_wait3A_190] : memref<524288xf32, #tpu.memory_space<hbm>> -> memref<384xf32, #tpu.memory_space<hbm>>
      %dma_wait3A_192 = arith.constant 7680 : i32
      %dma_wait3A_193 = tpu.memref_slice %arg4[%dma_wait3A_192] : memref<8064xf32, #tpu.memory_space<vmem>> -> memref<384xf32, #tpu.memory_space<vmem>>
      %dma_wait3A_194 = arith.constant 499328 : i32
      %dma_wait3A_195 = tpu.memref_slice %arg2[%dma_wait3A_194] : memref<524288xf32, #tpu.memory_space<hbm>> -> memref<384xf32, #tpu.memory_space<hbm>>
      tpu.wait_dma2 semaphore(%arg6 : memref<!tpu.dma_semaphore, #tpu.memory_space<semaphore_mem>>) src(%dma_wait3A_195 : memref<384xf32, #tpu.memory_space<hbm>>) dst(%dma_wait3A_193 : memref<384xf32, #tpu.memory_space<vmem>>)
      %dma_start3A_196 = arith.constant 7680 : i32
      %dma_start3A_197 = tpu.memref_slice %arg4[%dma_start3A_196] : memref<8064xf32, #tpu.memory_space<vmem>> -> memref<384xf32, #tpu.memory_space<vmem>>
      %dma_start3A_198 = arith.constant 257280 : i32
      %dma_start3A_199 = tpu.memref_slice %arg3[%dma_start3A_198] : memref<258048xf32, #tpu.memory_space<hbm>> -> memref<384xf32, #tpu.memory_space<hbm>>
      %dma_start3A_200 = arith.constant 257280 : i32
      %dma_start3A_201 = tpu.memref_slice %arg3[%dma_start3A_200] : memref<258048xf32, #tpu.memory_space<hbm>> -> memref<384xf32, #tpu.memory_space<hbm>>
      %dma_start3A_202 = arith.constant 7680 : i32
      %dma_start3A_203 = tpu.memref_slice %arg4[%dma_start3A_202] : memref<8064xf32, #tpu.memory_space<vmem>> -> memref<384xf32, #tpu.memory_space<vmem>>
      tpu.enqueue_dma source(%dma_start3A_203 : memref<384xf32, #tpu.memory_space<vmem>>) target(%dma_start3A_201 : memref<384xf32, #tpu.memory_space<hbm>>) target_semaphore(%arg8 : memref<!tpu.dma_semaphore, #tpu.memory_space<semaphore_mem>>)
      %dma_wait3A_204 = arith.constant 7680 : i32
      %dma_wait3A_205 = tpu.memref_slice %arg4[%dma_wait3A_204] : memref<8064xf32, #tpu.memory_space<vmem>> -> memref<384xf32, #tpu.memory_space<vmem>>
      %dma_wait3A_206 = arith.constant 257280 : i32
      %dma_wait3A_207 = tpu.memref_slice %arg3[%dma_wait3A_206] : memref<258048xf32, #tpu.memory_space<hbm>> -> memref<384xf32, #tpu.memory_space<hbm>>
      %dma_wait3A_208 = arith.constant 257280 : i32
      %dma_wait3A_209 = tpu.memref_slice %arg3[%dma_wait3A_208] : memref<258048xf32, #tpu.memory_space<hbm>> -> memref<384xf32, #tpu.memory_space<hbm>>
      %dma_wait3A_210 = arith.constant 7680 : i32
      %dma_wait3A_211 = tpu.memref_slice %arg4[%dma_wait3A_210] : memref<8064xf32, #tpu.memory_space<vmem>> -> memref<384xf32, #tpu.memory_space<vmem>>
      tpu.wait_dma2 semaphore(%arg8 : memref<!tpu.dma_semaphore, #tpu.memory_space<semaphore_mem>>) src(%dma_wait3A_211 : memref<384xf32, #tpu.memory_space<vmem>>) dst(%dma_wait3A_209 : memref<384xf32, #tpu.memory_space<hbm>>)
      %dma_wait3A_212 = arith.constant 0 : i32
      %dma_wait3A_213 = tpu.memref_slice %arg4[%dma_wait3A_212] : memref<8064xf32, #tpu.memory_space<vmem>> -> memref<7680xf32, #tpu.memory_space<vmem>>
      %dma_wait3A_214 = arith.constant 23808 : i32
      %dma_wait3A_215 = tpu.memref_slice %arg3[%dma_wait3A_214] : memref<258048xf32, #tpu.memory_space<hbm>> -> memref<7680xf32, #tpu.memory_space<hbm>>
      %dma_wait3A_216 = arith.constant 23808 : i32
      %dma_wait3A_217 = tpu.memref_slice %arg3[%dma_wait3A_216] : memref<258048xf32, #tpu.memory_space<hbm>> -> memref<7680xf32, #tpu.memory_space<hbm>>
      %dma_wait3A_218 = arith.constant 0 : i32
      %dma_wait3A_219 = tpu.memref_slice %arg4[%dma_wait3A_218] : memref<8064xf32, #tpu.memory_space<vmem>> -> memref<7680xf32, #tpu.memory_space<vmem>>
      tpu.wait_dma2 semaphore(%arg7 : memref<!tpu.dma_semaphore, #tpu.memory_space<semaphore_mem>>) src(%dma_wait3A_219 : memref<7680xf32, #tpu.memory_space<vmem>>) dst(%dma_wait3A_217 : memref<7680xf32, #tpu.memory_space<hbm>>)
    } else {
    }
    %eq3A_18 = arith.constant 4 : i32
    %eq3A_19 = arith.cmpi eq, %add3A, %eq3A_18 : i32
    %convert_element_type3A_20 = arith.extui %eq3A_19 : i1 to i32
    %cond3A_21 = arith.constant 0 : i32
    %cond3A_22 = arith.cmpi ne, %convert_element_type3A_20, %cond3A_21 : i32
    scf.if %cond3A_22 {
      %dma_start3A = arith.constant 0 : i32
      %dma_start3A_158 = tpu.memref_slice %arg4[%dma_start3A] : memref<8064xf32, #tpu.memory_space<vmem>> -> memref<7552xf32, #tpu.memory_space<vmem>>
      %dma_start3A_159 = arith.constant 33408 : i32
      %dma_start3A_160 = tpu.memref_slice %arg2[%dma_start3A_159] : memref<524288xf32, #tpu.memory_space<hbm>> -> memref<7552xf32, #tpu.memory_space<hbm>>
      %dma_start3A_161 = arith.constant 0 : i32
      %dma_start3A_162 = tpu.memref_slice %arg4[%dma_start3A_161] : memref<8064xf32, #tpu.memory_space<vmem>> -> memref<7552xf32, #tpu.memory_space<vmem>>
      %dma_start3A_163 = arith.constant 33408 : i32
      %dma_start3A_164 = tpu.memref_slice %arg2[%dma_start3A_163] : memref<524288xf32, #tpu.memory_space<hbm>> -> memref<7552xf32, #tpu.memory_space<hbm>>
      tpu.enqueue_dma source(%dma_start3A_164 : memref<7552xf32, #tpu.memory_space<hbm>>) target(%dma_start3A_162 : memref<7552xf32, #tpu.memory_space<vmem>>) target_semaphore(%arg5 : memref<!tpu.dma_semaphore, #tpu.memory_space<semaphore_mem>>)
      %dma_start3A_165 = arith.constant 7552 : i32
      %dma_start3A_166 = tpu.memref_slice %arg4[%dma_start3A_165] : memref<8064xf32, #tpu.memory_space<vmem>> -> memref<512xf32, #tpu.memory_space<vmem>>
      %dma_start3A_167 = arith.constant 491008 : i32
      %dma_start3A_168 = tpu.memref_slice %arg2[%dma_start3A_167] : memref<524288xf32, #tpu.memory_space<hbm>> -> memref<512xf32, #tpu.memory_space<hbm>>
      %dma_start3A_169 = arith.constant 7552 : i32
      %dma_start3A_170 = tpu.memref_slice %arg4[%dma_start3A_169] : memref<8064xf32, #tpu.memory_space<vmem>> -> memref<512xf32, #tpu.memory_space<vmem>>
      %dma_start3A_171 = arith.constant 491008 : i32
      %dma_start3A_172 = tpu.memref_slice %arg2[%dma_start3A_171] : memref<524288xf32, #tpu.memory_space<hbm>> -> memref<512xf32, #tpu.memory_space<hbm>>
      tpu.enqueue_dma source(%dma_start3A_172 : memref<512xf32, #tpu.memory_space<hbm>>) target(%dma_start3A_170 : memref<512xf32, #tpu.memory_space<vmem>>) target_semaphore(%arg6 : memref<!tpu.dma_semaphore, #tpu.memory_space<semaphore_mem>>)
      %dma_wait3A = arith.constant 0 : i32
      %dma_wait3A_173 = tpu.memref_slice %arg4[%dma_wait3A] : memref<8064xf32, #tpu.memory_space<vmem>> -> memref<7552xf32, #tpu.memory_space<vmem>>
      %dma_wait3A_174 = arith.constant 33408 : i32
      %dma_wait3A_175 = tpu.memref_slice %arg2[%dma_wait3A_174] : memref<524288xf32, #tpu.memory_space<hbm>> -> memref<7552xf32, #tpu.memory_space<hbm>>
      %dma_wait3A_176 = arith.constant 0 : i32
      %dma_wait3A_177 = tpu.memref_slice %arg4[%dma_wait3A_176] : memref<8064xf32, #tpu.memory_space<vmem>> -> memref<7552xf32, #tpu.memory_space<vmem>>
      %dma_wait3A_178 = arith.constant 33408 : i32
      %dma_wait3A_179 = tpu.memref_slice %arg2[%dma_wait3A_178] : memref<524288xf32, #tpu.memory_space<hbm>> -> memref<7552xf32, #tpu.memory_space<hbm>>
      tpu.wait_dma2 semaphore(%arg5 : memref<!tpu.dma_semaphore, #tpu.memory_space<semaphore_mem>>) src(%dma_wait3A_179 : memref<7552xf32, #tpu.memory_space<hbm>>) dst(%dma_wait3A_177 : memref<7552xf32, #tpu.memory_space<vmem>>)
      %dma_start3A_180 = arith.constant 0 : i32
      %dma_start3A_181 = tpu.memref_slice %arg4[%dma_start3A_180] : memref<8064xf32, #tpu.memory_space<vmem>> -> memref<7552xf32, #tpu.memory_space<vmem>>
      %dma_start3A_182 = arith.constant 31488 : i32
      %dma_start3A_183 = tpu.memref_slice %arg3[%dma_start3A_182] : memref<258048xf32, #tpu.memory_space<hbm>> -> memref<7552xf32, #tpu.memory_space<hbm>>
      %dma_start3A_184 = arith.constant 31488 : i32
      %dma_start3A_185 = tpu.memref_slice %arg3[%dma_start3A_184] : memref<258048xf32, #tpu.memory_space<hbm>> -> memref<7552xf32, #tpu.memory_space<hbm>>
      %dma_start3A_186 = arith.constant 0 : i32
      %dma_start3A_187 = tpu.memref_slice %arg4[%dma_start3A_186] : memref<8064xf32, #tpu.memory_space<vmem>> -> memref<7552xf32, #tpu.memory_space<vmem>>
      tpu.enqueue_dma source(%dma_start3A_187 : memref<7552xf32, #tpu.memory_space<vmem>>) target(%dma_start3A_185 : memref<7552xf32, #tpu.memory_space<hbm>>) target_semaphore(%arg7 : memref<!tpu.dma_semaphore, #tpu.memory_space<semaphore_mem>>)
      %dma_wait3A_188 = arith.constant 7552 : i32
      %dma_wait3A_189 = tpu.memref_slice %arg4[%dma_wait3A_188] : memref<8064xf32, #tpu.memory_space<vmem>> -> memref<512xf32, #tpu.memory_space<vmem>>
      %dma_wait3A_190 = arith.constant 491008 : i32
      %dma_wait3A_191 = tpu.memref_slice %arg2[%dma_wait3A_190] : memref<524288xf32, #tpu.memory_space<hbm>> -> memref<512xf32, #tpu.memory_space<hbm>>
      %dma_wait3A_192 = arith.constant 7552 : i32
      %dma_wait3A_193 = tpu.memref_slice %arg4[%dma_wait3A_192] : memref<8064xf32, #tpu.memory_space<vmem>> -> memref<512xf32, #tpu.memory_space<vmem>>
      %dma_wait3A_194 = arith.constant 491008 : i32
      %dma_wait3A_195 = tpu.memref_slice %arg2[%dma_wait3A_194] : memref<524288xf32, #tpu.memory_space<hbm>> -> memref<512xf32, #tpu.memory_space<hbm>>
      tpu.wait_dma2 semaphore(%arg6 : memref<!tpu.dma_semaphore, #tpu.memory_space<semaphore_mem>>) src(%dma_wait3A_195 : memref<512xf32, #tpu.memory_space<hbm>>) dst(%dma_wait3A_193 : memref<512xf32, #tpu.memory_space<vmem>>)
      %dma_start3A_196 = arith.constant 7552 : i32
      %dma_start3A_197 = tpu.memref_slice %arg4[%dma_start3A_196] : memref<8064xf32, #tpu.memory_space<vmem>> -> memref<512xf32, #tpu.memory_space<vmem>>
      %dma_start3A_198 = arith.constant 256768 : i32
      %dma_start3A_199 = tpu.memref_slice %arg3[%dma_start3A_198] : memref<258048xf32, #tpu.memory_space<hbm>> -> memref<512xf32, #tpu.memory_space<hbm>>
      %dma_start3A_200 = arith.constant 256768 : i32
      %dma_start3A_201 = tpu.memref_slice %arg3[%dma_start3A_200] : memref<258048xf32, #tpu.memory_space<hbm>> -> memref<512xf32, #tpu.memory_space<hbm>>
      %dma_start3A_202 = arith.constant 7552 : i32
      %dma_start3A_203 = tpu.memref_slice %arg4[%dma_start3A_202] : memref<8064xf32, #tpu.memory_space<vmem>> -> memref<512xf32, #tpu.memory_space<vmem>>
      tpu.enqueue_dma source(%dma_start3A_203 : memref<512xf32, #tpu.memory_space<vmem>>) target(%dma_start3A_201 : memref<512xf32, #tpu.memory_space<hbm>>) target_semaphore(%arg8 : memref<!tpu.dma_semaphore, #tpu.memory_space<semaphore_mem>>)
      %dma_wait3A_204 = arith.constant 7552 : i32
      %dma_wait3A_205 = tpu.memref_slice %arg4[%dma_wait3A_204] : memref<8064xf32, #tpu.memory_space<vmem>> -> memref<512xf32, #tpu.memory_space<vmem>>
      %dma_wait3A_206 = arith.constant 256768 : i32
      %dma_wait3A_207 = tpu.memref_slice %arg3[%dma_wait3A_206] : memref<258048xf32, #tpu.memory_space<hbm>> -> memref<512xf32, #tpu.memory_space<hbm>>
      %dma_wait3A_208 = arith.constant 256768 : i32
      %dma_wait3A_209 = tpu.memref_slice %arg3[%dma_wait3A_208] : memref<258048xf32, #tpu.memory_space<hbm>> -> memref<512xf32, #tpu.memory_space<hbm>>
      %dma_wait3A_210 = arith.constant 7552 : i32
      %dma_wait3A_211 = tpu.memref_slice %arg4[%dma_wait3A_210] : memref<8064xf32, #tpu.memory_space<vmem>> -> memref<512xf32, #tpu.memory_space<vmem>>
      tpu.wait_dma2 semaphore(%arg8 : memref<!tpu.dma_semaphore, #tpu.memory_space<semaphore_mem>>) src(%dma_wait3A_211 : memref<512xf32, #tpu.memory_space<vmem>>) dst(%dma_wait3A_209 : memref<512xf32, #tpu.memory_space<hbm>>)
      %dma_wait3A_212 = arith.constant 0 : i32
      %dma_wait3A_213 = tpu.memref_slice %arg4[%dma_wait3A_212] : memref<8064xf32, #tpu.memory_space<vmem>> -> memref<7552xf32, #tpu.memory_space<vmem>>
      %dma_wait3A_214 = arith.constant 31488 : i32
      %dma_wait3A_215 = tpu.memref_slice %arg3[%dma_wait3A_214] : memref<258048xf32, #tpu.memory_space<hbm>> -> memref<7552xf32, #tpu.memory_space<hbm>>
      %dma_wait3A_216 = arith.constant 31488 : i32
      %dma_wait3A_217 = tpu.memref_slice %arg3[%dma_wait3A_216] : memref<258048xf32, #tpu.memory_space<hbm>> -> memref<7552xf32, #tpu.memory_space<hbm>>
      %dma_wait3A_218 = arith.constant 0 : i32
      %dma_wait3A_219 = tpu.memref_slice %arg4[%dma_wait3A_218] : memref<8064xf32, #tpu.memory_space<vmem>> -> memref<7552xf32, #tpu.memory_space<vmem>>
      tpu.wait_dma2 semaphore(%arg7 : memref<!tpu.dma_semaphore, #tpu.memory_space<semaphore_mem>>) src(%dma_wait3A_219 : memref<7552xf32, #tpu.memory_space<vmem>>) dst(%dma_wait3A_217 : memref<7552xf32, #tpu.memory_space<hbm>>)
    } else {
    }
    %eq3A_23 = arith.constant 5 : i32
    %eq3A_24 = arith.cmpi eq, %add3A, %eq3A_23 : i32
    %convert_element_type3A_25 = arith.extui %eq3A_24 : i1 to i32
    %cond3A_26 = arith.constant 0 : i32
    %cond3A_27 = arith.cmpi ne, %convert_element_type3A_25, %cond3A_26 : i32
    scf.if %cond3A_27 {
      %dma_start3A = arith.constant 0 : i32
      %dma_start3A_158 = tpu.memref_slice %arg4[%dma_start3A] : memref<8064xf32, #tpu.memory_space<vmem>> -> memref<7424xf32, #tpu.memory_space<vmem>>
      %dma_start3A_159 = arith.constant 41728 : i32
      %dma_start3A_160 = tpu.memref_slice %arg2[%dma_start3A_159] : memref<524288xf32, #tpu.memory_space<hbm>> -> memref<7424xf32, #tpu.memory_space<hbm>>
      %dma_start3A_161 = arith.constant 0 : i32
      %dma_start3A_162 = tpu.memref_slice %arg4[%dma_start3A_161] : memref<8064xf32, #tpu.memory_space<vmem>> -> memref<7424xf32, #tpu.memory_space<vmem>>
      %dma_start3A_163 = arith.constant 41728 : i32
      %dma_start3A_164 = tpu.memref_slice %arg2[%dma_start3A_163] : memref<524288xf32, #tpu.memory_space<hbm>> -> memref<7424xf32, #tpu.memory_space<hbm>>
      tpu.enqueue_dma source(%dma_start3A_164 : memref<7424xf32, #tpu.memory_space<hbm>>) target(%dma_start3A_162 : memref<7424xf32, #tpu.memory_space<vmem>>) target_semaphore(%arg5 : memref<!tpu.dma_semaphore, #tpu.memory_space<semaphore_mem>>)
      %dma_start3A_165 = arith.constant 7424 : i32
      %dma_start3A_166 = tpu.memref_slice %arg4[%dma_start3A_165] : memref<8064xf32, #tpu.memory_space<vmem>> -> memref<640xf32, #tpu.memory_space<vmem>>
      %dma_start3A_167 = arith.constant 482688 : i32
      %dma_start3A_168 = tpu.memref_slice %arg2[%dma_start3A_167] : memref<524288xf32, #tpu.memory_space<hbm>> -> memref<640xf32, #tpu.memory_space<hbm>>
      %dma_start3A_169 = arith.constant 7424 : i32
      %dma_start3A_170 = tpu.memref_slice %arg4[%dma_start3A_169] : memref<8064xf32, #tpu.memory_space<vmem>> -> memref<640xf32, #tpu.memory_space<vmem>>
      %dma_start3A_171 = arith.constant 482688 : i32
      %dma_start3A_172 = tpu.memref_slice %arg2[%dma_start3A_171] : memref<524288xf32, #tpu.memory_space<hbm>> -> memref<640xf32, #tpu.memory_space<hbm>>
      tpu.enqueue_dma source(%dma_start3A_172 : memref<640xf32, #tpu.memory_space<hbm>>) target(%dma_start3A_170 : memref<640xf32, #tpu.memory_space<vmem>>) target_semaphore(%arg6 : memref<!tpu.dma_semaphore, #tpu.memory_space<semaphore_mem>>)
      %dma_wait3A = arith.constant 0 : i32
      %dma_wait3A_173 = tpu.memref_slice %arg4[%dma_wait3A] : memref<8064xf32, #tpu.memory_space<vmem>> -> memref<7424xf32, #tpu.memory_space<vmem>>
      %dma_wait3A_174 = arith.constant 41728 : i32
      %dma_wait3A_175 = tpu.memref_slice %arg2[%dma_wait3A_174] : memref<524288xf32, #tpu.memory_space<hbm>> -> memref<7424xf32, #tpu.memory_space<hbm>>
      %dma_wait3A_176 = arith.constant 0 : i32
      %dma_wait3A_177 = tpu.memref_slice %arg4[%dma_wait3A_176] : memref<8064xf32, #tpu.memory_space<vmem>> -> memref<7424xf32, #tpu.memory_space<vmem>>
      %dma_wait3A_178 = arith.constant 41728 : i32
      %dma_wait3A_179 = tpu.memref_slice %arg2[%dma_wait3A_178] : memref<524288xf32, #tpu.memory_space<hbm>> -> memref<7424xf32, #tpu.memory_space<hbm>>
      tpu.wait_dma2 semaphore(%arg5 : memref<!tpu.dma_semaphore, #tpu.memory_space<semaphore_mem>>) src(%dma_wait3A_179 : memref<7424xf32, #tpu.memory_space<hbm>>) dst(%dma_wait3A_177 : memref<7424xf32, #tpu.memory_space<vmem>>)
      %dma_start3A_180 = arith.constant 0 : i32
      %dma_start3A_181 = tpu.memref_slice %arg4[%dma_start3A_180] : memref<8064xf32, #tpu.memory_space<vmem>> -> memref<7424xf32, #tpu.memory_space<vmem>>
      %dma_start3A_182 = arith.constant 39040 : i32
      %dma_start3A_183 = tpu.memref_slice %arg3[%dma_start3A_182] : memref<258048xf32, #tpu.memory_space<hbm>> -> memref<7424xf32, #tpu.memory_space<hbm>>
      %dma_start3A_184 = arith.constant 39040 : i32
      %dma_start3A_185 = tpu.memref_slice %arg3[%dma_start3A_184] : memref<258048xf32, #tpu.memory_space<hbm>> -> memref<7424xf32, #tpu.memory_space<hbm>>
      %dma_start3A_186 = arith.constant 0 : i32
      %dma_start3A_187 = tpu.memref_slice %arg4[%dma_start3A_186] : memref<8064xf32, #tpu.memory_space<vmem>> -> memref<7424xf32, #tpu.memory_space<vmem>>
      tpu.enqueue_dma source(%dma_start3A_187 : memref<7424xf32, #tpu.memory_space<vmem>>) target(%dma_start3A_185 : memref<7424xf32, #tpu.memory_space<hbm>>) target_semaphore(%arg7 : memref<!tpu.dma_semaphore, #tpu.memory_space<semaphore_mem>>)
      %dma_wait3A_188 = arith.constant 7424 : i32
      %dma_wait3A_189 = tpu.memref_slice %arg4[%dma_wait3A_188] : memref<8064xf32, #tpu.memory_space<vmem>> -> memref<640xf32, #tpu.memory_space<vmem>>
      %dma_wait3A_190 = arith.constant 482688 : i32
      %dma_wait3A_191 = tpu.memref_slice %arg2[%dma_wait3A_190] : memref<524288xf32, #tpu.memory_space<hbm>> -> memref<640xf32, #tpu.memory_space<hbm>>
      %dma_wait3A_192 = arith.constant 7424 : i32
      %dma_wait3A_193 = tpu.memref_slice %arg4[%dma_wait3A_192] : memref<8064xf32, #tpu.memory_space<vmem>> -> memref<640xf32, #tpu.memory_space<vmem>>
      %dma_wait3A_194 = arith.constant 482688 : i32
      %dma_wait3A_195 = tpu.memref_slice %arg2[%dma_wait3A_194] : memref<524288xf32, #tpu.memory_space<hbm>> -> memref<640xf32, #tpu.memory_space<hbm>>
      tpu.wait_dma2 semaphore(%arg6 : memref<!tpu.dma_semaphore, #tpu.memory_space<semaphore_mem>>) src(%dma_wait3A_195 : memref<640xf32, #tpu.memory_space<hbm>>) dst(%dma_wait3A_193 : memref<640xf32, #tpu.memory_space<vmem>>)
      %dma_start3A_196 = arith.constant 7424 : i32
      %dma_start3A_197 = tpu.memref_slice %arg4[%dma_start3A_196] : memref<8064xf32, #tpu.memory_space<vmem>> -> memref<640xf32, #tpu.memory_space<vmem>>
      %dma_start3A_198 = arith.constant 256128 : i32
      %dma_start3A_199 = tpu.memref_slice %arg3[%dma_start3A_198] : memref<258048xf32, #tpu.memory_space<hbm>> -> memref<640xf32, #tpu.memory_space<hbm>>
      %dma_start3A_200 = arith.constant 256128 : i32
      %dma_start3A_201 = tpu.memref_slice %arg3[%dma_start3A_200] : memref<258048xf32, #tpu.memory_space<hbm>> -> memref<640xf32, #tpu.memory_space<hbm>>
      %dma_start3A_202 = arith.constant 7424 : i32
      %dma_start3A_203 = tpu.memref_slice %arg4[%dma_start3A_202] : memref<8064xf32, #tpu.memory_space<vmem>> -> memref<640xf32, #tpu.memory_space<vmem>>
      tpu.enqueue_dma source(%dma_start3A_203 : memref<640xf32, #tpu.memory_space<vmem>>) target(%dma_start3A_201 : memref<640xf32, #tpu.memory_space<hbm>>) target_semaphore(%arg8 : memref<!tpu.dma_semaphore, #tpu.memory_space<semaphore_mem>>)
      %dma_wait3A_204 = arith.constant 7424 : i32
      %dma_wait3A_205 = tpu.memref_slice %arg4[%dma_wait3A_204] : memref<8064xf32, #tpu.memory_space<vmem>> -> memref<640xf32, #tpu.memory_space<vmem>>
      %dma_wait3A_206 = arith.constant 256128 : i32
      %dma_wait3A_207 = tpu.memref_slice %arg3[%dma_wait3A_206] : memref<258048xf32, #tpu.memory_space<hbm>> -> memref<640xf32, #tpu.memory_space<hbm>>
      %dma_wait3A_208 = arith.constant 256128 : i32
      %dma_wait3A_209 = tpu.memref_slice %arg3[%dma_wait3A_208] : memref<258048xf32, #tpu.memory_space<hbm>> -> memref<640xf32, #tpu.memory_space<hbm>>
      %dma_wait3A_210 = arith.constant 7424 : i32
      %dma_wait3A_211 = tpu.memref_slice %arg4[%dma_wait3A_210] : memref<8064xf32, #tpu.memory_space<vmem>> -> memref<640xf32, #tpu.memory_space<vmem>>
      tpu.wait_dma2 semaphore(%arg8 : memref<!tpu.dma_semaphore, #tpu.memory_space<semaphore_mem>>) src(%dma_wait3A_211 : memref<640xf32, #tpu.memory_space<vmem>>) dst(%dma_wait3A_209 : memref<640xf32, #tpu.memory_space<hbm>>)
      %dma_wait3A_212 = arith.constant 0 : i32
      %dma_wait3A_213 = tpu.memref_slice %arg4[%dma_wait3A_212] : memref<8064xf32, #tpu.memory_space<vmem>> -> memref<7424xf32, #tpu.memory_space<vmem>>
      %dma_wait3A_214 = arith.constant 39040 : i32
      %dma_wait3A_215 = tpu.memref_slice %arg3[%dma_wait3A_214] : memref<258048xf32, #tpu.memory_space<hbm>> -> memref<7424xf32, #tpu.memory_space<hbm>>
      %dma_wait3A_216 = arith.constant 39040 : i32
      %dma_wait3A_217 = tpu.memref_slice %arg3[%dma_wait3A_216] : memref<258048xf32, #tpu.memory_space<hbm>> -> memref<7424xf32, #tpu.memory_space<hbm>>
      %dma_wait3A_218 = arith.constant 0 : i32
      %dma_wait3A_219 = tpu.memref_slice %arg4[%dma_wait3A_218] : memref<8064xf32, #tpu.memory_space<vmem>> -> memref<7424xf32, #tpu.memory_space<vmem>>
      tpu.wait_dma2 semaphore(%arg7 : memref<!tpu.dma_semaphore, #tpu.memory_space<semaphore_mem>>) src(%dma_wait3A_219 : memref<7424xf32, #tpu.memory_space<vmem>>) dst(%dma_wait3A_217 : memref<7424xf32, #tpu.memory_space<hbm>>)
    } else {
    }
    %eq3A_28 = arith.constant 6 : i32
    %eq3A_29 = arith.cmpi eq, %add3A, %eq3A_28 : i32
    %convert_element_type3A_30 = arith.extui %eq3A_29 : i1 to i32
    %cond3A_31 = arith.constant 0 : i32
    %cond3A_32 = arith.cmpi ne, %convert_element_type3A_30, %cond3A_31 : i32
    scf.if %cond3A_32 {
      %dma_start3A = arith.constant 0 : i32
      %dma_start3A_158 = tpu.memref_slice %arg4[%dma_start3A] : memref<8064xf32, #tpu.memory_space<vmem>> -> memref<7296xf32, #tpu.memory_space<vmem>>
      %dma_start3A_159 = arith.constant 50048 : i32
      %dma_start3A_160 = tpu.memref_slice %arg2[%dma_start3A_159] : memref<524288xf32, #tpu.memory_space<hbm>> -> memref<7296xf32, #tpu.memory_space<hbm>>
      %dma_start3A_161 = arith.constant 0 : i32
      %dma_start3A_162 = tpu.memref_slice %arg4[%dma_start3A_161] : memref<8064xf32, #tpu.memory_space<vmem>> -> memref<7296xf32, #tpu.memory_space<vmem>>
      %dma_start3A_163 = arith.constant 50048 : i32
      %dma_start3A_164 = tpu.memref_slice %arg2[%dma_start3A_163] : memref<524288xf32, #tpu.memory_space<hbm>> -> memref<7296xf32, #tpu.memory_space<hbm>>
      tpu.enqueue_dma source(%dma_start3A_164 : memref<7296xf32, #tpu.memory_space<hbm>>) target(%dma_start3A_162 : memref<7296xf32, #tpu.memory_space<vmem>>) target_semaphore(%arg5 : memref<!tpu.dma_semaphore, #tpu.memory_space<semaphore_mem>>)
      %dma_start3A_165 = arith.constant 7296 : i32
      %dma_start3A_166 = tpu.memref_slice %arg4[%dma_start3A_165] : memref<8064xf32, #tpu.memory_space<vmem>> -> memref<768xf32, #tpu.memory_space<vmem>>
      %dma_start3A_167 = arith.constant 474368 : i32
      %dma_start3A_168 = tpu.memref_slice %arg2[%dma_start3A_167] : memref<524288xf32, #tpu.memory_space<hbm>> -> memref<768xf32, #tpu.memory_space<hbm>>
      %dma_start3A_169 = arith.constant 7296 : i32
      %dma_start3A_170 = tpu.memref_slice %arg4[%dma_start3A_169] : memref<8064xf32, #tpu.memory_space<vmem>> -> memref<768xf32, #tpu.memory_space<vmem>>
      %dma_start3A_171 = arith.constant 474368 : i32
      %dma_start3A_172 = tpu.memref_slice %arg2[%dma_start3A_171] : memref<524288xf32, #tpu.memory_space<hbm>> -> memref<768xf32, #tpu.memory_space<hbm>>
      tpu.enqueue_dma source(%dma_start3A_172 : memref<768xf32, #tpu.memory_space<hbm>>) target(%dma_start3A_170 : memref<768xf32, #tpu.memory_space<vmem>>) target_semaphore(%arg6 : memref<!tpu.dma_semaphore, #tpu.memory_space<semaphore_mem>>)
      %dma_wait3A = arith.constant 0 : i32
      %dma_wait3A_173 = tpu.memref_slice %arg4[%dma_wait3A] : memref<8064xf32, #tpu.memory_space<vmem>> -> memref<7296xf32, #tpu.memory_space<vmem>>
      %dma_wait3A_174 = arith.constant 50048 : i32
      %dma_wait3A_175 = tpu.memref_slice %arg2[%dma_wait3A_174] : memref<524288xf32, #tpu.memory_space<hbm>> -> memref<7296xf32, #tpu.memory_space<hbm>>
      %dma_wait3A_176 = arith.constant 0 : i32
      %dma_wait3A_177 = tpu.memref_slice %arg4[%dma_wait3A_176] : memref<8064xf32, #tpu.memory_space<vmem>> -> memref<7296xf32, #tpu.memory_space<vmem>>
      %dma_wait3A_178 = arith.constant 50048 : i32
      %dma_wait3A_179 = tpu.memref_slice %arg2[%dma_wait3A_178] : memref<524288xf32, #tpu.memory_space<hbm>> -> memref<7296xf32, #tpu.memory_space<hbm>>
      tpu.wait_dma2 semaphore(%arg5 : memref<!tpu.dma_semaphore, #tpu.memory_space<semaphore_mem>>) src(%dma_wait3A_179 : memref<7296xf32, #tpu.memory_space<hbm>>) dst(%dma_wait3A_177 : memref<7296xf32, #tpu.memory_space<vmem>>)
      %dma_start3A_180 = arith.constant 0 : i32
      %dma_start3A_181 = tpu.memref_slice %arg4[%dma_start3A_180] : memref<8064xf32, #tpu.memory_space<vmem>> -> memref<7296xf32, #tpu.memory_space<vmem>>
      %dma_start3A_182 = arith.constant 46464 : i32
      %dma_start3A_183 = tpu.memref_slice %arg3[%dma_start3A_182] : memref<258048xf32, #tpu.memory_space<hbm>> -> memref<7296xf32, #tpu.memory_space<hbm>>
      %dma_start3A_184 = arith.constant 46464 : i32
      %dma_start3A_185 = tpu.memref_slice %arg3[%dma_start3A_184] : memref<258048xf32, #tpu.memory_space<hbm>> -> memref<7296xf32, #tpu.memory_space<hbm>>
      %dma_start3A_186 = arith.constant 0 : i32
      %dma_start3A_187 = tpu.memref_slice %arg4[%dma_start3A_186] : memref<8064xf32, #tpu.memory_space<vmem>> -> memref<7296xf32, #tpu.memory_space<vmem>>
      tpu.enqueue_dma source(%dma_start3A_187 : memref<7296xf32, #tpu.memory_space<vmem>>) target(%dma_start3A_185 : memref<7296xf32, #tpu.memory_space<hbm>>) target_semaphore(%arg7 : memref<!tpu.dma_semaphore, #tpu.memory_space<semaphore_mem>>)
      %dma_wait3A_188 = arith.constant 7296 : i32
      %dma_wait3A_189 = tpu.memref_slice %arg4[%dma_wait3A_188] : memref<8064xf32, #tpu.memory_space<vmem>> -> memref<768xf32, #tpu.memory_space<vmem>>
      %dma_wait3A_190 = arith.constant 474368 : i32
      %dma_wait3A_191 = tpu.memref_slice %arg2[%dma_wait3A_190] : memref<524288xf32, #tpu.memory_space<hbm>> -> memref<768xf32, #tpu.memory_space<hbm>>
      %dma_wait3A_192 = arith.constant 7296 : i32
      %dma_wait3A_193 = tpu.memref_slice %arg4[%dma_wait3A_192] : memref<8064xf32, #tpu.memory_space<vmem>> -> memref<768xf32, #tpu.memory_space<vmem>>
      %dma_wait3A_194 = arith.constant 474368 : i32
      %dma_wait3A_195 = tpu.memref_slice %arg2[%dma_wait3A_194] : memref<524288xf32, #tpu.memory_space<hbm>> -> memref<768xf32, #tpu.memory_space<hbm>>
      tpu.wait_dma2 semaphore(%arg6 : memref<!tpu.dma_semaphore, #tpu.memory_space<semaphore_mem>>) src(%dma_wait3A_195 : memref<768xf32, #tpu.memory_space<hbm>>) dst(%dma_wait3A_193 : memref<768xf32, #tpu.memory_space<vmem>>)
      %dma_start3A_196 = arith.constant 7296 : i32
      %dma_start3A_197 = tpu.memref_slice %arg4[%dma_start3A_196] : memref<8064xf32, #tpu.memory_space<vmem>> -> memref<768xf32, #tpu.memory_space<vmem>>
      %dma_start3A_198 = arith.constant 255360 : i32
      %dma_start3A_199 = tpu.memref_slice %arg3[%dma_start3A_198] : memref<258048xf32, #tpu.memory_space<hbm>> -> memref<768xf32, #tpu.memory_space<hbm>>
      %dma_start3A_200 = arith.constant 255360 : i32
      %dma_start3A_201 = tpu.memref_slice %arg3[%dma_start3A_200] : memref<258048xf32, #tpu.memory_space<hbm>> -> memref<768xf32, #tpu.memory_space<hbm>>
      %dma_start3A_202 = arith.constant 7296 : i32
      %dma_start3A_203 = tpu.memref_slice %arg4[%dma_start3A_202] : memref<8064xf32, #tpu.memory_space<vmem>> -> memref<768xf32, #tpu.memory_space<vmem>>
      tpu.enqueue_dma source(%dma_start3A_203 : memref<768xf32, #tpu.memory_space<vmem>>) target(%dma_start3A_201 : memref<768xf32, #tpu.memory_space<hbm>>) target_semaphore(%arg8 : memref<!tpu.dma_semaphore, #tpu.memory_space<semaphore_mem>>)
      %dma_wait3A_204 = arith.constant 7296 : i32
      %dma_wait3A_205 = tpu.memref_slice %arg4[%dma_wait3A_204] : memref<8064xf32, #tpu.memory_space<vmem>> -> memref<768xf32, #tpu.memory_space<vmem>>
      %dma_wait3A_206 = arith.constant 255360 : i32
      %dma_wait3A_207 = tpu.memref_slice %arg3[%dma_wait3A_206] : memref<258048xf32, #tpu.memory_space<hbm>> -> memref<768xf32, #tpu.memory_space<hbm>>
      %dma_wait3A_208 = arith.constant 255360 : i32
      %dma_wait3A_209 = tpu.memref_slice %arg3[%dma_wait3A_208] : memref<258048xf32, #tpu.memory_space<hbm>> -> memref<768xf32, #tpu.memory_space<hbm>>
      %dma_wait3A_210 = arith.constant 7296 : i32
      %dma_wait3A_211 = tpu.memref_slice %arg4[%dma_wait3A_210] : memref<8064xf32, #tpu.memory_space<vmem>> -> memref<768xf32, #tpu.memory_space<vmem>>
      tpu.wait_dma2 semaphore(%arg8 : memref<!tpu.dma_semaphore, #tpu.memory_space<semaphore_mem>>) src(%dma_wait3A_211 : memref<768xf32, #tpu.memory_space<vmem>>) dst(%dma_wait3A_209 : memref<768xf32, #tpu.memory_space<hbm>>)
      %dma_wait3A_212 = arith.constant 0 : i32
      %dma_wait3A_213 = tpu.memref_slice %arg4[%dma_wait3A_212] : memref<8064xf32, #tpu.memory_space<vmem>> -> memref<7296xf32, #tpu.memory_space<vmem>>
      %dma_wait3A_214 = arith.constant 46464 : i32
      %dma_wait3A_215 = tpu.memref_slice %arg3[%dma_wait3A_214] : memref<258048xf32, #tpu.memory_space<hbm>> -> memref<7296xf32, #tpu.memory_space<hbm>>
      %dma_wait3A_216 = arith.constant 46464 : i32
      %dma_wait3A_217 = tpu.memref_slice %arg3[%dma_wait3A_216] : memref<258048xf32, #tpu.memory_space<hbm>> -> memref<7296xf32, #tpu.memory_space<hbm>>
      %dma_wait3A_218 = arith.constant 0 : i32
      %dma_wait3A_219 = tpu.memref_slice %arg4[%dma_wait3A_218] : memref<8064xf32, #tpu.memory_space<vmem>> -> memref<7296xf32, #tpu.memory_space<vmem>>
      tpu.wait_dma2 semaphore(%arg7 : memref<!tpu.dma_semaphore, #tpu.memory_space<semaphore_mem>>) src(%dma_wait3A_219 : memref<7296xf32, #tpu.memory_space<vmem>>) dst(%dma_wait3A_217 : memref<7296xf32, #tpu.memory_space<hbm>>)
    } else {
    }
    %eq3A_33 = arith.constant 7 : i32
    %eq3A_34 = arith.cmpi eq, %add3A, %eq3A_33 : i32
    %convert_element_type3A_35 = arith.extui %eq3A_34 : i1 to i32
    %cond3A_36 = arith.constant 0 : i32
    %cond3A_37 = arith.cmpi ne, %convert_element_type3A_35, %cond3A_36 : i32
    scf.if %cond3A_37 {
      %dma_start3A = arith.constant 0 : i32
      %dma_start3A_158 = tpu.memref_slice %arg4[%dma_start3A] : memref<8064xf32, #tpu.memory_space<vmem>> -> memref<7168xf32, #tpu.memory_space<vmem>>
      %dma_start3A_159 = arith.constant 58368 : i32
      %dma_start3A_160 = tpu.memref_slice %arg2[%dma_start3A_159] : memref<524288xf32, #tpu.memory_space<hbm>> -> memref<7168xf32, #tpu.memory_space<hbm>>
      %dma_start3A_161 = arith.constant 0 : i32
      %dma_start3A_162 = tpu.memref_slice %arg4[%dma_start3A_161] : memref<8064xf32, #tpu.memory_space<vmem>> -> memref<7168xf32, #tpu.memory_space<vmem>>
      %dma_start3A_163 = arith.constant 58368 : i32
      %dma_start3A_164 = tpu.memref_slice %arg2[%dma_start3A_163] : memref<524288xf32, #tpu.memory_space<hbm>> -> memref<7168xf32, #tpu.memory_space<hbm>>
      tpu.enqueue_dma source(%dma_start3A_164 : memref<7168xf32, #tpu.memory_space<hbm>>) target(%dma_start3A_162 : memref<7168xf32, #tpu.memory_space<vmem>>) target_semaphore(%arg5 : memref<!tpu.dma_semaphore, #tpu.memory_space<semaphore_mem>>)
      %dma_start3A_165 = arith.constant 7168 : i32
      %dma_start3A_166 = tpu.memref_slice %arg4[%dma_start3A_165] : memref<8064xf32, #tpu.memory_space<vmem>> -> memref<896xf32, #tpu.memory_space<vmem>>
      %dma_start3A_167 = arith.constant 466048 : i32
      %dma_start3A_168 = tpu.memref_slice %arg2[%dma_start3A_167] : memref<524288xf32, #tpu.memory_space<hbm>> -> memref<896xf32, #tpu.memory_space<hbm>>
      %dma_start3A_169 = arith.constant 7168 : i32
      %dma_start3A_170 = tpu.memref_slice %arg4[%dma_start3A_169] : memref<8064xf32, #tpu.memory_space<vmem>> -> memref<896xf32, #tpu.memory_space<vmem>>
      %dma_start3A_171 = arith.constant 466048 : i32
      %dma_start3A_172 = tpu.memref_slice %arg2[%dma_start3A_171] : memref<524288xf32, #tpu.memory_space<hbm>> -> memref<896xf32, #tpu.memory_space<hbm>>
      tpu.enqueue_dma source(%dma_start3A_172 : memref<896xf32, #tpu.memory_space<hbm>>) target(%dma_start3A_170 : memref<896xf32, #tpu.memory_space<vmem>>) target_semaphore(%arg6 : memref<!tpu.dma_semaphore, #tpu.memory_space<semaphore_mem>>)
      %dma_wait3A = arith.constant 0 : i32
      %dma_wait3A_173 = tpu.memref_slice %arg4[%dma_wait3A] : memref<8064xf32, #tpu.memory_space<vmem>> -> memref<7168xf32, #tpu.memory_space<vmem>>
      %dma_wait3A_174 = arith.constant 58368 : i32
      %dma_wait3A_175 = tpu.memref_slice %arg2[%dma_wait3A_174] : memref<524288xf32, #tpu.memory_space<hbm>> -> memref<7168xf32, #tpu.memory_space<hbm>>
      %dma_wait3A_176 = arith.constant 0 : i32
      %dma_wait3A_177 = tpu.memref_slice %arg4[%dma_wait3A_176] : memref<8064xf32, #tpu.memory_space<vmem>> -> memref<7168xf32, #tpu.memory_space<vmem>>
      %dma_wait3A_178 = arith.constant 58368 : i32
      %dma_wait3A_179 = tpu.memref_slice %arg2[%dma_wait3A_178] : memref<524288xf32, #tpu.memory_space<hbm>> -> memref<7168xf32, #tpu.memory_space<hbm>>
      tpu.wait_dma2 semaphore(%arg5 : memref<!tpu.dma_semaphore, #tpu.memory_space<semaphore_mem>>) src(%dma_wait3A_179 : memref<7168xf32, #tpu.memory_space<hbm>>) dst(%dma_wait3A_177 : memref<7168xf32, #tpu.memory_space<vmem>>)
      %dma_start3A_180 = arith.constant 0 : i32
      %dma_start3A_181 = tpu.memref_slice %arg4[%dma_start3A_180] : memref<8064xf32, #tpu.memory_space<vmem>> -> memref<7168xf32, #tpu.memory_space<vmem>>
      %dma_start3A_182 = arith.constant 53760 : i32
      %dma_start3A_183 = tpu.memref_slice %arg3[%dma_start3A_182] : memref<258048xf32, #tpu.memory_space<hbm>> -> memref<7168xf32, #tpu.memory_space<hbm>>
      %dma_start3A_184 = arith.constant 53760 : i32
      %dma_start3A_185 = tpu.memref_slice %arg3[%dma_start3A_184] : memref<258048xf32, #tpu.memory_space<hbm>> -> memref<7168xf32, #tpu.memory_space<hbm>>
      %dma_start3A_186 = arith.constant 0 : i32
      %dma_start3A_187 = tpu.memref_slice %arg4[%dma_start3A_186] : memref<8064xf32, #tpu.memory_space<vmem>> -> memref<7168xf32, #tpu.memory_space<vmem>>
      tpu.enqueue_dma source(%dma_start3A_187 : memref<7168xf32, #tpu.memory_space<vmem>>) target(%dma_start3A_185 : memref<7168xf32, #tpu.memory_space<hbm>>) target_semaphore(%arg7 : memref<!tpu.dma_semaphore, #tpu.memory_space<semaphore_mem>>)
      %dma_wait3A_188 = arith.constant 7168 : i32
      %dma_wait3A_189 = tpu.memref_slice %arg4[%dma_wait3A_188] : memref<8064xf32, #tpu.memory_space<vmem>> -> memref<896xf32, #tpu.memory_space<vmem>>
      %dma_wait3A_190 = arith.constant 466048 : i32
      %dma_wait3A_191 = tpu.memref_slice %arg2[%dma_wait3A_190] : memref<524288xf32, #tpu.memory_space<hbm>> -> memref<896xf32, #tpu.memory_space<hbm>>
      %dma_wait3A_192 = arith.constant 7168 : i32
      %dma_wait3A_193 = tpu.memref_slice %arg4[%dma_wait3A_192] : memref<8064xf32, #tpu.memory_space<vmem>> -> memref<896xf32, #tpu.memory_space<vmem>>
      %dma_wait3A_194 = arith.constant 466048 : i32
      %dma_wait3A_195 = tpu.memref_slice %arg2[%dma_wait3A_194] : memref<524288xf32, #tpu.memory_space<hbm>> -> memref<896xf32, #tpu.memory_space<hbm>>
      tpu.wait_dma2 semaphore(%arg6 : memref<!tpu.dma_semaphore, #tpu.memory_space<semaphore_mem>>) src(%dma_wait3A_195 : memref<896xf32, #tpu.memory_space<hbm>>) dst(%dma_wait3A_193 : memref<896xf32, #tpu.memory_space<vmem>>)
      %dma_start3A_196 = arith.constant 7168 : i32
      %dma_start3A_197 = tpu.memref_slice %arg4[%dma_start3A_196] : memref<8064xf32, #tpu.memory_space<vmem>> -> memref<896xf32, #tpu.memory_space<vmem>>
      %dma_start3A_198 = arith.constant 254464 : i32
      %dma_start3A_199 = tpu.memref_slice %arg3[%dma_start3A_198] : memref<258048xf32, #tpu.memory_space<hbm>> -> memref<896xf32, #tpu.memory_space<hbm>>
      %dma_start3A_200 = arith.constant 254464 : i32
      %dma_start3A_201 = tpu.memref_slice %arg3[%dma_start3A_200] : memref<258048xf32, #tpu.memory_space<hbm>> -> memref<896xf32, #tpu.memory_space<hbm>>
      %dma_start3A_202 = arith.constant 7168 : i32
      %dma_start3A_203 = tpu.memref_slice %arg4[%dma_start3A_202] : memref<8064xf32, #tpu.memory_space<vmem>> -> memref<896xf32, #tpu.memory_space<vmem>>
      tpu.enqueue_dma source(%dma_start3A_203 : memref<896xf32, #tpu.memory_space<vmem>>) target(%dma_start3A_201 : memref<896xf32, #tpu.memory_space<hbm>>) target_semaphore(%arg8 : memref<!tpu.dma_semaphore, #tpu.memory_space<semaphore_mem>>)
      %dma_wait3A_204 = arith.constant 7168 : i32
      %dma_wait3A_205 = tpu.memref_slice %arg4[%dma_wait3A_204] : memref<8064xf32, #tpu.memory_space<vmem>> -> memref<896xf32, #tpu.memory_space<vmem>>
      %dma_wait3A_206 = arith.constant 254464 : i32
      %dma_wait3A_207 = tpu.memref_slice %arg3[%dma_wait3A_206] : memref<258048xf32, #tpu.memory_space<hbm>> -> memref<896xf32, #tpu.memory_space<hbm>>
      %dma_wait3A_208 = arith.constant 254464 : i32
      %dma_wait3A_209 = tpu.memref_slice %arg3[%dma_wait3A_208] : memref<258048xf32, #tpu.memory_space<hbm>> -> memref<896xf32, #tpu.memory_space<hbm>>
      %dma_wait3A_210 = arith.constant 7168 : i32
      %dma_wait3A_211 = tpu.memref_slice %arg4[%dma_wait3A_210] : memref<8064xf32, #tpu.memory_space<vmem>> -> memref<896xf32, #tpu.memory_space<vmem>>
      tpu.wait_dma2 semaphore(%arg8 : memref<!tpu.dma_semaphore, #tpu.memory_space<semaphore_mem>>) src(%dma_wait3A_211 : memref<896xf32, #tpu.memory_space<vmem>>) dst(%dma_wait3A_209 : memref<896xf32, #tpu.memory_space<hbm>>)
      %dma_wait3A_212 = arith.constant 0 : i32
      %dma_wait3A_213 = tpu.memref_slice %arg4[%dma_wait3A_212] : memref<8064xf32, #tpu.memory_space<vmem>> -> memref<7168xf32, #tpu.memory_space<vmem>>
      %dma_wait3A_214 = arith.constant 53760 : i32
      %dma_wait3A_215 = tpu.memref_slice %arg3[%dma_wait3A_214] : memref<258048xf32, #tpu.memory_space<hbm>> -> memref<7168xf32, #tpu.memory_space<hbm>>
      %dma_wait3A_216 = arith.constant 53760 : i32
      %dma_wait3A_217 = tpu.memref_slice %arg3[%dma_wait3A_216] : memref<258048xf32, #tpu.memory_space<hbm>> -> memref<7168xf32, #tpu.memory_space<hbm>>
      %dma_wait3A_218 = arith.constant 0 : i32
      %dma_wait3A_219 = tpu.memref_slice %arg4[%dma_wait3A_218] : memref<8064xf32, #tpu.memory_space<vmem>> -> memref<7168xf32, #tpu.memory_space<vmem>>
      tpu.wait_dma2 semaphore(%arg7 : memref<!tpu.dma_semaphore, #tpu.memory_space<semaphore_mem>>) src(%dma_wait3A_219 : memref<7168xf32, #tpu.memory_space<vmem>>) dst(%dma_wait3A_217 : memref<7168xf32, #tpu.memory_space<hbm>>)
    } else {
    }
    %eq3A_38 = arith.constant 8 : i32
    %eq3A_39 = arith.cmpi eq, %add3A, %eq3A_38 : i32
    %convert_element_type3A_40 = arith.extui %eq3A_39 : i1 to i32
    %cond3A_41 = arith.constant 0 : i32
    %cond3A_42 = arith.cmpi ne, %convert_element_type3A_40, %cond3A_41 : i32
    scf.if %cond3A_42 {
      %dma_start3A = arith.constant 0 : i32
      %dma_start3A_158 = tpu.memref_slice %arg4[%dma_start3A] : memref<8064xf32, #tpu.memory_space<vmem>> -> memref<7040xf32, #tpu.memory_space<vmem>>
      %dma_start3A_159 = arith.constant 66688 : i32
      %dma_start3A_160 = tpu.memref_slice %arg2[%dma_start3A_159] : memref<524288xf32, #tpu.memory_space<hbm>> -> memref<7040xf32, #tpu.memory_space<hbm>>
      %dma_start3A_161 = arith.constant 0 : i32
      %dma_start3A_162 = tpu.memref_slice %arg4[%dma_start3A_161] : memref<8064xf32, #tpu.memory_space<vmem>> -> memref<7040xf32, #tpu.memory_space<vmem>>
      %dma_start3A_163 = arith.constant 66688 : i32
      %dma_start3A_164 = tpu.memref_slice %arg2[%dma_start3A_163] : memref<524288xf32, #tpu.memory_space<hbm>> -> memref<7040xf32, #tpu.memory_space<hbm>>
      tpu.enqueue_dma source(%dma_start3A_164 : memref<7040xf32, #tpu.memory_space<hbm>>) target(%dma_start3A_162 : memref<7040xf32, #tpu.memory_space<vmem>>) target_semaphore(%arg5 : memref<!tpu.dma_semaphore, #tpu.memory_space<semaphore_mem>>)
      %dma_start3A_165 = arith.constant 7040 : i32
      %dma_start3A_166 = tpu.memref_slice %arg4[%dma_start3A_165] : memref<8064xf32, #tpu.memory_space<vmem>> -> memref<1024xf32, #tpu.memory_space<vmem>>
      %dma_start3A_167 = arith.constant 457728 : i32
      %dma_start3A_168 = tpu.memref_slice %arg2[%dma_start3A_167] : memref<524288xf32, #tpu.memory_space<hbm>> -> memref<1024xf32, #tpu.memory_space<hbm>>
      %dma_start3A_169 = arith.constant 7040 : i32
      %dma_start3A_170 = tpu.memref_slice %arg4[%dma_start3A_169] : memref<8064xf32, #tpu.memory_space<vmem>> -> memref<1024xf32, #tpu.memory_space<vmem>>
      %dma_start3A_171 = arith.constant 457728 : i32
      %dma_start3A_172 = tpu.memref_slice %arg2[%dma_start3A_171] : memref<524288xf32, #tpu.memory_space<hbm>> -> memref<1024xf32, #tpu.memory_space<hbm>>
      tpu.enqueue_dma source(%dma_start3A_172 : memref<1024xf32, #tpu.memory_space<hbm>>) target(%dma_start3A_170 : memref<1024xf32, #tpu.memory_space<vmem>>) target_semaphore(%arg6 : memref<!tpu.dma_semaphore, #tpu.memory_space<semaphore_mem>>)
      %dma_wait3A = arith.constant 0 : i32
      %dma_wait3A_173 = tpu.memref_slice %arg4[%dma_wait3A] : memref<8064xf32, #tpu.memory_space<vmem>> -> memref<7040xf32, #tpu.memory_space<vmem>>
      %dma_wait3A_174 = arith.constant 66688 : i32
      %dma_wait3A_175 = tpu.memref_slice %arg2[%dma_wait3A_174] : memref<524288xf32, #tpu.memory_space<hbm>> -> memref<7040xf32, #tpu.memory_space<hbm>>
      %dma_wait3A_176 = arith.constant 0 : i32
      %dma_wait3A_177 = tpu.memref_slice %arg4[%dma_wait3A_176] : memref<8064xf32, #tpu.memory_space<vmem>> -> memref<7040xf32, #tpu.memory_space<vmem>>
      %dma_wait3A_178 = arith.constant 66688 : i32
      %dma_wait3A_179 = tpu.memref_slice %arg2[%dma_wait3A_178] : memref<524288xf32, #tpu.memory_space<hbm>> -> memref<7040xf32, #tpu.memory_space<hbm>>
      tpu.wait_dma2 semaphore(%arg5 : memref<!tpu.dma_semaphore, #tpu.memory_space<semaphore_mem>>) src(%dma_wait3A_179 : memref<7040xf32, #tpu.memory_space<hbm>>) dst(%dma_wait3A_177 : memref<7040xf32, #tpu.memory_space<vmem>>)
      %dma_start3A_180 = arith.constant 0 : i32
      %dma_start3A_181 = tpu.memref_slice %arg4[%dma_start3A_180] : memref<8064xf32, #tpu.memory_space<vmem>> -> memref<7040xf32, #tpu.memory_space<vmem>>
      %dma_start3A_182 = arith.constant 60928 : i32
      %dma_start3A_183 = tpu.memref_slice %arg3[%dma_start3A_182] : memref<258048xf32, #tpu.memory_space<hbm>> -> memref<7040xf32, #tpu.memory_space<hbm>>
      %dma_start3A_184 = arith.constant 60928 : i32
      %dma_start3A_185 = tpu.memref_slice %arg3[%dma_start3A_184] : memref<258048xf32, #tpu.memory_space<hbm>> -> memref<7040xf32, #tpu.memory_space<hbm>>
      %dma_start3A_186 = arith.constant 0 : i32
      %dma_start3A_187 = tpu.memref_slice %arg4[%dma_start3A_186] : memref<8064xf32, #tpu.memory_space<vmem>> -> memref<7040xf32, #tpu.memory_space<vmem>>
      tpu.enqueue_dma source(%dma_start3A_187 : memref<7040xf32, #tpu.memory_space<vmem>>) target(%dma_start3A_185 : memref<7040xf32, #tpu.memory_space<hbm>>) target_semaphore(%arg7 : memref<!tpu.dma_semaphore, #tpu.memory_space<semaphore_mem>>)
      %dma_wait3A_188 = arith.constant 7040 : i32
      %dma_wait3A_189 = tpu.memref_slice %arg4[%dma_wait3A_188] : memref<8064xf32, #tpu.memory_space<vmem>> -> memref<1024xf32, #tpu.memory_space<vmem>>
      %dma_wait3A_190 = arith.constant 457728 : i32
      %dma_wait3A_191 = tpu.memref_slice %arg2[%dma_wait3A_190] : memref<524288xf32, #tpu.memory_space<hbm>> -> memref<1024xf32, #tpu.memory_space<hbm>>
      %dma_wait3A_192 = arith.constant 7040 : i32
      %dma_wait3A_193 = tpu.memref_slice %arg4[%dma_wait3A_192] : memref<8064xf32, #tpu.memory_space<vmem>> -> memref<1024xf32, #tpu.memory_space<vmem>>
      %dma_wait3A_194 = arith.constant 457728 : i32
      %dma_wait3A_195 = tpu.memref_slice %arg2[%dma_wait3A_194] : memref<524288xf32, #tpu.memory_space<hbm>> -> memref<1024xf32, #tpu.memory_space<hbm>>
      tpu.wait_dma2 semaphore(%arg6 : memref<!tpu.dma_semaphore, #tpu.memory_space<semaphore_mem>>) src(%dma_wait3A_195 : memref<1024xf32, #tpu.memory_space<hbm>>) dst(%dma_wait3A_193 : memref<1024xf32, #tpu.memory_space<vmem>>)
      %dma_start3A_196 = arith.constant 7040 : i32
      %dma_start3A_197 = tpu.memref_slice %arg4[%dma_start3A_196] : memref<8064xf32, #tpu.memory_space<vmem>> -> memref<1024xf32, #tpu.memory_space<vmem>>
      %dma_start3A_198 = arith.constant 253440 : i32
      %dma_start3A_199 = tpu.memref_slice %arg3[%dma_start3A_198] : memref<258048xf32, #tpu.memory_space<hbm>> -> memref<1024xf32, #tpu.memory_space<hbm>>
      %dma_start3A_200 = arith.constant 253440 : i32
      %dma_start3A_201 = tpu.memref_slice %arg3[%dma_start3A_200] : memref<258048xf32, #tpu.memory_space<hbm>> -> memref<1024xf32, #tpu.memory_space<hbm>>
      %dma_start3A_202 = arith.constant 7040 : i32
      %dma_start3A_203 = tpu.memref_slice %arg4[%dma_start3A_202] : memref<8064xf32, #tpu.memory_space<vmem>> -> memref<1024xf32, #tpu.memory_space<vmem>>
      tpu.enqueue_dma source(%dma_start3A_203 : memref<1024xf32, #tpu.memory_space<vmem>>) target(%dma_start3A_201 : memref<1024xf32, #tpu.memory_space<hbm>>) target_semaphore(%arg8 : memref<!tpu.dma_semaphore, #tpu.memory_space<semaphore_mem>>)
      %dma_wait3A_204 = arith.constant 7040 : i32
      %dma_wait3A_205 = tpu.memref_slice %arg4[%dma_wait3A_204] : memref<8064xf32, #tpu.memory_space<vmem>> -> memref<1024xf32, #tpu.memory_space<vmem>>
      %dma_wait3A_206 = arith.constant 253440 : i32
      %dma_wait3A_207 = tpu.memref_slice %arg3[%dma_wait3A_206] : memref<258048xf32, #tpu.memory_space<hbm>> -> memref<1024xf32, #tpu.memory_space<hbm>>
      %dma_wait3A_208 = arith.constant 253440 : i32
      %dma_wait3A_209 = tpu.memref_slice %arg3[%dma_wait3A_208] : memref<258048xf32, #tpu.memory_space<hbm>> -> memref<1024xf32, #tpu.memory_space<hbm>>
      %dma_wait3A_210 = arith.constant 7040 : i32
      %dma_wait3A_211 = tpu.memref_slice %arg4[%dma_wait3A_210] : memref<8064xf32, #tpu.memory_space<vmem>> -> memref<1024xf32, #tpu.memory_space<vmem>>
      tpu.wait_dma2 semaphore(%arg8 : memref<!tpu.dma_semaphore, #tpu.memory_space<semaphore_mem>>) src(%dma_wait3A_211 : memref<1024xf32, #tpu.memory_space<vmem>>) dst(%dma_wait3A_209 : memref<1024xf32, #tpu.memory_space<hbm>>)
      %dma_wait3A_212 = arith.constant 0 : i32
      %dma_wait3A_213 = tpu.memref_slice %arg4[%dma_wait3A_212] : memref<8064xf32, #tpu.memory_space<vmem>> -> memref<7040xf32, #tpu.memory_space<vmem>>
      %dma_wait3A_214 = arith.constant 60928 : i32
      %dma_wait3A_215 = tpu.memref_slice %arg3[%dma_wait3A_214] : memref<258048xf32, #tpu.memory_space<hbm>> -> memref<7040xf32, #tpu.memory_space<hbm>>
      %dma_wait3A_216 = arith.constant 60928 : i32
      %dma_wait3A_217 = tpu.memref_slice %arg3[%dma_wait3A_216] : memref<258048xf32, #tpu.memory_space<hbm>> -> memref<7040xf32, #tpu.memory_space<hbm>>
      %dma_wait3A_218 = arith.constant 0 : i32
      %dma_wait3A_219 = tpu.memref_slice %arg4[%dma_wait3A_218] : memref<8064xf32, #tpu.memory_space<vmem>> -> memref<7040xf32, #tpu.memory_space<vmem>>
      tpu.wait_dma2 semaphore(%arg7 : memref<!tpu.dma_semaphore, #tpu.memory_space<semaphore_mem>>) src(%dma_wait3A_219 : memref<7040xf32, #tpu.memory_space<vmem>>) dst(%dma_wait3A_217 : memref<7040xf32, #tpu.memory_space<hbm>>)
    } else {
    }
    %eq3A_43 = arith.constant 9 : i32
    %eq3A_44 = arith.cmpi eq, %add3A, %eq3A_43 : i32
    %convert_element_type3A_45 = arith.extui %eq3A_44 : i1 to i32
    %cond3A_46 = arith.constant 0 : i32
    %cond3A_47 = arith.cmpi ne, %convert_element_type3A_45, %cond3A_46 : i32
    scf.if %cond3A_47 {
      %dma_start3A = arith.constant 0 : i32
      %dma_start3A_158 = tpu.memref_slice %arg4[%dma_start3A] : memref<8064xf32, #tpu.memory_space<vmem>> -> memref<6912xf32, #tpu.memory_space<vmem>>
      %dma_start3A_159 = arith.constant 75008 : i32
      %dma_start3A_160 = tpu.memref_slice %arg2[%dma_start3A_159] : memref<524288xf32, #tpu.memory_space<hbm>> -> memref<6912xf32, #tpu.memory_space<hbm>>
      %dma_start3A_161 = arith.constant 0 : i32
      %dma_start3A_162 = tpu.memref_slice %arg4[%dma_start3A_161] : memref<8064xf32, #tpu.memory_space<vmem>> -> memref<6912xf32, #tpu.memory_space<vmem>>
      %dma_start3A_163 = arith.constant 75008 : i32
      %dma_start3A_164 = tpu.memref_slice %arg2[%dma_start3A_163] : memref<524288xf32, #tpu.memory_space<hbm>> -> memref<6912xf32, #tpu.memory_space<hbm>>
      tpu.enqueue_dma source(%dma_start3A_164 : memref<6912xf32, #tpu.memory_space<hbm>>) target(%dma_start3A_162 : memref<6912xf32, #tpu.memory_space<vmem>>) target_semaphore(%arg5 : memref<!tpu.dma_semaphore, #tpu.memory_space<semaphore_mem>>)
      %dma_start3A_165 = arith.constant 6912 : i32
      %dma_start3A_166 = tpu.memref_slice %arg4[%dma_start3A_165] : memref<8064xf32, #tpu.memory_space<vmem>> -> memref<1152xf32, #tpu.memory_space<vmem>>
      %dma_start3A_167 = arith.constant 449408 : i32
      %dma_start3A_168 = tpu.memref_slice %arg2[%dma_start3A_167] : memref<524288xf32, #tpu.memory_space<hbm>> -> memref<1152xf32, #tpu.memory_space<hbm>>
      %dma_start3A_169 = arith.constant 6912 : i32
      %dma_start3A_170 = tpu.memref_slice %arg4[%dma_start3A_169] : memref<8064xf32, #tpu.memory_space<vmem>> -> memref<1152xf32, #tpu.memory_space<vmem>>
      %dma_start3A_171 = arith.constant 449408 : i32
      %dma_start3A_172 = tpu.memref_slice %arg2[%dma_start3A_171] : memref<524288xf32, #tpu.memory_space<hbm>> -> memref<1152xf32, #tpu.memory_space<hbm>>
      tpu.enqueue_dma source(%dma_start3A_172 : memref<1152xf32, #tpu.memory_space<hbm>>) target(%dma_start3A_170 : memref<1152xf32, #tpu.memory_space<vmem>>) target_semaphore(%arg6 : memref<!tpu.dma_semaphore, #tpu.memory_space<semaphore_mem>>)
      %dma_wait3A = arith.constant 0 : i32
      %dma_wait3A_173 = tpu.memref_slice %arg4[%dma_wait3A] : memref<8064xf32, #tpu.memory_space<vmem>> -> memref<6912xf32, #tpu.memory_space<vmem>>
      %dma_wait3A_174 = arith.constant 75008 : i32
      %dma_wait3A_175 = tpu.memref_slice %arg2[%dma_wait3A_174] : memref<524288xf32, #tpu.memory_space<hbm>> -> memref<6912xf32, #tpu.memory_space<hbm>>
      %dma_wait3A_176 = arith.constant 0 : i32
      %dma_wait3A_177 = tpu.memref_slice %arg4[%dma_wait3A_176] : memref<8064xf32, #tpu.memory_space<vmem>> -> memref<6912xf32, #tpu.memory_space<vmem>>
      %dma_wait3A_178 = arith.constant 75008 : i32
      %dma_wait3A_179 = tpu.memref_slice %arg2[%dma_wait3A_178] : memref<524288xf32, #tpu.memory_space<hbm>> -> memref<6912xf32, #tpu.memory_space<hbm>>
      tpu.wait_dma2 semaphore(%arg5 : memref<!tpu.dma_semaphore, #tpu.memory_space<semaphore_mem>>) src(%dma_wait3A_179 : memref<6912xf32, #tpu.memory_space<hbm>>) dst(%dma_wait3A_177 : memref<6912xf32, #tpu.memory_space<vmem>>)
      %dma_start3A_180 = arith.constant 0 : i32
      %dma_start3A_181 = tpu.memref_slice %arg4[%dma_start3A_180] : memref<8064xf32, #tpu.memory_space<vmem>> -> memref<6912xf32, #tpu.memory_space<vmem>>
      %dma_start3A_182 = arith.constant 67968 : i32
      %dma_start3A_183 = tpu.memref_slice %arg3[%dma_start3A_182] : memref<258048xf32, #tpu.memory_space<hbm>> -> memref<6912xf32, #tpu.memory_space<hbm>>
      %dma_start3A_184 = arith.constant 67968 : i32
      %dma_start3A_185 = tpu.memref_slice %arg3[%dma_start3A_184] : memref<258048xf32, #tpu.memory_space<hbm>> -> memref<6912xf32, #tpu.memory_space<hbm>>
      %dma_start3A_186 = arith.constant 0 : i32
      %dma_start3A_187 = tpu.memref_slice %arg4[%dma_start3A_186] : memref<8064xf32, #tpu.memory_space<vmem>> -> memref<6912xf32, #tpu.memory_space<vmem>>
      tpu.enqueue_dma source(%dma_start3A_187 : memref<6912xf32, #tpu.memory_space<vmem>>) target(%dma_start3A_185 : memref<6912xf32, #tpu.memory_space<hbm>>) target_semaphore(%arg7 : memref<!tpu.dma_semaphore, #tpu.memory_space<semaphore_mem>>)
      %dma_wait3A_188 = arith.constant 6912 : i32
      %dma_wait3A_189 = tpu.memref_slice %arg4[%dma_wait3A_188] : memref<8064xf32, #tpu.memory_space<vmem>> -> memref<1152xf32, #tpu.memory_space<vmem>>
      %dma_wait3A_190 = arith.constant 449408 : i32
      %dma_wait3A_191 = tpu.memref_slice %arg2[%dma_wait3A_190] : memref<524288xf32, #tpu.memory_space<hbm>> -> memref<1152xf32, #tpu.memory_space<hbm>>
      %dma_wait3A_192 = arith.constant 6912 : i32
      %dma_wait3A_193 = tpu.memref_slice %arg4[%dma_wait3A_192] : memref<8064xf32, #tpu.memory_space<vmem>> -> memref<1152xf32, #tpu.memory_space<vmem>>
      %dma_wait3A_194 = arith.constant 449408 : i32
      %dma_wait3A_195 = tpu.memref_slice %arg2[%dma_wait3A_194] : memref<524288xf32, #tpu.memory_space<hbm>> -> memref<1152xf32, #tpu.memory_space<hbm>>
      tpu.wait_dma2 semaphore(%arg6 : memref<!tpu.dma_semaphore, #tpu.memory_space<semaphore_mem>>) src(%dma_wait3A_195 : memref<1152xf32, #tpu.memory_space<hbm>>) dst(%dma_wait3A_193 : memref<1152xf32, #tpu.memory_space<vmem>>)
      %dma_start3A_196 = arith.constant 6912 : i32
      %dma_start3A_197 = tpu.memref_slice %arg4[%dma_start3A_196] : memref<8064xf32, #tpu.memory_space<vmem>> -> memref<1152xf32, #tpu.memory_space<vmem>>
      %dma_start3A_198 = arith.constant 252288 : i32
      %dma_start3A_199 = tpu.memref_slice %arg3[%dma_start3A_198] : memref<258048xf32, #tpu.memory_space<hbm>> -> memref<1152xf32, #tpu.memory_space<hbm>>
      %dma_start3A_200 = arith.constant 252288 : i32
      %dma_start3A_201 = tpu.memref_slice %arg3[%dma_start3A_200] : memref<258048xf32, #tpu.memory_space<hbm>> -> memref<1152xf32, #tpu.memory_space<hbm>>
      %dma_start3A_202 = arith.constant 6912 : i32
      %dma_start3A_203 = tpu.memref_slice %arg4[%dma_start3A_202] : memref<8064xf32, #tpu.memory_space<vmem>> -> memref<1152xf32, #tpu.memory_space<vmem>>
      tpu.enqueue_dma source(%dma_start3A_203 : memref<1152xf32, #tpu.memory_space<vmem>>) target(%dma_start3A_201 : memref<1152xf32, #tpu.memory_space<hbm>>) target_semaphore(%arg8 : memref<!tpu.dma_semaphore, #tpu.memory_space<semaphore_mem>>)
      %dma_wait3A_204 = arith.constant 6912 : i32
      %dma_wait3A_205 = tpu.memref_slice %arg4[%dma_wait3A_204] : memref<8064xf32, #tpu.memory_space<vmem>> -> memref<1152xf32, #tpu.memory_space<vmem>>
      %dma_wait3A_206 = arith.constant 252288 : i32
      %dma_wait3A_207 = tpu.memref_slice %arg3[%dma_wait3A_206] : memref<258048xf32, #tpu.memory_space<hbm>> -> memref<1152xf32, #tpu.memory_space<hbm>>
      %dma_wait3A_208 = arith.constant 252288 : i32
      %dma_wait3A_209 = tpu.memref_slice %arg3[%dma_wait3A_208] : memref<258048xf32, #tpu.memory_space<hbm>> -> memref<1152xf32, #tpu.memory_space<hbm>>
      %dma_wait3A_210 = arith.constant 6912 : i32
      %dma_wait3A_211 = tpu.memref_slice %arg4[%dma_wait3A_210] : memref<8064xf32, #tpu.memory_space<vmem>> -> memref<1152xf32, #tpu.memory_space<vmem>>
      tpu.wait_dma2 semaphore(%arg8 : memref<!tpu.dma_semaphore, #tpu.memory_space<semaphore_mem>>) src(%dma_wait3A_211 : memref<1152xf32, #tpu.memory_space<vmem>>) dst(%dma_wait3A_209 : memref<1152xf32, #tpu.memory_space<hbm>>)
      %dma_wait3A_212 = arith.constant 0 : i32
      %dma_wait3A_213 = tpu.memref_slice %arg4[%dma_wait3A_212] : memref<8064xf32, #tpu.memory_space<vmem>> -> memref<6912xf32, #tpu.memory_space<vmem>>
      %dma_wait3A_214 = arith.constant 67968 : i32
      %dma_wait3A_215 = tpu.memref_slice %arg3[%dma_wait3A_214] : memref<258048xf32, #tpu.memory_space<hbm>> -> memref<6912xf32, #tpu.memory_space<hbm>>
      %dma_wait3A_216 = arith.constant 67968 : i32
      %dma_wait3A_217 = tpu.memref_slice %arg3[%dma_wait3A_216] : memref<258048xf32, #tpu.memory_space<hbm>> -> memref<6912xf32, #tpu.memory_space<hbm>>
      %dma_wait3A_218 = arith.constant 0 : i32
      %dma_wait3A_219 = tpu.memref_slice %arg4[%dma_wait3A_218] : memref<8064xf32, #tpu.memory_space<vmem>> -> memref<6912xf32, #tpu.memory_space<vmem>>
      tpu.wait_dma2 semaphore(%arg7 : memref<!tpu.dma_semaphore, #tpu.memory_space<semaphore_mem>>) src(%dma_wait3A_219 : memref<6912xf32, #tpu.memory_space<vmem>>) dst(%dma_wait3A_217 : memref<6912xf32, #tpu.memory_space<hbm>>)
    } else {
    }
    %eq3A_48 = arith.constant 10 : i32
    %eq3A_49 = arith.cmpi eq, %add3A, %eq3A_48 : i32
    %convert_element_type3A_50 = arith.extui %eq3A_49 : i1 to i32
    %cond3A_51 = arith.constant 0 : i32
    %cond3A_52 = arith.cmpi ne, %convert_element_type3A_50, %cond3A_51 : i32
    scf.if %cond3A_52 {
      %dma_start3A = arith.constant 0 : i32
      %dma_start3A_158 = tpu.memref_slice %arg4[%dma_start3A] : memref<8064xf32, #tpu.memory_space<vmem>> -> memref<6784xf32, #tpu.memory_space<vmem>>
      %dma_start3A_159 = arith.constant 83328 : i32
      %dma_start3A_160 = tpu.memref_slice %arg2[%dma_start3A_159] : memref<524288xf32, #tpu.memory_space<hbm>> -> memref<6784xf32, #tpu.memory_space<hbm>>
      %dma_start3A_161 = arith.constant 0 : i32
      %dma_start3A_162 = tpu.memref_slice %arg4[%dma_start3A_161] : memref<8064xf32, #tpu.memory_space<vmem>> -> memref<6784xf32, #tpu.memory_space<vmem>>
      %dma_start3A_163 = arith.constant 83328 : i32
      %dma_start3A_164 = tpu.memref_slice %arg2[%dma_start3A_163] : memref<524288xf32, #tpu.memory_space<hbm>> -> memref<6784xf32, #tpu.memory_space<hbm>>
      tpu.enqueue_dma source(%dma_start3A_164 : memref<6784xf32, #tpu.memory_space<hbm>>) target(%dma_start3A_162 : memref<6784xf32, #tpu.memory_space<vmem>>) target_semaphore(%arg5 : memref<!tpu.dma_semaphore, #tpu.memory_space<semaphore_mem>>)
      %dma_start3A_165 = arith.constant 6784 : i32
      %dma_start3A_166 = tpu.memref_slice %arg4[%dma_start3A_165] : memref<8064xf32, #tpu.memory_space<vmem>> -> memref<1280xf32, #tpu.memory_space<vmem>>
      %dma_start3A_167 = arith.constant 441088 : i32
      %dma_start3A_168 = tpu.memref_slice %arg2[%dma_start3A_167] : memref<524288xf32, #tpu.memory_space<hbm>> -> memref<1280xf32, #tpu.memory_space<hbm>>
      %dma_start3A_169 = arith.constant 6784 : i32
      %dma_start3A_170 = tpu.memref_slice %arg4[%dma_start3A_169] : memref<8064xf32, #tpu.memory_space<vmem>> -> memref<1280xf32, #tpu.memory_space<vmem>>
      %dma_start3A_171 = arith.constant 441088 : i32
      %dma_start3A_172 = tpu.memref_slice %arg2[%dma_start3A_171] : memref<524288xf32, #tpu.memory_space<hbm>> -> memref<1280xf32, #tpu.memory_space<hbm>>
      tpu.enqueue_dma source(%dma_start3A_172 : memref<1280xf32, #tpu.memory_space<hbm>>) target(%dma_start3A_170 : memref<1280xf32, #tpu.memory_space<vmem>>) target_semaphore(%arg6 : memref<!tpu.dma_semaphore, #tpu.memory_space<semaphore_mem>>)
      %dma_wait3A = arith.constant 0 : i32
      %dma_wait3A_173 = tpu.memref_slice %arg4[%dma_wait3A] : memref<8064xf32, #tpu.memory_space<vmem>> -> memref<6784xf32, #tpu.memory_space<vmem>>
      %dma_wait3A_174 = arith.constant 83328 : i32
      %dma_wait3A_175 = tpu.memref_slice %arg2[%dma_wait3A_174] : memref<524288xf32, #tpu.memory_space<hbm>> -> memref<6784xf32, #tpu.memory_space<hbm>>
      %dma_wait3A_176 = arith.constant 0 : i32
      %dma_wait3A_177 = tpu.memref_slice %arg4[%dma_wait3A_176] : memref<8064xf32, #tpu.memory_space<vmem>> -> memref<6784xf32, #tpu.memory_space<vmem>>
      %dma_wait3A_178 = arith.constant 83328 : i32
      %dma_wait3A_179 = tpu.memref_slice %arg2[%dma_wait3A_178] : memref<524288xf32, #tpu.memory_space<hbm>> -> memref<6784xf32, #tpu.memory_space<hbm>>
      tpu.wait_dma2 semaphore(%arg5 : memref<!tpu.dma_semaphore, #tpu.memory_space<semaphore_mem>>) src(%dma_wait3A_179 : memref<6784xf32, #tpu.memory_space<hbm>>) dst(%dma_wait3A_177 : memref<6784xf32, #tpu.memory_space<vmem>>)
      %dma_start3A_180 = arith.constant 0 : i32
      %dma_start3A_181 = tpu.memref_slice %arg4[%dma_start3A_180] : memref<8064xf32, #tpu.memory_space<vmem>> -> memref<6784xf32, #tpu.memory_space<vmem>>
      %dma_start3A_182 = arith.constant 74880 : i32
      %dma_start3A_183 = tpu.memref_slice %arg3[%dma_start3A_182] : memref<258048xf32, #tpu.memory_space<hbm>> -> memref<6784xf32, #tpu.memory_space<hbm>>
      %dma_start3A_184 = arith.constant 74880 : i32
      %dma_start3A_185 = tpu.memref_slice %arg3[%dma_start3A_184] : memref<258048xf32, #tpu.memory_space<hbm>> -> memref<6784xf32, #tpu.memory_space<hbm>>
      %dma_start3A_186 = arith.constant 0 : i32
      %dma_start3A_187 = tpu.memref_slice %arg4[%dma_start3A_186] : memref<8064xf32, #tpu.memory_space<vmem>> -> memref<6784xf32, #tpu.memory_space<vmem>>
      tpu.enqueue_dma source(%dma_start3A_187 : memref<6784xf32, #tpu.memory_space<vmem>>) target(%dma_start3A_185 : memref<6784xf32, #tpu.memory_space<hbm>>) target_semaphore(%arg7 : memref<!tpu.dma_semaphore, #tpu.memory_space<semaphore_mem>>)
      %dma_wait3A_188 = arith.constant 6784 : i32
      %dma_wait3A_189 = tpu.memref_slice %arg4[%dma_wait3A_188] : memref<8064xf32, #tpu.memory_space<vmem>> -> memref<1280xf32, #tpu.memory_space<vmem>>
      %dma_wait3A_190 = arith.constant 441088 : i32
      %dma_wait3A_191 = tpu.memref_slice %arg2[%dma_wait3A_190] : memref<524288xf32, #tpu.memory_space<hbm>> -> memref<1280xf32, #tpu.memory_space<hbm>>
      %dma_wait3A_192 = arith.constant 6784 : i32
      %dma_wait3A_193 = tpu.memref_slice %arg4[%dma_wait3A_192] : memref<8064xf32, #tpu.memory_space<vmem>> -> memref<1280xf32, #tpu.memory_space<vmem>>
      %dma_wait3A_194 = arith.constant 441088 : i32
      %dma_wait3A_195 = tpu.memref_slice %arg2[%dma_wait3A_194] : memref<524288xf32, #tpu.memory_space<hbm>> -> memref<1280xf32, #tpu.memory_space<hbm>>
      tpu.wait_dma2 semaphore(%arg6 : memref<!tpu.dma_semaphore, #tpu.memory_space<semaphore_mem>>) src(%dma_wait3A_195 : memref<1280xf32, #tpu.memory_space<hbm>>) dst(%dma_wait3A_193 : memref<1280xf32, #tpu.memory_space<vmem>>)
      %dma_start3A_196 = arith.constant 6784 : i32
      %dma_start3A_197 = tpu.memref_slice %arg4[%dma_start3A_196] : memref<8064xf32, #tpu.memory_space<vmem>> -> memref<1280xf32, #tpu.memory_space<vmem>>
      %dma_start3A_198 = arith.constant 251008 : i32
      %dma_start3A_199 = tpu.memref_slice %arg3[%dma_start3A_198] : memref<258048xf32, #tpu.memory_space<hbm>> -> memref<1280xf32, #tpu.memory_space<hbm>>
      %dma_start3A_200 = arith.constant 251008 : i32
      %dma_start3A_201 = tpu.memref_slice %arg3[%dma_start3A_200] : memref<258048xf32, #tpu.memory_space<hbm>> -> memref<1280xf32, #tpu.memory_space<hbm>>
      %dma_start3A_202 = arith.constant 6784 : i32
      %dma_start3A_203 = tpu.memref_slice %arg4[%dma_start3A_202] : memref<8064xf32, #tpu.memory_space<vmem>> -> memref<1280xf32, #tpu.memory_space<vmem>>
      tpu.enqueue_dma source(%dma_start3A_203 : memref<1280xf32, #tpu.memory_space<vmem>>) target(%dma_start3A_201 : memref<1280xf32, #tpu.memory_space<hbm>>) target_semaphore(%arg8 : memref<!tpu.dma_semaphore, #tpu.memory_space<semaphore_mem>>)
      %dma_wait3A_204 = arith.constant 6784 : i32
      %dma_wait3A_205 = tpu.memref_slice %arg4[%dma_wait3A_204] : memref<8064xf32, #tpu.memory_space<vmem>> -> memref<1280xf32, #tpu.memory_space<vmem>>
      %dma_wait3A_206 = arith.constant 251008 : i32
      %dma_wait3A_207 = tpu.memref_slice %arg3[%dma_wait3A_206] : memref<258048xf32, #tpu.memory_space<hbm>> -> memref<1280xf32, #tpu.memory_space<hbm>>
      %dma_wait3A_208 = arith.constant 251008 : i32
      %dma_wait3A_209 = tpu.memref_slice %arg3[%dma_wait3A_208] : memref<258048xf32, #tpu.memory_space<hbm>> -> memref<1280xf32, #tpu.memory_space<hbm>>
      %dma_wait3A_210 = arith.constant 6784 : i32
      %dma_wait3A_211 = tpu.memref_slice %arg4[%dma_wait3A_210] : memref<8064xf32, #tpu.memory_space<vmem>> -> memref<1280xf32, #tpu.memory_space<vmem>>
      tpu.wait_dma2 semaphore(%arg8 : memref<!tpu.dma_semaphore, #tpu.memory_space<semaphore_mem>>) src(%dma_wait3A_211 : memref<1280xf32, #tpu.memory_space<vmem>>) dst(%dma_wait3A_209 : memref<1280xf32, #tpu.memory_space<hbm>>)
      %dma_wait3A_212 = arith.constant 0 : i32
      %dma_wait3A_213 = tpu.memref_slice %arg4[%dma_wait3A_212] : memref<8064xf32, #tpu.memory_space<vmem>> -> memref<6784xf32, #tpu.memory_space<vmem>>
      %dma_wait3A_214 = arith.constant 74880 : i32
      %dma_wait3A_215 = tpu.memref_slice %arg3[%dma_wait3A_214] : memref<258048xf32, #tpu.memory_space<hbm>> -> memref<6784xf32, #tpu.memory_space<hbm>>
      %dma_wait3A_216 = arith.constant 74880 : i32
      %dma_wait3A_217 = tpu.memref_slice %arg3[%dma_wait3A_216] : memref<258048xf32, #tpu.memory_space<hbm>> -> memref<6784xf32, #tpu.memory_space<hbm>>
      %dma_wait3A_218 = arith.constant 0 : i32
      %dma_wait3A_219 = tpu.memref_slice %arg4[%dma_wait3A_218] : memref<8064xf32, #tpu.memory_space<vmem>> -> memref<6784xf32, #tpu.memory_space<vmem>>
      tpu.wait_dma2 semaphore(%arg7 : memref<!tpu.dma_semaphore, #tpu.memory_space<semaphore_mem>>) src(%dma_wait3A_219 : memref<6784xf32, #tpu.memory_space<vmem>>) dst(%dma_wait3A_217 : memref<6784xf32, #tpu.memory_space<hbm>>)
    } else {
    }
    %eq3A_53 = arith.constant 11 : i32
    %eq3A_54 = arith.cmpi eq, %add3A, %eq3A_53 : i32
    %convert_element_type3A_55 = arith.extui %eq3A_54 : i1 to i32
    %cond3A_56 = arith.constant 0 : i32
    %cond3A_57 = arith.cmpi ne, %convert_element_type3A_55, %cond3A_56 : i32
    scf.if %cond3A_57 {
      %dma_start3A = arith.constant 0 : i32
      %dma_start3A_158 = tpu.memref_slice %arg4[%dma_start3A] : memref<8064xf32, #tpu.memory_space<vmem>> -> memref<6656xf32, #tpu.memory_space<vmem>>
      %dma_start3A_159 = arith.constant 91648 : i32
      %dma_start3A_160 = tpu.memref_slice %arg2[%dma_start3A_159] : memref<524288xf32, #tpu.memory_space<hbm>> -> memref<6656xf32, #tpu.memory_space<hbm>>
      %dma_start3A_161 = arith.constant 0 : i32
      %dma_start3A_162 = tpu.memref_slice %arg4[%dma_start3A_161] : memref<8064xf32, #tpu.memory_space<vmem>> -> memref<6656xf32, #tpu.memory_space<vmem>>
      %dma_start3A_163 = arith.constant 91648 : i32
      %dma_start3A_164 = tpu.memref_slice %arg2[%dma_start3A_163] : memref<524288xf32, #tpu.memory_space<hbm>> -> memref<6656xf32, #tpu.memory_space<hbm>>
      tpu.enqueue_dma source(%dma_start3A_164 : memref<6656xf32, #tpu.memory_space<hbm>>) target(%dma_start3A_162 : memref<6656xf32, #tpu.memory_space<vmem>>) target_semaphore(%arg5 : memref<!tpu.dma_semaphore, #tpu.memory_space<semaphore_mem>>)
      %dma_start3A_165 = arith.constant 6656 : i32
      %dma_start3A_166 = tpu.memref_slice %arg4[%dma_start3A_165] : memref<8064xf32, #tpu.memory_space<vmem>> -> memref<1408xf32, #tpu.memory_space<vmem>>
      %dma_start3A_167 = arith.constant 432768 : i32
      %dma_start3A_168 = tpu.memref_slice %arg2[%dma_start3A_167] : memref<524288xf32, #tpu.memory_space<hbm>> -> memref<1408xf32, #tpu.memory_space<hbm>>
      %dma_start3A_169 = arith.constant 6656 : i32
      %dma_start3A_170 = tpu.memref_slice %arg4[%dma_start3A_169] : memref<8064xf32, #tpu.memory_space<vmem>> -> memref<1408xf32, #tpu.memory_space<vmem>>
      %dma_start3A_171 = arith.constant 432768 : i32
      %dma_start3A_172 = tpu.memref_slice %arg2[%dma_start3A_171] : memref<524288xf32, #tpu.memory_space<hbm>> -> memref<1408xf32, #tpu.memory_space<hbm>>
      tpu.enqueue_dma source(%dma_start3A_172 : memref<1408xf32, #tpu.memory_space<hbm>>) target(%dma_start3A_170 : memref<1408xf32, #tpu.memory_space<vmem>>) target_semaphore(%arg6 : memref<!tpu.dma_semaphore, #tpu.memory_space<semaphore_mem>>)
      %dma_wait3A = arith.constant 0 : i32
      %dma_wait3A_173 = tpu.memref_slice %arg4[%dma_wait3A] : memref<8064xf32, #tpu.memory_space<vmem>> -> memref<6656xf32, #tpu.memory_space<vmem>>
      %dma_wait3A_174 = arith.constant 91648 : i32
      %dma_wait3A_175 = tpu.memref_slice %arg2[%dma_wait3A_174] : memref<524288xf32, #tpu.memory_space<hbm>> -> memref<6656xf32, #tpu.memory_space<hbm>>
      %dma_wait3A_176 = arith.constant 0 : i32
      %dma_wait3A_177 = tpu.memref_slice %arg4[%dma_wait3A_176] : memref<8064xf32, #tpu.memory_space<vmem>> -> memref<6656xf32, #tpu.memory_space<vmem>>
      %dma_wait3A_178 = arith.constant 91648 : i32
      %dma_wait3A_179 = tpu.memref_slice %arg2[%dma_wait3A_178] : memref<524288xf32, #tpu.memory_space<hbm>> -> memref<6656xf32, #tpu.memory_space<hbm>>
      tpu.wait_dma2 semaphore(%arg5 : memref<!tpu.dma_semaphore, #tpu.memory_space<semaphore_mem>>) src(%dma_wait3A_179 : memref<6656xf32, #tpu.memory_space<hbm>>) dst(%dma_wait3A_177 : memref<6656xf32, #tpu.memory_space<vmem>>)
      %dma_start3A_180 = arith.constant 0 : i32
      %dma_start3A_181 = tpu.memref_slice %arg4[%dma_start3A_180] : memref<8064xf32, #tpu.memory_space<vmem>> -> memref<6656xf32, #tpu.memory_space<vmem>>
      %dma_start3A_182 = arith.constant 81664 : i32
      %dma_start3A_183 = tpu.memref_slice %arg3[%dma_start3A_182] : memref<258048xf32, #tpu.memory_space<hbm>> -> memref<6656xf32, #tpu.memory_space<hbm>>
      %dma_start3A_184 = arith.constant 81664 : i32
      %dma_start3A_185 = tpu.memref_slice %arg3[%dma_start3A_184] : memref<258048xf32, #tpu.memory_space<hbm>> -> memref<6656xf32, #tpu.memory_space<hbm>>
      %dma_start3A_186 = arith.constant 0 : i32
      %dma_start3A_187 = tpu.memref_slice %arg4[%dma_start3A_186] : memref<8064xf32, #tpu.memory_space<vmem>> -> memref<6656xf32, #tpu.memory_space<vmem>>
      tpu.enqueue_dma source(%dma_start3A_187 : memref<6656xf32, #tpu.memory_space<vmem>>) target(%dma_start3A_185 : memref<6656xf32, #tpu.memory_space<hbm>>) target_semaphore(%arg7 : memref<!tpu.dma_semaphore, #tpu.memory_space<semaphore_mem>>)
      %dma_wait3A_188 = arith.constant 6656 : i32
      %dma_wait3A_189 = tpu.memref_slice %arg4[%dma_wait3A_188] : memref<8064xf32, #tpu.memory_space<vmem>> -> memref<1408xf32, #tpu.memory_space<vmem>>
      %dma_wait3A_190 = arith.constant 432768 : i32
      %dma_wait3A_191 = tpu.memref_slice %arg2[%dma_wait3A_190] : memref<524288xf32, #tpu.memory_space<hbm>> -> memref<1408xf32, #tpu.memory_space<hbm>>
      %dma_wait3A_192 = arith.constant 6656 : i32
      %dma_wait3A_193 = tpu.memref_slice %arg4[%dma_wait3A_192] : memref<8064xf32, #tpu.memory_space<vmem>> -> memref<1408xf32, #tpu.memory_space<vmem>>
      %dma_wait3A_194 = arith.constant 432768 : i32
      %dma_wait3A_195 = tpu.memref_slice %arg2[%dma_wait3A_194] : memref<524288xf32, #tpu.memory_space<hbm>> -> memref<1408xf32, #tpu.memory_space<hbm>>
      tpu.wait_dma2 semaphore(%arg6 : memref<!tpu.dma_semaphore, #tpu.memory_space<semaphore_mem>>) src(%dma_wait3A_195 : memref<1408xf32, #tpu.memory_space<hbm>>) dst(%dma_wait3A_193 : memref<1408xf32, #tpu.memory_space<vmem>>)
      %dma_start3A_196 = arith.constant 6656 : i32
      %dma_start3A_197 = tpu.memref_slice %arg4[%dma_start3A_196] : memref<8064xf32, #tpu.memory_space<vmem>> -> memref<1408xf32, #tpu.memory_space<vmem>>
      %dma_start3A_198 = arith.constant 249600 : i32
      %dma_start3A_199 = tpu.memref_slice %arg3[%dma_start3A_198] : memref<258048xf32, #tpu.memory_space<hbm>> -> memref<1408xf32, #tpu.memory_space<hbm>>
      %dma_start3A_200 = arith.constant 249600 : i32
      %dma_start3A_201 = tpu.memref_slice %arg3[%dma_start3A_200] : memref<258048xf32, #tpu.memory_space<hbm>> -> memref<1408xf32, #tpu.memory_space<hbm>>
      %dma_start3A_202 = arith.constant 6656 : i32
      %dma_start3A_203 = tpu.memref_slice %arg4[%dma_start3A_202] : memref<8064xf32, #tpu.memory_space<vmem>> -> memref<1408xf32, #tpu.memory_space<vmem>>
      tpu.enqueue_dma source(%dma_start3A_203 : memref<1408xf32, #tpu.memory_space<vmem>>) target(%dma_start3A_201 : memref<1408xf32, #tpu.memory_space<hbm>>) target_semaphore(%arg8 : memref<!tpu.dma_semaphore, #tpu.memory_space<semaphore_mem>>)
      %dma_wait3A_204 = arith.constant 6656 : i32
      %dma_wait3A_205 = tpu.memref_slice %arg4[%dma_wait3A_204] : memref<8064xf32, #tpu.memory_space<vmem>> -> memref<1408xf32, #tpu.memory_space<vmem>>
      %dma_wait3A_206 = arith.constant 249600 : i32
      %dma_wait3A_207 = tpu.memref_slice %arg3[%dma_wait3A_206] : memref<258048xf32, #tpu.memory_space<hbm>> -> memref<1408xf32, #tpu.memory_space<hbm>>
      %dma_wait3A_208 = arith.constant 249600 : i32
      %dma_wait3A_209 = tpu.memref_slice %arg3[%dma_wait3A_208] : memref<258048xf32, #tpu.memory_space<hbm>> -> memref<1408xf32, #tpu.memory_space<hbm>>
      %dma_wait3A_210 = arith.constant 6656 : i32
      %dma_wait3A_211 = tpu.memref_slice %arg4[%dma_wait3A_210] : memref<8064xf32, #tpu.memory_space<vmem>> -> memref<1408xf32, #tpu.memory_space<vmem>>
      tpu.wait_dma2 semaphore(%arg8 : memref<!tpu.dma_semaphore, #tpu.memory_space<semaphore_mem>>) src(%dma_wait3A_211 : memref<1408xf32, #tpu.memory_space<vmem>>) dst(%dma_wait3A_209 : memref<1408xf32, #tpu.memory_space<hbm>>)
      %dma_wait3A_212 = arith.constant 0 : i32
      %dma_wait3A_213 = tpu.memref_slice %arg4[%dma_wait3A_212] : memref<8064xf32, #tpu.memory_space<vmem>> -> memref<6656xf32, #tpu.memory_space<vmem>>
      %dma_wait3A_214 = arith.constant 81664 : i32
      %dma_wait3A_215 = tpu.memref_slice %arg3[%dma_wait3A_214] : memref<258048xf32, #tpu.memory_space<hbm>> -> memref<6656xf32, #tpu.memory_space<hbm>>
      %dma_wait3A_216 = arith.constant 81664 : i32
      %dma_wait3A_217 = tpu.memref_slice %arg3[%dma_wait3A_216] : memref<258048xf32, #tpu.memory_space<hbm>> -> memref<6656xf32, #tpu.memory_space<hbm>>
      %dma_wait3A_218 = arith.constant 0 : i32
      %dma_wait3A_219 = tpu.memref_slice %arg4[%dma_wait3A_218] : memref<8064xf32, #tpu.memory_space<vmem>> -> memref<6656xf32, #tpu.memory_space<vmem>>
      tpu.wait_dma2 semaphore(%arg7 : memref<!tpu.dma_semaphore, #tpu.memory_space<semaphore_mem>>) src(%dma_wait3A_219 : memref<6656xf32, #tpu.memory_space<vmem>>) dst(%dma_wait3A_217 : memref<6656xf32, #tpu.memory_space<hbm>>)
    } else {
    }
    %eq3A_58 = arith.constant 12 : i32
    %eq3A_59 = arith.cmpi eq, %add3A, %eq3A_58 : i32
    %convert_element_type3A_60 = arith.extui %eq3A_59 : i1 to i32
    %cond3A_61 = arith.constant 0 : i32
    %cond3A_62 = arith.cmpi ne, %convert_element_type3A_60, %cond3A_61 : i32
    scf.if %cond3A_62 {
      %dma_start3A = arith.constant 0 : i32
      %dma_start3A_158 = tpu.memref_slice %arg4[%dma_start3A] : memref<8064xf32, #tpu.memory_space<vmem>> -> memref<6528xf32, #tpu.memory_space<vmem>>
      %dma_start3A_159 = arith.constant 99968 : i32
      %dma_start3A_160 = tpu.memref_slice %arg2[%dma_start3A_159] : memref<524288xf32, #tpu.memory_space<hbm>> -> memref<6528xf32, #tpu.memory_space<hbm>>
      %dma_start3A_161 = arith.constant 0 : i32
      %dma_start3A_162 = tpu.memref_slice %arg4[%dma_start3A_161] : memref<8064xf32, #tpu.memory_space<vmem>> -> memref<6528xf32, #tpu.memory_space<vmem>>
      %dma_start3A_163 = arith.constant 99968 : i32
      %dma_start3A_164 = tpu.memref_slice %arg2[%dma_start3A_163] : memref<524288xf32, #tpu.memory_space<hbm>> -> memref<6528xf32, #tpu.memory_space<hbm>>
      tpu.enqueue_dma source(%dma_start3A_164 : memref<6528xf32, #tpu.memory_space<hbm>>) target(%dma_start3A_162 : memref<6528xf32, #tpu.memory_space<vmem>>) target_semaphore(%arg5 : memref<!tpu.dma_semaphore, #tpu.memory_space<semaphore_mem>>)
      %dma_start3A_165 = arith.constant 6528 : i32
      %dma_start3A_166 = tpu.memref_slice %arg4[%dma_start3A_165] : memref<8064xf32, #tpu.memory_space<vmem>> -> memref<1536xf32, #tpu.memory_space<vmem>>
      %dma_start3A_167 = arith.constant 424448 : i32
      %dma_start3A_168 = tpu.memref_slice %arg2[%dma_start3A_167] : memref<524288xf32, #tpu.memory_space<hbm>> -> memref<1536xf32, #tpu.memory_space<hbm>>
      %dma_start3A_169 = arith.constant 6528 : i32
      %dma_start3A_170 = tpu.memref_slice %arg4[%dma_start3A_169] : memref<8064xf32, #tpu.memory_space<vmem>> -> memref<1536xf32, #tpu.memory_space<vmem>>
      %dma_start3A_171 = arith.constant 424448 : i32
      %dma_start3A_172 = tpu.memref_slice %arg2[%dma_start3A_171] : memref<524288xf32, #tpu.memory_space<hbm>> -> memref<1536xf32, #tpu.memory_space<hbm>>
      tpu.enqueue_dma source(%dma_start3A_172 : memref<1536xf32, #tpu.memory_space<hbm>>) target(%dma_start3A_170 : memref<1536xf32, #tpu.memory_space<vmem>>) target_semaphore(%arg6 : memref<!tpu.dma_semaphore, #tpu.memory_space<semaphore_mem>>)
      %dma_wait3A = arith.constant 0 : i32
      %dma_wait3A_173 = tpu.memref_slice %arg4[%dma_wait3A] : memref<8064xf32, #tpu.memory_space<vmem>> -> memref<6528xf32, #tpu.memory_space<vmem>>
      %dma_wait3A_174 = arith.constant 99968 : i32
      %dma_wait3A_175 = tpu.memref_slice %arg2[%dma_wait3A_174] : memref<524288xf32, #tpu.memory_space<hbm>> -> memref<6528xf32, #tpu.memory_space<hbm>>
      %dma_wait3A_176 = arith.constant 0 : i32
      %dma_wait3A_177 = tpu.memref_slice %arg4[%dma_wait3A_176] : memref<8064xf32, #tpu.memory_space<vmem>> -> memref<6528xf32, #tpu.memory_space<vmem>>
      %dma_wait3A_178 = arith.constant 99968 : i32
      %dma_wait3A_179 = tpu.memref_slice %arg2[%dma_wait3A_178] : memref<524288xf32, #tpu.memory_space<hbm>> -> memref<6528xf32, #tpu.memory_space<hbm>>
      tpu.wait_dma2 semaphore(%arg5 : memref<!tpu.dma_semaphore, #tpu.memory_space<semaphore_mem>>) src(%dma_wait3A_179 : memref<6528xf32, #tpu.memory_space<hbm>>) dst(%dma_wait3A_177 : memref<6528xf32, #tpu.memory_space<vmem>>)
      %dma_start3A_180 = arith.constant 0 : i32
      %dma_start3A_181 = tpu.memref_slice %arg4[%dma_start3A_180] : memref<8064xf32, #tpu.memory_space<vmem>> -> memref<6528xf32, #tpu.memory_space<vmem>>
      %dma_start3A_182 = arith.constant 88320 : i32
      %dma_start3A_183 = tpu.memref_slice %arg3[%dma_start3A_182] : memref<258048xf32, #tpu.memory_space<hbm>> -> memref<6528xf32, #tpu.memory_space<hbm>>
      %dma_start3A_184 = arith.constant 88320 : i32
      %dma_start3A_185 = tpu.memref_slice %arg3[%dma_start3A_184] : memref<258048xf32, #tpu.memory_space<hbm>> -> memref<6528xf32, #tpu.memory_space<hbm>>
      %dma_start3A_186 = arith.constant 0 : i32
      %dma_start3A_187 = tpu.memref_slice %arg4[%dma_start3A_186] : memref<8064xf32, #tpu.memory_space<vmem>> -> memref<6528xf32, #tpu.memory_space<vmem>>
      tpu.enqueue_dma source(%dma_start3A_187 : memref<6528xf32, #tpu.memory_space<vmem>>) target(%dma_start3A_185 : memref<6528xf32, #tpu.memory_space<hbm>>) target_semaphore(%arg7 : memref<!tpu.dma_semaphore, #tpu.memory_space<semaphore_mem>>)
      %dma_wait3A_188 = arith.constant 6528 : i32
      %dma_wait3A_189 = tpu.memref_slice %arg4[%dma_wait3A_188] : memref<8064xf32, #tpu.memory_space<vmem>> -> memref<1536xf32, #tpu.memory_space<vmem>>
      %dma_wait3A_190 = arith.constant 424448 : i32
      %dma_wait3A_191 = tpu.memref_slice %arg2[%dma_wait3A_190] : memref<524288xf32, #tpu.memory_space<hbm>> -> memref<1536xf32, #tpu.memory_space<hbm>>
      %dma_wait3A_192 = arith.constant 6528 : i32
      %dma_wait3A_193 = tpu.memref_slice %arg4[%dma_wait3A_192] : memref<8064xf32, #tpu.memory_space<vmem>> -> memref<1536xf32, #tpu.memory_space<vmem>>
      %dma_wait3A_194 = arith.constant 424448 : i32
      %dma_wait3A_195 = tpu.memref_slice %arg2[%dma_wait3A_194] : memref<524288xf32, #tpu.memory_space<hbm>> -> memref<1536xf32, #tpu.memory_space<hbm>>
      tpu.wait_dma2 semaphore(%arg6 : memref<!tpu.dma_semaphore, #tpu.memory_space<semaphore_mem>>) src(%dma_wait3A_195 : memref<1536xf32, #tpu.memory_space<hbm>>) dst(%dma_wait3A_193 : memref<1536xf32, #tpu.memory_space<vmem>>)
      %dma_start3A_196 = arith.constant 6528 : i32
      %dma_start3A_197 = tpu.memref_slice %arg4[%dma_start3A_196] : memref<8064xf32, #tpu.memory_space<vmem>> -> memref<1536xf32, #tpu.memory_space<vmem>>
      %dma_start3A_198 = arith.constant 248064 : i32
      %dma_start3A_199 = tpu.memref_slice %arg3[%dma_start3A_198] : memref<258048xf32, #tpu.memory_space<hbm>> -> memref<1536xf32, #tpu.memory_space<hbm>>
      %dma_start3A_200 = arith.constant 248064 : i32
      %dma_start3A_201 = tpu.memref_slice %arg3[%dma_start3A_200] : memref<258048xf32, #tpu.memory_space<hbm>> -> memref<1536xf32, #tpu.memory_space<hbm>>
      %dma_start3A_202 = arith.constant 6528 : i32
      %dma_start3A_203 = tpu.memref_slice %arg4[%dma_start3A_202] : memref<8064xf32, #tpu.memory_space<vmem>> -> memref<1536xf32, #tpu.memory_space<vmem>>
      tpu.enqueue_dma source(%dma_start3A_203 : memref<1536xf32, #tpu.memory_space<vmem>>) target(%dma_start3A_201 : memref<1536xf32, #tpu.memory_space<hbm>>) target_semaphore(%arg8 : memref<!tpu.dma_semaphore, #tpu.memory_space<semaphore_mem>>)
      %dma_wait3A_204 = arith.constant 6528 : i32
      %dma_wait3A_205 = tpu.memref_slice %arg4[%dma_wait3A_204] : memref<8064xf32, #tpu.memory_space<vmem>> -> memref<1536xf32, #tpu.memory_space<vmem>>
      %dma_wait3A_206 = arith.constant 248064 : i32
      %dma_wait3A_207 = tpu.memref_slice %arg3[%dma_wait3A_206] : memref<258048xf32, #tpu.memory_space<hbm>> -> memref<1536xf32, #tpu.memory_space<hbm>>
      %dma_wait3A_208 = arith.constant 248064 : i32
      %dma_wait3A_209 = tpu.memref_slice %arg3[%dma_wait3A_208] : memref<258048xf32, #tpu.memory_space<hbm>> -> memref<1536xf32, #tpu.memory_space<hbm>>
      %dma_wait3A_210 = arith.constant 6528 : i32
      %dma_wait3A_211 = tpu.memref_slice %arg4[%dma_wait3A_210] : memref<8064xf32, #tpu.memory_space<vmem>> -> memref<1536xf32, #tpu.memory_space<vmem>>
      tpu.wait_dma2 semaphore(%arg8 : memref<!tpu.dma_semaphore, #tpu.memory_space<semaphore_mem>>) src(%dma_wait3A_211 : memref<1536xf32, #tpu.memory_space<vmem>>) dst(%dma_wait3A_209 : memref<1536xf32, #tpu.memory_space<hbm>>)
      %dma_wait3A_212 = arith.constant 0 : i32
      %dma_wait3A_213 = tpu.memref_slice %arg4[%dma_wait3A_212] : memref<8064xf32, #tpu.memory_space<vmem>> -> memref<6528xf32, #tpu.memory_space<vmem>>
      %dma_wait3A_214 = arith.constant 88320 : i32
      %dma_wait3A_215 = tpu.memref_slice %arg3[%dma_wait3A_214] : memref<258048xf32, #tpu.memory_space<hbm>> -> memref<6528xf32, #tpu.memory_space<hbm>>
      %dma_wait3A_216 = arith.constant 88320 : i32
      %dma_wait3A_217 = tpu.memref_slice %arg3[%dma_wait3A_216] : memref<258048xf32, #tpu.memory_space<hbm>> -> memref<6528xf32, #tpu.memory_space<hbm>>
      %dma_wait3A_218 = arith.constant 0 : i32
      %dma_wait3A_219 = tpu.memref_slice %arg4[%dma_wait3A_218] : memref<8064xf32, #tpu.memory_space<vmem>> -> memref<6528xf32, #tpu.memory_space<vmem>>
      tpu.wait_dma2 semaphore(%arg7 : memref<!tpu.dma_semaphore, #tpu.memory_space<semaphore_mem>>) src(%dma_wait3A_219 : memref<6528xf32, #tpu.memory_space<vmem>>) dst(%dma_wait3A_217 : memref<6528xf32, #tpu.memory_space<hbm>>)
    } else {
    }
    %eq3A_63 = arith.constant 13 : i32
    %eq3A_64 = arith.cmpi eq, %add3A, %eq3A_63 : i32
    %convert_element_type3A_65 = arith.extui %eq3A_64 : i1 to i32
    %cond3A_66 = arith.constant 0 : i32
    %cond3A_67 = arith.cmpi ne, %convert_element_type3A_65, %cond3A_66 : i32
    scf.if %cond3A_67 {
      %dma_start3A = arith.constant 0 : i32
      %dma_start3A_158 = tpu.memref_slice %arg4[%dma_start3A] : memref<8064xf32, #tpu.memory_space<vmem>> -> memref<6400xf32, #tpu.memory_space<vmem>>
      %dma_start3A_159 = arith.constant 108288 : i32
      %dma_start3A_160 = tpu.memref_slice %arg2[%dma_start3A_159] : memref<524288xf32, #tpu.memory_space<hbm>> -> memref<6400xf32, #tpu.memory_space<hbm>>
      %dma_start3A_161 = arith.constant 0 : i32
      %dma_start3A_162 = tpu.memref_slice %arg4[%dma_start3A_161] : memref<8064xf32, #tpu.memory_space<vmem>> -> memref<6400xf32, #tpu.memory_space<vmem>>
      %dma_start3A_163 = arith.constant 108288 : i32
      %dma_start3A_164 = tpu.memref_slice %arg2[%dma_start3A_163] : memref<524288xf32, #tpu.memory_space<hbm>> -> memref<6400xf32, #tpu.memory_space<hbm>>
      tpu.enqueue_dma source(%dma_start3A_164 : memref<6400xf32, #tpu.memory_space<hbm>>) target(%dma_start3A_162 : memref<6400xf32, #tpu.memory_space<vmem>>) target_semaphore(%arg5 : memref<!tpu.dma_semaphore, #tpu.memory_space<semaphore_mem>>)
      %dma_start3A_165 = arith.constant 6400 : i32
      %dma_start3A_166 = tpu.memref_slice %arg4[%dma_start3A_165] : memref<8064xf32, #tpu.memory_space<vmem>> -> memref<1664xf32, #tpu.memory_space<vmem>>
      %dma_start3A_167 = arith.constant 416128 : i32
      %dma_start3A_168 = tpu.memref_slice %arg2[%dma_start3A_167] : memref<524288xf32, #tpu.memory_space<hbm>> -> memref<1664xf32, #tpu.memory_space<hbm>>
      %dma_start3A_169 = arith.constant 6400 : i32
      %dma_start3A_170 = tpu.memref_slice %arg4[%dma_start3A_169] : memref<8064xf32, #tpu.memory_space<vmem>> -> memref<1664xf32, #tpu.memory_space<vmem>>
      %dma_start3A_171 = arith.constant 416128 : i32
      %dma_start3A_172 = tpu.memref_slice %arg2[%dma_start3A_171] : memref<524288xf32, #tpu.memory_space<hbm>> -> memref<1664xf32, #tpu.memory_space<hbm>>
      tpu.enqueue_dma source(%dma_start3A_172 : memref<1664xf32, #tpu.memory_space<hbm>>) target(%dma_start3A_170 : memref<1664xf32, #tpu.memory_space<vmem>>) target_semaphore(%arg6 : memref<!tpu.dma_semaphore, #tpu.memory_space<semaphore_mem>>)
      %dma_wait3A = arith.constant 0 : i32
      %dma_wait3A_173 = tpu.memref_slice %arg4[%dma_wait3A] : memref<8064xf32, #tpu.memory_space<vmem>> -> memref<6400xf32, #tpu.memory_space<vmem>>
      %dma_wait3A_174 = arith.constant 108288 : i32
      %dma_wait3A_175 = tpu.memref_slice %arg2[%dma_wait3A_174] : memref<524288xf32, #tpu.memory_space<hbm>> -> memref<6400xf32, #tpu.memory_space<hbm>>
      %dma_wait3A_176 = arith.constant 0 : i32
      %dma_wait3A_177 = tpu.memref_slice %arg4[%dma_wait3A_176] : memref<8064xf32, #tpu.memory_space<vmem>> -> memref<6400xf32, #tpu.memory_space<vmem>>
      %dma_wait3A_178 = arith.constant 108288 : i32
      %dma_wait3A_179 = tpu.memref_slice %arg2[%dma_wait3A_178] : memref<524288xf32, #tpu.memory_space<hbm>> -> memref<6400xf32, #tpu.memory_space<hbm>>
      tpu.wait_dma2 semaphore(%arg5 : memref<!tpu.dma_semaphore, #tpu.memory_space<semaphore_mem>>) src(%dma_wait3A_179 : memref<6400xf32, #tpu.memory_space<hbm>>) dst(%dma_wait3A_177 : memref<6400xf32, #tpu.memory_space<vmem>>)
      %dma_start3A_180 = arith.constant 0 : i32
      %dma_start3A_181 = tpu.memref_slice %arg4[%dma_start3A_180] : memref<8064xf32, #tpu.memory_space<vmem>> -> memref<6400xf32, #tpu.memory_space<vmem>>
      %dma_start3A_182 = arith.constant 94848 : i32
      %dma_start3A_183 = tpu.memref_slice %arg3[%dma_start3A_182] : memref<258048xf32, #tpu.memory_space<hbm>> -> memref<6400xf32, #tpu.memory_space<hbm>>
      %dma_start3A_184 = arith.constant 94848 : i32
      %dma_start3A_185 = tpu.memref_slice %arg3[%dma_start3A_184] : memref<258048xf32, #tpu.memory_space<hbm>> -> memref<6400xf32, #tpu.memory_space<hbm>>
      %dma_start3A_186 = arith.constant 0 : i32
      %dma_start3A_187 = tpu.memref_slice %arg4[%dma_start3A_186] : memref<8064xf32, #tpu.memory_space<vmem>> -> memref<6400xf32, #tpu.memory_space<vmem>>
      tpu.enqueue_dma source(%dma_start3A_187 : memref<6400xf32, #tpu.memory_space<vmem>>) target(%dma_start3A_185 : memref<6400xf32, #tpu.memory_space<hbm>>) target_semaphore(%arg7 : memref<!tpu.dma_semaphore, #tpu.memory_space<semaphore_mem>>)
      %dma_wait3A_188 = arith.constant 6400 : i32
      %dma_wait3A_189 = tpu.memref_slice %arg4[%dma_wait3A_188] : memref<8064xf32, #tpu.memory_space<vmem>> -> memref<1664xf32, #tpu.memory_space<vmem>>
      %dma_wait3A_190 = arith.constant 416128 : i32
      %dma_wait3A_191 = tpu.memref_slice %arg2[%dma_wait3A_190] : memref<524288xf32, #tpu.memory_space<hbm>> -> memref<1664xf32, #tpu.memory_space<hbm>>
      %dma_wait3A_192 = arith.constant 6400 : i32
      %dma_wait3A_193 = tpu.memref_slice %arg4[%dma_wait3A_192] : memref<8064xf32, #tpu.memory_space<vmem>> -> memref<1664xf32, #tpu.memory_space<vmem>>
      %dma_wait3A_194 = arith.constant 416128 : i32
      %dma_wait3A_195 = tpu.memref_slice %arg2[%dma_wait3A_194] : memref<524288xf32, #tpu.memory_space<hbm>> -> memref<1664xf32, #tpu.memory_space<hbm>>
      tpu.wait_dma2 semaphore(%arg6 : memref<!tpu.dma_semaphore, #tpu.memory_space<semaphore_mem>>) src(%dma_wait3A_195 : memref<1664xf32, #tpu.memory_space<hbm>>) dst(%dma_wait3A_193 : memref<1664xf32, #tpu.memory_space<vmem>>)
      %dma_start3A_196 = arith.constant 6400 : i32
      %dma_start3A_197 = tpu.memref_slice %arg4[%dma_start3A_196] : memref<8064xf32, #tpu.memory_space<vmem>> -> memref<1664xf32, #tpu.memory_space<vmem>>
      %dma_start3A_198 = arith.constant 246400 : i32
      %dma_start3A_199 = tpu.memref_slice %arg3[%dma_start3A_198] : memref<258048xf32, #tpu.memory_space<hbm>> -> memref<1664xf32, #tpu.memory_space<hbm>>
      %dma_start3A_200 = arith.constant 246400 : i32
      %dma_start3A_201 = tpu.memref_slice %arg3[%dma_start3A_200] : memref<258048xf32, #tpu.memory_space<hbm>> -> memref<1664xf32, #tpu.memory_space<hbm>>
      %dma_start3A_202 = arith.constant 6400 : i32
      %dma_start3A_203 = tpu.memref_slice %arg4[%dma_start3A_202] : memref<8064xf32, #tpu.memory_space<vmem>> -> memref<1664xf32, #tpu.memory_space<vmem>>
      tpu.enqueue_dma source(%dma_start3A_203 : memref<1664xf32, #tpu.memory_space<vmem>>) target(%dma_start3A_201 : memref<1664xf32, #tpu.memory_space<hbm>>) target_semaphore(%arg8 : memref<!tpu.dma_semaphore, #tpu.memory_space<semaphore_mem>>)
      %dma_wait3A_204 = arith.constant 6400 : i32
      %dma_wait3A_205 = tpu.memref_slice %arg4[%dma_wait3A_204] : memref<8064xf32, #tpu.memory_space<vmem>> -> memref<1664xf32, #tpu.memory_space<vmem>>
      %dma_wait3A_206 = arith.constant 246400 : i32
      %dma_wait3A_207 = tpu.memref_slice %arg3[%dma_wait3A_206] : memref<258048xf32, #tpu.memory_space<hbm>> -> memref<1664xf32, #tpu.memory_space<hbm>>
      %dma_wait3A_208 = arith.constant 246400 : i32
      %dma_wait3A_209 = tpu.memref_slice %arg3[%dma_wait3A_208] : memref<258048xf32, #tpu.memory_space<hbm>> -> memref<1664xf32, #tpu.memory_space<hbm>>
      %dma_wait3A_210 = arith.constant 6400 : i32
      %dma_wait3A_211 = tpu.memref_slice %arg4[%dma_wait3A_210] : memref<8064xf32, #tpu.memory_space<vmem>> -> memref<1664xf32, #tpu.memory_space<vmem>>
      tpu.wait_dma2 semaphore(%arg8 : memref<!tpu.dma_semaphore, #tpu.memory_space<semaphore_mem>>) src(%dma_wait3A_211 : memref<1664xf32, #tpu.memory_space<vmem>>) dst(%dma_wait3A_209 : memref<1664xf32, #tpu.memory_space<hbm>>)
      %dma_wait3A_212 = arith.constant 0 : i32
      %dma_wait3A_213 = tpu.memref_slice %arg4[%dma_wait3A_212] : memref<8064xf32, #tpu.memory_space<vmem>> -> memref<6400xf32, #tpu.memory_space<vmem>>
      %dma_wait3A_214 = arith.constant 94848 : i32
      %dma_wait3A_215 = tpu.memref_slice %arg3[%dma_wait3A_214] : memref<258048xf32, #tpu.memory_space<hbm>> -> memref<6400xf32, #tpu.memory_space<hbm>>
      %dma_wait3A_216 = arith.constant 94848 : i32
      %dma_wait3A_217 = tpu.memref_slice %arg3[%dma_wait3A_216] : memref<258048xf32, #tpu.memory_space<hbm>> -> memref<6400xf32, #tpu.memory_space<hbm>>
      %dma_wait3A_218 = arith.constant 0 : i32
      %dma_wait3A_219 = tpu.memref_slice %arg4[%dma_wait3A_218] : memref<8064xf32, #tpu.memory_space<vmem>> -> memref<6400xf32, #tpu.memory_space<vmem>>
      tpu.wait_dma2 semaphore(%arg7 : memref<!tpu.dma_semaphore, #tpu.memory_space<semaphore_mem>>) src(%dma_wait3A_219 : memref<6400xf32, #tpu.memory_space<vmem>>) dst(%dma_wait3A_217 : memref<6400xf32, #tpu.memory_space<hbm>>)
    } else {
    }
    %eq3A_68 = arith.constant 14 : i32
    %eq3A_69 = arith.cmpi eq, %add3A, %eq3A_68 : i32
    %convert_element_type3A_70 = arith.extui %eq3A_69 : i1 to i32
    %cond3A_71 = arith.constant 0 : i32
    %cond3A_72 = arith.cmpi ne, %convert_element_type3A_70, %cond3A_71 : i32
    scf.if %cond3A_72 {
      %dma_start3A = arith.constant 0 : i32
      %dma_start3A_158 = tpu.memref_slice %arg4[%dma_start3A] : memref<8064xf32, #tpu.memory_space<vmem>> -> memref<6272xf32, #tpu.memory_space<vmem>>
      %dma_start3A_159 = arith.constant 116608 : i32
      %dma_start3A_160 = tpu.memref_slice %arg2[%dma_start3A_159] : memref<524288xf32, #tpu.memory_space<hbm>> -> memref<6272xf32, #tpu.memory_space<hbm>>
      %dma_start3A_161 = arith.constant 0 : i32
      %dma_start3A_162 = tpu.memref_slice %arg4[%dma_start3A_161] : memref<8064xf32, #tpu.memory_space<vmem>> -> memref<6272xf32, #tpu.memory_space<vmem>>
      %dma_start3A_163 = arith.constant 116608 : i32
      %dma_start3A_164 = tpu.memref_slice %arg2[%dma_start3A_163] : memref<524288xf32, #tpu.memory_space<hbm>> -> memref<6272xf32, #tpu.memory_space<hbm>>
      tpu.enqueue_dma source(%dma_start3A_164 : memref<6272xf32, #tpu.memory_space<hbm>>) target(%dma_start3A_162 : memref<6272xf32, #tpu.memory_space<vmem>>) target_semaphore(%arg5 : memref<!tpu.dma_semaphore, #tpu.memory_space<semaphore_mem>>)
      %dma_start3A_165 = arith.constant 6272 : i32
      %dma_start3A_166 = tpu.memref_slice %arg4[%dma_start3A_165] : memref<8064xf32, #tpu.memory_space<vmem>> -> memref<1792xf32, #tpu.memory_space<vmem>>
      %dma_start3A_167 = arith.constant 407808 : i32
      %dma_start3A_168 = tpu.memref_slice %arg2[%dma_start3A_167] : memref<524288xf32, #tpu.memory_space<hbm>> -> memref<1792xf32, #tpu.memory_space<hbm>>
      %dma_start3A_169 = arith.constant 6272 : i32
      %dma_start3A_170 = tpu.memref_slice %arg4[%dma_start3A_169] : memref<8064xf32, #tpu.memory_space<vmem>> -> memref<1792xf32, #tpu.memory_space<vmem>>
      %dma_start3A_171 = arith.constant 407808 : i32
      %dma_start3A_172 = tpu.memref_slice %arg2[%dma_start3A_171] : memref<524288xf32, #tpu.memory_space<hbm>> -> memref<1792xf32, #tpu.memory_space<hbm>>
      tpu.enqueue_dma source(%dma_start3A_172 : memref<1792xf32, #tpu.memory_space<hbm>>) target(%dma_start3A_170 : memref<1792xf32, #tpu.memory_space<vmem>>) target_semaphore(%arg6 : memref<!tpu.dma_semaphore, #tpu.memory_space<semaphore_mem>>)
      %dma_wait3A = arith.constant 0 : i32
      %dma_wait3A_173 = tpu.memref_slice %arg4[%dma_wait3A] : memref<8064xf32, #tpu.memory_space<vmem>> -> memref<6272xf32, #tpu.memory_space<vmem>>
      %dma_wait3A_174 = arith.constant 116608 : i32
      %dma_wait3A_175 = tpu.memref_slice %arg2[%dma_wait3A_174] : memref<524288xf32, #tpu.memory_space<hbm>> -> memref<6272xf32, #tpu.memory_space<hbm>>
      %dma_wait3A_176 = arith.constant 0 : i32
      %dma_wait3A_177 = tpu.memref_slice %arg4[%dma_wait3A_176] : memref<8064xf32, #tpu.memory_space<vmem>> -> memref<6272xf32, #tpu.memory_space<vmem>>
      %dma_wait3A_178 = arith.constant 116608 : i32
      %dma_wait3A_179 = tpu.memref_slice %arg2[%dma_wait3A_178] : memref<524288xf32, #tpu.memory_space<hbm>> -> memref<6272xf32, #tpu.memory_space<hbm>>
      tpu.wait_dma2 semaphore(%arg5 : memref<!tpu.dma_semaphore, #tpu.memory_space<semaphore_mem>>) src(%dma_wait3A_179 : memref<6272xf32, #tpu.memory_space<hbm>>) dst(%dma_wait3A_177 : memref<6272xf32, #tpu.memory_space<vmem>>)
      %dma_start3A_180 = arith.constant 0 : i32
      %dma_start3A_181 = tpu.memref_slice %arg4[%dma_start3A_180] : memref<8064xf32, #tpu.memory_space<vmem>> -> memref<6272xf32, #tpu.memory_space<vmem>>
      %dma_start3A_182 = arith.constant 101248 : i32
      %dma_start3A_183 = tpu.memref_slice %arg3[%dma_start3A_182] : memref<258048xf32, #tpu.memory_space<hbm>> -> memref<6272xf32, #tpu.memory_space<hbm>>
      %dma_start3A_184 = arith.constant 101248 : i32
      %dma_start3A_185 = tpu.memref_slice %arg3[%dma_start3A_184] : memref<258048xf32, #tpu.memory_space<hbm>> -> memref<6272xf32, #tpu.memory_space<hbm>>
      %dma_start3A_186 = arith.constant 0 : i32
      %dma_start3A_187 = tpu.memref_slice %arg4[%dma_start3A_186] : memref<8064xf32, #tpu.memory_space<vmem>> -> memref<6272xf32, #tpu.memory_space<vmem>>
      tpu.enqueue_dma source(%dma_start3A_187 : memref<6272xf32, #tpu.memory_space<vmem>>) target(%dma_start3A_185 : memref<6272xf32, #tpu.memory_space<hbm>>) target_semaphore(%arg7 : memref<!tpu.dma_semaphore, #tpu.memory_space<semaphore_mem>>)
      %dma_wait3A_188 = arith.constant 6272 : i32
      %dma_wait3A_189 = tpu.memref_slice %arg4[%dma_wait3A_188] : memref<8064xf32, #tpu.memory_space<vmem>> -> memref<1792xf32, #tpu.memory_space<vmem>>
      %dma_wait3A_190 = arith.constant 407808 : i32
      %dma_wait3A_191 = tpu.memref_slice %arg2[%dma_wait3A_190] : memref<524288xf32, #tpu.memory_space<hbm>> -> memref<1792xf32, #tpu.memory_space<hbm>>
      %dma_wait3A_192 = arith.constant 6272 : i32
      %dma_wait3A_193 = tpu.memref_slice %arg4[%dma_wait3A_192] : memref<8064xf32, #tpu.memory_space<vmem>> -> memref<1792xf32, #tpu.memory_space<vmem>>
      %dma_wait3A_194 = arith.constant 407808 : i32
      %dma_wait3A_195 = tpu.memref_slice %arg2[%dma_wait3A_194] : memref<524288xf32, #tpu.memory_space<hbm>> -> memref<1792xf32, #tpu.memory_space<hbm>>
      tpu.wait_dma2 semaphore(%arg6 : memref<!tpu.dma_semaphore, #tpu.memory_space<semaphore_mem>>) src(%dma_wait3A_195 : memref<1792xf32, #tpu.memory_space<hbm>>) dst(%dma_wait3A_193 : memref<1792xf32, #tpu.memory_space<vmem>>)
      %dma_start3A_196 = arith.constant 6272 : i32
      %dma_start3A_197 = tpu.memref_slice %arg4[%dma_start3A_196] : memref<8064xf32, #tpu.memory_space<vmem>> -> memref<1792xf32, #tpu.memory_space<vmem>>
      %dma_start3A_198 = arith.constant 244608 : i32
      %dma_start3A_199 = tpu.memref_slice %arg3[%dma_start3A_198] : memref<258048xf32, #tpu.memory_space<hbm>> -> memref<1792xf32, #tpu.memory_space<hbm>>
      %dma_start3A_200 = arith.constant 244608 : i32
      %dma_start3A_201 = tpu.memref_slice %arg3[%dma_start3A_200] : memref<258048xf32, #tpu.memory_space<hbm>> -> memref<1792xf32, #tpu.memory_space<hbm>>
      %dma_start3A_202 = arith.constant 6272 : i32
      %dma_start3A_203 = tpu.memref_slice %arg4[%dma_start3A_202] : memref<8064xf32, #tpu.memory_space<vmem>> -> memref<1792xf32, #tpu.memory_space<vmem>>
      tpu.enqueue_dma source(%dma_start3A_203 : memref<1792xf32, #tpu.memory_space<vmem>>) target(%dma_start3A_201 : memref<1792xf32, #tpu.memory_space<hbm>>) target_semaphore(%arg8 : memref<!tpu.dma_semaphore, #tpu.memory_space<semaphore_mem>>)
      %dma_wait3A_204 = arith.constant 6272 : i32
      %dma_wait3A_205 = tpu.memref_slice %arg4[%dma_wait3A_204] : memref<8064xf32, #tpu.memory_space<vmem>> -> memref<1792xf32, #tpu.memory_space<vmem>>
      %dma_wait3A_206 = arith.constant 244608 : i32
      %dma_wait3A_207 = tpu.memref_slice %arg3[%dma_wait3A_206] : memref<258048xf32, #tpu.memory_space<hbm>> -> memref<1792xf32, #tpu.memory_space<hbm>>
      %dma_wait3A_208 = arith.constant 244608 : i32
      %dma_wait3A_209 = tpu.memref_slice %arg3[%dma_wait3A_208] : memref<258048xf32, #tpu.memory_space<hbm>> -> memref<1792xf32, #tpu.memory_space<hbm>>
      %dma_wait3A_210 = arith.constant 6272 : i32
      %dma_wait3A_211 = tpu.memref_slice %arg4[%dma_wait3A_210] : memref<8064xf32, #tpu.memory_space<vmem>> -> memref<1792xf32, #tpu.memory_space<vmem>>
      tpu.wait_dma2 semaphore(%arg8 : memref<!tpu.dma_semaphore, #tpu.memory_space<semaphore_mem>>) src(%dma_wait3A_211 : memref<1792xf32, #tpu.memory_space<vmem>>) dst(%dma_wait3A_209 : memref<1792xf32, #tpu.memory_space<hbm>>)
      %dma_wait3A_212 = arith.constant 0 : i32
      %dma_wait3A_213 = tpu.memref_slice %arg4[%dma_wait3A_212] : memref<8064xf32, #tpu.memory_space<vmem>> -> memref<6272xf32, #tpu.memory_space<vmem>>
      %dma_wait3A_214 = arith.constant 101248 : i32
      %dma_wait3A_215 = tpu.memref_slice %arg3[%dma_wait3A_214] : memref<258048xf32, #tpu.memory_space<hbm>> -> memref<6272xf32, #tpu.memory_space<hbm>>
      %dma_wait3A_216 = arith.constant 101248 : i32
      %dma_wait3A_217 = tpu.memref_slice %arg3[%dma_wait3A_216] : memref<258048xf32, #tpu.memory_space<hbm>> -> memref<6272xf32, #tpu.memory_space<hbm>>
      %dma_wait3A_218 = arith.constant 0 : i32
      %dma_wait3A_219 = tpu.memref_slice %arg4[%dma_wait3A_218] : memref<8064xf32, #tpu.memory_space<vmem>> -> memref<6272xf32, #tpu.memory_space<vmem>>
      tpu.wait_dma2 semaphore(%arg7 : memref<!tpu.dma_semaphore, #tpu.memory_space<semaphore_mem>>) src(%dma_wait3A_219 : memref<6272xf32, #tpu.memory_space<vmem>>) dst(%dma_wait3A_217 : memref<6272xf32, #tpu.memory_space<hbm>>)
    } else {
    }
    %eq3A_73 = arith.constant 15 : i32
    %eq3A_74 = arith.cmpi eq, %add3A, %eq3A_73 : i32
    %convert_element_type3A_75 = arith.extui %eq3A_74 : i1 to i32
    %cond3A_76 = arith.constant 0 : i32
    %cond3A_77 = arith.cmpi ne, %convert_element_type3A_75, %cond3A_76 : i32
    scf.if %cond3A_77 {
      %dma_start3A = arith.constant 0 : i32
      %dma_start3A_158 = tpu.memref_slice %arg4[%dma_start3A] : memref<8064xf32, #tpu.memory_space<vmem>> -> memref<6144xf32, #tpu.memory_space<vmem>>
      %dma_start3A_159 = arith.constant 124928 : i32
      %dma_start3A_160 = tpu.memref_slice %arg2[%dma_start3A_159] : memref<524288xf32, #tpu.memory_space<hbm>> -> memref<6144xf32, #tpu.memory_space<hbm>>
      %dma_start3A_161 = arith.constant 0 : i32
      %dma_start3A_162 = tpu.memref_slice %arg4[%dma_start3A_161] : memref<8064xf32, #tpu.memory_space<vmem>> -> memref<6144xf32, #tpu.memory_space<vmem>>
      %dma_start3A_163 = arith.constant 124928 : i32
      %dma_start3A_164 = tpu.memref_slice %arg2[%dma_start3A_163] : memref<524288xf32, #tpu.memory_space<hbm>> -> memref<6144xf32, #tpu.memory_space<hbm>>
      tpu.enqueue_dma source(%dma_start3A_164 : memref<6144xf32, #tpu.memory_space<hbm>>) target(%dma_start3A_162 : memref<6144xf32, #tpu.memory_space<vmem>>) target_semaphore(%arg5 : memref<!tpu.dma_semaphore, #tpu.memory_space<semaphore_mem>>)
      %dma_start3A_165 = arith.constant 6144 : i32
      %dma_start3A_166 = tpu.memref_slice %arg4[%dma_start3A_165] : memref<8064xf32, #tpu.memory_space<vmem>> -> memref<1920xf32, #tpu.memory_space<vmem>>
      %dma_start3A_167 = arith.constant 399488 : i32
      %dma_start3A_168 = tpu.memref_slice %arg2[%dma_start3A_167] : memref<524288xf32, #tpu.memory_space<hbm>> -> memref<1920xf32, #tpu.memory_space<hbm>>
      %dma_start3A_169 = arith.constant 6144 : i32
      %dma_start3A_170 = tpu.memref_slice %arg4[%dma_start3A_169] : memref<8064xf32, #tpu.memory_space<vmem>> -> memref<1920xf32, #tpu.memory_space<vmem>>
      %dma_start3A_171 = arith.constant 399488 : i32
      %dma_start3A_172 = tpu.memref_slice %arg2[%dma_start3A_171] : memref<524288xf32, #tpu.memory_space<hbm>> -> memref<1920xf32, #tpu.memory_space<hbm>>
      tpu.enqueue_dma source(%dma_start3A_172 : memref<1920xf32, #tpu.memory_space<hbm>>) target(%dma_start3A_170 : memref<1920xf32, #tpu.memory_space<vmem>>) target_semaphore(%arg6 : memref<!tpu.dma_semaphore, #tpu.memory_space<semaphore_mem>>)
      %dma_wait3A = arith.constant 0 : i32
      %dma_wait3A_173 = tpu.memref_slice %arg4[%dma_wait3A] : memref<8064xf32, #tpu.memory_space<vmem>> -> memref<6144xf32, #tpu.memory_space<vmem>>
      %dma_wait3A_174 = arith.constant 124928 : i32
      %dma_wait3A_175 = tpu.memref_slice %arg2[%dma_wait3A_174] : memref<524288xf32, #tpu.memory_space<hbm>> -> memref<6144xf32, #tpu.memory_space<hbm>>
      %dma_wait3A_176 = arith.constant 0 : i32
      %dma_wait3A_177 = tpu.memref_slice %arg4[%dma_wait3A_176] : memref<8064xf32, #tpu.memory_space<vmem>> -> memref<6144xf32, #tpu.memory_space<vmem>>
      %dma_wait3A_178 = arith.constant 124928 : i32
      %dma_wait3A_179 = tpu.memref_slice %arg2[%dma_wait3A_178] : memref<524288xf32, #tpu.memory_space<hbm>> -> memref<6144xf32, #tpu.memory_space<hbm>>
      tpu.wait_dma2 semaphore(%arg5 : memref<!tpu.dma_semaphore, #tpu.memory_space<semaphore_mem>>) src(%dma_wait3A_179 : memref<6144xf32, #tpu.memory_space<hbm>>) dst(%dma_wait3A_177 : memref<6144xf32, #tpu.memory_space<vmem>>)
      %dma_start3A_180 = arith.constant 0 : i32
      %dma_start3A_181 = tpu.memref_slice %arg4[%dma_start3A_180] : memref<8064xf32, #tpu.memory_space<vmem>> -> memref<6144xf32, #tpu.memory_space<vmem>>
      %dma_start3A_182 = arith.constant 107520 : i32
      %dma_start3A_183 = tpu.memref_slice %arg3[%dma_start3A_182] : memref<258048xf32, #tpu.memory_space<hbm>> -> memref<6144xf32, #tpu.memory_space<hbm>>
      %dma_start3A_184 = arith.constant 107520 : i32
      %dma_start3A_185 = tpu.memref_slice %arg3[%dma_start3A_184] : memref<258048xf32, #tpu.memory_space<hbm>> -> memref<6144xf32, #tpu.memory_space<hbm>>
      %dma_start3A_186 = arith.constant 0 : i32
      %dma_start3A_187 = tpu.memref_slice %arg4[%dma_start3A_186] : memref<8064xf32, #tpu.memory_space<vmem>> -> memref<6144xf32, #tpu.memory_space<vmem>>
      tpu.enqueue_dma source(%dma_start3A_187 : memref<6144xf32, #tpu.memory_space<vmem>>) target(%dma_start3A_185 : memref<6144xf32, #tpu.memory_space<hbm>>) target_semaphore(%arg7 : memref<!tpu.dma_semaphore, #tpu.memory_space<semaphore_mem>>)
      %dma_wait3A_188 = arith.constant 6144 : i32
      %dma_wait3A_189 = tpu.memref_slice %arg4[%dma_wait3A_188] : memref<8064xf32, #tpu.memory_space<vmem>> -> memref<1920xf32, #tpu.memory_space<vmem>>
      %dma_wait3A_190 = arith.constant 399488 : i32
      %dma_wait3A_191 = tpu.memref_slice %arg2[%dma_wait3A_190] : memref<524288xf32, #tpu.memory_space<hbm>> -> memref<1920xf32, #tpu.memory_space<hbm>>
      %dma_wait3A_192 = arith.constant 6144 : i32
      %dma_wait3A_193 = tpu.memref_slice %arg4[%dma_wait3A_192] : memref<8064xf32, #tpu.memory_space<vmem>> -> memref<1920xf32, #tpu.memory_space<vmem>>
      %dma_wait3A_194 = arith.constant 399488 : i32
      %dma_wait3A_195 = tpu.memref_slice %arg2[%dma_wait3A_194] : memref<524288xf32, #tpu.memory_space<hbm>> -> memref<1920xf32, #tpu.memory_space<hbm>>
      tpu.wait_dma2 semaphore(%arg6 : memref<!tpu.dma_semaphore, #tpu.memory_space<semaphore_mem>>) src(%dma_wait3A_195 : memref<1920xf32, #tpu.memory_space<hbm>>) dst(%dma_wait3A_193 : memref<1920xf32, #tpu.memory_space<vmem>>)
      %dma_start3A_196 = arith.constant 6144 : i32
      %dma_start3A_197 = tpu.memref_slice %arg4[%dma_start3A_196] : memref<8064xf32, #tpu.memory_space<vmem>> -> memref<1920xf32, #tpu.memory_space<vmem>>
      %dma_start3A_198 = arith.constant 242688 : i32
      %dma_start3A_199 = tpu.memref_slice %arg3[%dma_start3A_198] : memref<258048xf32, #tpu.memory_space<hbm>> -> memref<1920xf32, #tpu.memory_space<hbm>>
      %dma_start3A_200 = arith.constant 242688 : i32
      %dma_start3A_201 = tpu.memref_slice %arg3[%dma_start3A_200] : memref<258048xf32, #tpu.memory_space<hbm>> -> memref<1920xf32, #tpu.memory_space<hbm>>
      %dma_start3A_202 = arith.constant 6144 : i32
      %dma_start3A_203 = tpu.memref_slice %arg4[%dma_start3A_202] : memref<8064xf32, #tpu.memory_space<vmem>> -> memref<1920xf32, #tpu.memory_space<vmem>>
      tpu.enqueue_dma source(%dma_start3A_203 : memref<1920xf32, #tpu.memory_space<vmem>>) target(%dma_start3A_201 : memref<1920xf32, #tpu.memory_space<hbm>>) target_semaphore(%arg8 : memref<!tpu.dma_semaphore, #tpu.memory_space<semaphore_mem>>)
      %dma_wait3A_204 = arith.constant 6144 : i32
      %dma_wait3A_205 = tpu.memref_slice %arg4[%dma_wait3A_204] : memref<8064xf32, #tpu.memory_space<vmem>> -> memref<1920xf32, #tpu.memory_space<vmem>>
      %dma_wait3A_206 = arith.constant 242688 : i32
      %dma_wait3A_207 = tpu.memref_slice %arg3[%dma_wait3A_206] : memref<258048xf32, #tpu.memory_space<hbm>> -> memref<1920xf32, #tpu.memory_space<hbm>>
      %dma_wait3A_208 = arith.constant 242688 : i32
      %dma_wait3A_209 = tpu.memref_slice %arg3[%dma_wait3A_208] : memref<258048xf32, #tpu.memory_space<hbm>> -> memref<1920xf32, #tpu.memory_space<hbm>>
      %dma_wait3A_210 = arith.constant 6144 : i32
      %dma_wait3A_211 = tpu.memref_slice %arg4[%dma_wait3A_210] : memref<8064xf32, #tpu.memory_space<vmem>> -> memref<1920xf32, #tpu.memory_space<vmem>>
      tpu.wait_dma2 semaphore(%arg8 : memref<!tpu.dma_semaphore, #tpu.memory_space<semaphore_mem>>) src(%dma_wait3A_211 : memref<1920xf32, #tpu.memory_space<vmem>>) dst(%dma_wait3A_209 : memref<1920xf32, #tpu.memory_space<hbm>>)
      %dma_wait3A_212 = arith.constant 0 : i32
      %dma_wait3A_213 = tpu.memref_slice %arg4[%dma_wait3A_212] : memref<8064xf32, #tpu.memory_space<vmem>> -> memref<6144xf32, #tpu.memory_space<vmem>>
      %dma_wait3A_214 = arith.constant 107520 : i32
      %dma_wait3A_215 = tpu.memref_slice %arg3[%dma_wait3A_214] : memref<258048xf32, #tpu.memory_space<hbm>> -> memref<6144xf32, #tpu.memory_space<hbm>>
      %dma_wait3A_216 = arith.constant 107520 : i32
      %dma_wait3A_217 = tpu.memref_slice %arg3[%dma_wait3A_216] : memref<258048xf32, #tpu.memory_space<hbm>> -> memref<6144xf32, #tpu.memory_space<hbm>>
      %dma_wait3A_218 = arith.constant 0 : i32
      %dma_wait3A_219 = tpu.memref_slice %arg4[%dma_wait3A_218] : memref<8064xf32, #tpu.memory_space<vmem>> -> memref<6144xf32, #tpu.memory_space<vmem>>
      tpu.wait_dma2 semaphore(%arg7 : memref<!tpu.dma_semaphore, #tpu.memory_space<semaphore_mem>>) src(%dma_wait3A_219 : memref<6144xf32, #tpu.memory_space<vmem>>) dst(%dma_wait3A_217 : memref<6144xf32, #tpu.memory_space<hbm>>)
    } else {
    }
    %eq3A_78 = arith.constant 16 : i32
    %eq3A_79 = arith.cmpi eq, %add3A, %eq3A_78 : i32
    %convert_element_type3A_80 = arith.extui %eq3A_79 : i1 to i32
    %cond3A_81 = arith.constant 0 : i32
    %cond3A_82 = arith.cmpi ne, %convert_element_type3A_80, %cond3A_81 : i32
    scf.if %cond3A_82 {
      %dma_start3A = arith.constant 0 : i32
      %dma_start3A_158 = tpu.memref_slice %arg4[%dma_start3A] : memref<8064xf32, #tpu.memory_space<vmem>> -> memref<6016xf32, #tpu.memory_space<vmem>>
      %dma_start3A_159 = arith.constant 133248 : i32
      %dma_start3A_160 = tpu.memref_slice %arg2[%dma_start3A_159] : memref<524288xf32, #tpu.memory_space<hbm>> -> memref<6016xf32, #tpu.memory_space<hbm>>
      %dma_start3A_161 = arith.constant 0 : i32
      %dma_start3A_162 = tpu.memref_slice %arg4[%dma_start3A_161] : memref<8064xf32, #tpu.memory_space<vmem>> -> memref<6016xf32, #tpu.memory_space<vmem>>
      %dma_start3A_163 = arith.constant 133248 : i32
      %dma_start3A_164 = tpu.memref_slice %arg2[%dma_start3A_163] : memref<524288xf32, #tpu.memory_space<hbm>> -> memref<6016xf32, #tpu.memory_space<hbm>>
      tpu.enqueue_dma source(%dma_start3A_164 : memref<6016xf32, #tpu.memory_space<hbm>>) target(%dma_start3A_162 : memref<6016xf32, #tpu.memory_space<vmem>>) target_semaphore(%arg5 : memref<!tpu.dma_semaphore, #tpu.memory_space<semaphore_mem>>)
      %dma_start3A_165 = arith.constant 6016 : i32
      %dma_start3A_166 = tpu.memref_slice %arg4[%dma_start3A_165] : memref<8064xf32, #tpu.memory_space<vmem>> -> memref<2048xf32, #tpu.memory_space<vmem>>
      %dma_start3A_167 = arith.constant 391168 : i32
      %dma_start3A_168 = tpu.memref_slice %arg2[%dma_start3A_167] : memref<524288xf32, #tpu.memory_space<hbm>> -> memref<2048xf32, #tpu.memory_space<hbm>>
      %dma_start3A_169 = arith.constant 6016 : i32
      %dma_start3A_170 = tpu.memref_slice %arg4[%dma_start3A_169] : memref<8064xf32, #tpu.memory_space<vmem>> -> memref<2048xf32, #tpu.memory_space<vmem>>
      %dma_start3A_171 = arith.constant 391168 : i32
      %dma_start3A_172 = tpu.memref_slice %arg2[%dma_start3A_171] : memref<524288xf32, #tpu.memory_space<hbm>> -> memref<2048xf32, #tpu.memory_space<hbm>>
      tpu.enqueue_dma source(%dma_start3A_172 : memref<2048xf32, #tpu.memory_space<hbm>>) target(%dma_start3A_170 : memref<2048xf32, #tpu.memory_space<vmem>>) target_semaphore(%arg6 : memref<!tpu.dma_semaphore, #tpu.memory_space<semaphore_mem>>)
      %dma_wait3A = arith.constant 0 : i32
      %dma_wait3A_173 = tpu.memref_slice %arg4[%dma_wait3A] : memref<8064xf32, #tpu.memory_space<vmem>> -> memref<6016xf32, #tpu.memory_space<vmem>>
      %dma_wait3A_174 = arith.constant 133248 : i32
      %dma_wait3A_175 = tpu.memref_slice %arg2[%dma_wait3A_174] : memref<524288xf32, #tpu.memory_space<hbm>> -> memref<6016xf32, #tpu.memory_space<hbm>>
      %dma_wait3A_176 = arith.constant 0 : i32
      %dma_wait3A_177 = tpu.memref_slice %arg4[%dma_wait3A_176] : memref<8064xf32, #tpu.memory_space<vmem>> -> memref<6016xf32, #tpu.memory_space<vmem>>
      %dma_wait3A_178 = arith.constant 133248 : i32
      %dma_wait3A_179 = tpu.memref_slice %arg2[%dma_wait3A_178] : memref<524288xf32, #tpu.memory_space<hbm>> -> memref<6016xf32, #tpu.memory_space<hbm>>
      tpu.wait_dma2 semaphore(%arg5 : memref<!tpu.dma_semaphore, #tpu.memory_space<semaphore_mem>>) src(%dma_wait3A_179 : memref<6016xf32, #tpu.memory_space<hbm>>) dst(%dma_wait3A_177 : memref<6016xf32, #tpu.memory_space<vmem>>)
      %dma_start3A_180 = arith.constant 0 : i32
      %dma_start3A_181 = tpu.memref_slice %arg4[%dma_start3A_180] : memref<8064xf32, #tpu.memory_space<vmem>> -> memref<6016xf32, #tpu.memory_space<vmem>>
      %dma_start3A_182 = arith.constant 113664 : i32
      %dma_start3A_183 = tpu.memref_slice %arg3[%dma_start3A_182] : memref<258048xf32, #tpu.memory_space<hbm>> -> memref<6016xf32, #tpu.memory_space<hbm>>
      %dma_start3A_184 = arith.constant 113664 : i32
      %dma_start3A_185 = tpu.memref_slice %arg3[%dma_start3A_184] : memref<258048xf32, #tpu.memory_space<hbm>> -> memref<6016xf32, #tpu.memory_space<hbm>>
      %dma_start3A_186 = arith.constant 0 : i32
      %dma_start3A_187 = tpu.memref_slice %arg4[%dma_start3A_186] : memref<8064xf32, #tpu.memory_space<vmem>> -> memref<6016xf32, #tpu.memory_space<vmem>>
      tpu.enqueue_dma source(%dma_start3A_187 : memref<6016xf32, #tpu.memory_space<vmem>>) target(%dma_start3A_185 : memref<6016xf32, #tpu.memory_space<hbm>>) target_semaphore(%arg7 : memref<!tpu.dma_semaphore, #tpu.memory_space<semaphore_mem>>)
      %dma_wait3A_188 = arith.constant 6016 : i32
      %dma_wait3A_189 = tpu.memref_slice %arg4[%dma_wait3A_188] : memref<8064xf32, #tpu.memory_space<vmem>> -> memref<2048xf32, #tpu.memory_space<vmem>>
      %dma_wait3A_190 = arith.constant 391168 : i32
      %dma_wait3A_191 = tpu.memref_slice %arg2[%dma_wait3A_190] : memref<524288xf32, #tpu.memory_space<hbm>> -> memref<2048xf32, #tpu.memory_space<hbm>>
      %dma_wait3A_192 = arith.constant 6016 : i32
      %dma_wait3A_193 = tpu.memref_slice %arg4[%dma_wait3A_192] : memref<8064xf32, #tpu.memory_space<vmem>> -> memref<2048xf32, #tpu.memory_space<vmem>>
      %dma_wait3A_194 = arith.constant 391168 : i32
      %dma_wait3A_195 = tpu.memref_slice %arg2[%dma_wait3A_194] : memref<524288xf32, #tpu.memory_space<hbm>> -> memref<2048xf32, #tpu.memory_space<hbm>>
      tpu.wait_dma2 semaphore(%arg6 : memref<!tpu.dma_semaphore, #tpu.memory_space<semaphore_mem>>) src(%dma_wait3A_195 : memref<2048xf32, #tpu.memory_space<hbm>>) dst(%dma_wait3A_193 : memref<2048xf32, #tpu.memory_space<vmem>>)
      %dma_start3A_196 = arith.constant 6016 : i32
      %dma_start3A_197 = tpu.memref_slice %arg4[%dma_start3A_196] : memref<8064xf32, #tpu.memory_space<vmem>> -> memref<2048xf32, #tpu.memory_space<vmem>>
      %dma_start3A_198 = arith.constant 240640 : i32
      %dma_start3A_199 = tpu.memref_slice %arg3[%dma_start3A_198] : memref<258048xf32, #tpu.memory_space<hbm>> -> memref<2048xf32, #tpu.memory_space<hbm>>
      %dma_start3A_200 = arith.constant 240640 : i32
      %dma_start3A_201 = tpu.memref_slice %arg3[%dma_start3A_200] : memref<258048xf32, #tpu.memory_space<hbm>> -> memref<2048xf32, #tpu.memory_space<hbm>>
      %dma_start3A_202 = arith.constant 6016 : i32
      %dma_start3A_203 = tpu.memref_slice %arg4[%dma_start3A_202] : memref<8064xf32, #tpu.memory_space<vmem>> -> memref<2048xf32, #tpu.memory_space<vmem>>
      tpu.enqueue_dma source(%dma_start3A_203 : memref<2048xf32, #tpu.memory_space<vmem>>) target(%dma_start3A_201 : memref<2048xf32, #tpu.memory_space<hbm>>) target_semaphore(%arg8 : memref<!tpu.dma_semaphore, #tpu.memory_space<semaphore_mem>>)
      %dma_wait3A_204 = arith.constant 6016 : i32
      %dma_wait3A_205 = tpu.memref_slice %arg4[%dma_wait3A_204] : memref<8064xf32, #tpu.memory_space<vmem>> -> memref<2048xf32, #tpu.memory_space<vmem>>
      %dma_wait3A_206 = arith.constant 240640 : i32
      %dma_wait3A_207 = tpu.memref_slice %arg3[%dma_wait3A_206] : memref<258048xf32, #tpu.memory_space<hbm>> -> memref<2048xf32, #tpu.memory_space<hbm>>
      %dma_wait3A_208 = arith.constant 240640 : i32
      %dma_wait3A_209 = tpu.memref_slice %arg3[%dma_wait3A_208] : memref<258048xf32, #tpu.memory_space<hbm>> -> memref<2048xf32, #tpu.memory_space<hbm>>
      %dma_wait3A_210 = arith.constant 6016 : i32
      %dma_wait3A_211 = tpu.memref_slice %arg4[%dma_wait3A_210] : memref<8064xf32, #tpu.memory_space<vmem>> -> memref<2048xf32, #tpu.memory_space<vmem>>
      tpu.wait_dma2 semaphore(%arg8 : memref<!tpu.dma_semaphore, #tpu.memory_space<semaphore_mem>>) src(%dma_wait3A_211 : memref<2048xf32, #tpu.memory_space<vmem>>) dst(%dma_wait3A_209 : memref<2048xf32, #tpu.memory_space<hbm>>)
      %dma_wait3A_212 = arith.constant 0 : i32
      %dma_wait3A_213 = tpu.memref_slice %arg4[%dma_wait3A_212] : memref<8064xf32, #tpu.memory_space<vmem>> -> memref<6016xf32, #tpu.memory_space<vmem>>
      %dma_wait3A_214 = arith.constant 113664 : i32
      %dma_wait3A_215 = tpu.memref_slice %arg3[%dma_wait3A_214] : memref<258048xf32, #tpu.memory_space<hbm>> -> memref<6016xf32, #tpu.memory_space<hbm>>
      %dma_wait3A_216 = arith.constant 113664 : i32
      %dma_wait3A_217 = tpu.memref_slice %arg3[%dma_wait3A_216] : memref<258048xf32, #tpu.memory_space<hbm>> -> memref<6016xf32, #tpu.memory_space<hbm>>
      %dma_wait3A_218 = arith.constant 0 : i32
      %dma_wait3A_219 = tpu.memref_slice %arg4[%dma_wait3A_218] : memref<8064xf32, #tpu.memory_space<vmem>> -> memref<6016xf32, #tpu.memory_space<vmem>>
      tpu.wait_dma2 semaphore(%arg7 : memref<!tpu.dma_semaphore, #tpu.memory_space<semaphore_mem>>) src(%dma_wait3A_219 : memref<6016xf32, #tpu.memory_space<vmem>>) dst(%dma_wait3A_217 : memref<6016xf32, #tpu.memory_space<hbm>>)
    } else {
    }
    %eq3A_83 = arith.constant 17 : i32
    %eq3A_84 = arith.cmpi eq, %add3A, %eq3A_83 : i32
    %convert_element_type3A_85 = arith.extui %eq3A_84 : i1 to i32
    %cond3A_86 = arith.constant 0 : i32
    %cond3A_87 = arith.cmpi ne, %convert_element_type3A_85, %cond3A_86 : i32
    scf.if %cond3A_87 {
      %dma_start3A = arith.constant 0 : i32
      %dma_start3A_158 = tpu.memref_slice %arg4[%dma_start3A] : memref<8064xf32, #tpu.memory_space<vmem>> -> memref<5888xf32, #tpu.memory_space<vmem>>
      %dma_start3A_159 = arith.constant 141568 : i32
      %dma_start3A_160 = tpu.memref_slice %arg2[%dma_start3A_159] : memref<524288xf32, #tpu.memory_space<hbm>> -> memref<5888xf32, #tpu.memory_space<hbm>>
      %dma_start3A_161 = arith.constant 0 : i32
      %dma_start3A_162 = tpu.memref_slice %arg4[%dma_start3A_161] : memref<8064xf32, #tpu.memory_space<vmem>> -> memref<5888xf32, #tpu.memory_space<vmem>>
      %dma_start3A_163 = arith.constant 141568 : i32
      %dma_start3A_164 = tpu.memref_slice %arg2[%dma_start3A_163] : memref<524288xf32, #tpu.memory_space<hbm>> -> memref<5888xf32, #tpu.memory_space<hbm>>
      tpu.enqueue_dma source(%dma_start3A_164 : memref<5888xf32, #tpu.memory_space<hbm>>) target(%dma_start3A_162 : memref<5888xf32, #tpu.memory_space<vmem>>) target_semaphore(%arg5 : memref<!tpu.dma_semaphore, #tpu.memory_space<semaphore_mem>>)
      %dma_start3A_165 = arith.constant 5888 : i32
      %dma_start3A_166 = tpu.memref_slice %arg4[%dma_start3A_165] : memref<8064xf32, #tpu.memory_space<vmem>> -> memref<2176xf32, #tpu.memory_space<vmem>>
      %dma_start3A_167 = arith.constant 382848 : i32
      %dma_start3A_168 = tpu.memref_slice %arg2[%dma_start3A_167] : memref<524288xf32, #tpu.memory_space<hbm>> -> memref<2176xf32, #tpu.memory_space<hbm>>
      %dma_start3A_169 = arith.constant 5888 : i32
      %dma_start3A_170 = tpu.memref_slice %arg4[%dma_start3A_169] : memref<8064xf32, #tpu.memory_space<vmem>> -> memref<2176xf32, #tpu.memory_space<vmem>>
      %dma_start3A_171 = arith.constant 382848 : i32
      %dma_start3A_172 = tpu.memref_slice %arg2[%dma_start3A_171] : memref<524288xf32, #tpu.memory_space<hbm>> -> memref<2176xf32, #tpu.memory_space<hbm>>
      tpu.enqueue_dma source(%dma_start3A_172 : memref<2176xf32, #tpu.memory_space<hbm>>) target(%dma_start3A_170 : memref<2176xf32, #tpu.memory_space<vmem>>) target_semaphore(%arg6 : memref<!tpu.dma_semaphore, #tpu.memory_space<semaphore_mem>>)
      %dma_wait3A = arith.constant 0 : i32
      %dma_wait3A_173 = tpu.memref_slice %arg4[%dma_wait3A] : memref<8064xf32, #tpu.memory_space<vmem>> -> memref<5888xf32, #tpu.memory_space<vmem>>
      %dma_wait3A_174 = arith.constant 141568 : i32
      %dma_wait3A_175 = tpu.memref_slice %arg2[%dma_wait3A_174] : memref<524288xf32, #tpu.memory_space<hbm>> -> memref<5888xf32, #tpu.memory_space<hbm>>
      %dma_wait3A_176 = arith.constant 0 : i32
      %dma_wait3A_177 = tpu.memref_slice %arg4[%dma_wait3A_176] : memref<8064xf32, #tpu.memory_space<vmem>> -> memref<5888xf32, #tpu.memory_space<vmem>>
      %dma_wait3A_178 = arith.constant 141568 : i32
      %dma_wait3A_179 = tpu.memref_slice %arg2[%dma_wait3A_178] : memref<524288xf32, #tpu.memory_space<hbm>> -> memref<5888xf32, #tpu.memory_space<hbm>>
      tpu.wait_dma2 semaphore(%arg5 : memref<!tpu.dma_semaphore, #tpu.memory_space<semaphore_mem>>) src(%dma_wait3A_179 : memref<5888xf32, #tpu.memory_space<hbm>>) dst(%dma_wait3A_177 : memref<5888xf32, #tpu.memory_space<vmem>>)
      %dma_start3A_180 = arith.constant 0 : i32
      %dma_start3A_181 = tpu.memref_slice %arg4[%dma_start3A_180] : memref<8064xf32, #tpu.memory_space<vmem>> -> memref<5888xf32, #tpu.memory_space<vmem>>
      %dma_start3A_182 = arith.constant 119680 : i32
      %dma_start3A_183 = tpu.memref_slice %arg3[%dma_start3A_182] : memref<258048xf32, #tpu.memory_space<hbm>> -> memref<5888xf32, #tpu.memory_space<hbm>>
      %dma_start3A_184 = arith.constant 119680 : i32
      %dma_start3A_185 = tpu.memref_slice %arg3[%dma_start3A_184] : memref<258048xf32, #tpu.memory_space<hbm>> -> memref<5888xf32, #tpu.memory_space<hbm>>
      %dma_start3A_186 = arith.constant 0 : i32
      %dma_start3A_187 = tpu.memref_slice %arg4[%dma_start3A_186] : memref<8064xf32, #tpu.memory_space<vmem>> -> memref<5888xf32, #tpu.memory_space<vmem>>
      tpu.enqueue_dma source(%dma_start3A_187 : memref<5888xf32, #tpu.memory_space<vmem>>) target(%dma_start3A_185 : memref<5888xf32, #tpu.memory_space<hbm>>) target_semaphore(%arg7 : memref<!tpu.dma_semaphore, #tpu.memory_space<semaphore_mem>>)
      %dma_wait3A_188 = arith.constant 5888 : i32
      %dma_wait3A_189 = tpu.memref_slice %arg4[%dma_wait3A_188] : memref<8064xf32, #tpu.memory_space<vmem>> -> memref<2176xf32, #tpu.memory_space<vmem>>
      %dma_wait3A_190 = arith.constant 382848 : i32
      %dma_wait3A_191 = tpu.memref_slice %arg2[%dma_wait3A_190] : memref<524288xf32, #tpu.memory_space<hbm>> -> memref<2176xf32, #tpu.memory_space<hbm>>
      %dma_wait3A_192 = arith.constant 5888 : i32
      %dma_wait3A_193 = tpu.memref_slice %arg4[%dma_wait3A_192] : memref<8064xf32, #tpu.memory_space<vmem>> -> memref<2176xf32, #tpu.memory_space<vmem>>
      %dma_wait3A_194 = arith.constant 382848 : i32
      %dma_wait3A_195 = tpu.memref_slice %arg2[%dma_wait3A_194] : memref<524288xf32, #tpu.memory_space<hbm>> -> memref<2176xf32, #tpu.memory_space<hbm>>
      tpu.wait_dma2 semaphore(%arg6 : memref<!tpu.dma_semaphore, #tpu.memory_space<semaphore_mem>>) src(%dma_wait3A_195 : memref<2176xf32, #tpu.memory_space<hbm>>) dst(%dma_wait3A_193 : memref<2176xf32, #tpu.memory_space<vmem>>)
      %dma_start3A_196 = arith.constant 5888 : i32
      %dma_start3A_197 = tpu.memref_slice %arg4[%dma_start3A_196] : memref<8064xf32, #tpu.memory_space<vmem>> -> memref<2176xf32, #tpu.memory_space<vmem>>
      %dma_start3A_198 = arith.constant 238464 : i32
      %dma_start3A_199 = tpu.memref_slice %arg3[%dma_start3A_198] : memref<258048xf32, #tpu.memory_space<hbm>> -> memref<2176xf32, #tpu.memory_space<hbm>>
      %dma_start3A_200 = arith.constant 238464 : i32
      %dma_start3A_201 = tpu.memref_slice %arg3[%dma_start3A_200] : memref<258048xf32, #tpu.memory_space<hbm>> -> memref<2176xf32, #tpu.memory_space<hbm>>
      %dma_start3A_202 = arith.constant 5888 : i32
      %dma_start3A_203 = tpu.memref_slice %arg4[%dma_start3A_202] : memref<8064xf32, #tpu.memory_space<vmem>> -> memref<2176xf32, #tpu.memory_space<vmem>>
      tpu.enqueue_dma source(%dma_start3A_203 : memref<2176xf32, #tpu.memory_space<vmem>>) target(%dma_start3A_201 : memref<2176xf32, #tpu.memory_space<hbm>>) target_semaphore(%arg8 : memref<!tpu.dma_semaphore, #tpu.memory_space<semaphore_mem>>)
      %dma_wait3A_204 = arith.constant 5888 : i32
      %dma_wait3A_205 = tpu.memref_slice %arg4[%dma_wait3A_204] : memref<8064xf32, #tpu.memory_space<vmem>> -> memref<2176xf32, #tpu.memory_space<vmem>>
      %dma_wait3A_206 = arith.constant 238464 : i32
      %dma_wait3A_207 = tpu.memref_slice %arg3[%dma_wait3A_206] : memref<258048xf32, #tpu.memory_space<hbm>> -> memref<2176xf32, #tpu.memory_space<hbm>>
      %dma_wait3A_208 = arith.constant 238464 : i32
      %dma_wait3A_209 = tpu.memref_slice %arg3[%dma_wait3A_208] : memref<258048xf32, #tpu.memory_space<hbm>> -> memref<2176xf32, #tpu.memory_space<hbm>>
      %dma_wait3A_210 = arith.constant 5888 : i32
      %dma_wait3A_211 = tpu.memref_slice %arg4[%dma_wait3A_210] : memref<8064xf32, #tpu.memory_space<vmem>> -> memref<2176xf32, #tpu.memory_space<vmem>>
      tpu.wait_dma2 semaphore(%arg8 : memref<!tpu.dma_semaphore, #tpu.memory_space<semaphore_mem>>) src(%dma_wait3A_211 : memref<2176xf32, #tpu.memory_space<vmem>>) dst(%dma_wait3A_209 : memref<2176xf32, #tpu.memory_space<hbm>>)
      %dma_wait3A_212 = arith.constant 0 : i32
      %dma_wait3A_213 = tpu.memref_slice %arg4[%dma_wait3A_212] : memref<8064xf32, #tpu.memory_space<vmem>> -> memref<5888xf32, #tpu.memory_space<vmem>>
      %dma_wait3A_214 = arith.constant 119680 : i32
      %dma_wait3A_215 = tpu.memref_slice %arg3[%dma_wait3A_214] : memref<258048xf32, #tpu.memory_space<hbm>> -> memref<5888xf32, #tpu.memory_space<hbm>>
      %dma_wait3A_216 = arith.constant 119680 : i32
      %dma_wait3A_217 = tpu.memref_slice %arg3[%dma_wait3A_216] : memref<258048xf32, #tpu.memory_space<hbm>> -> memref<5888xf32, #tpu.memory_space<hbm>>
      %dma_wait3A_218 = arith.constant 0 : i32
      %dma_wait3A_219 = tpu.memref_slice %arg4[%dma_wait3A_218] : memref<8064xf32, #tpu.memory_space<vmem>> -> memref<5888xf32, #tpu.memory_space<vmem>>
      tpu.wait_dma2 semaphore(%arg7 : memref<!tpu.dma_semaphore, #tpu.memory_space<semaphore_mem>>) src(%dma_wait3A_219 : memref<5888xf32, #tpu.memory_space<vmem>>) dst(%dma_wait3A_217 : memref<5888xf32, #tpu.memory_space<hbm>>)
    } else {
    }
    %eq3A_88 = arith.constant 18 : i32
    %eq3A_89 = arith.cmpi eq, %add3A, %eq3A_88 : i32
    %convert_element_type3A_90 = arith.extui %eq3A_89 : i1 to i32
    %cond3A_91 = arith.constant 0 : i32
    %cond3A_92 = arith.cmpi ne, %convert_element_type3A_90, %cond3A_91 : i32
    scf.if %cond3A_92 {
      %dma_start3A = arith.constant 0 : i32
      %dma_start3A_158 = tpu.memref_slice %arg4[%dma_start3A] : memref<8064xf32, #tpu.memory_space<vmem>> -> memref<5760xf32, #tpu.memory_space<vmem>>
      %dma_start3A_159 = arith.constant 149888 : i32
      %dma_start3A_160 = tpu.memref_slice %arg2[%dma_start3A_159] : memref<524288xf32, #tpu.memory_space<hbm>> -> memref<5760xf32, #tpu.memory_space<hbm>>
      %dma_start3A_161 = arith.constant 0 : i32
      %dma_start3A_162 = tpu.memref_slice %arg4[%dma_start3A_161] : memref<8064xf32, #tpu.memory_space<vmem>> -> memref<5760xf32, #tpu.memory_space<vmem>>
      %dma_start3A_163 = arith.constant 149888 : i32
      %dma_start3A_164 = tpu.memref_slice %arg2[%dma_start3A_163] : memref<524288xf32, #tpu.memory_space<hbm>> -> memref<5760xf32, #tpu.memory_space<hbm>>
      tpu.enqueue_dma source(%dma_start3A_164 : memref<5760xf32, #tpu.memory_space<hbm>>) target(%dma_start3A_162 : memref<5760xf32, #tpu.memory_space<vmem>>) target_semaphore(%arg5 : memref<!tpu.dma_semaphore, #tpu.memory_space<semaphore_mem>>)
      %dma_start3A_165 = arith.constant 5760 : i32
      %dma_start3A_166 = tpu.memref_slice %arg4[%dma_start3A_165] : memref<8064xf32, #tpu.memory_space<vmem>> -> memref<2304xf32, #tpu.memory_space<vmem>>
      %dma_start3A_167 = arith.constant 374528 : i32
      %dma_start3A_168 = tpu.memref_slice %arg2[%dma_start3A_167] : memref<524288xf32, #tpu.memory_space<hbm>> -> memref<2304xf32, #tpu.memory_space<hbm>>
      %dma_start3A_169 = arith.constant 5760 : i32
      %dma_start3A_170 = tpu.memref_slice %arg4[%dma_start3A_169] : memref<8064xf32, #tpu.memory_space<vmem>> -> memref<2304xf32, #tpu.memory_space<vmem>>
      %dma_start3A_171 = arith.constant 374528 : i32
      %dma_start3A_172 = tpu.memref_slice %arg2[%dma_start3A_171] : memref<524288xf32, #tpu.memory_space<hbm>> -> memref<2304xf32, #tpu.memory_space<hbm>>
      tpu.enqueue_dma source(%dma_start3A_172 : memref<2304xf32, #tpu.memory_space<hbm>>) target(%dma_start3A_170 : memref<2304xf32, #tpu.memory_space<vmem>>) target_semaphore(%arg6 : memref<!tpu.dma_semaphore, #tpu.memory_space<semaphore_mem>>)
      %dma_wait3A = arith.constant 0 : i32
      %dma_wait3A_173 = tpu.memref_slice %arg4[%dma_wait3A] : memref<8064xf32, #tpu.memory_space<vmem>> -> memref<5760xf32, #tpu.memory_space<vmem>>
      %dma_wait3A_174 = arith.constant 149888 : i32
      %dma_wait3A_175 = tpu.memref_slice %arg2[%dma_wait3A_174] : memref<524288xf32, #tpu.memory_space<hbm>> -> memref<5760xf32, #tpu.memory_space<hbm>>
      %dma_wait3A_176 = arith.constant 0 : i32
      %dma_wait3A_177 = tpu.memref_slice %arg4[%dma_wait3A_176] : memref<8064xf32, #tpu.memory_space<vmem>> -> memref<5760xf32, #tpu.memory_space<vmem>>
      %dma_wait3A_178 = arith.constant 149888 : i32
      %dma_wait3A_179 = tpu.memref_slice %arg2[%dma_wait3A_178] : memref<524288xf32, #tpu.memory_space<hbm>> -> memref<5760xf32, #tpu.memory_space<hbm>>
      tpu.wait_dma2 semaphore(%arg5 : memref<!tpu.dma_semaphore, #tpu.memory_space<semaphore_mem>>) src(%dma_wait3A_179 : memref<5760xf32, #tpu.memory_space<hbm>>) dst(%dma_wait3A_177 : memref<5760xf32, #tpu.memory_space<vmem>>)
      %dma_start3A_180 = arith.constant 0 : i32
      %dma_start3A_181 = tpu.memref_slice %arg4[%dma_start3A_180] : memref<8064xf32, #tpu.memory_space<vmem>> -> memref<5760xf32, #tpu.memory_space<vmem>>
      %dma_start3A_182 = arith.constant 125568 : i32
      %dma_start3A_183 = tpu.memref_slice %arg3[%dma_start3A_182] : memref<258048xf32, #tpu.memory_space<hbm>> -> memref<5760xf32, #tpu.memory_space<hbm>>
      %dma_start3A_184 = arith.constant 125568 : i32
      %dma_start3A_185 = tpu.memref_slice %arg3[%dma_start3A_184] : memref<258048xf32, #tpu.memory_space<hbm>> -> memref<5760xf32, #tpu.memory_space<hbm>>
      %dma_start3A_186 = arith.constant 0 : i32
      %dma_start3A_187 = tpu.memref_slice %arg4[%dma_start3A_186] : memref<8064xf32, #tpu.memory_space<vmem>> -> memref<5760xf32, #tpu.memory_space<vmem>>
      tpu.enqueue_dma source(%dma_start3A_187 : memref<5760xf32, #tpu.memory_space<vmem>>) target(%dma_start3A_185 : memref<5760xf32, #tpu.memory_space<hbm>>) target_semaphore(%arg7 : memref<!tpu.dma_semaphore, #tpu.memory_space<semaphore_mem>>)
      %dma_wait3A_188 = arith.constant 5760 : i32
      %dma_wait3A_189 = tpu.memref_slice %arg4[%dma_wait3A_188] : memref<8064xf32, #tpu.memory_space<vmem>> -> memref<2304xf32, #tpu.memory_space<vmem>>
      %dma_wait3A_190 = arith.constant 374528 : i32
      %dma_wait3A_191 = tpu.memref_slice %arg2[%dma_wait3A_190] : memref<524288xf32, #tpu.memory_space<hbm>> -> memref<2304xf32, #tpu.memory_space<hbm>>
      %dma_wait3A_192 = arith.constant 5760 : i32
      %dma_wait3A_193 = tpu.memref_slice %arg4[%dma_wait3A_192] : memref<8064xf32, #tpu.memory_space<vmem>> -> memref<2304xf32, #tpu.memory_space<vmem>>
      %dma_wait3A_194 = arith.constant 374528 : i32
      %dma_wait3A_195 = tpu.memref_slice %arg2[%dma_wait3A_194] : memref<524288xf32, #tpu.memory_space<hbm>> -> memref<2304xf32, #tpu.memory_space<hbm>>
      tpu.wait_dma2 semaphore(%arg6 : memref<!tpu.dma_semaphore, #tpu.memory_space<semaphore_mem>>) src(%dma_wait3A_195 : memref<2304xf32, #tpu.memory_space<hbm>>) dst(%dma_wait3A_193 : memref<2304xf32, #tpu.memory_space<vmem>>)
      %dma_start3A_196 = arith.constant 5760 : i32
      %dma_start3A_197 = tpu.memref_slice %arg4[%dma_start3A_196] : memref<8064xf32, #tpu.memory_space<vmem>> -> memref<2304xf32, #tpu.memory_space<vmem>>
      %dma_start3A_198 = arith.constant 236160 : i32
      %dma_start3A_199 = tpu.memref_slice %arg3[%dma_start3A_198] : memref<258048xf32, #tpu.memory_space<hbm>> -> memref<2304xf32, #tpu.memory_space<hbm>>
      %dma_start3A_200 = arith.constant 236160 : i32
      %dma_start3A_201 = tpu.memref_slice %arg3[%dma_start3A_200] : memref<258048xf32, #tpu.memory_space<hbm>> -> memref<2304xf32, #tpu.memory_space<hbm>>
      %dma_start3A_202 = arith.constant 5760 : i32
      %dma_start3A_203 = tpu.memref_slice %arg4[%dma_start3A_202] : memref<8064xf32, #tpu.memory_space<vmem>> -> memref<2304xf32, #tpu.memory_space<vmem>>
      tpu.enqueue_dma source(%dma_start3A_203 : memref<2304xf32, #tpu.memory_space<vmem>>) target(%dma_start3A_201 : memref<2304xf32, #tpu.memory_space<hbm>>) target_semaphore(%arg8 : memref<!tpu.dma_semaphore, #tpu.memory_space<semaphore_mem>>)
      %dma_wait3A_204 = arith.constant 5760 : i32
      %dma_wait3A_205 = tpu.memref_slice %arg4[%dma_wait3A_204] : memref<8064xf32, #tpu.memory_space<vmem>> -> memref<2304xf32, #tpu.memory_space<vmem>>
      %dma_wait3A_206 = arith.constant 236160 : i32
      %dma_wait3A_207 = tpu.memref_slice %arg3[%dma_wait3A_206] : memref<258048xf32, #tpu.memory_space<hbm>> -> memref<2304xf32, #tpu.memory_space<hbm>>
      %dma_wait3A_208 = arith.constant 236160 : i32
      %dma_wait3A_209 = tpu.memref_slice %arg3[%dma_wait3A_208] : memref<258048xf32, #tpu.memory_space<hbm>> -> memref<2304xf32, #tpu.memory_space<hbm>>
      %dma_wait3A_210 = arith.constant 5760 : i32
      %dma_wait3A_211 = tpu.memref_slice %arg4[%dma_wait3A_210] : memref<8064xf32, #tpu.memory_space<vmem>> -> memref<2304xf32, #tpu.memory_space<vmem>>
      tpu.wait_dma2 semaphore(%arg8 : memref<!tpu.dma_semaphore, #tpu.memory_space<semaphore_mem>>) src(%dma_wait3A_211 : memref<2304xf32, #tpu.memory_space<vmem>>) dst(%dma_wait3A_209 : memref<2304xf32, #tpu.memory_space<hbm>>)
      %dma_wait3A_212 = arith.constant 0 : i32
      %dma_wait3A_213 = tpu.memref_slice %arg4[%dma_wait3A_212] : memref<8064xf32, #tpu.memory_space<vmem>> -> memref<5760xf32, #tpu.memory_space<vmem>>
      %dma_wait3A_214 = arith.constant 125568 : i32
      %dma_wait3A_215 = tpu.memref_slice %arg3[%dma_wait3A_214] : memref<258048xf32, #tpu.memory_space<hbm>> -> memref<5760xf32, #tpu.memory_space<hbm>>
      %dma_wait3A_216 = arith.constant 125568 : i32
      %dma_wait3A_217 = tpu.memref_slice %arg3[%dma_wait3A_216] : memref<258048xf32, #tpu.memory_space<hbm>> -> memref<5760xf32, #tpu.memory_space<hbm>>
      %dma_wait3A_218 = arith.constant 0 : i32
      %dma_wait3A_219 = tpu.memref_slice %arg4[%dma_wait3A_218] : memref<8064xf32, #tpu.memory_space<vmem>> -> memref<5760xf32, #tpu.memory_space<vmem>>
      tpu.wait_dma2 semaphore(%arg7 : memref<!tpu.dma_semaphore, #tpu.memory_space<semaphore_mem>>) src(%dma_wait3A_219 : memref<5760xf32, #tpu.memory_space<vmem>>) dst(%dma_wait3A_217 : memref<5760xf32, #tpu.memory_space<hbm>>)
    } else {
    }
    %eq3A_93 = arith.constant 19 : i32
    %eq3A_94 = arith.cmpi eq, %add3A, %eq3A_93 : i32
    %convert_element_type3A_95 = arith.extui %eq3A_94 : i1 to i32
    %cond3A_96 = arith.constant 0 : i32
    %cond3A_97 = arith.cmpi ne, %convert_element_type3A_95, %cond3A_96 : i32
    scf.if %cond3A_97 {
      %dma_start3A = arith.constant 0 : i32
      %dma_start3A_158 = tpu.memref_slice %arg4[%dma_start3A] : memref<8064xf32, #tpu.memory_space<vmem>> -> memref<5632xf32, #tpu.memory_space<vmem>>
      %dma_start3A_159 = arith.constant 158208 : i32
      %dma_start3A_160 = tpu.memref_slice %arg2[%dma_start3A_159] : memref<524288xf32, #tpu.memory_space<hbm>> -> memref<5632xf32, #tpu.memory_space<hbm>>
      %dma_start3A_161 = arith.constant 0 : i32
      %dma_start3A_162 = tpu.memref_slice %arg4[%dma_start3A_161] : memref<8064xf32, #tpu.memory_space<vmem>> -> memref<5632xf32, #tpu.memory_space<vmem>>
      %dma_start3A_163 = arith.constant 158208 : i32
      %dma_start3A_164 = tpu.memref_slice %arg2[%dma_start3A_163] : memref<524288xf32, #tpu.memory_space<hbm>> -> memref<5632xf32, #tpu.memory_space<hbm>>
      tpu.enqueue_dma source(%dma_start3A_164 : memref<5632xf32, #tpu.memory_space<hbm>>) target(%dma_start3A_162 : memref<5632xf32, #tpu.memory_space<vmem>>) target_semaphore(%arg5 : memref<!tpu.dma_semaphore, #tpu.memory_space<semaphore_mem>>)
      %dma_start3A_165 = arith.constant 5632 : i32
      %dma_start3A_166 = tpu.memref_slice %arg4[%dma_start3A_165] : memref<8064xf32, #tpu.memory_space<vmem>> -> memref<2432xf32, #tpu.memory_space<vmem>>
      %dma_start3A_167 = arith.constant 366208 : i32
      %dma_start3A_168 = tpu.memref_slice %arg2[%dma_start3A_167] : memref<524288xf32, #tpu.memory_space<hbm>> -> memref<2432xf32, #tpu.memory_space<hbm>>
      %dma_start3A_169 = arith.constant 5632 : i32
      %dma_start3A_170 = tpu.memref_slice %arg4[%dma_start3A_169] : memref<8064xf32, #tpu.memory_space<vmem>> -> memref<2432xf32, #tpu.memory_space<vmem>>
      %dma_start3A_171 = arith.constant 366208 : i32
      %dma_start3A_172 = tpu.memref_slice %arg2[%dma_start3A_171] : memref<524288xf32, #tpu.memory_space<hbm>> -> memref<2432xf32, #tpu.memory_space<hbm>>
      tpu.enqueue_dma source(%dma_start3A_172 : memref<2432xf32, #tpu.memory_space<hbm>>) target(%dma_start3A_170 : memref<2432xf32, #tpu.memory_space<vmem>>) target_semaphore(%arg6 : memref<!tpu.dma_semaphore, #tpu.memory_space<semaphore_mem>>)
      %dma_wait3A = arith.constant 0 : i32
      %dma_wait3A_173 = tpu.memref_slice %arg4[%dma_wait3A] : memref<8064xf32, #tpu.memory_space<vmem>> -> memref<5632xf32, #tpu.memory_space<vmem>>
      %dma_wait3A_174 = arith.constant 158208 : i32
      %dma_wait3A_175 = tpu.memref_slice %arg2[%dma_wait3A_174] : memref<524288xf32, #tpu.memory_space<hbm>> -> memref<5632xf32, #tpu.memory_space<hbm>>
      %dma_wait3A_176 = arith.constant 0 : i32
      %dma_wait3A_177 = tpu.memref_slice %arg4[%dma_wait3A_176] : memref<8064xf32, #tpu.memory_space<vmem>> -> memref<5632xf32, #tpu.memory_space<vmem>>
      %dma_wait3A_178 = arith.constant 158208 : i32
      %dma_wait3A_179 = tpu.memref_slice %arg2[%dma_wait3A_178] : memref<524288xf32, #tpu.memory_space<hbm>> -> memref<5632xf32, #tpu.memory_space<hbm>>
      tpu.wait_dma2 semaphore(%arg5 : memref<!tpu.dma_semaphore, #tpu.memory_space<semaphore_mem>>) src(%dma_wait3A_179 : memref<5632xf32, #tpu.memory_space<hbm>>) dst(%dma_wait3A_177 : memref<5632xf32, #tpu.memory_space<vmem>>)
      %dma_start3A_180 = arith.constant 0 : i32
      %dma_start3A_181 = tpu.memref_slice %arg4[%dma_start3A_180] : memref<8064xf32, #tpu.memory_space<vmem>> -> memref<5632xf32, #tpu.memory_space<vmem>>
      %dma_start3A_182 = arith.constant 131328 : i32
      %dma_start3A_183 = tpu.memref_slice %arg3[%dma_start3A_182] : memref<258048xf32, #tpu.memory_space<hbm>> -> memref<5632xf32, #tpu.memory_space<hbm>>
      %dma_start3A_184 = arith.constant 131328 : i32
      %dma_start3A_185 = tpu.memref_slice %arg3[%dma_start3A_184] : memref<258048xf32, #tpu.memory_space<hbm>> -> memref<5632xf32, #tpu.memory_space<hbm>>
      %dma_start3A_186 = arith.constant 0 : i32
      %dma_start3A_187 = tpu.memref_slice %arg4[%dma_start3A_186] : memref<8064xf32, #tpu.memory_space<vmem>> -> memref<5632xf32, #tpu.memory_space<vmem>>
      tpu.enqueue_dma source(%dma_start3A_187 : memref<5632xf32, #tpu.memory_space<vmem>>) target(%dma_start3A_185 : memref<5632xf32, #tpu.memory_space<hbm>>) target_semaphore(%arg7 : memref<!tpu.dma_semaphore, #tpu.memory_space<semaphore_mem>>)
      %dma_wait3A_188 = arith.constant 5632 : i32
      %dma_wait3A_189 = tpu.memref_slice %arg4[%dma_wait3A_188] : memref<8064xf32, #tpu.memory_space<vmem>> -> memref<2432xf32, #tpu.memory_space<vmem>>
      %dma_wait3A_190 = arith.constant 366208 : i32
      %dma_wait3A_191 = tpu.memref_slice %arg2[%dma_wait3A_190] : memref<524288xf32, #tpu.memory_space<hbm>> -> memref<2432xf32, #tpu.memory_space<hbm>>
      %dma_wait3A_192 = arith.constant 5632 : i32
      %dma_wait3A_193 = tpu.memref_slice %arg4[%dma_wait3A_192] : memref<8064xf32, #tpu.memory_space<vmem>> -> memref<2432xf32, #tpu.memory_space<vmem>>
      %dma_wait3A_194 = arith.constant 366208 : i32
      %dma_wait3A_195 = tpu.memref_slice %arg2[%dma_wait3A_194] : memref<524288xf32, #tpu.memory_space<hbm>> -> memref<2432xf32, #tpu.memory_space<hbm>>
      tpu.wait_dma2 semaphore(%arg6 : memref<!tpu.dma_semaphore, #tpu.memory_space<semaphore_mem>>) src(%dma_wait3A_195 : memref<2432xf32, #tpu.memory_space<hbm>>) dst(%dma_wait3A_193 : memref<2432xf32, #tpu.memory_space<vmem>>)
      %dma_start3A_196 = arith.constant 5632 : i32
      %dma_start3A_197 = tpu.memref_slice %arg4[%dma_start3A_196] : memref<8064xf32, #tpu.memory_space<vmem>> -> memref<2432xf32, #tpu.memory_space<vmem>>
      %dma_start3A_198 = arith.constant 233728 : i32
      %dma_start3A_199 = tpu.memref_slice %arg3[%dma_start3A_198] : memref<258048xf32, #tpu.memory_space<hbm>> -> memref<2432xf32, #tpu.memory_space<hbm>>
      %dma_start3A_200 = arith.constant 233728 : i32
      %dma_start3A_201 = tpu.memref_slice %arg3[%dma_start3A_200] : memref<258048xf32, #tpu.memory_space<hbm>> -> memref<2432xf32, #tpu.memory_space<hbm>>
      %dma_start3A_202 = arith.constant 5632 : i32
      %dma_start3A_203 = tpu.memref_slice %arg4[%dma_start3A_202] : memref<8064xf32, #tpu.memory_space<vmem>> -> memref<2432xf32, #tpu.memory_space<vmem>>
      tpu.enqueue_dma source(%dma_start3A_203 : memref<2432xf32, #tpu.memory_space<vmem>>) target(%dma_start3A_201 : memref<2432xf32, #tpu.memory_space<hbm>>) target_semaphore(%arg8 : memref<!tpu.dma_semaphore, #tpu.memory_space<semaphore_mem>>)
      %dma_wait3A_204 = arith.constant 5632 : i32
      %dma_wait3A_205 = tpu.memref_slice %arg4[%dma_wait3A_204] : memref<8064xf32, #tpu.memory_space<vmem>> -> memref<2432xf32, #tpu.memory_space<vmem>>
      %dma_wait3A_206 = arith.constant 233728 : i32
      %dma_wait3A_207 = tpu.memref_slice %arg3[%dma_wait3A_206] : memref<258048xf32, #tpu.memory_space<hbm>> -> memref<2432xf32, #tpu.memory_space<hbm>>
      %dma_wait3A_208 = arith.constant 233728 : i32
      %dma_wait3A_209 = tpu.memref_slice %arg3[%dma_wait3A_208] : memref<258048xf32, #tpu.memory_space<hbm>> -> memref<2432xf32, #tpu.memory_space<hbm>>
      %dma_wait3A_210 = arith.constant 5632 : i32
      %dma_wait3A_211 = tpu.memref_slice %arg4[%dma_wait3A_210] : memref<8064xf32, #tpu.memory_space<vmem>> -> memref<2432xf32, #tpu.memory_space<vmem>>
      tpu.wait_dma2 semaphore(%arg8 : memref<!tpu.dma_semaphore, #tpu.memory_space<semaphore_mem>>) src(%dma_wait3A_211 : memref<2432xf32, #tpu.memory_space<vmem>>) dst(%dma_wait3A_209 : memref<2432xf32, #tpu.memory_space<hbm>>)
      %dma_wait3A_212 = arith.constant 0 : i32
      %dma_wait3A_213 = tpu.memref_slice %arg4[%dma_wait3A_212] : memref<8064xf32, #tpu.memory_space<vmem>> -> memref<5632xf32, #tpu.memory_space<vmem>>
      %dma_wait3A_214 = arith.constant 131328 : i32
      %dma_wait3A_215 = tpu.memref_slice %arg3[%dma_wait3A_214] : memref<258048xf32, #tpu.memory_space<hbm>> -> memref<5632xf32, #tpu.memory_space<hbm>>
      %dma_wait3A_216 = arith.constant 131328 : i32
      %dma_wait3A_217 = tpu.memref_slice %arg3[%dma_wait3A_216] : memref<258048xf32, #tpu.memory_space<hbm>> -> memref<5632xf32, #tpu.memory_space<hbm>>
      %dma_wait3A_218 = arith.constant 0 : i32
      %dma_wait3A_219 = tpu.memref_slice %arg4[%dma_wait3A_218] : memref<8064xf32, #tpu.memory_space<vmem>> -> memref<5632xf32, #tpu.memory_space<vmem>>
      tpu.wait_dma2 semaphore(%arg7 : memref<!tpu.dma_semaphore, #tpu.memory_space<semaphore_mem>>) src(%dma_wait3A_219 : memref<5632xf32, #tpu.memory_space<vmem>>) dst(%dma_wait3A_217 : memref<5632xf32, #tpu.memory_space<hbm>>)
    } else {
    }
    %eq3A_98 = arith.constant 20 : i32
    %eq3A_99 = arith.cmpi eq, %add3A, %eq3A_98 : i32
    %convert_element_type3A_100 = arith.extui %eq3A_99 : i1 to i32
    %cond3A_101 = arith.constant 0 : i32
    %cond3A_102 = arith.cmpi ne, %convert_element_type3A_100, %cond3A_101 : i32
    scf.if %cond3A_102 {
      %dma_start3A = arith.constant 0 : i32
      %dma_start3A_158 = tpu.memref_slice %arg4[%dma_start3A] : memref<8064xf32, #tpu.memory_space<vmem>> -> memref<5504xf32, #tpu.memory_space<vmem>>
      %dma_start3A_159 = arith.constant 166528 : i32
      %dma_start3A_160 = tpu.memref_slice %arg2[%dma_start3A_159] : memref<524288xf32, #tpu.memory_space<hbm>> -> memref<5504xf32, #tpu.memory_space<hbm>>
      %dma_start3A_161 = arith.constant 0 : i32
      %dma_start3A_162 = tpu.memref_slice %arg4[%dma_start3A_161] : memref<8064xf32, #tpu.memory_space<vmem>> -> memref<5504xf32, #tpu.memory_space<vmem>>
      %dma_start3A_163 = arith.constant 166528 : i32
      %dma_start3A_164 = tpu.memref_slice %arg2[%dma_start3A_163] : memref<524288xf32, #tpu.memory_space<hbm>> -> memref<5504xf32, #tpu.memory_space<hbm>>
      tpu.enqueue_dma source(%dma_start3A_164 : memref<5504xf32, #tpu.memory_space<hbm>>) target(%dma_start3A_162 : memref<5504xf32, #tpu.memory_space<vmem>>) target_semaphore(%arg5 : memref<!tpu.dma_semaphore, #tpu.memory_space<semaphore_mem>>)
      %dma_start3A_165 = arith.constant 5504 : i32
      %dma_start3A_166 = tpu.memref_slice %arg4[%dma_start3A_165] : memref<8064xf32, #tpu.memory_space<vmem>> -> memref<2560xf32, #tpu.memory_space<vmem>>
      %dma_start3A_167 = arith.constant 357888 : i32
      %dma_start3A_168 = tpu.memref_slice %arg2[%dma_start3A_167] : memref<524288xf32, #tpu.memory_space<hbm>> -> memref<2560xf32, #tpu.memory_space<hbm>>
      %dma_start3A_169 = arith.constant 5504 : i32
      %dma_start3A_170 = tpu.memref_slice %arg4[%dma_start3A_169] : memref<8064xf32, #tpu.memory_space<vmem>> -> memref<2560xf32, #tpu.memory_space<vmem>>
      %dma_start3A_171 = arith.constant 357888 : i32
      %dma_start3A_172 = tpu.memref_slice %arg2[%dma_start3A_171] : memref<524288xf32, #tpu.memory_space<hbm>> -> memref<2560xf32, #tpu.memory_space<hbm>>
      tpu.enqueue_dma source(%dma_start3A_172 : memref<2560xf32, #tpu.memory_space<hbm>>) target(%dma_start3A_170 : memref<2560xf32, #tpu.memory_space<vmem>>) target_semaphore(%arg6 : memref<!tpu.dma_semaphore, #tpu.memory_space<semaphore_mem>>)
      %dma_wait3A = arith.constant 0 : i32
      %dma_wait3A_173 = tpu.memref_slice %arg4[%dma_wait3A] : memref<8064xf32, #tpu.memory_space<vmem>> -> memref<5504xf32, #tpu.memory_space<vmem>>
      %dma_wait3A_174 = arith.constant 166528 : i32
      %dma_wait3A_175 = tpu.memref_slice %arg2[%dma_wait3A_174] : memref<524288xf32, #tpu.memory_space<hbm>> -> memref<5504xf32, #tpu.memory_space<hbm>>
      %dma_wait3A_176 = arith.constant 0 : i32
      %dma_wait3A_177 = tpu.memref_slice %arg4[%dma_wait3A_176] : memref<8064xf32, #tpu.memory_space<vmem>> -> memref<5504xf32, #tpu.memory_space<vmem>>
      %dma_wait3A_178 = arith.constant 166528 : i32
      %dma_wait3A_179 = tpu.memref_slice %arg2[%dma_wait3A_178] : memref<524288xf32, #tpu.memory_space<hbm>> -> memref<5504xf32, #tpu.memory_space<hbm>>
      tpu.wait_dma2 semaphore(%arg5 : memref<!tpu.dma_semaphore, #tpu.memory_space<semaphore_mem>>) src(%dma_wait3A_179 : memref<5504xf32, #tpu.memory_space<hbm>>) dst(%dma_wait3A_177 : memref<5504xf32, #tpu.memory_space<vmem>>)
      %dma_start3A_180 = arith.constant 0 : i32
      %dma_start3A_181 = tpu.memref_slice %arg4[%dma_start3A_180] : memref<8064xf32, #tpu.memory_space<vmem>> -> memref<5504xf32, #tpu.memory_space<vmem>>
      %dma_start3A_182 = arith.constant 136960 : i32
      %dma_start3A_183 = tpu.memref_slice %arg3[%dma_start3A_182] : memref<258048xf32, #tpu.memory_space<hbm>> -> memref<5504xf32, #tpu.memory_space<hbm>>
      %dma_start3A_184 = arith.constant 136960 : i32
      %dma_start3A_185 = tpu.memref_slice %arg3[%dma_start3A_184] : memref<258048xf32, #tpu.memory_space<hbm>> -> memref<5504xf32, #tpu.memory_space<hbm>>
      %dma_start3A_186 = arith.constant 0 : i32
      %dma_start3A_187 = tpu.memref_slice %arg4[%dma_start3A_186] : memref<8064xf32, #tpu.memory_space<vmem>> -> memref<5504xf32, #tpu.memory_space<vmem>>
      tpu.enqueue_dma source(%dma_start3A_187 : memref<5504xf32, #tpu.memory_space<vmem>>) target(%dma_start3A_185 : memref<5504xf32, #tpu.memory_space<hbm>>) target_semaphore(%arg7 : memref<!tpu.dma_semaphore, #tpu.memory_space<semaphore_mem>>)
      %dma_wait3A_188 = arith.constant 5504 : i32
      %dma_wait3A_189 = tpu.memref_slice %arg4[%dma_wait3A_188] : memref<8064xf32, #tpu.memory_space<vmem>> -> memref<2560xf32, #tpu.memory_space<vmem>>
      %dma_wait3A_190 = arith.constant 357888 : i32
      %dma_wait3A_191 = tpu.memref_slice %arg2[%dma_wait3A_190] : memref<524288xf32, #tpu.memory_space<hbm>> -> memref<2560xf32, #tpu.memory_space<hbm>>
      %dma_wait3A_192 = arith.constant 5504 : i32
      %dma_wait3A_193 = tpu.memref_slice %arg4[%dma_wait3A_192] : memref<8064xf32, #tpu.memory_space<vmem>> -> memref<2560xf32, #tpu.memory_space<vmem>>
      %dma_wait3A_194 = arith.constant 357888 : i32
      %dma_wait3A_195 = tpu.memref_slice %arg2[%dma_wait3A_194] : memref<524288xf32, #tpu.memory_space<hbm>> -> memref<2560xf32, #tpu.memory_space<hbm>>
      tpu.wait_dma2 semaphore(%arg6 : memref<!tpu.dma_semaphore, #tpu.memory_space<semaphore_mem>>) src(%dma_wait3A_195 : memref<2560xf32, #tpu.memory_space<hbm>>) dst(%dma_wait3A_193 : memref<2560xf32, #tpu.memory_space<vmem>>)
      %dma_start3A_196 = arith.constant 5504 : i32
      %dma_start3A_197 = tpu.memref_slice %arg4[%dma_start3A_196] : memref<8064xf32, #tpu.memory_space<vmem>> -> memref<2560xf32, #tpu.memory_space<vmem>>
      %dma_start3A_198 = arith.constant 231168 : i32
      %dma_start3A_199 = tpu.memref_slice %arg3[%dma_start3A_198] : memref<258048xf32, #tpu.memory_space<hbm>> -> memref<2560xf32, #tpu.memory_space<hbm>>
      %dma_start3A_200 = arith.constant 231168 : i32
      %dma_start3A_201 = tpu.memref_slice %arg3[%dma_start3A_200] : memref<258048xf32, #tpu.memory_space<hbm>> -> memref<2560xf32, #tpu.memory_space<hbm>>
      %dma_start3A_202 = arith.constant 5504 : i32
      %dma_start3A_203 = tpu.memref_slice %arg4[%dma_start3A_202] : memref<8064xf32, #tpu.memory_space<vmem>> -> memref<2560xf32, #tpu.memory_space<vmem>>
      tpu.enqueue_dma source(%dma_start3A_203 : memref<2560xf32, #tpu.memory_space<vmem>>) target(%dma_start3A_201 : memref<2560xf32, #tpu.memory_space<hbm>>) target_semaphore(%arg8 : memref<!tpu.dma_semaphore, #tpu.memory_space<semaphore_mem>>)
      %dma_wait3A_204 = arith.constant 5504 : i32
      %dma_wait3A_205 = tpu.memref_slice %arg4[%dma_wait3A_204] : memref<8064xf32, #tpu.memory_space<vmem>> -> memref<2560xf32, #tpu.memory_space<vmem>>
      %dma_wait3A_206 = arith.constant 231168 : i32
      %dma_wait3A_207 = tpu.memref_slice %arg3[%dma_wait3A_206] : memref<258048xf32, #tpu.memory_space<hbm>> -> memref<2560xf32, #tpu.memory_space<hbm>>
      %dma_wait3A_208 = arith.constant 231168 : i32
      %dma_wait3A_209 = tpu.memref_slice %arg3[%dma_wait3A_208] : memref<258048xf32, #tpu.memory_space<hbm>> -> memref<2560xf32, #tpu.memory_space<hbm>>
      %dma_wait3A_210 = arith.constant 5504 : i32
      %dma_wait3A_211 = tpu.memref_slice %arg4[%dma_wait3A_210] : memref<8064xf32, #tpu.memory_space<vmem>> -> memref<2560xf32, #tpu.memory_space<vmem>>
      tpu.wait_dma2 semaphore(%arg8 : memref<!tpu.dma_semaphore, #tpu.memory_space<semaphore_mem>>) src(%dma_wait3A_211 : memref<2560xf32, #tpu.memory_space<vmem>>) dst(%dma_wait3A_209 : memref<2560xf32, #tpu.memory_space<hbm>>)
      %dma_wait3A_212 = arith.constant 0 : i32
      %dma_wait3A_213 = tpu.memref_slice %arg4[%dma_wait3A_212] : memref<8064xf32, #tpu.memory_space<vmem>> -> memref<5504xf32, #tpu.memory_space<vmem>>
      %dma_wait3A_214 = arith.constant 136960 : i32
      %dma_wait3A_215 = tpu.memref_slice %arg3[%dma_wait3A_214] : memref<258048xf32, #tpu.memory_space<hbm>> -> memref<5504xf32, #tpu.memory_space<hbm>>
      %dma_wait3A_216 = arith.constant 136960 : i32
      %dma_wait3A_217 = tpu.memref_slice %arg3[%dma_wait3A_216] : memref<258048xf32, #tpu.memory_space<hbm>> -> memref<5504xf32, #tpu.memory_space<hbm>>
      %dma_wait3A_218 = arith.constant 0 : i32
      %dma_wait3A_219 = tpu.memref_slice %arg4[%dma_wait3A_218] : memref<8064xf32, #tpu.memory_space<vmem>> -> memref<5504xf32, #tpu.memory_space<vmem>>
      tpu.wait_dma2 semaphore(%arg7 : memref<!tpu.dma_semaphore, #tpu.memory_space<semaphore_mem>>) src(%dma_wait3A_219 : memref<5504xf32, #tpu.memory_space<vmem>>) dst(%dma_wait3A_217 : memref<5504xf32, #tpu.memory_space<hbm>>)
    } else {
    }
    %eq3A_103 = arith.constant 21 : i32
    %eq3A_104 = arith.cmpi eq, %add3A, %eq3A_103 : i32
    %convert_element_type3A_105 = arith.extui %eq3A_104 : i1 to i32
    %cond3A_106 = arith.constant 0 : i32
    %cond3A_107 = arith.cmpi ne, %convert_element_type3A_105, %cond3A_106 : i32
    scf.if %cond3A_107 {
      %dma_start3A = arith.constant 0 : i32
      %dma_start3A_158 = tpu.memref_slice %arg4[%dma_start3A] : memref<8064xf32, #tpu.memory_space<vmem>> -> memref<5376xf32, #tpu.memory_space<vmem>>
      %dma_start3A_159 = arith.constant 174848 : i32
      %dma_start3A_160 = tpu.memref_slice %arg2[%dma_start3A_159] : memref<524288xf32, #tpu.memory_space<hbm>> -> memref<5376xf32, #tpu.memory_space<hbm>>
      %dma_start3A_161 = arith.constant 0 : i32
      %dma_start3A_162 = tpu.memref_slice %arg4[%dma_start3A_161] : memref<8064xf32, #tpu.memory_space<vmem>> -> memref<5376xf32, #tpu.memory_space<vmem>>
      %dma_start3A_163 = arith.constant 174848 : i32
      %dma_start3A_164 = tpu.memref_slice %arg2[%dma_start3A_163] : memref<524288xf32, #tpu.memory_space<hbm>> -> memref<5376xf32, #tpu.memory_space<hbm>>
      tpu.enqueue_dma source(%dma_start3A_164 : memref<5376xf32, #tpu.memory_space<hbm>>) target(%dma_start3A_162 : memref<5376xf32, #tpu.memory_space<vmem>>) target_semaphore(%arg5 : memref<!tpu.dma_semaphore, #tpu.memory_space<semaphore_mem>>)
      %dma_start3A_165 = arith.constant 5376 : i32
      %dma_start3A_166 = tpu.memref_slice %arg4[%dma_start3A_165] : memref<8064xf32, #tpu.memory_space<vmem>> -> memref<2688xf32, #tpu.memory_space<vmem>>
      %dma_start3A_167 = arith.constant 349568 : i32
      %dma_start3A_168 = tpu.memref_slice %arg2[%dma_start3A_167] : memref<524288xf32, #tpu.memory_space<hbm>> -> memref<2688xf32, #tpu.memory_space<hbm>>
      %dma_start3A_169 = arith.constant 5376 : i32
      %dma_start3A_170 = tpu.memref_slice %arg4[%dma_start3A_169] : memref<8064xf32, #tpu.memory_space<vmem>> -> memref<2688xf32, #tpu.memory_space<vmem>>
      %dma_start3A_171 = arith.constant 349568 : i32
      %dma_start3A_172 = tpu.memref_slice %arg2[%dma_start3A_171] : memref<524288xf32, #tpu.memory_space<hbm>> -> memref<2688xf32, #tpu.memory_space<hbm>>
      tpu.enqueue_dma source(%dma_start3A_172 : memref<2688xf32, #tpu.memory_space<hbm>>) target(%dma_start3A_170 : memref<2688xf32, #tpu.memory_space<vmem>>) target_semaphore(%arg6 : memref<!tpu.dma_semaphore, #tpu.memory_space<semaphore_mem>>)
      %dma_wait3A = arith.constant 0 : i32
      %dma_wait3A_173 = tpu.memref_slice %arg4[%dma_wait3A] : memref<8064xf32, #tpu.memory_space<vmem>> -> memref<5376xf32, #tpu.memory_space<vmem>>
      %dma_wait3A_174 = arith.constant 174848 : i32
      %dma_wait3A_175 = tpu.memref_slice %arg2[%dma_wait3A_174] : memref<524288xf32, #tpu.memory_space<hbm>> -> memref<5376xf32, #tpu.memory_space<hbm>>
      %dma_wait3A_176 = arith.constant 0 : i32
      %dma_wait3A_177 = tpu.memref_slice %arg4[%dma_wait3A_176] : memref<8064xf32, #tpu.memory_space<vmem>> -> memref<5376xf32, #tpu.memory_space<vmem>>
      %dma_wait3A_178 = arith.constant 174848 : i32
      %dma_wait3A_179 = tpu.memref_slice %arg2[%dma_wait3A_178] : memref<524288xf32, #tpu.memory_space<hbm>> -> memref<5376xf32, #tpu.memory_space<hbm>>
      tpu.wait_dma2 semaphore(%arg5 : memref<!tpu.dma_semaphore, #tpu.memory_space<semaphore_mem>>) src(%dma_wait3A_179 : memref<5376xf32, #tpu.memory_space<hbm>>) dst(%dma_wait3A_177 : memref<5376xf32, #tpu.memory_space<vmem>>)
      %dma_start3A_180 = arith.constant 0 : i32
      %dma_start3A_181 = tpu.memref_slice %arg4[%dma_start3A_180] : memref<8064xf32, #tpu.memory_space<vmem>> -> memref<5376xf32, #tpu.memory_space<vmem>>
      %dma_start3A_182 = arith.constant 142464 : i32
      %dma_start3A_183 = tpu.memref_slice %arg3[%dma_start3A_182] : memref<258048xf32, #tpu.memory_space<hbm>> -> memref<5376xf32, #tpu.memory_space<hbm>>
      %dma_start3A_184 = arith.constant 142464 : i32
      %dma_start3A_185 = tpu.memref_slice %arg3[%dma_start3A_184] : memref<258048xf32, #tpu.memory_space<hbm>> -> memref<5376xf32, #tpu.memory_space<hbm>>
      %dma_start3A_186 = arith.constant 0 : i32
      %dma_start3A_187 = tpu.memref_slice %arg4[%dma_start3A_186] : memref<8064xf32, #tpu.memory_space<vmem>> -> memref<5376xf32, #tpu.memory_space<vmem>>
      tpu.enqueue_dma source(%dma_start3A_187 : memref<5376xf32, #tpu.memory_space<vmem>>) target(%dma_start3A_185 : memref<5376xf32, #tpu.memory_space<hbm>>) target_semaphore(%arg7 : memref<!tpu.dma_semaphore, #tpu.memory_space<semaphore_mem>>)
      %dma_wait3A_188 = arith.constant 5376 : i32
      %dma_wait3A_189 = tpu.memref_slice %arg4[%dma_wait3A_188] : memref<8064xf32, #tpu.memory_space<vmem>> -> memref<2688xf32, #tpu.memory_space<vmem>>
      %dma_wait3A_190 = arith.constant 349568 : i32
      %dma_wait3A_191 = tpu.memref_slice %arg2[%dma_wait3A_190] : memref<524288xf32, #tpu.memory_space<hbm>> -> memref<2688xf32, #tpu.memory_space<hbm>>
      %dma_wait3A_192 = arith.constant 5376 : i32
      %dma_wait3A_193 = tpu.memref_slice %arg4[%dma_wait3A_192] : memref<8064xf32, #tpu.memory_space<vmem>> -> memref<2688xf32, #tpu.memory_space<vmem>>
      %dma_wait3A_194 = arith.constant 349568 : i32
      %dma_wait3A_195 = tpu.memref_slice %arg2[%dma_wait3A_194] : memref<524288xf32, #tpu.memory_space<hbm>> -> memref<2688xf32, #tpu.memory_space<hbm>>
      tpu.wait_dma2 semaphore(%arg6 : memref<!tpu.dma_semaphore, #tpu.memory_space<semaphore_mem>>) src(%dma_wait3A_195 : memref<2688xf32, #tpu.memory_space<hbm>>) dst(%dma_wait3A_193 : memref<2688xf32, #tpu.memory_space<vmem>>)
      %dma_start3A_196 = arith.constant 5376 : i32
      %dma_start3A_197 = tpu.memref_slice %arg4[%dma_start3A_196] : memref<8064xf32, #tpu.memory_space<vmem>> -> memref<2688xf32, #tpu.memory_space<vmem>>
      %dma_start3A_198 = arith.constant 228480 : i32
      %dma_start3A_199 = tpu.memref_slice %arg3[%dma_start3A_198] : memref<258048xf32, #tpu.memory_space<hbm>> -> memref<2688xf32, #tpu.memory_space<hbm>>
      %dma_start3A_200 = arith.constant 228480 : i32
      %dma_start3A_201 = tpu.memref_slice %arg3[%dma_start3A_200] : memref<258048xf32, #tpu.memory_space<hbm>> -> memref<2688xf32, #tpu.memory_space<hbm>>
      %dma_start3A_202 = arith.constant 5376 : i32
      %dma_start3A_203 = tpu.memref_slice %arg4[%dma_start3A_202] : memref<8064xf32, #tpu.memory_space<vmem>> -> memref<2688xf32, #tpu.memory_space<vmem>>
      tpu.enqueue_dma source(%dma_start3A_203 : memref<2688xf32, #tpu.memory_space<vmem>>) target(%dma_start3A_201 : memref<2688xf32, #tpu.memory_space<hbm>>) target_semaphore(%arg8 : memref<!tpu.dma_semaphore, #tpu.memory_space<semaphore_mem>>)
      %dma_wait3A_204 = arith.constant 5376 : i32
      %dma_wait3A_205 = tpu.memref_slice %arg4[%dma_wait3A_204] : memref<8064xf32, #tpu.memory_space<vmem>> -> memref<2688xf32, #tpu.memory_space<vmem>>
      %dma_wait3A_206 = arith.constant 228480 : i32
      %dma_wait3A_207 = tpu.memref_slice %arg3[%dma_wait3A_206] : memref<258048xf32, #tpu.memory_space<hbm>> -> memref<2688xf32, #tpu.memory_space<hbm>>
      %dma_wait3A_208 = arith.constant 228480 : i32
      %dma_wait3A_209 = tpu.memref_slice %arg3[%dma_wait3A_208] : memref<258048xf32, #tpu.memory_space<hbm>> -> memref<2688xf32, #tpu.memory_space<hbm>>
      %dma_wait3A_210 = arith.constant 5376 : i32
      %dma_wait3A_211 = tpu.memref_slice %arg4[%dma_wait3A_210] : memref<8064xf32, #tpu.memory_space<vmem>> -> memref<2688xf32, #tpu.memory_space<vmem>>
      tpu.wait_dma2 semaphore(%arg8 : memref<!tpu.dma_semaphore, #tpu.memory_space<semaphore_mem>>) src(%dma_wait3A_211 : memref<2688xf32, #tpu.memory_space<vmem>>) dst(%dma_wait3A_209 : memref<2688xf32, #tpu.memory_space<hbm>>)
      %dma_wait3A_212 = arith.constant 0 : i32
      %dma_wait3A_213 = tpu.memref_slice %arg4[%dma_wait3A_212] : memref<8064xf32, #tpu.memory_space<vmem>> -> memref<5376xf32, #tpu.memory_space<vmem>>
      %dma_wait3A_214 = arith.constant 142464 : i32
      %dma_wait3A_215 = tpu.memref_slice %arg3[%dma_wait3A_214] : memref<258048xf32, #tpu.memory_space<hbm>> -> memref<5376xf32, #tpu.memory_space<hbm>>
      %dma_wait3A_216 = arith.constant 142464 : i32
      %dma_wait3A_217 = tpu.memref_slice %arg3[%dma_wait3A_216] : memref<258048xf32, #tpu.memory_space<hbm>> -> memref<5376xf32, #tpu.memory_space<hbm>>
      %dma_wait3A_218 = arith.constant 0 : i32
      %dma_wait3A_219 = tpu.memref_slice %arg4[%dma_wait3A_218] : memref<8064xf32, #tpu.memory_space<vmem>> -> memref<5376xf32, #tpu.memory_space<vmem>>
      tpu.wait_dma2 semaphore(%arg7 : memref<!tpu.dma_semaphore, #tpu.memory_space<semaphore_mem>>) src(%dma_wait3A_219 : memref<5376xf32, #tpu.memory_space<vmem>>) dst(%dma_wait3A_217 : memref<5376xf32, #tpu.memory_space<hbm>>)
    } else {
    }
    %eq3A_108 = arith.constant 22 : i32
    %eq3A_109 = arith.cmpi eq, %add3A, %eq3A_108 : i32
    %convert_element_type3A_110 = arith.extui %eq3A_109 : i1 to i32
    %cond3A_111 = arith.constant 0 : i32
    %cond3A_112 = arith.cmpi ne, %convert_element_type3A_110, %cond3A_111 : i32
    scf.if %cond3A_112 {
      %dma_start3A = arith.constant 0 : i32
      %dma_start3A_158 = tpu.memref_slice %arg4[%dma_start3A] : memref<8064xf32, #tpu.memory_space<vmem>> -> memref<5248xf32, #tpu.memory_space<vmem>>
      %dma_start3A_159 = arith.constant 183168 : i32
      %dma_start3A_160 = tpu.memref_slice %arg2[%dma_start3A_159] : memref<524288xf32, #tpu.memory_space<hbm>> -> memref<5248xf32, #tpu.memory_space<hbm>>
      %dma_start3A_161 = arith.constant 0 : i32
      %dma_start3A_162 = tpu.memref_slice %arg4[%dma_start3A_161] : memref<8064xf32, #tpu.memory_space<vmem>> -> memref<5248xf32, #tpu.memory_space<vmem>>
      %dma_start3A_163 = arith.constant 183168 : i32
      %dma_start3A_164 = tpu.memref_slice %arg2[%dma_start3A_163] : memref<524288xf32, #tpu.memory_space<hbm>> -> memref<5248xf32, #tpu.memory_space<hbm>>
      tpu.enqueue_dma source(%dma_start3A_164 : memref<5248xf32, #tpu.memory_space<hbm>>) target(%dma_start3A_162 : memref<5248xf32, #tpu.memory_space<vmem>>) target_semaphore(%arg5 : memref<!tpu.dma_semaphore, #tpu.memory_space<semaphore_mem>>)
      %dma_start3A_165 = arith.constant 5248 : i32
      %dma_start3A_166 = tpu.memref_slice %arg4[%dma_start3A_165] : memref<8064xf32, #tpu.memory_space<vmem>> -> memref<2816xf32, #tpu.memory_space<vmem>>
      %dma_start3A_167 = arith.constant 341248 : i32
      %dma_start3A_168 = tpu.memref_slice %arg2[%dma_start3A_167] : memref<524288xf32, #tpu.memory_space<hbm>> -> memref<2816xf32, #tpu.memory_space<hbm>>
      %dma_start3A_169 = arith.constant 5248 : i32
      %dma_start3A_170 = tpu.memref_slice %arg4[%dma_start3A_169] : memref<8064xf32, #tpu.memory_space<vmem>> -> memref<2816xf32, #tpu.memory_space<vmem>>
      %dma_start3A_171 = arith.constant 341248 : i32
      %dma_start3A_172 = tpu.memref_slice %arg2[%dma_start3A_171] : memref<524288xf32, #tpu.memory_space<hbm>> -> memref<2816xf32, #tpu.memory_space<hbm>>
      tpu.enqueue_dma source(%dma_start3A_172 : memref<2816xf32, #tpu.memory_space<hbm>>) target(%dma_start3A_170 : memref<2816xf32, #tpu.memory_space<vmem>>) target_semaphore(%arg6 : memref<!tpu.dma_semaphore, #tpu.memory_space<semaphore_mem>>)
      %dma_wait3A = arith.constant 0 : i32
      %dma_wait3A_173 = tpu.memref_slice %arg4[%dma_wait3A] : memref<8064xf32, #tpu.memory_space<vmem>> -> memref<5248xf32, #tpu.memory_space<vmem>>
      %dma_wait3A_174 = arith.constant 183168 : i32
      %dma_wait3A_175 = tpu.memref_slice %arg2[%dma_wait3A_174] : memref<524288xf32, #tpu.memory_space<hbm>> -> memref<5248xf32, #tpu.memory_space<hbm>>
      %dma_wait3A_176 = arith.constant 0 : i32
      %dma_wait3A_177 = tpu.memref_slice %arg4[%dma_wait3A_176] : memref<8064xf32, #tpu.memory_space<vmem>> -> memref<5248xf32, #tpu.memory_space<vmem>>
      %dma_wait3A_178 = arith.constant 183168 : i32
      %dma_wait3A_179 = tpu.memref_slice %arg2[%dma_wait3A_178] : memref<524288xf32, #tpu.memory_space<hbm>> -> memref<5248xf32, #tpu.memory_space<hbm>>
      tpu.wait_dma2 semaphore(%arg5 : memref<!tpu.dma_semaphore, #tpu.memory_space<semaphore_mem>>) src(%dma_wait3A_179 : memref<5248xf32, #tpu.memory_space<hbm>>) dst(%dma_wait3A_177 : memref<5248xf32, #tpu.memory_space<vmem>>)
      %dma_start3A_180 = arith.constant 0 : i32
      %dma_start3A_181 = tpu.memref_slice %arg4[%dma_start3A_180] : memref<8064xf32, #tpu.memory_space<vmem>> -> memref<5248xf32, #tpu.memory_space<vmem>>
      %dma_start3A_182 = arith.constant 147840 : i32
      %dma_start3A_183 = tpu.memref_slice %arg3[%dma_start3A_182] : memref<258048xf32, #tpu.memory_space<hbm>> -> memref<5248xf32, #tpu.memory_space<hbm>>
      %dma_start3A_184 = arith.constant 147840 : i32
      %dma_start3A_185 = tpu.memref_slice %arg3[%dma_start3A_184] : memref<258048xf32, #tpu.memory_space<hbm>> -> memref<5248xf32, #tpu.memory_space<hbm>>
      %dma_start3A_186 = arith.constant 0 : i32
      %dma_start3A_187 = tpu.memref_slice %arg4[%dma_start3A_186] : memref<8064xf32, #tpu.memory_space<vmem>> -> memref<5248xf32, #tpu.memory_space<vmem>>
      tpu.enqueue_dma source(%dma_start3A_187 : memref<5248xf32, #tpu.memory_space<vmem>>) target(%dma_start3A_185 : memref<5248xf32, #tpu.memory_space<hbm>>) target_semaphore(%arg7 : memref<!tpu.dma_semaphore, #tpu.memory_space<semaphore_mem>>)
      %dma_wait3A_188 = arith.constant 5248 : i32
      %dma_wait3A_189 = tpu.memref_slice %arg4[%dma_wait3A_188] : memref<8064xf32, #tpu.memory_space<vmem>> -> memref<2816xf32, #tpu.memory_space<vmem>>
      %dma_wait3A_190 = arith.constant 341248 : i32
      %dma_wait3A_191 = tpu.memref_slice %arg2[%dma_wait3A_190] : memref<524288xf32, #tpu.memory_space<hbm>> -> memref<2816xf32, #tpu.memory_space<hbm>>
      %dma_wait3A_192 = arith.constant 5248 : i32
      %dma_wait3A_193 = tpu.memref_slice %arg4[%dma_wait3A_192] : memref<8064xf32, #tpu.memory_space<vmem>> -> memref<2816xf32, #tpu.memory_space<vmem>>
      %dma_wait3A_194 = arith.constant 341248 : i32
      %dma_wait3A_195 = tpu.memref_slice %arg2[%dma_wait3A_194] : memref<524288xf32, #tpu.memory_space<hbm>> -> memref<2816xf32, #tpu.memory_space<hbm>>
      tpu.wait_dma2 semaphore(%arg6 : memref<!tpu.dma_semaphore, #tpu.memory_space<semaphore_mem>>) src(%dma_wait3A_195 : memref<2816xf32, #tpu.memory_space<hbm>>) dst(%dma_wait3A_193 : memref<2816xf32, #tpu.memory_space<vmem>>)
      %dma_start3A_196 = arith.constant 5248 : i32
      %dma_start3A_197 = tpu.memref_slice %arg4[%dma_start3A_196] : memref<8064xf32, #tpu.memory_space<vmem>> -> memref<2816xf32, #tpu.memory_space<vmem>>
      %dma_start3A_198 = arith.constant 225664 : i32
      %dma_start3A_199 = tpu.memref_slice %arg3[%dma_start3A_198] : memref<258048xf32, #tpu.memory_space<hbm>> -> memref<2816xf32, #tpu.memory_space<hbm>>
      %dma_start3A_200 = arith.constant 225664 : i32
      %dma_start3A_201 = tpu.memref_slice %arg3[%dma_start3A_200] : memref<258048xf32, #tpu.memory_space<hbm>> -> memref<2816xf32, #tpu.memory_space<hbm>>
      %dma_start3A_202 = arith.constant 5248 : i32
      %dma_start3A_203 = tpu.memref_slice %arg4[%dma_start3A_202] : memref<8064xf32, #tpu.memory_space<vmem>> -> memref<2816xf32, #tpu.memory_space<vmem>>
      tpu.enqueue_dma source(%dma_start3A_203 : memref<2816xf32, #tpu.memory_space<vmem>>) target(%dma_start3A_201 : memref<2816xf32, #tpu.memory_space<hbm>>) target_semaphore(%arg8 : memref<!tpu.dma_semaphore, #tpu.memory_space<semaphore_mem>>)
      %dma_wait3A_204 = arith.constant 5248 : i32
      %dma_wait3A_205 = tpu.memref_slice %arg4[%dma_wait3A_204] : memref<8064xf32, #tpu.memory_space<vmem>> -> memref<2816xf32, #tpu.memory_space<vmem>>
      %dma_wait3A_206 = arith.constant 225664 : i32
      %dma_wait3A_207 = tpu.memref_slice %arg3[%dma_wait3A_206] : memref<258048xf32, #tpu.memory_space<hbm>> -> memref<2816xf32, #tpu.memory_space<hbm>>
      %dma_wait3A_208 = arith.constant 225664 : i32
      %dma_wait3A_209 = tpu.memref_slice %arg3[%dma_wait3A_208] : memref<258048xf32, #tpu.memory_space<hbm>> -> memref<2816xf32, #tpu.memory_space<hbm>>
      %dma_wait3A_210 = arith.constant 5248 : i32
      %dma_wait3A_211 = tpu.memref_slice %arg4[%dma_wait3A_210] : memref<8064xf32, #tpu.memory_space<vmem>> -> memref<2816xf32, #tpu.memory_space<vmem>>
      tpu.wait_dma2 semaphore(%arg8 : memref<!tpu.dma_semaphore, #tpu.memory_space<semaphore_mem>>) src(%dma_wait3A_211 : memref<2816xf32, #tpu.memory_space<vmem>>) dst(%dma_wait3A_209 : memref<2816xf32, #tpu.memory_space<hbm>>)
      %dma_wait3A_212 = arith.constant 0 : i32
      %dma_wait3A_213 = tpu.memref_slice %arg4[%dma_wait3A_212] : memref<8064xf32, #tpu.memory_space<vmem>> -> memref<5248xf32, #tpu.memory_space<vmem>>
      %dma_wait3A_214 = arith.constant 147840 : i32
      %dma_wait3A_215 = tpu.memref_slice %arg3[%dma_wait3A_214] : memref<258048xf32, #tpu.memory_space<hbm>> -> memref<5248xf32, #tpu.memory_space<hbm>>
      %dma_wait3A_216 = arith.constant 147840 : i32
      %dma_wait3A_217 = tpu.memref_slice %arg3[%dma_wait3A_216] : memref<258048xf32, #tpu.memory_space<hbm>> -> memref<5248xf32, #tpu.memory_space<hbm>>
      %dma_wait3A_218 = arith.constant 0 : i32
      %dma_wait3A_219 = tpu.memref_slice %arg4[%dma_wait3A_218] : memref<8064xf32, #tpu.memory_space<vmem>> -> memref<5248xf32, #tpu.memory_space<vmem>>
      tpu.wait_dma2 semaphore(%arg7 : memref<!tpu.dma_semaphore, #tpu.memory_space<semaphore_mem>>) src(%dma_wait3A_219 : memref<5248xf32, #tpu.memory_space<vmem>>) dst(%dma_wait3A_217 : memref<5248xf32, #tpu.memory_space<hbm>>)
    } else {
    }
    %eq3A_113 = arith.constant 23 : i32
    %eq3A_114 = arith.cmpi eq, %add3A, %eq3A_113 : i32
    %convert_element_type3A_115 = arith.extui %eq3A_114 : i1 to i32
    %cond3A_116 = arith.constant 0 : i32
    %cond3A_117 = arith.cmpi ne, %convert_element_type3A_115, %cond3A_116 : i32
    scf.if %cond3A_117 {
      %dma_start3A = arith.constant 0 : i32
      %dma_start3A_158 = tpu.memref_slice %arg4[%dma_start3A] : memref<8064xf32, #tpu.memory_space<vmem>> -> memref<5120xf32, #tpu.memory_space<vmem>>
      %dma_start3A_159 = arith.constant 191488 : i32
      %dma_start3A_160 = tpu.memref_slice %arg2[%dma_start3A_159] : memref<524288xf32, #tpu.memory_space<hbm>> -> memref<5120xf32, #tpu.memory_space<hbm>>
      %dma_start3A_161 = arith.constant 0 : i32
      %dma_start3A_162 = tpu.memref_slice %arg4[%dma_start3A_161] : memref<8064xf32, #tpu.memory_space<vmem>> -> memref<5120xf32, #tpu.memory_space<vmem>>
      %dma_start3A_163 = arith.constant 191488 : i32
      %dma_start3A_164 = tpu.memref_slice %arg2[%dma_start3A_163] : memref<524288xf32, #tpu.memory_space<hbm>> -> memref<5120xf32, #tpu.memory_space<hbm>>
      tpu.enqueue_dma source(%dma_start3A_164 : memref<5120xf32, #tpu.memory_space<hbm>>) target(%dma_start3A_162 : memref<5120xf32, #tpu.memory_space<vmem>>) target_semaphore(%arg5 : memref<!tpu.dma_semaphore, #tpu.memory_space<semaphore_mem>>)
      %dma_start3A_165 = arith.constant 5120 : i32
      %dma_start3A_166 = tpu.memref_slice %arg4[%dma_start3A_165] : memref<8064xf32, #tpu.memory_space<vmem>> -> memref<2944xf32, #tpu.memory_space<vmem>>
      %dma_start3A_167 = arith.constant 332928 : i32
      %dma_start3A_168 = tpu.memref_slice %arg2[%dma_start3A_167] : memref<524288xf32, #tpu.memory_space<hbm>> -> memref<2944xf32, #tpu.memory_space<hbm>>
      %dma_start3A_169 = arith.constant 5120 : i32
      %dma_start3A_170 = tpu.memref_slice %arg4[%dma_start3A_169] : memref<8064xf32, #tpu.memory_space<vmem>> -> memref<2944xf32, #tpu.memory_space<vmem>>
      %dma_start3A_171 = arith.constant 332928 : i32
      %dma_start3A_172 = tpu.memref_slice %arg2[%dma_start3A_171] : memref<524288xf32, #tpu.memory_space<hbm>> -> memref<2944xf32, #tpu.memory_space<hbm>>
      tpu.enqueue_dma source(%dma_start3A_172 : memref<2944xf32, #tpu.memory_space<hbm>>) target(%dma_start3A_170 : memref<2944xf32, #tpu.memory_space<vmem>>) target_semaphore(%arg6 : memref<!tpu.dma_semaphore, #tpu.memory_space<semaphore_mem>>)
      %dma_wait3A = arith.constant 0 : i32
      %dma_wait3A_173 = tpu.memref_slice %arg4[%dma_wait3A] : memref<8064xf32, #tpu.memory_space<vmem>> -> memref<5120xf32, #tpu.memory_space<vmem>>
      %dma_wait3A_174 = arith.constant 191488 : i32
      %dma_wait3A_175 = tpu.memref_slice %arg2[%dma_wait3A_174] : memref<524288xf32, #tpu.memory_space<hbm>> -> memref<5120xf32, #tpu.memory_space<hbm>>
      %dma_wait3A_176 = arith.constant 0 : i32
      %dma_wait3A_177 = tpu.memref_slice %arg4[%dma_wait3A_176] : memref<8064xf32, #tpu.memory_space<vmem>> -> memref<5120xf32, #tpu.memory_space<vmem>>
      %dma_wait3A_178 = arith.constant 191488 : i32
      %dma_wait3A_179 = tpu.memref_slice %arg2[%dma_wait3A_178] : memref<524288xf32, #tpu.memory_space<hbm>> -> memref<5120xf32, #tpu.memory_space<hbm>>
      tpu.wait_dma2 semaphore(%arg5 : memref<!tpu.dma_semaphore, #tpu.memory_space<semaphore_mem>>) src(%dma_wait3A_179 : memref<5120xf32, #tpu.memory_space<hbm>>) dst(%dma_wait3A_177 : memref<5120xf32, #tpu.memory_space<vmem>>)
      %dma_start3A_180 = arith.constant 0 : i32
      %dma_start3A_181 = tpu.memref_slice %arg4[%dma_start3A_180] : memref<8064xf32, #tpu.memory_space<vmem>> -> memref<5120xf32, #tpu.memory_space<vmem>>
      %dma_start3A_182 = arith.constant 153088 : i32
      %dma_start3A_183 = tpu.memref_slice %arg3[%dma_start3A_182] : memref<258048xf32, #tpu.memory_space<hbm>> -> memref<5120xf32, #tpu.memory_space<hbm>>
      %dma_start3A_184 = arith.constant 153088 : i32
      %dma_start3A_185 = tpu.memref_slice %arg3[%dma_start3A_184] : memref<258048xf32, #tpu.memory_space<hbm>> -> memref<5120xf32, #tpu.memory_space<hbm>>
      %dma_start3A_186 = arith.constant 0 : i32
      %dma_start3A_187 = tpu.memref_slice %arg4[%dma_start3A_186] : memref<8064xf32, #tpu.memory_space<vmem>> -> memref<5120xf32, #tpu.memory_space<vmem>>
      tpu.enqueue_dma source(%dma_start3A_187 : memref<5120xf32, #tpu.memory_space<vmem>>) target(%dma_start3A_185 : memref<5120xf32, #tpu.memory_space<hbm>>) target_semaphore(%arg7 : memref<!tpu.dma_semaphore, #tpu.memory_space<semaphore_mem>>)
      %dma_wait3A_188 = arith.constant 5120 : i32
      %dma_wait3A_189 = tpu.memref_slice %arg4[%dma_wait3A_188] : memref<8064xf32, #tpu.memory_space<vmem>> -> memref<2944xf32, #tpu.memory_space<vmem>>
      %dma_wait3A_190 = arith.constant 332928 : i32
      %dma_wait3A_191 = tpu.memref_slice %arg2[%dma_wait3A_190] : memref<524288xf32, #tpu.memory_space<hbm>> -> memref<2944xf32, #tpu.memory_space<hbm>>
      %dma_wait3A_192 = arith.constant 5120 : i32
      %dma_wait3A_193 = tpu.memref_slice %arg4[%dma_wait3A_192] : memref<8064xf32, #tpu.memory_space<vmem>> -> memref<2944xf32, #tpu.memory_space<vmem>>
      %dma_wait3A_194 = arith.constant 332928 : i32
      %dma_wait3A_195 = tpu.memref_slice %arg2[%dma_wait3A_194] : memref<524288xf32, #tpu.memory_space<hbm>> -> memref<2944xf32, #tpu.memory_space<hbm>>
      tpu.wait_dma2 semaphore(%arg6 : memref<!tpu.dma_semaphore, #tpu.memory_space<semaphore_mem>>) src(%dma_wait3A_195 : memref<2944xf32, #tpu.memory_space<hbm>>) dst(%dma_wait3A_193 : memref<2944xf32, #tpu.memory_space<vmem>>)
      %dma_start3A_196 = arith.constant 5120 : i32
      %dma_start3A_197 = tpu.memref_slice %arg4[%dma_start3A_196] : memref<8064xf32, #tpu.memory_space<vmem>> -> memref<2944xf32, #tpu.memory_space<vmem>>
      %dma_start3A_198 = arith.constant 222720 : i32
      %dma_start3A_199 = tpu.memref_slice %arg3[%dma_start3A_198] : memref<258048xf32, #tpu.memory_space<hbm>> -> memref<2944xf32, #tpu.memory_space<hbm>>
      %dma_start3A_200 = arith.constant 222720 : i32
      %dma_start3A_201 = tpu.memref_slice %arg3[%dma_start3A_200] : memref<258048xf32, #tpu.memory_space<hbm>> -> memref<2944xf32, #tpu.memory_space<hbm>>
      %dma_start3A_202 = arith.constant 5120 : i32
      %dma_start3A_203 = tpu.memref_slice %arg4[%dma_start3A_202] : memref<8064xf32, #tpu.memory_space<vmem>> -> memref<2944xf32, #tpu.memory_space<vmem>>
      tpu.enqueue_dma source(%dma_start3A_203 : memref<2944xf32, #tpu.memory_space<vmem>>) target(%dma_start3A_201 : memref<2944xf32, #tpu.memory_space<hbm>>) target_semaphore(%arg8 : memref<!tpu.dma_semaphore, #tpu.memory_space<semaphore_mem>>)
      %dma_wait3A_204 = arith.constant 5120 : i32
      %dma_wait3A_205 = tpu.memref_slice %arg4[%dma_wait3A_204] : memref<8064xf32, #tpu.memory_space<vmem>> -> memref<2944xf32, #tpu.memory_space<vmem>>
      %dma_wait3A_206 = arith.constant 222720 : i32
      %dma_wait3A_207 = tpu.memref_slice %arg3[%dma_wait3A_206] : memref<258048xf32, #tpu.memory_space<hbm>> -> memref<2944xf32, #tpu.memory_space<hbm>>
      %dma_wait3A_208 = arith.constant 222720 : i32
      %dma_wait3A_209 = tpu.memref_slice %arg3[%dma_wait3A_208] : memref<258048xf32, #tpu.memory_space<hbm>> -> memref<2944xf32, #tpu.memory_space<hbm>>
      %dma_wait3A_210 = arith.constant 5120 : i32
      %dma_wait3A_211 = tpu.memref_slice %arg4[%dma_wait3A_210] : memref<8064xf32, #tpu.memory_space<vmem>> -> memref<2944xf32, #tpu.memory_space<vmem>>
      tpu.wait_dma2 semaphore(%arg8 : memref<!tpu.dma_semaphore, #tpu.memory_space<semaphore_mem>>) src(%dma_wait3A_211 : memref<2944xf32, #tpu.memory_space<vmem>>) dst(%dma_wait3A_209 : memref<2944xf32, #tpu.memory_space<hbm>>)
      %dma_wait3A_212 = arith.constant 0 : i32
      %dma_wait3A_213 = tpu.memref_slice %arg4[%dma_wait3A_212] : memref<8064xf32, #tpu.memory_space<vmem>> -> memref<5120xf32, #tpu.memory_space<vmem>>
      %dma_wait3A_214 = arith.constant 153088 : i32
      %dma_wait3A_215 = tpu.memref_slice %arg3[%dma_wait3A_214] : memref<258048xf32, #tpu.memory_space<hbm>> -> memref<5120xf32, #tpu.memory_space<hbm>>
      %dma_wait3A_216 = arith.constant 153088 : i32
      %dma_wait3A_217 = tpu.memref_slice %arg3[%dma_wait3A_216] : memref<258048xf32, #tpu.memory_space<hbm>> -> memref<5120xf32, #tpu.memory_space<hbm>>
      %dma_wait3A_218 = arith.constant 0 : i32
      %dma_wait3A_219 = tpu.memref_slice %arg4[%dma_wait3A_218] : memref<8064xf32, #tpu.memory_space<vmem>> -> memref<5120xf32, #tpu.memory_space<vmem>>
      tpu.wait_dma2 semaphore(%arg7 : memref<!tpu.dma_semaphore, #tpu.memory_space<semaphore_mem>>) src(%dma_wait3A_219 : memref<5120xf32, #tpu.memory_space<vmem>>) dst(%dma_wait3A_217 : memref<5120xf32, #tpu.memory_space<hbm>>)
    } else {
    }
    %eq3A_118 = arith.constant 24 : i32
    %eq3A_119 = arith.cmpi eq, %add3A, %eq3A_118 : i32
    %convert_element_type3A_120 = arith.extui %eq3A_119 : i1 to i32
    %cond3A_121 = arith.constant 0 : i32
    %cond3A_122 = arith.cmpi ne, %convert_element_type3A_120, %cond3A_121 : i32
    scf.if %cond3A_122 {
      %dma_start3A = arith.constant 0 : i32
      %dma_start3A_158 = tpu.memref_slice %arg4[%dma_start3A] : memref<8064xf32, #tpu.memory_space<vmem>> -> memref<4992xf32, #tpu.memory_space<vmem>>
      %dma_start3A_159 = arith.constant 199808 : i32
      %dma_start3A_160 = tpu.memref_slice %arg2[%dma_start3A_159] : memref<524288xf32, #tpu.memory_space<hbm>> -> memref<4992xf32, #tpu.memory_space<hbm>>
      %dma_start3A_161 = arith.constant 0 : i32
      %dma_start3A_162 = tpu.memref_slice %arg4[%dma_start3A_161] : memref<8064xf32, #tpu.memory_space<vmem>> -> memref<4992xf32, #tpu.memory_space<vmem>>
      %dma_start3A_163 = arith.constant 199808 : i32
      %dma_start3A_164 = tpu.memref_slice %arg2[%dma_start3A_163] : memref<524288xf32, #tpu.memory_space<hbm>> -> memref<4992xf32, #tpu.memory_space<hbm>>
      tpu.enqueue_dma source(%dma_start3A_164 : memref<4992xf32, #tpu.memory_space<hbm>>) target(%dma_start3A_162 : memref<4992xf32, #tpu.memory_space<vmem>>) target_semaphore(%arg5 : memref<!tpu.dma_semaphore, #tpu.memory_space<semaphore_mem>>)
      %dma_start3A_165 = arith.constant 4992 : i32
      %dma_start3A_166 = tpu.memref_slice %arg4[%dma_start3A_165] : memref<8064xf32, #tpu.memory_space<vmem>> -> memref<3072xf32, #tpu.memory_space<vmem>>
      %dma_start3A_167 = arith.constant 324608 : i32
      %dma_start3A_168 = tpu.memref_slice %arg2[%dma_start3A_167] : memref<524288xf32, #tpu.memory_space<hbm>> -> memref<3072xf32, #tpu.memory_space<hbm>>
      %dma_start3A_169 = arith.constant 4992 : i32
      %dma_start3A_170 = tpu.memref_slice %arg4[%dma_start3A_169] : memref<8064xf32, #tpu.memory_space<vmem>> -> memref<3072xf32, #tpu.memory_space<vmem>>
      %dma_start3A_171 = arith.constant 324608 : i32
      %dma_start3A_172 = tpu.memref_slice %arg2[%dma_start3A_171] : memref<524288xf32, #tpu.memory_space<hbm>> -> memref<3072xf32, #tpu.memory_space<hbm>>
      tpu.enqueue_dma source(%dma_start3A_172 : memref<3072xf32, #tpu.memory_space<hbm>>) target(%dma_start3A_170 : memref<3072xf32, #tpu.memory_space<vmem>>) target_semaphore(%arg6 : memref<!tpu.dma_semaphore, #tpu.memory_space<semaphore_mem>>)
      %dma_wait3A = arith.constant 0 : i32
      %dma_wait3A_173 = tpu.memref_slice %arg4[%dma_wait3A] : memref<8064xf32, #tpu.memory_space<vmem>> -> memref<4992xf32, #tpu.memory_space<vmem>>
      %dma_wait3A_174 = arith.constant 199808 : i32
      %dma_wait3A_175 = tpu.memref_slice %arg2[%dma_wait3A_174] : memref<524288xf32, #tpu.memory_space<hbm>> -> memref<4992xf32, #tpu.memory_space<hbm>>
      %dma_wait3A_176 = arith.constant 0 : i32
      %dma_wait3A_177 = tpu.memref_slice %arg4[%dma_wait3A_176] : memref<8064xf32, #tpu.memory_space<vmem>> -> memref<4992xf32, #tpu.memory_space<vmem>>
      %dma_wait3A_178 = arith.constant 199808 : i32
      %dma_wait3A_179 = tpu.memref_slice %arg2[%dma_wait3A_178] : memref<524288xf32, #tpu.memory_space<hbm>> -> memref<4992xf32, #tpu.memory_space<hbm>>
      tpu.wait_dma2 semaphore(%arg5 : memref<!tpu.dma_semaphore, #tpu.memory_space<semaphore_mem>>) src(%dma_wait3A_179 : memref<4992xf32, #tpu.memory_space<hbm>>) dst(%dma_wait3A_177 : memref<4992xf32, #tpu.memory_space<vmem>>)
      %dma_start3A_180 = arith.constant 0 : i32
      %dma_start3A_181 = tpu.memref_slice %arg4[%dma_start3A_180] : memref<8064xf32, #tpu.memory_space<vmem>> -> memref<4992xf32, #tpu.memory_space<vmem>>
      %dma_start3A_182 = arith.constant 158208 : i32
      %dma_start3A_183 = tpu.memref_slice %arg3[%dma_start3A_182] : memref<258048xf32, #tpu.memory_space<hbm>> -> memref<4992xf32, #tpu.memory_space<hbm>>
      %dma_start3A_184 = arith.constant 158208 : i32
      %dma_start3A_185 = tpu.memref_slice %arg3[%dma_start3A_184] : memref<258048xf32, #tpu.memory_space<hbm>> -> memref<4992xf32, #tpu.memory_space<hbm>>
      %dma_start3A_186 = arith.constant 0 : i32
      %dma_start3A_187 = tpu.memref_slice %arg4[%dma_start3A_186] : memref<8064xf32, #tpu.memory_space<vmem>> -> memref<4992xf32, #tpu.memory_space<vmem>>
      tpu.enqueue_dma source(%dma_start3A_187 : memref<4992xf32, #tpu.memory_space<vmem>>) target(%dma_start3A_185 : memref<4992xf32, #tpu.memory_space<hbm>>) target_semaphore(%arg7 : memref<!tpu.dma_semaphore, #tpu.memory_space<semaphore_mem>>)
      %dma_wait3A_188 = arith.constant 4992 : i32
      %dma_wait3A_189 = tpu.memref_slice %arg4[%dma_wait3A_188] : memref<8064xf32, #tpu.memory_space<vmem>> -> memref<3072xf32, #tpu.memory_space<vmem>>
      %dma_wait3A_190 = arith.constant 324608 : i32
      %dma_wait3A_191 = tpu.memref_slice %arg2[%dma_wait3A_190] : memref<524288xf32, #tpu.memory_space<hbm>> -> memref<3072xf32, #tpu.memory_space<hbm>>
      %dma_wait3A_192 = arith.constant 4992 : i32
      %dma_wait3A_193 = tpu.memref_slice %arg4[%dma_wait3A_192] : memref<8064xf32, #tpu.memory_space<vmem>> -> memref<3072xf32, #tpu.memory_space<vmem>>
      %dma_wait3A_194 = arith.constant 324608 : i32
      %dma_wait3A_195 = tpu.memref_slice %arg2[%dma_wait3A_194] : memref<524288xf32, #tpu.memory_space<hbm>> -> memref<3072xf32, #tpu.memory_space<hbm>>
      tpu.wait_dma2 semaphore(%arg6 : memref<!tpu.dma_semaphore, #tpu.memory_space<semaphore_mem>>) src(%dma_wait3A_195 : memref<3072xf32, #tpu.memory_space<hbm>>) dst(%dma_wait3A_193 : memref<3072xf32, #tpu.memory_space<vmem>>)
      %dma_start3A_196 = arith.constant 4992 : i32
      %dma_start3A_197 = tpu.memref_slice %arg4[%dma_start3A_196] : memref<8064xf32, #tpu.memory_space<vmem>> -> memref<3072xf32, #tpu.memory_space<vmem>>
      %dma_start3A_198 = arith.constant 219648 : i32
      %dma_start3A_199 = tpu.memref_slice %arg3[%dma_start3A_198] : memref<258048xf32, #tpu.memory_space<hbm>> -> memref<3072xf32, #tpu.memory_space<hbm>>
      %dma_start3A_200 = arith.constant 219648 : i32
      %dma_start3A_201 = tpu.memref_slice %arg3[%dma_start3A_200] : memref<258048xf32, #tpu.memory_space<hbm>> -> memref<3072xf32, #tpu.memory_space<hbm>>
      %dma_start3A_202 = arith.constant 4992 : i32
      %dma_start3A_203 = tpu.memref_slice %arg4[%dma_start3A_202] : memref<8064xf32, #tpu.memory_space<vmem>> -> memref<3072xf32, #tpu.memory_space<vmem>>
      tpu.enqueue_dma source(%dma_start3A_203 : memref<3072xf32, #tpu.memory_space<vmem>>) target(%dma_start3A_201 : memref<3072xf32, #tpu.memory_space<hbm>>) target_semaphore(%arg8 : memref<!tpu.dma_semaphore, #tpu.memory_space<semaphore_mem>>)
      %dma_wait3A_204 = arith.constant 4992 : i32
      %dma_wait3A_205 = tpu.memref_slice %arg4[%dma_wait3A_204] : memref<8064xf32, #tpu.memory_space<vmem>> -> memref<3072xf32, #tpu.memory_space<vmem>>
      %dma_wait3A_206 = arith.constant 219648 : i32
      %dma_wait3A_207 = tpu.memref_slice %arg3[%dma_wait3A_206] : memref<258048xf32, #tpu.memory_space<hbm>> -> memref<3072xf32, #tpu.memory_space<hbm>>
      %dma_wait3A_208 = arith.constant 219648 : i32
      %dma_wait3A_209 = tpu.memref_slice %arg3[%dma_wait3A_208] : memref<258048xf32, #tpu.memory_space<hbm>> -> memref<3072xf32, #tpu.memory_space<hbm>>
      %dma_wait3A_210 = arith.constant 4992 : i32
      %dma_wait3A_211 = tpu.memref_slice %arg4[%dma_wait3A_210] : memref<8064xf32, #tpu.memory_space<vmem>> -> memref<3072xf32, #tpu.memory_space<vmem>>
      tpu.wait_dma2 semaphore(%arg8 : memref<!tpu.dma_semaphore, #tpu.memory_space<semaphore_mem>>) src(%dma_wait3A_211 : memref<3072xf32, #tpu.memory_space<vmem>>) dst(%dma_wait3A_209 : memref<3072xf32, #tpu.memory_space<hbm>>)
      %dma_wait3A_212 = arith.constant 0 : i32
      %dma_wait3A_213 = tpu.memref_slice %arg4[%dma_wait3A_212] : memref<8064xf32, #tpu.memory_space<vmem>> -> memref<4992xf32, #tpu.memory_space<vmem>>
      %dma_wait3A_214 = arith.constant 158208 : i32
      %dma_wait3A_215 = tpu.memref_slice %arg3[%dma_wait3A_214] : memref<258048xf32, #tpu.memory_space<hbm>> -> memref<4992xf32, #tpu.memory_space<hbm>>
      %dma_wait3A_216 = arith.constant 158208 : i32
      %dma_wait3A_217 = tpu.memref_slice %arg3[%dma_wait3A_216] : memref<258048xf32, #tpu.memory_space<hbm>> -> memref<4992xf32, #tpu.memory_space<hbm>>
      %dma_wait3A_218 = arith.constant 0 : i32
      %dma_wait3A_219 = tpu.memref_slice %arg4[%dma_wait3A_218] : memref<8064xf32, #tpu.memory_space<vmem>> -> memref<4992xf32, #tpu.memory_space<vmem>>
      tpu.wait_dma2 semaphore(%arg7 : memref<!tpu.dma_semaphore, #tpu.memory_space<semaphore_mem>>) src(%dma_wait3A_219 : memref<4992xf32, #tpu.memory_space<vmem>>) dst(%dma_wait3A_217 : memref<4992xf32, #tpu.memory_space<hbm>>)
    } else {
    }
    %eq3A_123 = arith.constant 25 : i32
    %eq3A_124 = arith.cmpi eq, %add3A, %eq3A_123 : i32
    %convert_element_type3A_125 = arith.extui %eq3A_124 : i1 to i32
    %cond3A_126 = arith.constant 0 : i32
    %cond3A_127 = arith.cmpi ne, %convert_element_type3A_125, %cond3A_126 : i32
    scf.if %cond3A_127 {
      %dma_start3A = arith.constant 0 : i32
      %dma_start3A_158 = tpu.memref_slice %arg4[%dma_start3A] : memref<8064xf32, #tpu.memory_space<vmem>> -> memref<4864xf32, #tpu.memory_space<vmem>>
      %dma_start3A_159 = arith.constant 208128 : i32
      %dma_start3A_160 = tpu.memref_slice %arg2[%dma_start3A_159] : memref<524288xf32, #tpu.memory_space<hbm>> -> memref<4864xf32, #tpu.memory_space<hbm>>
      %dma_start3A_161 = arith.constant 0 : i32
      %dma_start3A_162 = tpu.memref_slice %arg4[%dma_start3A_161] : memref<8064xf32, #tpu.memory_space<vmem>> -> memref<4864xf32, #tpu.memory_space<vmem>>
      %dma_start3A_163 = arith.constant 208128 : i32
      %dma_start3A_164 = tpu.memref_slice %arg2[%dma_start3A_163] : memref<524288xf32, #tpu.memory_space<hbm>> -> memref<4864xf32, #tpu.memory_space<hbm>>
      tpu.enqueue_dma source(%dma_start3A_164 : memref<4864xf32, #tpu.memory_space<hbm>>) target(%dma_start3A_162 : memref<4864xf32, #tpu.memory_space<vmem>>) target_semaphore(%arg5 : memref<!tpu.dma_semaphore, #tpu.memory_space<semaphore_mem>>)
      %dma_start3A_165 = arith.constant 4864 : i32
      %dma_start3A_166 = tpu.memref_slice %arg4[%dma_start3A_165] : memref<8064xf32, #tpu.memory_space<vmem>> -> memref<3200xf32, #tpu.memory_space<vmem>>
      %dma_start3A_167 = arith.constant 316288 : i32
      %dma_start3A_168 = tpu.memref_slice %arg2[%dma_start3A_167] : memref<524288xf32, #tpu.memory_space<hbm>> -> memref<3200xf32, #tpu.memory_space<hbm>>
      %dma_start3A_169 = arith.constant 4864 : i32
      %dma_start3A_170 = tpu.memref_slice %arg4[%dma_start3A_169] : memref<8064xf32, #tpu.memory_space<vmem>> -> memref<3200xf32, #tpu.memory_space<vmem>>
      %dma_start3A_171 = arith.constant 316288 : i32
      %dma_start3A_172 = tpu.memref_slice %arg2[%dma_start3A_171] : memref<524288xf32, #tpu.memory_space<hbm>> -> memref<3200xf32, #tpu.memory_space<hbm>>
      tpu.enqueue_dma source(%dma_start3A_172 : memref<3200xf32, #tpu.memory_space<hbm>>) target(%dma_start3A_170 : memref<3200xf32, #tpu.memory_space<vmem>>) target_semaphore(%arg6 : memref<!tpu.dma_semaphore, #tpu.memory_space<semaphore_mem>>)
      %dma_wait3A = arith.constant 0 : i32
      %dma_wait3A_173 = tpu.memref_slice %arg4[%dma_wait3A] : memref<8064xf32, #tpu.memory_space<vmem>> -> memref<4864xf32, #tpu.memory_space<vmem>>
      %dma_wait3A_174 = arith.constant 208128 : i32
      %dma_wait3A_175 = tpu.memref_slice %arg2[%dma_wait3A_174] : memref<524288xf32, #tpu.memory_space<hbm>> -> memref<4864xf32, #tpu.memory_space<hbm>>
      %dma_wait3A_176 = arith.constant 0 : i32
      %dma_wait3A_177 = tpu.memref_slice %arg4[%dma_wait3A_176] : memref<8064xf32, #tpu.memory_space<vmem>> -> memref<4864xf32, #tpu.memory_space<vmem>>
      %dma_wait3A_178 = arith.constant 208128 : i32
      %dma_wait3A_179 = tpu.memref_slice %arg2[%dma_wait3A_178] : memref<524288xf32, #tpu.memory_space<hbm>> -> memref<4864xf32, #tpu.memory_space<hbm>>
      tpu.wait_dma2 semaphore(%arg5 : memref<!tpu.dma_semaphore, #tpu.memory_space<semaphore_mem>>) src(%dma_wait3A_179 : memref<4864xf32, #tpu.memory_space<hbm>>) dst(%dma_wait3A_177 : memref<4864xf32, #tpu.memory_space<vmem>>)
      %dma_start3A_180 = arith.constant 0 : i32
      %dma_start3A_181 = tpu.memref_slice %arg4[%dma_start3A_180] : memref<8064xf32, #tpu.memory_space<vmem>> -> memref<4864xf32, #tpu.memory_space<vmem>>
      %dma_start3A_182 = arith.constant 163200 : i32
      %dma_start3A_183 = tpu.memref_slice %arg3[%dma_start3A_182] : memref<258048xf32, #tpu.memory_space<hbm>> -> memref<4864xf32, #tpu.memory_space<hbm>>
      %dma_start3A_184 = arith.constant 163200 : i32
      %dma_start3A_185 = tpu.memref_slice %arg3[%dma_start3A_184] : memref<258048xf32, #tpu.memory_space<hbm>> -> memref<4864xf32, #tpu.memory_space<hbm>>
      %dma_start3A_186 = arith.constant 0 : i32
      %dma_start3A_187 = tpu.memref_slice %arg4[%dma_start3A_186] : memref<8064xf32, #tpu.memory_space<vmem>> -> memref<4864xf32, #tpu.memory_space<vmem>>
      tpu.enqueue_dma source(%dma_start3A_187 : memref<4864xf32, #tpu.memory_space<vmem>>) target(%dma_start3A_185 : memref<4864xf32, #tpu.memory_space<hbm>>) target_semaphore(%arg7 : memref<!tpu.dma_semaphore, #tpu.memory_space<semaphore_mem>>)
      %dma_wait3A_188 = arith.constant 4864 : i32
      %dma_wait3A_189 = tpu.memref_slice %arg4[%dma_wait3A_188] : memref<8064xf32, #tpu.memory_space<vmem>> -> memref<3200xf32, #tpu.memory_space<vmem>>
      %dma_wait3A_190 = arith.constant 316288 : i32
      %dma_wait3A_191 = tpu.memref_slice %arg2[%dma_wait3A_190] : memref<524288xf32, #tpu.memory_space<hbm>> -> memref<3200xf32, #tpu.memory_space<hbm>>
      %dma_wait3A_192 = arith.constant 4864 : i32
      %dma_wait3A_193 = tpu.memref_slice %arg4[%dma_wait3A_192] : memref<8064xf32, #tpu.memory_space<vmem>> -> memref<3200xf32, #tpu.memory_space<vmem>>
      %dma_wait3A_194 = arith.constant 316288 : i32
      %dma_wait3A_195 = tpu.memref_slice %arg2[%dma_wait3A_194] : memref<524288xf32, #tpu.memory_space<hbm>> -> memref<3200xf32, #tpu.memory_space<hbm>>
      tpu.wait_dma2 semaphore(%arg6 : memref<!tpu.dma_semaphore, #tpu.memory_space<semaphore_mem>>) src(%dma_wait3A_195 : memref<3200xf32, #tpu.memory_space<hbm>>) dst(%dma_wait3A_193 : memref<3200xf32, #tpu.memory_space<vmem>>)
      %dma_start3A_196 = arith.constant 4864 : i32
      %dma_start3A_197 = tpu.memref_slice %arg4[%dma_start3A_196] : memref<8064xf32, #tpu.memory_space<vmem>> -> memref<3200xf32, #tpu.memory_space<vmem>>
      %dma_start3A_198 = arith.constant 216448 : i32
      %dma_start3A_199 = tpu.memref_slice %arg3[%dma_start3A_198] : memref<258048xf32, #tpu.memory_space<hbm>> -> memref<3200xf32, #tpu.memory_space<hbm>>
      %dma_start3A_200 = arith.constant 216448 : i32
      %dma_start3A_201 = tpu.memref_slice %arg3[%dma_start3A_200] : memref<258048xf32, #tpu.memory_space<hbm>> -> memref<3200xf32, #tpu.memory_space<hbm>>
      %dma_start3A_202 = arith.constant 4864 : i32
      %dma_start3A_203 = tpu.memref_slice %arg4[%dma_start3A_202] : memref<8064xf32, #tpu.memory_space<vmem>> -> memref<3200xf32, #tpu.memory_space<vmem>>
      tpu.enqueue_dma source(%dma_start3A_203 : memref<3200xf32, #tpu.memory_space<vmem>>) target(%dma_start3A_201 : memref<3200xf32, #tpu.memory_space<hbm>>) target_semaphore(%arg8 : memref<!tpu.dma_semaphore, #tpu.memory_space<semaphore_mem>>)
      %dma_wait3A_204 = arith.constant 4864 : i32
      %dma_wait3A_205 = tpu.memref_slice %arg4[%dma_wait3A_204] : memref<8064xf32, #tpu.memory_space<vmem>> -> memref<3200xf32, #tpu.memory_space<vmem>>
      %dma_wait3A_206 = arith.constant 216448 : i32
      %dma_wait3A_207 = tpu.memref_slice %arg3[%dma_wait3A_206] : memref<258048xf32, #tpu.memory_space<hbm>> -> memref<3200xf32, #tpu.memory_space<hbm>>
      %dma_wait3A_208 = arith.constant 216448 : i32
      %dma_wait3A_209 = tpu.memref_slice %arg3[%dma_wait3A_208] : memref<258048xf32, #tpu.memory_space<hbm>> -> memref<3200xf32, #tpu.memory_space<hbm>>
      %dma_wait3A_210 = arith.constant 4864 : i32
      %dma_wait3A_211 = tpu.memref_slice %arg4[%dma_wait3A_210] : memref<8064xf32, #tpu.memory_space<vmem>> -> memref<3200xf32, #tpu.memory_space<vmem>>
      tpu.wait_dma2 semaphore(%arg8 : memref<!tpu.dma_semaphore, #tpu.memory_space<semaphore_mem>>) src(%dma_wait3A_211 : memref<3200xf32, #tpu.memory_space<vmem>>) dst(%dma_wait3A_209 : memref<3200xf32, #tpu.memory_space<hbm>>)
      %dma_wait3A_212 = arith.constant 0 : i32
      %dma_wait3A_213 = tpu.memref_slice %arg4[%dma_wait3A_212] : memref<8064xf32, #tpu.memory_space<vmem>> -> memref<4864xf32, #tpu.memory_space<vmem>>
      %dma_wait3A_214 = arith.constant 163200 : i32
      %dma_wait3A_215 = tpu.memref_slice %arg3[%dma_wait3A_214] : memref<258048xf32, #tpu.memory_space<hbm>> -> memref<4864xf32, #tpu.memory_space<hbm>>
      %dma_wait3A_216 = arith.constant 163200 : i32
      %dma_wait3A_217 = tpu.memref_slice %arg3[%dma_wait3A_216] : memref<258048xf32, #tpu.memory_space<hbm>> -> memref<4864xf32, #tpu.memory_space<hbm>>
      %dma_wait3A_218 = arith.constant 0 : i32
      %dma_wait3A_219 = tpu.memref_slice %arg4[%dma_wait3A_218] : memref<8064xf32, #tpu.memory_space<vmem>> -> memref<4864xf32, #tpu.memory_space<vmem>>
      tpu.wait_dma2 semaphore(%arg7 : memref<!tpu.dma_semaphore, #tpu.memory_space<semaphore_mem>>) src(%dma_wait3A_219 : memref<4864xf32, #tpu.memory_space<vmem>>) dst(%dma_wait3A_217 : memref<4864xf32, #tpu.memory_space<hbm>>)
    } else {
    }
    %eq3A_128 = arith.constant 26 : i32
    %eq3A_129 = arith.cmpi eq, %add3A, %eq3A_128 : i32
    %convert_element_type3A_130 = arith.extui %eq3A_129 : i1 to i32
    %cond3A_131 = arith.constant 0 : i32
    %cond3A_132 = arith.cmpi ne, %convert_element_type3A_130, %cond3A_131 : i32
    scf.if %cond3A_132 {
      %dma_start3A = arith.constant 0 : i32
      %dma_start3A_158 = tpu.memref_slice %arg4[%dma_start3A] : memref<8064xf32, #tpu.memory_space<vmem>> -> memref<4736xf32, #tpu.memory_space<vmem>>
      %dma_start3A_159 = arith.constant 216448 : i32
      %dma_start3A_160 = tpu.memref_slice %arg2[%dma_start3A_159] : memref<524288xf32, #tpu.memory_space<hbm>> -> memref<4736xf32, #tpu.memory_space<hbm>>
      %dma_start3A_161 = arith.constant 0 : i32
      %dma_start3A_162 = tpu.memref_slice %arg4[%dma_start3A_161] : memref<8064xf32, #tpu.memory_space<vmem>> -> memref<4736xf32, #tpu.memory_space<vmem>>
      %dma_start3A_163 = arith.constant 216448 : i32
      %dma_start3A_164 = tpu.memref_slice %arg2[%dma_start3A_163] : memref<524288xf32, #tpu.memory_space<hbm>> -> memref<4736xf32, #tpu.memory_space<hbm>>
      tpu.enqueue_dma source(%dma_start3A_164 : memref<4736xf32, #tpu.memory_space<hbm>>) target(%dma_start3A_162 : memref<4736xf32, #tpu.memory_space<vmem>>) target_semaphore(%arg5 : memref<!tpu.dma_semaphore, #tpu.memory_space<semaphore_mem>>)
      %dma_start3A_165 = arith.constant 4736 : i32
      %dma_start3A_166 = tpu.memref_slice %arg4[%dma_start3A_165] : memref<8064xf32, #tpu.memory_space<vmem>> -> memref<3328xf32, #tpu.memory_space<vmem>>
      %dma_start3A_167 = arith.constant 307968 : i32
      %dma_start3A_168 = tpu.memref_slice %arg2[%dma_start3A_167] : memref<524288xf32, #tpu.memory_space<hbm>> -> memref<3328xf32, #tpu.memory_space<hbm>>
      %dma_start3A_169 = arith.constant 4736 : i32
      %dma_start3A_170 = tpu.memref_slice %arg4[%dma_start3A_169] : memref<8064xf32, #tpu.memory_space<vmem>> -> memref<3328xf32, #tpu.memory_space<vmem>>
      %dma_start3A_171 = arith.constant 307968 : i32
      %dma_start3A_172 = tpu.memref_slice %arg2[%dma_start3A_171] : memref<524288xf32, #tpu.memory_space<hbm>> -> memref<3328xf32, #tpu.memory_space<hbm>>
      tpu.enqueue_dma source(%dma_start3A_172 : memref<3328xf32, #tpu.memory_space<hbm>>) target(%dma_start3A_170 : memref<3328xf32, #tpu.memory_space<vmem>>) target_semaphore(%arg6 : memref<!tpu.dma_semaphore, #tpu.memory_space<semaphore_mem>>)
      %dma_wait3A = arith.constant 0 : i32
      %dma_wait3A_173 = tpu.memref_slice %arg4[%dma_wait3A] : memref<8064xf32, #tpu.memory_space<vmem>> -> memref<4736xf32, #tpu.memory_space<vmem>>
      %dma_wait3A_174 = arith.constant 216448 : i32
      %dma_wait3A_175 = tpu.memref_slice %arg2[%dma_wait3A_174] : memref<524288xf32, #tpu.memory_space<hbm>> -> memref<4736xf32, #tpu.memory_space<hbm>>
      %dma_wait3A_176 = arith.constant 0 : i32
      %dma_wait3A_177 = tpu.memref_slice %arg4[%dma_wait3A_176] : memref<8064xf32, #tpu.memory_space<vmem>> -> memref<4736xf32, #tpu.memory_space<vmem>>
      %dma_wait3A_178 = arith.constant 216448 : i32
      %dma_wait3A_179 = tpu.memref_slice %arg2[%dma_wait3A_178] : memref<524288xf32, #tpu.memory_space<hbm>> -> memref<4736xf32, #tpu.memory_space<hbm>>
      tpu.wait_dma2 semaphore(%arg5 : memref<!tpu.dma_semaphore, #tpu.memory_space<semaphore_mem>>) src(%dma_wait3A_179 : memref<4736xf32, #tpu.memory_space<hbm>>) dst(%dma_wait3A_177 : memref<4736xf32, #tpu.memory_space<vmem>>)
      %dma_start3A_180 = arith.constant 0 : i32
      %dma_start3A_181 = tpu.memref_slice %arg4[%dma_start3A_180] : memref<8064xf32, #tpu.memory_space<vmem>> -> memref<4736xf32, #tpu.memory_space<vmem>>
      %dma_start3A_182 = arith.constant 168064 : i32
      %dma_start3A_183 = tpu.memref_slice %arg3[%dma_start3A_182] : memref<258048xf32, #tpu.memory_space<hbm>> -> memref<4736xf32, #tpu.memory_space<hbm>>
      %dma_start3A_184 = arith.constant 168064 : i32
      %dma_start3A_185 = tpu.memref_slice %arg3[%dma_start3A_184] : memref<258048xf32, #tpu.memory_space<hbm>> -> memref<4736xf32, #tpu.memory_space<hbm>>
      %dma_start3A_186 = arith.constant 0 : i32
      %dma_start3A_187 = tpu.memref_slice %arg4[%dma_start3A_186] : memref<8064xf32, #tpu.memory_space<vmem>> -> memref<4736xf32, #tpu.memory_space<vmem>>
      tpu.enqueue_dma source(%dma_start3A_187 : memref<4736xf32, #tpu.memory_space<vmem>>) target(%dma_start3A_185 : memref<4736xf32, #tpu.memory_space<hbm>>) target_semaphore(%arg7 : memref<!tpu.dma_semaphore, #tpu.memory_space<semaphore_mem>>)
      %dma_wait3A_188 = arith.constant 4736 : i32
      %dma_wait3A_189 = tpu.memref_slice %arg4[%dma_wait3A_188] : memref<8064xf32, #tpu.memory_space<vmem>> -> memref<3328xf32, #tpu.memory_space<vmem>>
      %dma_wait3A_190 = arith.constant 307968 : i32
      %dma_wait3A_191 = tpu.memref_slice %arg2[%dma_wait3A_190] : memref<524288xf32, #tpu.memory_space<hbm>> -> memref<3328xf32, #tpu.memory_space<hbm>>
      %dma_wait3A_192 = arith.constant 4736 : i32
      %dma_wait3A_193 = tpu.memref_slice %arg4[%dma_wait3A_192] : memref<8064xf32, #tpu.memory_space<vmem>> -> memref<3328xf32, #tpu.memory_space<vmem>>
      %dma_wait3A_194 = arith.constant 307968 : i32
      %dma_wait3A_195 = tpu.memref_slice %arg2[%dma_wait3A_194] : memref<524288xf32, #tpu.memory_space<hbm>> -> memref<3328xf32, #tpu.memory_space<hbm>>
      tpu.wait_dma2 semaphore(%arg6 : memref<!tpu.dma_semaphore, #tpu.memory_space<semaphore_mem>>) src(%dma_wait3A_195 : memref<3328xf32, #tpu.memory_space<hbm>>) dst(%dma_wait3A_193 : memref<3328xf32, #tpu.memory_space<vmem>>)
      %dma_start3A_196 = arith.constant 4736 : i32
      %dma_start3A_197 = tpu.memref_slice %arg4[%dma_start3A_196] : memref<8064xf32, #tpu.memory_space<vmem>> -> memref<3328xf32, #tpu.memory_space<vmem>>
      %dma_start3A_198 = arith.constant 213120 : i32
      %dma_start3A_199 = tpu.memref_slice %arg3[%dma_start3A_198] : memref<258048xf32, #tpu.memory_space<hbm>> -> memref<3328xf32, #tpu.memory_space<hbm>>
      %dma_start3A_200 = arith.constant 213120 : i32
      %dma_start3A_201 = tpu.memref_slice %arg3[%dma_start3A_200] : memref<258048xf32, #tpu.memory_space<hbm>> -> memref<3328xf32, #tpu.memory_space<hbm>>
      %dma_start3A_202 = arith.constant 4736 : i32
      %dma_start3A_203 = tpu.memref_slice %arg4[%dma_start3A_202] : memref<8064xf32, #tpu.memory_space<vmem>> -> memref<3328xf32, #tpu.memory_space<vmem>>
      tpu.enqueue_dma source(%dma_start3A_203 : memref<3328xf32, #tpu.memory_space<vmem>>) target(%dma_start3A_201 : memref<3328xf32, #tpu.memory_space<hbm>>) target_semaphore(%arg8 : memref<!tpu.dma_semaphore, #tpu.memory_space<semaphore_mem>>)
      %dma_wait3A_204 = arith.constant 4736 : i32
      %dma_wait3A_205 = tpu.memref_slice %arg4[%dma_wait3A_204] : memref<8064xf32, #tpu.memory_space<vmem>> -> memref<3328xf32, #tpu.memory_space<vmem>>
      %dma_wait3A_206 = arith.constant 213120 : i32
      %dma_wait3A_207 = tpu.memref_slice %arg3[%dma_wait3A_206] : memref<258048xf32, #tpu.memory_space<hbm>> -> memref<3328xf32, #tpu.memory_space<hbm>>
      %dma_wait3A_208 = arith.constant 213120 : i32
      %dma_wait3A_209 = tpu.memref_slice %arg3[%dma_wait3A_208] : memref<258048xf32, #tpu.memory_space<hbm>> -> memref<3328xf32, #tpu.memory_space<hbm>>
      %dma_wait3A_210 = arith.constant 4736 : i32
      %dma_wait3A_211 = tpu.memref_slice %arg4[%dma_wait3A_210] : memref<8064xf32, #tpu.memory_space<vmem>> -> memref<3328xf32, #tpu.memory_space<vmem>>
      tpu.wait_dma2 semaphore(%arg8 : memref<!tpu.dma_semaphore, #tpu.memory_space<semaphore_mem>>) src(%dma_wait3A_211 : memref<3328xf32, #tpu.memory_space<vmem>>) dst(%dma_wait3A_209 : memref<3328xf32, #tpu.memory_space<hbm>>)
      %dma_wait3A_212 = arith.constant 0 : i32
      %dma_wait3A_213 = tpu.memref_slice %arg4[%dma_wait3A_212] : memref<8064xf32, #tpu.memory_space<vmem>> -> memref<4736xf32, #tpu.memory_space<vmem>>
      %dma_wait3A_214 = arith.constant 168064 : i32
      %dma_wait3A_215 = tpu.memref_slice %arg3[%dma_wait3A_214] : memref<258048xf32, #tpu.memory_space<hbm>> -> memref<4736xf32, #tpu.memory_space<hbm>>
      %dma_wait3A_216 = arith.constant 168064 : i32
      %dma_wait3A_217 = tpu.memref_slice %arg3[%dma_wait3A_216] : memref<258048xf32, #tpu.memory_space<hbm>> -> memref<4736xf32, #tpu.memory_space<hbm>>
      %dma_wait3A_218 = arith.constant 0 : i32
      %dma_wait3A_219 = tpu.memref_slice %arg4[%dma_wait3A_218] : memref<8064xf32, #tpu.memory_space<vmem>> -> memref<4736xf32, #tpu.memory_space<vmem>>
      tpu.wait_dma2 semaphore(%arg7 : memref<!tpu.dma_semaphore, #tpu.memory_space<semaphore_mem>>) src(%dma_wait3A_219 : memref<4736xf32, #tpu.memory_space<vmem>>) dst(%dma_wait3A_217 : memref<4736xf32, #tpu.memory_space<hbm>>)
    } else {
    }
    %eq3A_133 = arith.constant 27 : i32
    %eq3A_134 = arith.cmpi eq, %add3A, %eq3A_133 : i32
    %convert_element_type3A_135 = arith.extui %eq3A_134 : i1 to i32
    %cond3A_136 = arith.constant 0 : i32
    %cond3A_137 = arith.cmpi ne, %convert_element_type3A_135, %cond3A_136 : i32
    scf.if %cond3A_137 {
      %dma_start3A = arith.constant 0 : i32
      %dma_start3A_158 = tpu.memref_slice %arg4[%dma_start3A] : memref<8064xf32, #tpu.memory_space<vmem>> -> memref<4608xf32, #tpu.memory_space<vmem>>
      %dma_start3A_159 = arith.constant 224768 : i32
      %dma_start3A_160 = tpu.memref_slice %arg2[%dma_start3A_159] : memref<524288xf32, #tpu.memory_space<hbm>> -> memref<4608xf32, #tpu.memory_space<hbm>>
      %dma_start3A_161 = arith.constant 0 : i32
      %dma_start3A_162 = tpu.memref_slice %arg4[%dma_start3A_161] : memref<8064xf32, #tpu.memory_space<vmem>> -> memref<4608xf32, #tpu.memory_space<vmem>>
      %dma_start3A_163 = arith.constant 224768 : i32
      %dma_start3A_164 = tpu.memref_slice %arg2[%dma_start3A_163] : memref<524288xf32, #tpu.memory_space<hbm>> -> memref<4608xf32, #tpu.memory_space<hbm>>
      tpu.enqueue_dma source(%dma_start3A_164 : memref<4608xf32, #tpu.memory_space<hbm>>) target(%dma_start3A_162 : memref<4608xf32, #tpu.memory_space<vmem>>) target_semaphore(%arg5 : memref<!tpu.dma_semaphore, #tpu.memory_space<semaphore_mem>>)
      %dma_start3A_165 = arith.constant 4608 : i32
      %dma_start3A_166 = tpu.memref_slice %arg4[%dma_start3A_165] : memref<8064xf32, #tpu.memory_space<vmem>> -> memref<3456xf32, #tpu.memory_space<vmem>>
      %dma_start3A_167 = arith.constant 299648 : i32
      %dma_start3A_168 = tpu.memref_slice %arg2[%dma_start3A_167] : memref<524288xf32, #tpu.memory_space<hbm>> -> memref<3456xf32, #tpu.memory_space<hbm>>
      %dma_start3A_169 = arith.constant 4608 : i32
      %dma_start3A_170 = tpu.memref_slice %arg4[%dma_start3A_169] : memref<8064xf32, #tpu.memory_space<vmem>> -> memref<3456xf32, #tpu.memory_space<vmem>>
      %dma_start3A_171 = arith.constant 299648 : i32
      %dma_start3A_172 = tpu.memref_slice %arg2[%dma_start3A_171] : memref<524288xf32, #tpu.memory_space<hbm>> -> memref<3456xf32, #tpu.memory_space<hbm>>
      tpu.enqueue_dma source(%dma_start3A_172 : memref<3456xf32, #tpu.memory_space<hbm>>) target(%dma_start3A_170 : memref<3456xf32, #tpu.memory_space<vmem>>) target_semaphore(%arg6 : memref<!tpu.dma_semaphore, #tpu.memory_space<semaphore_mem>>)
      %dma_wait3A = arith.constant 0 : i32
      %dma_wait3A_173 = tpu.memref_slice %arg4[%dma_wait3A] : memref<8064xf32, #tpu.memory_space<vmem>> -> memref<4608xf32, #tpu.memory_space<vmem>>
      %dma_wait3A_174 = arith.constant 224768 : i32
      %dma_wait3A_175 = tpu.memref_slice %arg2[%dma_wait3A_174] : memref<524288xf32, #tpu.memory_space<hbm>> -> memref<4608xf32, #tpu.memory_space<hbm>>
      %dma_wait3A_176 = arith.constant 0 : i32
      %dma_wait3A_177 = tpu.memref_slice %arg4[%dma_wait3A_176] : memref<8064xf32, #tpu.memory_space<vmem>> -> memref<4608xf32, #tpu.memory_space<vmem>>
      %dma_wait3A_178 = arith.constant 224768 : i32
      %dma_wait3A_179 = tpu.memref_slice %arg2[%dma_wait3A_178] : memref<524288xf32, #tpu.memory_space<hbm>> -> memref<4608xf32, #tpu.memory_space<hbm>>
      tpu.wait_dma2 semaphore(%arg5 : memref<!tpu.dma_semaphore, #tpu.memory_space<semaphore_mem>>) src(%dma_wait3A_179 : memref<4608xf32, #tpu.memory_space<hbm>>) dst(%dma_wait3A_177 : memref<4608xf32, #tpu.memory_space<vmem>>)
      %dma_start3A_180 = arith.constant 0 : i32
      %dma_start3A_181 = tpu.memref_slice %arg4[%dma_start3A_180] : memref<8064xf32, #tpu.memory_space<vmem>> -> memref<4608xf32, #tpu.memory_space<vmem>>
      %dma_start3A_182 = arith.constant 172800 : i32
      %dma_start3A_183 = tpu.memref_slice %arg3[%dma_start3A_182] : memref<258048xf32, #tpu.memory_space<hbm>> -> memref<4608xf32, #tpu.memory_space<hbm>>
      %dma_start3A_184 = arith.constant 172800 : i32
      %dma_start3A_185 = tpu.memref_slice %arg3[%dma_start3A_184] : memref<258048xf32, #tpu.memory_space<hbm>> -> memref<4608xf32, #tpu.memory_space<hbm>>
      %dma_start3A_186 = arith.constant 0 : i32
      %dma_start3A_187 = tpu.memref_slice %arg4[%dma_start3A_186] : memref<8064xf32, #tpu.memory_space<vmem>> -> memref<4608xf32, #tpu.memory_space<vmem>>
      tpu.enqueue_dma source(%dma_start3A_187 : memref<4608xf32, #tpu.memory_space<vmem>>) target(%dma_start3A_185 : memref<4608xf32, #tpu.memory_space<hbm>>) target_semaphore(%arg7 : memref<!tpu.dma_semaphore, #tpu.memory_space<semaphore_mem>>)
      %dma_wait3A_188 = arith.constant 4608 : i32
      %dma_wait3A_189 = tpu.memref_slice %arg4[%dma_wait3A_188] : memref<8064xf32, #tpu.memory_space<vmem>> -> memref<3456xf32, #tpu.memory_space<vmem>>
      %dma_wait3A_190 = arith.constant 299648 : i32
      %dma_wait3A_191 = tpu.memref_slice %arg2[%dma_wait3A_190] : memref<524288xf32, #tpu.memory_space<hbm>> -> memref<3456xf32, #tpu.memory_space<hbm>>
      %dma_wait3A_192 = arith.constant 4608 : i32
      %dma_wait3A_193 = tpu.memref_slice %arg4[%dma_wait3A_192] : memref<8064xf32, #tpu.memory_space<vmem>> -> memref<3456xf32, #tpu.memory_space<vmem>>
      %dma_wait3A_194 = arith.constant 299648 : i32
      %dma_wait3A_195 = tpu.memref_slice %arg2[%dma_wait3A_194] : memref<524288xf32, #tpu.memory_space<hbm>> -> memref<3456xf32, #tpu.memory_space<hbm>>
      tpu.wait_dma2 semaphore(%arg6 : memref<!tpu.dma_semaphore, #tpu.memory_space<semaphore_mem>>) src(%dma_wait3A_195 : memref<3456xf32, #tpu.memory_space<hbm>>) dst(%dma_wait3A_193 : memref<3456xf32, #tpu.memory_space<vmem>>)
      %dma_start3A_196 = arith.constant 4608 : i32
      %dma_start3A_197 = tpu.memref_slice %arg4[%dma_start3A_196] : memref<8064xf32, #tpu.memory_space<vmem>> -> memref<3456xf32, #tpu.memory_space<vmem>>
      %dma_start3A_198 = arith.constant 209664 : i32
      %dma_start3A_199 = tpu.memref_slice %arg3[%dma_start3A_198] : memref<258048xf32, #tpu.memory_space<hbm>> -> memref<3456xf32, #tpu.memory_space<hbm>>
      %dma_start3A_200 = arith.constant 209664 : i32
      %dma_start3A_201 = tpu.memref_slice %arg3[%dma_start3A_200] : memref<258048xf32, #tpu.memory_space<hbm>> -> memref<3456xf32, #tpu.memory_space<hbm>>
      %dma_start3A_202 = arith.constant 4608 : i32
      %dma_start3A_203 = tpu.memref_slice %arg4[%dma_start3A_202] : memref<8064xf32, #tpu.memory_space<vmem>> -> memref<3456xf32, #tpu.memory_space<vmem>>
      tpu.enqueue_dma source(%dma_start3A_203 : memref<3456xf32, #tpu.memory_space<vmem>>) target(%dma_start3A_201 : memref<3456xf32, #tpu.memory_space<hbm>>) target_semaphore(%arg8 : memref<!tpu.dma_semaphore, #tpu.memory_space<semaphore_mem>>)
      %dma_wait3A_204 = arith.constant 4608 : i32
      %dma_wait3A_205 = tpu.memref_slice %arg4[%dma_wait3A_204] : memref<8064xf32, #tpu.memory_space<vmem>> -> memref<3456xf32, #tpu.memory_space<vmem>>
      %dma_wait3A_206 = arith.constant 209664 : i32
      %dma_wait3A_207 = tpu.memref_slice %arg3[%dma_wait3A_206] : memref<258048xf32, #tpu.memory_space<hbm>> -> memref<3456xf32, #tpu.memory_space<hbm>>
      %dma_wait3A_208 = arith.constant 209664 : i32
      %dma_wait3A_209 = tpu.memref_slice %arg3[%dma_wait3A_208] : memref<258048xf32, #tpu.memory_space<hbm>> -> memref<3456xf32, #tpu.memory_space<hbm>>
      %dma_wait3A_210 = arith.constant 4608 : i32
      %dma_wait3A_211 = tpu.memref_slice %arg4[%dma_wait3A_210] : memref<8064xf32, #tpu.memory_space<vmem>> -> memref<3456xf32, #tpu.memory_space<vmem>>
      tpu.wait_dma2 semaphore(%arg8 : memref<!tpu.dma_semaphore, #tpu.memory_space<semaphore_mem>>) src(%dma_wait3A_211 : memref<3456xf32, #tpu.memory_space<vmem>>) dst(%dma_wait3A_209 : memref<3456xf32, #tpu.memory_space<hbm>>)
      %dma_wait3A_212 = arith.constant 0 : i32
      %dma_wait3A_213 = tpu.memref_slice %arg4[%dma_wait3A_212] : memref<8064xf32, #tpu.memory_space<vmem>> -> memref<4608xf32, #tpu.memory_space<vmem>>
      %dma_wait3A_214 = arith.constant 172800 : i32
      %dma_wait3A_215 = tpu.memref_slice %arg3[%dma_wait3A_214] : memref<258048xf32, #tpu.memory_space<hbm>> -> memref<4608xf32, #tpu.memory_space<hbm>>
      %dma_wait3A_216 = arith.constant 172800 : i32
      %dma_wait3A_217 = tpu.memref_slice %arg3[%dma_wait3A_216] : memref<258048xf32, #tpu.memory_space<hbm>> -> memref<4608xf32, #tpu.memory_space<hbm>>
      %dma_wait3A_218 = arith.constant 0 : i32
      %dma_wait3A_219 = tpu.memref_slice %arg4[%dma_wait3A_218] : memref<8064xf32, #tpu.memory_space<vmem>> -> memref<4608xf32, #tpu.memory_space<vmem>>
      tpu.wait_dma2 semaphore(%arg7 : memref<!tpu.dma_semaphore, #tpu.memory_space<semaphore_mem>>) src(%dma_wait3A_219 : memref<4608xf32, #tpu.memory_space<vmem>>) dst(%dma_wait3A_217 : memref<4608xf32, #tpu.memory_space<hbm>>)
    } else {
    }
    %eq3A_138 = arith.constant 28 : i32
    %eq3A_139 = arith.cmpi eq, %add3A, %eq3A_138 : i32
    %convert_element_type3A_140 = arith.extui %eq3A_139 : i1 to i32
    %cond3A_141 = arith.constant 0 : i32
    %cond3A_142 = arith.cmpi ne, %convert_element_type3A_140, %cond3A_141 : i32
    scf.if %cond3A_142 {
      %dma_start3A = arith.constant 0 : i32
      %dma_start3A_158 = tpu.memref_slice %arg4[%dma_start3A] : memref<8064xf32, #tpu.memory_space<vmem>> -> memref<4480xf32, #tpu.memory_space<vmem>>
      %dma_start3A_159 = arith.constant 233088 : i32
      %dma_start3A_160 = tpu.memref_slice %arg2[%dma_start3A_159] : memref<524288xf32, #tpu.memory_space<hbm>> -> memref<4480xf32, #tpu.memory_space<hbm>>
      %dma_start3A_161 = arith.constant 0 : i32
      %dma_start3A_162 = tpu.memref_slice %arg4[%dma_start3A_161] : memref<8064xf32, #tpu.memory_space<vmem>> -> memref<4480xf32, #tpu.memory_space<vmem>>
      %dma_start3A_163 = arith.constant 233088 : i32
      %dma_start3A_164 = tpu.memref_slice %arg2[%dma_start3A_163] : memref<524288xf32, #tpu.memory_space<hbm>> -> memref<4480xf32, #tpu.memory_space<hbm>>
      tpu.enqueue_dma source(%dma_start3A_164 : memref<4480xf32, #tpu.memory_space<hbm>>) target(%dma_start3A_162 : memref<4480xf32, #tpu.memory_space<vmem>>) target_semaphore(%arg5 : memref<!tpu.dma_semaphore, #tpu.memory_space<semaphore_mem>>)
      %dma_start3A_165 = arith.constant 4480 : i32
      %dma_start3A_166 = tpu.memref_slice %arg4[%dma_start3A_165] : memref<8064xf32, #tpu.memory_space<vmem>> -> memref<3584xf32, #tpu.memory_space<vmem>>
      %dma_start3A_167 = arith.constant 291328 : i32
      %dma_start3A_168 = tpu.memref_slice %arg2[%dma_start3A_167] : memref<524288xf32, #tpu.memory_space<hbm>> -> memref<3584xf32, #tpu.memory_space<hbm>>
      %dma_start3A_169 = arith.constant 4480 : i32
      %dma_start3A_170 = tpu.memref_slice %arg4[%dma_start3A_169] : memref<8064xf32, #tpu.memory_space<vmem>> -> memref<3584xf32, #tpu.memory_space<vmem>>
      %dma_start3A_171 = arith.constant 291328 : i32
      %dma_start3A_172 = tpu.memref_slice %arg2[%dma_start3A_171] : memref<524288xf32, #tpu.memory_space<hbm>> -> memref<3584xf32, #tpu.memory_space<hbm>>
      tpu.enqueue_dma source(%dma_start3A_172 : memref<3584xf32, #tpu.memory_space<hbm>>) target(%dma_start3A_170 : memref<3584xf32, #tpu.memory_space<vmem>>) target_semaphore(%arg6 : memref<!tpu.dma_semaphore, #tpu.memory_space<semaphore_mem>>)
      %dma_wait3A = arith.constant 0 : i32
      %dma_wait3A_173 = tpu.memref_slice %arg4[%dma_wait3A] : memref<8064xf32, #tpu.memory_space<vmem>> -> memref<4480xf32, #tpu.memory_space<vmem>>
      %dma_wait3A_174 = arith.constant 233088 : i32
      %dma_wait3A_175 = tpu.memref_slice %arg2[%dma_wait3A_174] : memref<524288xf32, #tpu.memory_space<hbm>> -> memref<4480xf32, #tpu.memory_space<hbm>>
      %dma_wait3A_176 = arith.constant 0 : i32
      %dma_wait3A_177 = tpu.memref_slice %arg4[%dma_wait3A_176] : memref<8064xf32, #tpu.memory_space<vmem>> -> memref<4480xf32, #tpu.memory_space<vmem>>
      %dma_wait3A_178 = arith.constant 233088 : i32
      %dma_wait3A_179 = tpu.memref_slice %arg2[%dma_wait3A_178] : memref<524288xf32, #tpu.memory_space<hbm>> -> memref<4480xf32, #tpu.memory_space<hbm>>
      tpu.wait_dma2 semaphore(%arg5 : memref<!tpu.dma_semaphore, #tpu.memory_space<semaphore_mem>>) src(%dma_wait3A_179 : memref<4480xf32, #tpu.memory_space<hbm>>) dst(%dma_wait3A_177 : memref<4480xf32, #tpu.memory_space<vmem>>)
      %dma_start3A_180 = arith.constant 0 : i32
      %dma_start3A_181 = tpu.memref_slice %arg4[%dma_start3A_180] : memref<8064xf32, #tpu.memory_space<vmem>> -> memref<4480xf32, #tpu.memory_space<vmem>>
      %dma_start3A_182 = arith.constant 177408 : i32
      %dma_start3A_183 = tpu.memref_slice %arg3[%dma_start3A_182] : memref<258048xf32, #tpu.memory_space<hbm>> -> memref<4480xf32, #tpu.memory_space<hbm>>
      %dma_start3A_184 = arith.constant 177408 : i32
      %dma_start3A_185 = tpu.memref_slice %arg3[%dma_start3A_184] : memref<258048xf32, #tpu.memory_space<hbm>> -> memref<4480xf32, #tpu.memory_space<hbm>>
      %dma_start3A_186 = arith.constant 0 : i32
      %dma_start3A_187 = tpu.memref_slice %arg4[%dma_start3A_186] : memref<8064xf32, #tpu.memory_space<vmem>> -> memref<4480xf32, #tpu.memory_space<vmem>>
      tpu.enqueue_dma source(%dma_start3A_187 : memref<4480xf32, #tpu.memory_space<vmem>>) target(%dma_start3A_185 : memref<4480xf32, #tpu.memory_space<hbm>>) target_semaphore(%arg7 : memref<!tpu.dma_semaphore, #tpu.memory_space<semaphore_mem>>)
      %dma_wait3A_188 = arith.constant 4480 : i32
      %dma_wait3A_189 = tpu.memref_slice %arg4[%dma_wait3A_188] : memref<8064xf32, #tpu.memory_space<vmem>> -> memref<3584xf32, #tpu.memory_space<vmem>>
      %dma_wait3A_190 = arith.constant 291328 : i32
      %dma_wait3A_191 = tpu.memref_slice %arg2[%dma_wait3A_190] : memref<524288xf32, #tpu.memory_space<hbm>> -> memref<3584xf32, #tpu.memory_space<hbm>>
      %dma_wait3A_192 = arith.constant 4480 : i32
      %dma_wait3A_193 = tpu.memref_slice %arg4[%dma_wait3A_192] : memref<8064xf32, #tpu.memory_space<vmem>> -> memref<3584xf32, #tpu.memory_space<vmem>>
      %dma_wait3A_194 = arith.constant 291328 : i32
      %dma_wait3A_195 = tpu.memref_slice %arg2[%dma_wait3A_194] : memref<524288xf32, #tpu.memory_space<hbm>> -> memref<3584xf32, #tpu.memory_space<hbm>>
      tpu.wait_dma2 semaphore(%arg6 : memref<!tpu.dma_semaphore, #tpu.memory_space<semaphore_mem>>) src(%dma_wait3A_195 : memref<3584xf32, #tpu.memory_space<hbm>>) dst(%dma_wait3A_193 : memref<3584xf32, #tpu.memory_space<vmem>>)
      %dma_start3A_196 = arith.constant 4480 : i32
      %dma_start3A_197 = tpu.memref_slice %arg4[%dma_start3A_196] : memref<8064xf32, #tpu.memory_space<vmem>> -> memref<3584xf32, #tpu.memory_space<vmem>>
      %dma_start3A_198 = arith.constant 206080 : i32
      %dma_start3A_199 = tpu.memref_slice %arg3[%dma_start3A_198] : memref<258048xf32, #tpu.memory_space<hbm>> -> memref<3584xf32, #tpu.memory_space<hbm>>
      %dma_start3A_200 = arith.constant 206080 : i32
      %dma_start3A_201 = tpu.memref_slice %arg3[%dma_start3A_200] : memref<258048xf32, #tpu.memory_space<hbm>> -> memref<3584xf32, #tpu.memory_space<hbm>>
      %dma_start3A_202 = arith.constant 4480 : i32
      %dma_start3A_203 = tpu.memref_slice %arg4[%dma_start3A_202] : memref<8064xf32, #tpu.memory_space<vmem>> -> memref<3584xf32, #tpu.memory_space<vmem>>
      tpu.enqueue_dma source(%dma_start3A_203 : memref<3584xf32, #tpu.memory_space<vmem>>) target(%dma_start3A_201 : memref<3584xf32, #tpu.memory_space<hbm>>) target_semaphore(%arg8 : memref<!tpu.dma_semaphore, #tpu.memory_space<semaphore_mem>>)
      %dma_wait3A_204 = arith.constant 4480 : i32
      %dma_wait3A_205 = tpu.memref_slice %arg4[%dma_wait3A_204] : memref<8064xf32, #tpu.memory_space<vmem>> -> memref<3584xf32, #tpu.memory_space<vmem>>
      %dma_wait3A_206 = arith.constant 206080 : i32
      %dma_wait3A_207 = tpu.memref_slice %arg3[%dma_wait3A_206] : memref<258048xf32, #tpu.memory_space<hbm>> -> memref<3584xf32, #tpu.memory_space<hbm>>
      %dma_wait3A_208 = arith.constant 206080 : i32
      %dma_wait3A_209 = tpu.memref_slice %arg3[%dma_wait3A_208] : memref<258048xf32, #tpu.memory_space<hbm>> -> memref<3584xf32, #tpu.memory_space<hbm>>
      %dma_wait3A_210 = arith.constant 4480 : i32
      %dma_wait3A_211 = tpu.memref_slice %arg4[%dma_wait3A_210] : memref<8064xf32, #tpu.memory_space<vmem>> -> memref<3584xf32, #tpu.memory_space<vmem>>
      tpu.wait_dma2 semaphore(%arg8 : memref<!tpu.dma_semaphore, #tpu.memory_space<semaphore_mem>>) src(%dma_wait3A_211 : memref<3584xf32, #tpu.memory_space<vmem>>) dst(%dma_wait3A_209 : memref<3584xf32, #tpu.memory_space<hbm>>)
      %dma_wait3A_212 = arith.constant 0 : i32
      %dma_wait3A_213 = tpu.memref_slice %arg4[%dma_wait3A_212] : memref<8064xf32, #tpu.memory_space<vmem>> -> memref<4480xf32, #tpu.memory_space<vmem>>
      %dma_wait3A_214 = arith.constant 177408 : i32
      %dma_wait3A_215 = tpu.memref_slice %arg3[%dma_wait3A_214] : memref<258048xf32, #tpu.memory_space<hbm>> -> memref<4480xf32, #tpu.memory_space<hbm>>
      %dma_wait3A_216 = arith.constant 177408 : i32
      %dma_wait3A_217 = tpu.memref_slice %arg3[%dma_wait3A_216] : memref<258048xf32, #tpu.memory_space<hbm>> -> memref<4480xf32, #tpu.memory_space<hbm>>
      %dma_wait3A_218 = arith.constant 0 : i32
      %dma_wait3A_219 = tpu.memref_slice %arg4[%dma_wait3A_218] : memref<8064xf32, #tpu.memory_space<vmem>> -> memref<4480xf32, #tpu.memory_space<vmem>>
      tpu.wait_dma2 semaphore(%arg7 : memref<!tpu.dma_semaphore, #tpu.memory_space<semaphore_mem>>) src(%dma_wait3A_219 : memref<4480xf32, #tpu.memory_space<vmem>>) dst(%dma_wait3A_217 : memref<4480xf32, #tpu.memory_space<hbm>>)
    } else {
    }
    %eq3A_143 = arith.constant 29 : i32
    %eq3A_144 = arith.cmpi eq, %add3A, %eq3A_143 : i32
    %convert_element_type3A_145 = arith.extui %eq3A_144 : i1 to i32
    %cond3A_146 = arith.constant 0 : i32
    %cond3A_147 = arith.cmpi ne, %convert_element_type3A_145, %cond3A_146 : i32
    scf.if %cond3A_147 {
      %dma_start3A = arith.constant 0 : i32
      %dma_start3A_158 = tpu.memref_slice %arg4[%dma_start3A] : memref<8064xf32, #tpu.memory_space<vmem>> -> memref<4352xf32, #tpu.memory_space<vmem>>
      %dma_start3A_159 = arith.constant 241408 : i32
      %dma_start3A_160 = tpu.memref_slice %arg2[%dma_start3A_159] : memref<524288xf32, #tpu.memory_space<hbm>> -> memref<4352xf32, #tpu.memory_space<hbm>>
      %dma_start3A_161 = arith.constant 0 : i32
      %dma_start3A_162 = tpu.memref_slice %arg4[%dma_start3A_161] : memref<8064xf32, #tpu.memory_space<vmem>> -> memref<4352xf32, #tpu.memory_space<vmem>>
      %dma_start3A_163 = arith.constant 241408 : i32
      %dma_start3A_164 = tpu.memref_slice %arg2[%dma_start3A_163] : memref<524288xf32, #tpu.memory_space<hbm>> -> memref<4352xf32, #tpu.memory_space<hbm>>
      tpu.enqueue_dma source(%dma_start3A_164 : memref<4352xf32, #tpu.memory_space<hbm>>) target(%dma_start3A_162 : memref<4352xf32, #tpu.memory_space<vmem>>) target_semaphore(%arg5 : memref<!tpu.dma_semaphore, #tpu.memory_space<semaphore_mem>>)
      %dma_start3A_165 = arith.constant 4352 : i32
      %dma_start3A_166 = tpu.memref_slice %arg4[%dma_start3A_165] : memref<8064xf32, #tpu.memory_space<vmem>> -> memref<3712xf32, #tpu.memory_space<vmem>>
      %dma_start3A_167 = arith.constant 283008 : i32
      %dma_start3A_168 = tpu.memref_slice %arg2[%dma_start3A_167] : memref<524288xf32, #tpu.memory_space<hbm>> -> memref<3712xf32, #tpu.memory_space<hbm>>
      %dma_start3A_169 = arith.constant 4352 : i32
      %dma_start3A_170 = tpu.memref_slice %arg4[%dma_start3A_169] : memref<8064xf32, #tpu.memory_space<vmem>> -> memref<3712xf32, #tpu.memory_space<vmem>>
      %dma_start3A_171 = arith.constant 283008 : i32
      %dma_start3A_172 = tpu.memref_slice %arg2[%dma_start3A_171] : memref<524288xf32, #tpu.memory_space<hbm>> -> memref<3712xf32, #tpu.memory_space<hbm>>
      tpu.enqueue_dma source(%dma_start3A_172 : memref<3712xf32, #tpu.memory_space<hbm>>) target(%dma_start3A_170 : memref<3712xf32, #tpu.memory_space<vmem>>) target_semaphore(%arg6 : memref<!tpu.dma_semaphore, #tpu.memory_space<semaphore_mem>>)
      %dma_wait3A = arith.constant 0 : i32
      %dma_wait3A_173 = tpu.memref_slice %arg4[%dma_wait3A] : memref<8064xf32, #tpu.memory_space<vmem>> -> memref<4352xf32, #tpu.memory_space<vmem>>
      %dma_wait3A_174 = arith.constant 241408 : i32
      %dma_wait3A_175 = tpu.memref_slice %arg2[%dma_wait3A_174] : memref<524288xf32, #tpu.memory_space<hbm>> -> memref<4352xf32, #tpu.memory_space<hbm>>
      %dma_wait3A_176 = arith.constant 0 : i32
      %dma_wait3A_177 = tpu.memref_slice %arg4[%dma_wait3A_176] : memref<8064xf32, #tpu.memory_space<vmem>> -> memref<4352xf32, #tpu.memory_space<vmem>>
      %dma_wait3A_178 = arith.constant 241408 : i32
      %dma_wait3A_179 = tpu.memref_slice %arg2[%dma_wait3A_178] : memref<524288xf32, #tpu.memory_space<hbm>> -> memref<4352xf32, #tpu.memory_space<hbm>>
      tpu.wait_dma2 semaphore(%arg5 : memref<!tpu.dma_semaphore, #tpu.memory_space<semaphore_mem>>) src(%dma_wait3A_179 : memref<4352xf32, #tpu.memory_space<hbm>>) dst(%dma_wait3A_177 : memref<4352xf32, #tpu.memory_space<vmem>>)
      %dma_start3A_180 = arith.constant 0 : i32
      %dma_start3A_181 = tpu.memref_slice %arg4[%dma_start3A_180] : memref<8064xf32, #tpu.memory_space<vmem>> -> memref<4352xf32, #tpu.memory_space<vmem>>
      %dma_start3A_182 = arith.constant 181888 : i32
      %dma_start3A_183 = tpu.memref_slice %arg3[%dma_start3A_182] : memref<258048xf32, #tpu.memory_space<hbm>> -> memref<4352xf32, #tpu.memory_space<hbm>>
      %dma_start3A_184 = arith.constant 181888 : i32
      %dma_start3A_185 = tpu.memref_slice %arg3[%dma_start3A_184] : memref<258048xf32, #tpu.memory_space<hbm>> -> memref<4352xf32, #tpu.memory_space<hbm>>
      %dma_start3A_186 = arith.constant 0 : i32
      %dma_start3A_187 = tpu.memref_slice %arg4[%dma_start3A_186] : memref<8064xf32, #tpu.memory_space<vmem>> -> memref<4352xf32, #tpu.memory_space<vmem>>
      tpu.enqueue_dma source(%dma_start3A_187 : memref<4352xf32, #tpu.memory_space<vmem>>) target(%dma_start3A_185 : memref<4352xf32, #tpu.memory_space<hbm>>) target_semaphore(%arg7 : memref<!tpu.dma_semaphore, #tpu.memory_space<semaphore_mem>>)
      %dma_wait3A_188 = arith.constant 4352 : i32
      %dma_wait3A_189 = tpu.memref_slice %arg4[%dma_wait3A_188] : memref<8064xf32, #tpu.memory_space<vmem>> -> memref<3712xf32, #tpu.memory_space<vmem>>
      %dma_wait3A_190 = arith.constant 283008 : i32
      %dma_wait3A_191 = tpu.memref_slice %arg2[%dma_wait3A_190] : memref<524288xf32, #tpu.memory_space<hbm>> -> memref<3712xf32, #tpu.memory_space<hbm>>
      %dma_wait3A_192 = arith.constant 4352 : i32
      %dma_wait3A_193 = tpu.memref_slice %arg4[%dma_wait3A_192] : memref<8064xf32, #tpu.memory_space<vmem>> -> memref<3712xf32, #tpu.memory_space<vmem>>
      %dma_wait3A_194 = arith.constant 283008 : i32
      %dma_wait3A_195 = tpu.memref_slice %arg2[%dma_wait3A_194] : memref<524288xf32, #tpu.memory_space<hbm>> -> memref<3712xf32, #tpu.memory_space<hbm>>
      tpu.wait_dma2 semaphore(%arg6 : memref<!tpu.dma_semaphore, #tpu.memory_space<semaphore_mem>>) src(%dma_wait3A_195 : memref<3712xf32, #tpu.memory_space<hbm>>) dst(%dma_wait3A_193 : memref<3712xf32, #tpu.memory_space<vmem>>)
      %dma_start3A_196 = arith.constant 4352 : i32
      %dma_start3A_197 = tpu.memref_slice %arg4[%dma_start3A_196] : memref<8064xf32, #tpu.memory_space<vmem>> -> memref<3712xf32, #tpu.memory_space<vmem>>
      %dma_start3A_198 = arith.constant 202368 : i32
      %dma_start3A_199 = tpu.memref_slice %arg3[%dma_start3A_198] : memref<258048xf32, #tpu.memory_space<hbm>> -> memref<3712xf32, #tpu.memory_space<hbm>>
      %dma_start3A_200 = arith.constant 202368 : i32
      %dma_start3A_201 = tpu.memref_slice %arg3[%dma_start3A_200] : memref<258048xf32, #tpu.memory_space<hbm>> -> memref<3712xf32, #tpu.memory_space<hbm>>
      %dma_start3A_202 = arith.constant 4352 : i32
      %dma_start3A_203 = tpu.memref_slice %arg4[%dma_start3A_202] : memref<8064xf32, #tpu.memory_space<vmem>> -> memref<3712xf32, #tpu.memory_space<vmem>>
      tpu.enqueue_dma source(%dma_start3A_203 : memref<3712xf32, #tpu.memory_space<vmem>>) target(%dma_start3A_201 : memref<3712xf32, #tpu.memory_space<hbm>>) target_semaphore(%arg8 : memref<!tpu.dma_semaphore, #tpu.memory_space<semaphore_mem>>)
      %dma_wait3A_204 = arith.constant 4352 : i32
      %dma_wait3A_205 = tpu.memref_slice %arg4[%dma_wait3A_204] : memref<8064xf32, #tpu.memory_space<vmem>> -> memref<3712xf32, #tpu.memory_space<vmem>>
      %dma_wait3A_206 = arith.constant 202368 : i32
      %dma_wait3A_207 = tpu.memref_slice %arg3[%dma_wait3A_206] : memref<258048xf32, #tpu.memory_space<hbm>> -> memref<3712xf32, #tpu.memory_space<hbm>>
      %dma_wait3A_208 = arith.constant 202368 : i32
      %dma_wait3A_209 = tpu.memref_slice %arg3[%dma_wait3A_208] : memref<258048xf32, #tpu.memory_space<hbm>> -> memref<3712xf32, #tpu.memory_space<hbm>>
      %dma_wait3A_210 = arith.constant 4352 : i32
      %dma_wait3A_211 = tpu.memref_slice %arg4[%dma_wait3A_210] : memref<8064xf32, #tpu.memory_space<vmem>> -> memref<3712xf32, #tpu.memory_space<vmem>>
      tpu.wait_dma2 semaphore(%arg8 : memref<!tpu.dma_semaphore, #tpu.memory_space<semaphore_mem>>) src(%dma_wait3A_211 : memref<3712xf32, #tpu.memory_space<vmem>>) dst(%dma_wait3A_209 : memref<3712xf32, #tpu.memory_space<hbm>>)
      %dma_wait3A_212 = arith.constant 0 : i32
      %dma_wait3A_213 = tpu.memref_slice %arg4[%dma_wait3A_212] : memref<8064xf32, #tpu.memory_space<vmem>> -> memref<4352xf32, #tpu.memory_space<vmem>>
      %dma_wait3A_214 = arith.constant 181888 : i32
      %dma_wait3A_215 = tpu.memref_slice %arg3[%dma_wait3A_214] : memref<258048xf32, #tpu.memory_space<hbm>> -> memref<4352xf32, #tpu.memory_space<hbm>>
      %dma_wait3A_216 = arith.constant 181888 : i32
      %dma_wait3A_217 = tpu.memref_slice %arg3[%dma_wait3A_216] : memref<258048xf32, #tpu.memory_space<hbm>> -> memref<4352xf32, #tpu.memory_space<hbm>>
      %dma_wait3A_218 = arith.constant 0 : i32
      %dma_wait3A_219 = tpu.memref_slice %arg4[%dma_wait3A_218] : memref<8064xf32, #tpu.memory_space<vmem>> -> memref<4352xf32, #tpu.memory_space<vmem>>
      tpu.wait_dma2 semaphore(%arg7 : memref<!tpu.dma_semaphore, #tpu.memory_space<semaphore_mem>>) src(%dma_wait3A_219 : memref<4352xf32, #tpu.memory_space<vmem>>) dst(%dma_wait3A_217 : memref<4352xf32, #tpu.memory_space<hbm>>)
    } else {
    }
    %eq3A_148 = arith.constant 30 : i32
    %eq3A_149 = arith.cmpi eq, %add3A, %eq3A_148 : i32
    %convert_element_type3A_150 = arith.extui %eq3A_149 : i1 to i32
    %cond3A_151 = arith.constant 0 : i32
    %cond3A_152 = arith.cmpi ne, %convert_element_type3A_150, %cond3A_151 : i32
    scf.if %cond3A_152 {
      %dma_start3A = arith.constant 0 : i32
      %dma_start3A_158 = tpu.memref_slice %arg4[%dma_start3A] : memref<8064xf32, #tpu.memory_space<vmem>> -> memref<4224xf32, #tpu.memory_space<vmem>>
      %dma_start3A_159 = arith.constant 249728 : i32
      %dma_start3A_160 = tpu.memref_slice %arg2[%dma_start3A_159] : memref<524288xf32, #tpu.memory_space<hbm>> -> memref<4224xf32, #tpu.memory_space<hbm>>
      %dma_start3A_161 = arith.constant 0 : i32
      %dma_start3A_162 = tpu.memref_slice %arg4[%dma_start3A_161] : memref<8064xf32, #tpu.memory_space<vmem>> -> memref<4224xf32, #tpu.memory_space<vmem>>
      %dma_start3A_163 = arith.constant 249728 : i32
      %dma_start3A_164 = tpu.memref_slice %arg2[%dma_start3A_163] : memref<524288xf32, #tpu.memory_space<hbm>> -> memref<4224xf32, #tpu.memory_space<hbm>>
      tpu.enqueue_dma source(%dma_start3A_164 : memref<4224xf32, #tpu.memory_space<hbm>>) target(%dma_start3A_162 : memref<4224xf32, #tpu.memory_space<vmem>>) target_semaphore(%arg5 : memref<!tpu.dma_semaphore, #tpu.memory_space<semaphore_mem>>)
      %dma_start3A_165 = arith.constant 4224 : i32
      %dma_start3A_166 = tpu.memref_slice %arg4[%dma_start3A_165] : memref<8064xf32, #tpu.memory_space<vmem>> -> memref<3840xf32, #tpu.memory_space<vmem>>
      %dma_start3A_167 = arith.constant 274688 : i32
      %dma_start3A_168 = tpu.memref_slice %arg2[%dma_start3A_167] : memref<524288xf32, #tpu.memory_space<hbm>> -> memref<3840xf32, #tpu.memory_space<hbm>>
      %dma_start3A_169 = arith.constant 4224 : i32
      %dma_start3A_170 = tpu.memref_slice %arg4[%dma_start3A_169] : memref<8064xf32, #tpu.memory_space<vmem>> -> memref<3840xf32, #tpu.memory_space<vmem>>
      %dma_start3A_171 = arith.constant 274688 : i32
      %dma_start3A_172 = tpu.memref_slice %arg2[%dma_start3A_171] : memref<524288xf32, #tpu.memory_space<hbm>> -> memref<3840xf32, #tpu.memory_space<hbm>>
      tpu.enqueue_dma source(%dma_start3A_172 : memref<3840xf32, #tpu.memory_space<hbm>>) target(%dma_start3A_170 : memref<3840xf32, #tpu.memory_space<vmem>>) target_semaphore(%arg6 : memref<!tpu.dma_semaphore, #tpu.memory_space<semaphore_mem>>)
      %dma_wait3A = arith.constant 0 : i32
      %dma_wait3A_173 = tpu.memref_slice %arg4[%dma_wait3A] : memref<8064xf32, #tpu.memory_space<vmem>> -> memref<4224xf32, #tpu.memory_space<vmem>>
      %dma_wait3A_174 = arith.constant 249728 : i32
      %dma_wait3A_175 = tpu.memref_slice %arg2[%dma_wait3A_174] : memref<524288xf32, #tpu.memory_space<hbm>> -> memref<4224xf32, #tpu.memory_space<hbm>>
      %dma_wait3A_176 = arith.constant 0 : i32
      %dma_wait3A_177 = tpu.memref_slice %arg4[%dma_wait3A_176] : memref<8064xf32, #tpu.memory_space<vmem>> -> memref<4224xf32, #tpu.memory_space<vmem>>
      %dma_wait3A_178 = arith.constant 249728 : i32
      %dma_wait3A_179 = tpu.memref_slice %arg2[%dma_wait3A_178] : memref<524288xf32, #tpu.memory_space<hbm>> -> memref<4224xf32, #tpu.memory_space<hbm>>
      tpu.wait_dma2 semaphore(%arg5 : memref<!tpu.dma_semaphore, #tpu.memory_space<semaphore_mem>>) src(%dma_wait3A_179 : memref<4224xf32, #tpu.memory_space<hbm>>) dst(%dma_wait3A_177 : memref<4224xf32, #tpu.memory_space<vmem>>)
      %dma_start3A_180 = arith.constant 0 : i32
      %dma_start3A_181 = tpu.memref_slice %arg4[%dma_start3A_180] : memref<8064xf32, #tpu.memory_space<vmem>> -> memref<4224xf32, #tpu.memory_space<vmem>>
      %dma_start3A_182 = arith.constant 186240 : i32
      %dma_start3A_183 = tpu.memref_slice %arg3[%dma_start3A_182] : memref<258048xf32, #tpu.memory_space<hbm>> -> memref<4224xf32, #tpu.memory_space<hbm>>
      %dma_start3A_184 = arith.constant 186240 : i32
      %dma_start3A_185 = tpu.memref_slice %arg3[%dma_start3A_184] : memref<258048xf32, #tpu.memory_space<hbm>> -> memref<4224xf32, #tpu.memory_space<hbm>>
      %dma_start3A_186 = arith.constant 0 : i32
      %dma_start3A_187 = tpu.memref_slice %arg4[%dma_start3A_186] : memref<8064xf32, #tpu.memory_space<vmem>> -> memref<4224xf32, #tpu.memory_space<vmem>>
      tpu.enqueue_dma source(%dma_start3A_187 : memref<4224xf32, #tpu.memory_space<vmem>>) target(%dma_start3A_185 : memref<4224xf32, #tpu.memory_space<hbm>>) target_semaphore(%arg7 : memref<!tpu.dma_semaphore, #tpu.memory_space<semaphore_mem>>)
      %dma_wait3A_188 = arith.constant 4224 : i32
      %dma_wait3A_189 = tpu.memref_slice %arg4[%dma_wait3A_188] : memref<8064xf32, #tpu.memory_space<vmem>> -> memref<3840xf32, #tpu.memory_space<vmem>>
      %dma_wait3A_190 = arith.constant 274688 : i32
      %dma_wait3A_191 = tpu.memref_slice %arg2[%dma_wait3A_190] : memref<524288xf32, #tpu.memory_space<hbm>> -> memref<3840xf32, #tpu.memory_space<hbm>>
      %dma_wait3A_192 = arith.constant 4224 : i32
      %dma_wait3A_193 = tpu.memref_slice %arg4[%dma_wait3A_192] : memref<8064xf32, #tpu.memory_space<vmem>> -> memref<3840xf32, #tpu.memory_space<vmem>>
      %dma_wait3A_194 = arith.constant 274688 : i32
      %dma_wait3A_195 = tpu.memref_slice %arg2[%dma_wait3A_194] : memref<524288xf32, #tpu.memory_space<hbm>> -> memref<3840xf32, #tpu.memory_space<hbm>>
      tpu.wait_dma2 semaphore(%arg6 : memref<!tpu.dma_semaphore, #tpu.memory_space<semaphore_mem>>) src(%dma_wait3A_195 : memref<3840xf32, #tpu.memory_space<hbm>>) dst(%dma_wait3A_193 : memref<3840xf32, #tpu.memory_space<vmem>>)
      %dma_start3A_196 = arith.constant 4224 : i32
      %dma_start3A_197 = tpu.memref_slice %arg4[%dma_start3A_196] : memref<8064xf32, #tpu.memory_space<vmem>> -> memref<3840xf32, #tpu.memory_space<vmem>>
      %dma_start3A_198 = arith.constant 198528 : i32
      %dma_start3A_199 = tpu.memref_slice %arg3[%dma_start3A_198] : memref<258048xf32, #tpu.memory_space<hbm>> -> memref<3840xf32, #tpu.memory_space<hbm>>
      %dma_start3A_200 = arith.constant 198528 : i32
      %dma_start3A_201 = tpu.memref_slice %arg3[%dma_start3A_200] : memref<258048xf32, #tpu.memory_space<hbm>> -> memref<3840xf32, #tpu.memory_space<hbm>>
      %dma_start3A_202 = arith.constant 4224 : i32
      %dma_start3A_203 = tpu.memref_slice %arg4[%dma_start3A_202] : memref<8064xf32, #tpu.memory_space<vmem>> -> memref<3840xf32, #tpu.memory_space<vmem>>
      tpu.enqueue_dma source(%dma_start3A_203 : memref<3840xf32, #tpu.memory_space<vmem>>) target(%dma_start3A_201 : memref<3840xf32, #tpu.memory_space<hbm>>) target_semaphore(%arg8 : memref<!tpu.dma_semaphore, #tpu.memory_space<semaphore_mem>>)
      %dma_wait3A_204 = arith.constant 4224 : i32
      %dma_wait3A_205 = tpu.memref_slice %arg4[%dma_wait3A_204] : memref<8064xf32, #tpu.memory_space<vmem>> -> memref<3840xf32, #tpu.memory_space<vmem>>
      %dma_wait3A_206 = arith.constant 198528 : i32
      %dma_wait3A_207 = tpu.memref_slice %arg3[%dma_wait3A_206] : memref<258048xf32, #tpu.memory_space<hbm>> -> memref<3840xf32, #tpu.memory_space<hbm>>
      %dma_wait3A_208 = arith.constant 198528 : i32
      %dma_wait3A_209 = tpu.memref_slice %arg3[%dma_wait3A_208] : memref<258048xf32, #tpu.memory_space<hbm>> -> memref<3840xf32, #tpu.memory_space<hbm>>
      %dma_wait3A_210 = arith.constant 4224 : i32
      %dma_wait3A_211 = tpu.memref_slice %arg4[%dma_wait3A_210] : memref<8064xf32, #tpu.memory_space<vmem>> -> memref<3840xf32, #tpu.memory_space<vmem>>
      tpu.wait_dma2 semaphore(%arg8 : memref<!tpu.dma_semaphore, #tpu.memory_space<semaphore_mem>>) src(%dma_wait3A_211 : memref<3840xf32, #tpu.memory_space<vmem>>) dst(%dma_wait3A_209 : memref<3840xf32, #tpu.memory_space<hbm>>)
      %dma_wait3A_212 = arith.constant 0 : i32
      %dma_wait3A_213 = tpu.memref_slice %arg4[%dma_wait3A_212] : memref<8064xf32, #tpu.memory_space<vmem>> -> memref<4224xf32, #tpu.memory_space<vmem>>
      %dma_wait3A_214 = arith.constant 186240 : i32
      %dma_wait3A_215 = tpu.memref_slice %arg3[%dma_wait3A_214] : memref<258048xf32, #tpu.memory_space<hbm>> -> memref<4224xf32, #tpu.memory_space<hbm>>
      %dma_wait3A_216 = arith.constant 186240 : i32
      %dma_wait3A_217 = tpu.memref_slice %arg3[%dma_wait3A_216] : memref<258048xf32, #tpu.memory_space<hbm>> -> memref<4224xf32, #tpu.memory_space<hbm>>
      %dma_wait3A_218 = arith.constant 0 : i32
      %dma_wait3A_219 = tpu.memref_slice %arg4[%dma_wait3A_218] : memref<8064xf32, #tpu.memory_space<vmem>> -> memref<4224xf32, #tpu.memory_space<vmem>>
      tpu.wait_dma2 semaphore(%arg7 : memref<!tpu.dma_semaphore, #tpu.memory_space<semaphore_mem>>) src(%dma_wait3A_219 : memref<4224xf32, #tpu.memory_space<vmem>>) dst(%dma_wait3A_217 : memref<4224xf32, #tpu.memory_space<hbm>>)
    } else {
    }
    %eq3A_153 = arith.constant 31 : i32
    %eq3A_154 = arith.cmpi eq, %add3A, %eq3A_153 : i32
    %convert_element_type3A_155 = arith.extui %eq3A_154 : i1 to i32
    %cond3A_156 = arith.constant 0 : i32
    %cond3A_157 = arith.cmpi ne, %convert_element_type3A_155, %cond3A_156 : i32
    scf.if %cond3A_157 {
      %dma_start3A = arith.constant 0 : i32
      %dma_start3A_158 = tpu.memref_slice %arg4[%dma_start3A] : memref<8064xf32, #tpu.memory_space<vmem>> -> memref<4096xf32, #tpu.memory_space<vmem>>
      %dma_start3A_159 = arith.constant 258048 : i32
      %dma_start3A_160 = tpu.memref_slice %arg2[%dma_start3A_159] : memref<524288xf32, #tpu.memory_space<hbm>> -> memref<4096xf32, #tpu.memory_space<hbm>>
      %dma_start3A_161 = arith.constant 0 : i32
      %dma_start3A_162 = tpu.memref_slice %arg4[%dma_start3A_161] : memref<8064xf32, #tpu.memory_space<vmem>> -> memref<4096xf32, #tpu.memory_space<vmem>>
      %dma_start3A_163 = arith.constant 258048 : i32
      %dma_start3A_164 = tpu.memref_slice %arg2[%dma_start3A_163] : memref<524288xf32, #tpu.memory_space<hbm>> -> memref<4096xf32, #tpu.memory_space<hbm>>
      tpu.enqueue_dma source(%dma_start3A_164 : memref<4096xf32, #tpu.memory_space<hbm>>) target(%dma_start3A_162 : memref<4096xf32, #tpu.memory_space<vmem>>) target_semaphore(%arg5 : memref<!tpu.dma_semaphore, #tpu.memory_space<semaphore_mem>>)
      %dma_start3A_165 = arith.constant 4096 : i32
      %dma_start3A_166 = tpu.memref_slice %arg4[%dma_start3A_165] : memref<8064xf32, #tpu.memory_space<vmem>> -> memref<3968xf32, #tpu.memory_space<vmem>>
      %dma_start3A_167 = arith.constant 266368 : i32
      %dma_start3A_168 = tpu.memref_slice %arg2[%dma_start3A_167] : memref<524288xf32, #tpu.memory_space<hbm>> -> memref<3968xf32, #tpu.memory_space<hbm>>
      %dma_start3A_169 = arith.constant 4096 : i32
      %dma_start3A_170 = tpu.memref_slice %arg4[%dma_start3A_169] : memref<8064xf32, #tpu.memory_space<vmem>> -> memref<3968xf32, #tpu.memory_space<vmem>>
      %dma_start3A_171 = arith.constant 266368 : i32
      %dma_start3A_172 = tpu.memref_slice %arg2[%dma_start3A_171] : memref<524288xf32, #tpu.memory_space<hbm>> -> memref<3968xf32, #tpu.memory_space<hbm>>
      tpu.enqueue_dma source(%dma_start3A_172 : memref<3968xf32, #tpu.memory_space<hbm>>) target(%dma_start3A_170 : memref<3968xf32, #tpu.memory_space<vmem>>) target_semaphore(%arg6 : memref<!tpu.dma_semaphore, #tpu.memory_space<semaphore_mem>>)
      %dma_wait3A = arith.constant 0 : i32
      %dma_wait3A_173 = tpu.memref_slice %arg4[%dma_wait3A] : memref<8064xf32, #tpu.memory_space<vmem>> -> memref<4096xf32, #tpu.memory_space<vmem>>
      %dma_wait3A_174 = arith.constant 258048 : i32
      %dma_wait3A_175 = tpu.memref_slice %arg2[%dma_wait3A_174] : memref<524288xf32, #tpu.memory_space<hbm>> -> memref<4096xf32, #tpu.memory_space<hbm>>
      %dma_wait3A_176 = arith.constant 0 : i32
      %dma_wait3A_177 = tpu.memref_slice %arg4[%dma_wait3A_176] : memref<8064xf32, #tpu.memory_space<vmem>> -> memref<4096xf32, #tpu.memory_space<vmem>>
      %dma_wait3A_178 = arith.constant 258048 : i32
      %dma_wait3A_179 = tpu.memref_slice %arg2[%dma_wait3A_178] : memref<524288xf32, #tpu.memory_space<hbm>> -> memref<4096xf32, #tpu.memory_space<hbm>>
      tpu.wait_dma2 semaphore(%arg5 : memref<!tpu.dma_semaphore, #tpu.memory_space<semaphore_mem>>) src(%dma_wait3A_179 : memref<4096xf32, #tpu.memory_space<hbm>>) dst(%dma_wait3A_177 : memref<4096xf32, #tpu.memory_space<vmem>>)
      %dma_start3A_180 = arith.constant 0 : i32
      %dma_start3A_181 = tpu.memref_slice %arg4[%dma_start3A_180] : memref<8064xf32, #tpu.memory_space<vmem>> -> memref<4096xf32, #tpu.memory_space<vmem>>
      %dma_start3A_182 = arith.constant 190464 : i32
      %dma_start3A_183 = tpu.memref_slice %arg3[%dma_start3A_182] : memref<258048xf32, #tpu.memory_space<hbm>> -> memref<4096xf32, #tpu.memory_space<hbm>>
      %dma_start3A_184 = arith.constant 190464 : i32
      %dma_start3A_185 = tpu.memref_slice %arg3[%dma_start3A_184] : memref<258048xf32, #tpu.memory_space<hbm>> -> memref<4096xf32, #tpu.memory_space<hbm>>
      %dma_start3A_186 = arith.constant 0 : i32
      %dma_start3A_187 = tpu.memref_slice %arg4[%dma_start3A_186] : memref<8064xf32, #tpu.memory_space<vmem>> -> memref<4096xf32, #tpu.memory_space<vmem>>
      tpu.enqueue_dma source(%dma_start3A_187 : memref<4096xf32, #tpu.memory_space<vmem>>) target(%dma_start3A_185 : memref<4096xf32, #tpu.memory_space<hbm>>) target_semaphore(%arg7 : memref<!tpu.dma_semaphore, #tpu.memory_space<semaphore_mem>>)
      %dma_wait3A_188 = arith.constant 4096 : i32
      %dma_wait3A_189 = tpu.memref_slice %arg4[%dma_wait3A_188] : memref<8064xf32, #tpu.memory_space<vmem>> -> memref<3968xf32, #tpu.memory_space<vmem>>
      %dma_wait3A_190 = arith.constant 266368 : i32
      %dma_wait3A_191 = tpu.memref_slice %arg2[%dma_wait3A_190] : memref<524288xf32, #tpu.memory_space<hbm>> -> memref<3968xf32, #tpu.memory_space<hbm>>
      %dma_wait3A_192 = arith.constant 4096 : i32
      %dma_wait3A_193 = tpu.memref_slice %arg4[%dma_wait3A_192] : memref<8064xf32, #tpu.memory_space<vmem>> -> memref<3968xf32, #tpu.memory_space<vmem>>
      %dma_wait3A_194 = arith.constant 266368 : i32
      %dma_wait3A_195 = tpu.memref_slice %arg2[%dma_wait3A_194] : memref<524288xf32, #tpu.memory_space<hbm>> -> memref<3968xf32, #tpu.memory_space<hbm>>
      tpu.wait_dma2 semaphore(%arg6 : memref<!tpu.dma_semaphore, #tpu.memory_space<semaphore_mem>>) src(%dma_wait3A_195 : memref<3968xf32, #tpu.memory_space<hbm>>) dst(%dma_wait3A_193 : memref<3968xf32, #tpu.memory_space<vmem>>)
      %dma_start3A_196 = arith.constant 4096 : i32
      %dma_start3A_197 = tpu.memref_slice %arg4[%dma_start3A_196] : memref<8064xf32, #tpu.memory_space<vmem>> -> memref<3968xf32, #tpu.memory_space<vmem>>
      %dma_start3A_198 = arith.constant 194560 : i32
      %dma_start3A_199 = tpu.memref_slice %arg3[%dma_start3A_198] : memref<258048xf32, #tpu.memory_space<hbm>> -> memref<3968xf32, #tpu.memory_space<hbm>>
      %dma_start3A_200 = arith.constant 194560 : i32
      %dma_start3A_201 = tpu.memref_slice %arg3[%dma_start3A_200] : memref<258048xf32, #tpu.memory_space<hbm>> -> memref<3968xf32, #tpu.memory_space<hbm>>
      %dma_start3A_202 = arith.constant 4096 : i32
      %dma_start3A_203 = tpu.memref_slice %arg4[%dma_start3A_202] : memref<8064xf32, #tpu.memory_space<vmem>> -> memref<3968xf32, #tpu.memory_space<vmem>>
      tpu.enqueue_dma source(%dma_start3A_203 : memref<3968xf32, #tpu.memory_space<vmem>>) target(%dma_start3A_201 : memref<3968xf32, #tpu.memory_space<hbm>>) target_semaphore(%arg8 : memref<!tpu.dma_semaphore, #tpu.memory_space<semaphore_mem>>)
      %dma_wait3A_204 = arith.constant 4096 : i32
      %dma_wait3A_205 = tpu.memref_slice %arg4[%dma_wait3A_204] : memref<8064xf32, #tpu.memory_space<vmem>> -> memref<3968xf32, #tpu.memory_space<vmem>>
      %dma_wait3A_206 = arith.constant 194560 : i32
      %dma_wait3A_207 = tpu.memref_slice %arg3[%dma_wait3A_206] : memref<258048xf32, #tpu.memory_space<hbm>> -> memref<3968xf32, #tpu.memory_space<hbm>>
      %dma_wait3A_208 = arith.constant 194560 : i32
      %dma_wait3A_209 = tpu.memref_slice %arg3[%dma_wait3A_208] : memref<258048xf32, #tpu.memory_space<hbm>> -> memref<3968xf32, #tpu.memory_space<hbm>>
      %dma_wait3A_210 = arith.constant 4096 : i32
      %dma_wait3A_211 = tpu.memref_slice %arg4[%dma_wait3A_210] : memref<8064xf32, #tpu.memory_space<vmem>> -> memref<3968xf32, #tpu.memory_space<vmem>>
      tpu.wait_dma2 semaphore(%arg8 : memref<!tpu.dma_semaphore, #tpu.memory_space<semaphore_mem>>) src(%dma_wait3A_211 : memref<3968xf32, #tpu.memory_space<vmem>>) dst(%dma_wait3A_209 : memref<3968xf32, #tpu.memory_space<hbm>>)
      %dma_wait3A_212 = arith.constant 0 : i32
      %dma_wait3A_213 = tpu.memref_slice %arg4[%dma_wait3A_212] : memref<8064xf32, #tpu.memory_space<vmem>> -> memref<4096xf32, #tpu.memory_space<vmem>>
      %dma_wait3A_214 = arith.constant 190464 : i32
      %dma_wait3A_215 = tpu.memref_slice %arg3[%dma_wait3A_214] : memref<258048xf32, #tpu.memory_space<hbm>> -> memref<4096xf32, #tpu.memory_space<hbm>>
      %dma_wait3A_216 = arith.constant 190464 : i32
      %dma_wait3A_217 = tpu.memref_slice %arg3[%dma_wait3A_216] : memref<258048xf32, #tpu.memory_space<hbm>> -> memref<4096xf32, #tpu.memory_space<hbm>>
      %dma_wait3A_218 = arith.constant 0 : i32
      %dma_wait3A_219 = tpu.memref_slice %arg4[%dma_wait3A_218] : memref<8064xf32, #tpu.memory_space<vmem>> -> memref<4096xf32, #tpu.memory_space<vmem>>
      tpu.wait_dma2 semaphore(%arg7 : memref<!tpu.dma_semaphore, #tpu.memory_space<semaphore_mem>>) src(%dma_wait3A_219 : memref<4096xf32, #tpu.memory_space<vmem>>) dst(%dma_wait3A_217 : memref<4096xf32, #tpu.memory_space<hbm>>)
    } else {
    }
    return
  }
}

module attributes {stable_mosaic.version = 14 : i64} {
  func.func @_gram_body(%arg0: memref<64x80x128xf32, #tpu.memory_space<vmem>>, %arg1: memref<4096x128xf32, #tpu.memory_space<vmem>>) attributes {dimension_semantics = [], scalar_prefetch = 0 : i64, scratch_operands = 0 : i64, tpu.core_type = #tpu.core_type<tc>} {
    %get3A = arith.constant 0 : index
    %get3A_0 = arith.constant 0 : index
    %get3A_1 = arith.constant 0 : index
    %get3A_2 = vector.load %arg0[%get3A, %get3A_0, %get3A_1] : memref<64x80x128xf32, #tpu.memory_space<vmem>>, vector<64x80x128xf32>
    %dot_general3A = arith.constant dense<0.000000e+00> : vector<80x64x64xf32>
    %dot_general3A_3 = tpu.matmul %get3A_2, %get3A_2, %dot_general3A {dimension_numbers = #tpu.dot_dimension_numbers<[2], [2], [0], [0], [0, 1, 0, 0, 1, 0], [1], [1]>, transpose_lhs_hint = false} : vector<64x80x128xf32>, vector<64x80x128xf32>, vector<80x64x64xf32> -> vector<80x64x64xf32>
    %mul3A = arith.mulf %get3A_2, %get3A_2 : vector<64x80x128xf32>
    %reduce_sum3A = arith.constant dense<0.000000e+00> : vector<64x80xf32>
    %reduce_sum3A_4 = vector.multi_reduction <add>, %mul3A, %reduce_sum3A [2] : vector<64x80x128xf32> to vector<64x80xf32>
    %transpose3A = tpu.transpose %reduce_sum3A_4, [1, 0] : vector<64x80xf32> -> vector<80x64xf32>
    %broadcast_in_dim3A = vector.shape_cast %transpose3A : vector<80x64xf32> to vector<80x64x1xf32>
    %broadcast_in_dim3A_5 = vector.shape_cast %transpose3A : vector<80x64xf32> to vector<80x1x64xf32>
    %mul3A_6 = vector.broadcast %broadcast_in_dim3A : vector<80x64x1xf32> to vector<80x64x64xf32>
    %mul3A_7 = vector.broadcast %broadcast_in_dim3A_5 : vector<80x1x64xf32> to vector<80x64x64xf32>
    %mul3A_8 = arith.mulf %mul3A_6, %mul3A_7 : vector<80x64x64xf32>
    %max3A = arith.constant 1.000000e-18 : f32
    %max3A_9 = vector.broadcast %max3A : f32 to vector<80x64x64xf32>
    %max3A_10 = arith.maximumf %mul3A_8, %max3A_9 : vector<80x64x64xf32>
    %rsqrt3A = math.rsqrt %max3A_10 : vector<80x64x64xf32>
    %mul3A_11 = arith.mulf %dot_general3A_3, %rsqrt3A : vector<80x64x64xf32>
    %reshape3A = vector.shape_cast %mul3A_11 : vector<80x64x64xf32> to vector<80x4096xf32>
    %transpose3A_12 = tpu.transpose %reshape3A, [1, 0] : vector<80x4096xf32> -> vector<4096x80xf32>
    %swap3A = arith.constant 0 : index
    %swap3A_13 = arith.constant 0 : index
    %swap3A_14 = vector.load %arg1[%swap3A, %swap3A_13] : memref<4096x128xf32, #tpu.memory_space<vmem>>, vector<4096x80xf32>
    tpu.vector_store %arg1[%swap3A, %swap3A_13], %transpose3A_12 {strides = array<i32>} : memref<4096x128xf32, #tpu.memory_space<vmem>>, vector<4096x80xf32>,
    return
  }
}

</mosaic_0001>

<sc_bundles>
// kernel: kernel.4.cloned.1.call-start
scs
__scs_entry_jumppad:
0x0: {  	(pc) =	sbr.rel $0x88, $3  }
0x1: {  	(tag) =	ssettag $0x0;
	lr =	simm.s32 $0x1  }
0x2: {  	[smem:$0x3FA0] =	sst lr;
	_ =	strace $0xD0000000  }
0x3: {  	_ = 	snop  }
0x4: {  	_ = 	snop  }
0x5: {  	_ = 	snop  }
0x6: {  	_ = 	snop  }
0x7: {  	_ = 	snop  }
__scs_overlays_trampoline_lowered:
0x8: {  	[smem:$0x3FAF] =	sst s0  }
0x9: {  	[smem:$0x3FB0] =	sst s1  }
0xa: {  	[smem:$0x3FB1] =	sst s2  }
0xb: {  	[smem:$0x3FB2] =	sst s3  }
0xc: {  	[smem:$0x3FB3] =	sst s4  }
0xd: {  	[smem:$0x3FB4] =	sst s5  }
0xe: {  	[smem:$0x3FB5] =	sst s6  }
0xf: {  	[smem:$0x3FB6] =	sst s7  }
0x10: {  	[smem:$0x3FB7] =	sst s8  }
0x11: {  	[smem:$0x3FB8] =	sst s9;
	s0 =	simm.s32 @!p0 $0x0  }
0x12: {  	s1 =	sld [smem:$0x3F9E];
	s0 =	simm.s32 @p0 $0x1  }
0x13: {  	[smem:$0x3FB9] =	sst s0;
	s0 =	simm.s32 @!p1 $0x0  }
0x14: {  	s2 =	sld [smem:$0x3F9D];
	s0 =	simm.s32 @p1 $0x1  }
0x15: {  	[smem:$0x3FBA] =	sst s0;
	s0 =	simm.s32 @!p2 $0x0  }
0x16: {  	s3 =	sld [smem:$0x3FDB];
	s0 =	simm.s32 @p2 $0x1  }
0x17: {  	s4 =	simm.s32 $0x1BF5;
	[smem:$0x3FBC] =	sst s0  }
0x18: {  	s0 =	sld [smem:$0x3F9F];
	_ =	swait.ge [sflag:s4], $0x0  }
0x19: {  	s7 =	sld [smem:$0x3FA0]  }
0x1a: {  	s8 =	sadd.s32 $0xFFFFE003, lr  }
0x1b: {  	s9 =	sadd.s32 $0xFFFFFEF7, lr;
	s5 =	simm.s32 $0xFFFFFFFF;
	p2 =	slt.u32 s8, $0xFFFFF086  }
0x1c: {  	p1 =	slt.u32 s9, $0xF7A;
	s5 =	simm.s32 @!p2 $0x0  }
0x1d: {  	s5 =	simm.s32 @p1 $0x1;
	p0 =	seq.s32 s7, s2  }
0x1e: {  	s7 =	smul.u32 @!p0 $0xF7A, s2;
	p2 =	seq.s32 @!p0 s5, $0x0  }
0x1f: {  	s9 =	smul.u32 $0xF7A, s1;
	s8 =	simm.s32 @!p0 $0x1BF5;
	p2 =	por !p2, p0  }
0x20: {  	[sflag:s8] =	ssyncset.s32 @!p0 $0xFFFFF086;
	s6 =	sadd.s32 @!p0 s3, s7;
	s7 =	simm.s32 @!p0 $0x108  }
0x21: {  	s3 =	sadd.s32 s3, s9;
	s6 =	sadd.s32 @!p0 $0x88, s6;
	s7 =	simm.s32 @p2 $0x1082  }
0x22: {  	[simem:s7], [sflag:s8] =	dma.local @!p0 [hbm:s6], $0xF7A  }
0x23: {  	s9 =	sor.u32 $0xD0000000, s2;
	s6 =	simm.s32 $0x108;
	_ =	swait.ge @!p0 [sflag:s8], $0x0  }
0x24: {  	s3 =	sadd.s32 $0x88, s3;
	s6 =	simm.s32 @!p1 $0x1082;
	[sflag:s4] =	ssyncset.s32 $0xFFFFF086  }
0x25: {  	[simem:s6], [sflag:s4] =	dma.local [hbm:s3], $0xF7A  }
0x26: {  	[smem:$0x3FA0] =	sst s1;
	(tag) =	ssettag s2;
	_ =	strace s9  }
0x27: {  	s1 =	sld [smem:$0x3FB0]  }
0x28: {  	s2 =	sld [smem:$0x3FB1]  }
0x29: {  	s4 =	sld [smem:$0x3FB3]  }
0x2a: {  	p0 =	seq.s32 s5, $0x0;
	s5 =	sld [smem:$0x3FB4]  }
0x2b: {  	s6 =	sld [smem:$0x3FB5]  }
0x2c: {  	s7 =	sld [smem:$0x3FB6]  }
0x2d: {  	s3 =	simm.s32 $0x108;
	s8 =	sld [smem:$0x3FB7]  }
0x2e: {  	s3 =	simm.s32 @!p0 $0x1082;
	s9 =	sld [smem:$0x3FB8]  }
0x2f: {  	lr =	sadd.s32 s0, s3;
	s0 =	sld [smem:$0x3FAF]  }
0x30: {  	s3 =	sld [smem:$0x3FB2]  }
0x31: {  	[smem:$0x3FBB] =	sst s10  }
0x32: {  	s10 =	sld [smem:$0x3FB9];
	_ =	sdelay $0x3  }
0x33: {  	p0 =	seq.s32 s10, $0x1;
	s10 =	sld [smem:$0x3FBB];
	_ =	sdelay $0x3  }
0x34: {  	[smem:$0x3FBB] =	sst s10  }
0x35: {  	s10 =	sld [smem:$0x3FBA];
	_ =	sdelay $0x3  }
0x36: {  	p1 =	seq.s32 s10, $0x1;
	s10 =	sld [smem:$0x3FBB];
	_ =	sdelay $0x3  }
0x37: {  	[smem:$0x3FBB] =	sst s10  }
0x38: {  	s10 =	sld [smem:$0x3FBC]  }
0x39: {  	_ = 	snop;
	(pc) =	sbr.ind lr, $3  }
0x3a: {  	_ = 	snop  }
0x3b: {  	_ = 	snop  }
0x3c: {  	p2 =	seq.s32 s10, $0x1;
	s10 =	sld [smem:$0x3FBB]  }
0x3d: {  	_ =	shalt  }
0x3e: {  	_ =	shalt  }
0x3f: {  	_ =	shalt  }
0x40: {  	_ =	shalt  }
0x41: {  	_ =	shalt  }
0x42: {  	_ =	shalt  }
0x43: {  	_ =	shalt  }
0x44: {  	_ =	shalt  }
0x45: {  	_ =	shalt  }
0x46: {  	_ =	shalt  }
0x47: {  	_ =	shalt  }
0x48: {  	_ =	shalt  }
0x49: {  	_ =	shalt  }
0x4a: {  	_ =	shalt  }
0x4b: {  	_ =	shalt  }
0x4c: {  	_ =	shalt  }
0x4d: {  	_ =	shalt  }
0x4e: {  	_ =	shalt  }
0x4f: {  	_ =	shalt  }
0x50: {  	_ =	shalt  }
0x51: {  	_ =	shalt  }
0x52: {  	_ =	shalt  }
0x53: {  	_ =	shalt  }
0x54: {  	_ =	shalt  }
0x55: {  	_ =	shalt  }
0x56: {  	_ =	shalt  }
0x57: {  	_ =	shalt  }
0x58: {  	_ =	shalt  }
0x59: {  	_ =	shalt  }
0x5a: {  	_ =	shalt  }
0x5b: {  	_ =	shalt  }
0x5c: {  	_ =	shalt  }
0x5d: {  	_ =	shalt  }
0x5e: {  	_ =	shalt  }
0x5f: {  	_ =	shalt  }
0x60: {  	_ =	shalt  }
0x61: {  	_ =	shalt  }
0x62: {  	_ =	shalt  }
0x63: {  	_ =	shalt  }
0x64: {  	_ =	shalt  }
0x65: {  	_ =	shalt  }
0x66: {  	_ =	shalt  }
0x67: {  	_ =	shalt  }
0x68: {  	_ =	shalt  }
0x69: {  	_ =	shalt  }
0x6a: {  	_ =	shalt  }
0x6b: {  	_ =	shalt  }
0x6c: {  	_ =	shalt  }
0x6d: {  	_ =	shalt  }
0x6e: {  	_ =	shalt  }
0x6f: {  	_ =	shalt  }
0x70: {  	_ =	shalt  }
0x71: {  	_ =	shalt  }
0x72: {  	_ =	shalt  }
0x73: {  	_ =	shalt  }
0x74: {  	_ =	shalt  }
0x75: {  	_ =	shalt  }
0x76: {  	_ =	shalt  }
0x77: {  	_ =	shalt  }
0x78: {  	_ =	shalt  }
0x79: {  	_ =	shalt  }
0x7a: {  	_ =	shalt  }
0x7b: {  	_ =	shalt  }
0x7c: {  	_ =	shalt  }
0x7d: {  	_ =	shalt  }
0x7e: {  	_ =	shalt  }
0x7f: {  	_ =	shalt  }
0x80: {  	_ =	shalt  }
0x81: {  	_ =	shalt  }
0x82: {  	_ =	shalt  }
0x83: {  	_ =	shalt  }
0x84: {  	_ =	shalt  }
0x85: {  	_ =	shalt  }
0x86: {  	_ =	shalt  }
0x87: {  	_ =	shalt  }
.Lfunc_end0:
.L_simem_size_0:
called_computation_lowered:
.L_overlay_start_0:
0x88: {  	s2 =	sld [smem:$0x3FD9]  }
0x89: {  	s3 =	sld [smem:$0x3FFE];
	_ =	sdelay $0x1  }
0x8a: {  	s1 =	srdreg.scid  }
0x8b: {  	s0 =	sand.u32 $0x1, s1  }
0x8c: {  	s16 =	sshll.u32 s0, $0xA;
	s2 =	sadd.s32 s3, s2  }
0x8d: {  	s2 =	sadd.s32 s2, s16  }
0x8e: {  	[smem:$0x3FC7] =	sst s2  }
0x8f: {  	_ = 	snop  }
0x90: {  	(tm) =	ssettm $0x1  }
0x91: {  	s17 =	sld [smem:$0x3FFB];
	_ =	sdelay $0x3  }
0x92: {  	_ =	strace s17  }
0x93: {  	s2 =	sld [smem:$0x3FFC];
	_ =	sdelay $0x3  }
0x94: {  	_ =	strace s2  }
0x95: {  	s2 =	sld [smem:$0x3FFD];
	_ =	sdelay $0x3  }
0x96: {  	_ =	strace s2  }
0x97: {  	_ =	strace $0x8FFFFFFF  }
0x98: {  	s18 =	sld [smem:$0x3FDB];
	_ =	sdelay $0x1  }
0x99: {  	s19 =	simm.s32 $_scs_section_size  }
0x9a: {  	s4 =	simm.s32 $_size__tile_overlayer_lowered;
	s5 =	simm.s32 $_tile_overlayer_lowered  }
0x9b: {  	s22 =	simm.s32 $0x1BFF;
	s21 =	sshll.u32 s5, $0x1;
	s2 =	sadd.s32 s19, s18  }
0x9c: {  	s6 =	simm.s32 $0x0;
	s20 =	sshll.u32 s4, $0x1;
	s4 =	sadd.s32 s21, s2  }
0x9d: {  	[timem:s6], [sflag:s22] =	dma.local [hbm:s4], s20  }
0x9e: {  	_ =	swait.ge [sflag:s22], s20  }
0x9f: {  	s3 =	ssub.s32 $0x0, s20;
	[sflag:s22] =	ssyncset.done $0x0  }
0xa0: {  	[sflag:s22] =	ssyncadd.s32 s3;
	_ =	sdelay $0x1  }
0xa1: {  	s23 =	simm.s32 $0x1B8B  }
0xa2: {  	_ =	swait.ge [sflag:s23], $0x1  }
0xa3: {  	[sflag:s23] =	ssyncset.done $0x0  }
0xa4: {  	s25 =	simm.s32 $0x1B8E;
	s24 =	sld [smem:$0x3FFE];
	[sflag:s23] =	ssyncadd.s32 $0xFFFFFFFF  }
0xa5: {  	s26 =	simm.s32 $execute0_lowered;
	[smem:$0x3FD2] =	sst s25  }
0xa6: {  	s4 =	sshll.u32 s26, $0x1;
	_ =	strace $0x80000046;
	[dreg:$0x1] =	wrdreg $0xFFFFFFFF  }
0xa7: {  	s28 =	simm.s32 $_size_execute0_lowered;
	s2 =	sadd.s32 s2, s4;
	[dreg:$0x0] =	wrdreg $0x0  }
0xa8: {  	s4 =	sshll.u32 s28, $0x1;
	[dreg:$0x2] =	wrdreg s2  }
0xa9: {  	[dreg:$0x3] =	wrdreg s4  }
0xaa: {  	[dreg:$0x4] =	wrdreg $0xC0  }
0xab: {  	_ =	task [dreg:s6], $0x5FFFF  }
0xac: {  	[dreg:$0x1] =	wrdreg $0xFFFFFFFF  }
0xad: {  	[dreg:$0x0] =	wrdreg $0x60  }
0xae: {  	[dreg:$0x2] =	wrdreg s24  }
0xaf: {  	[dreg:$0x3] =	wrdreg $0x9  }
0xb0: {  	_ =	task.clear_ibuf [dreg:s6], $0x4FFFF;
	_ =	strace $0x90000046  }
0xb1: {  	s29 =	simm.s32 $0x9;
	_ =	strace $0x80000048  }
0xb2: {  	_ =	swait.ge [sflag:s29], $0x1  }
0xb3: {  	[sflag:s29] =	ssyncadd.s32 $0xFFFFFFFF  }
0xb4: {  	_ =	strace $0x90000048  }
0xb5: {  	_ =	sfence  }
0xb6: {  	s30 =	sld [smem:$0x0];
	_ =	sdelay $0x2  }
0xb7: {  	s31 =	sshll.u32 s1, $0xD;
	s1 =	sshrl.u32 s1, $0x2  }
0xb8: {  	s3 =	sand.u32 $0x4000, s31;
	s1 =	sadd.s32 s1, s30  }
0xb9: {  	s0 =	sor.u32 s3, s0;
	s1 =	sshll.u32 s1, $0x11  }
0xba: {  	s0 =	sor.u32 s1, s0  }
0xbb: {  	s0 =	sadd.s32 $0x8F2B, s0  }
0xbc: {  	[sflag:s0] =	ssyncadd.remote.s32 $0x1  }
0xbd: {  	_ =	sfence.sel $0xFFFF  }
0xbe: {  	[dreg:$0x0] =	wrdreg $0xFFFFFFFF;
	(pc) =	sbr.abs _section_cstart, $3  }
0xbf: {  	[dreg:$0x1] =	wrdreg $0xFFFFFFFF  }
0xc0: {  	_ =	task.clear_ibuf [dreg:s6], $0x2FFFF;
	_ =	strace $0x9FFFFFFF  }
0xc1: {  	(tm) =	ssettm $0x7FFFFFFF  }
tec
execute0_lowered:
.L_overlay_start_1:
0x0: {  	(tag) =	ssettag $0x1  }
0x1: {  	s0 =	srdreg.scid;
	s1 =	stileid.u32  }
0x2: {  	s0 =	sand.u32 $0x1, s0;
	s1 =	sshll.u32 s1, $0x1  }
0x3: {  	s1 =	sor.u32 s0, s1  }
0x4: {  	p0 =	sgt.s32 s1, $0x1  }
0x5: {  	p1 =	seq.s32 @p0 s1, $0x2  }
0x6: {  	p2 =	por !p1, !p0  }
0x7: {  	s2 =	simm.s32 @!p2 $0x0  }
0x8: {  	p1 =	por p1, !p0;
	s2 =	simm.s32 @p2 $0x1  }
0x9: {  	p2 =	seq.s32 @!p0 s1, $0x0;
	[smem:$0x7A7] =	sst s2;
	s2 =	simm.s32 @!p1 $0x0  }
0xa: {  	s2 =	simm.s32 @p1 $0x1;
	p1 =	por !p2, p0  }
0xb: {  	[smem:$0x7A8] =	sst s2;
	s2 =	simm.s32 @!p1 $0x0  }
0xc: {  	p0 =	por p2, p0;
	s2 =	simm.s32 @p1 $0x1  }
0xd: {  	p1 =	sgt.s32 s1, $0x5;
	[smem:$0x7A9] =	sst s2;
	s2 =	simm.s32 @!p0 $0x0  }
0xe: {  	s2 =	simm.s32 @p0 $0x1;
	p0 =	seq.s32 @p1 s1, $0x6  }
0xf: {  	p3 =	por !p0, !p1  }
0x10: {  	[smem:$0x7AA] =	sst s2;
	s2 =	simm.s32 @!p3 $0x0  }
0x11: {  	p0 =	por p0, !p1;
	s2 =	simm.s32 @p3 $0x1  }
0x12: {  	p2 =	seq.s32 @!p1 s1, $0x4;
	[smem:$0x7AB] =	sst s2;
	s2 =	simm.s32 @!p0 $0x0  }
0x13: {  	s2 =	simm.s32 @p0 $0x1;
	p0 =	por !p2, p1  }
0x14: {  	[smem:$0x7AC] =	sst s2;
	s2 =	simm.s32 @!p0 $0x0  }
0x15: {  	s2 =	simm.s32 @p0 $0x1;
	p0 =	por p2, p1  }
0x16: {  	[smem:$0x7AD] =	sst s2;
	s2 =	simm.s32 @!p0 $0x0  }
0x17: {  	s2 =	simm.s32 @p0 $0x1;
	p0 =	sgt.s32 s1, $0x9  }
0x18: {  	p1 =	seq.s32 @p0 s1, $0xA  }
0x19: {  	p3 =	por !p1, !p0  }
0x1a: {  	s3 =	simm.s32 @!p3 $0x0  }
0x1b: {  	p1 =	por p1, !p0;
	s3 =	simm.s32 @p3 $0x1  }
0x1c: {  	p2 =	seq.s32 @!p0 s1, $0x8;
	[smem:$0x7AF] =	sst s3;
	s3 =	simm.s32 @!p1 $0x0  }
0x1d: {  	s3 =	simm.s32 @p1 $0x1;
	p1 =	por !p2, p0  }
0x1e: {  	[smem:$0x7B0] =	sst s3;
	s3 =	simm.s32 @!p1 $0x0  }
0x1f: {  	p0 =	por p2, p0;
	s3 =	simm.s32 @p1 $0x1  }
0x20: {  	[smem:$0x7B1] =	sst s3;
	s3 =	simm.s32 @!p0 $0x0  }
0x21: {  	s3 =	simm.s32 @p0 $0x1;
	p0 =	sgt.s32 s1, $0xD  }
0x22: {  	s8 =	rddreg [dreg:$0x0];
	s17 =	simm.s32 $0x0;
	p1 =	seq.s32 @p0 s1, $0xE  }
0x23: {  	[smem:$0x7FF] =	sst s17;
	p2 =	por !p1, !p0  }
0x24: {  	[smem:$0x7AE] =	sst s2;
	s2 =	simm.s32 @!p2 $0x0  }
0x25: {  	[smem:$0x7B2] =	sst s3;
	s2 =	simm.s32 @p2 $0x1  }
0x26: {  	s19 =	sadd.s32 $0x10800, s8;
	[smem:$0x7B3] =	sst s2  }
0x27: {  	s20 =	sadd.s32 $0x8600, s8;
	_ =	strace $0x80000047;
	[dreg:$0x2] =	wrdreg s19  }
0x28: {  	s21 =	sadd.s32 $0x8A10, s8;
	[dreg:$0x3] =	wrdreg s20  }
0x29: {  	s22 =	sadd.s32 $0x16500, s8;
	[dreg:$0x4] =	wrdreg s21  }
0x2a: {  	s23 =	sadd.s32 $0x16700, s8;
	[dreg:$0x5] =	wrdreg s22  }
0x2b: {  	s24 =	sadd.s32 $0x81F0, s8;
	[dreg:$0x6] =	wrdreg s23  }
0x2c: {  	s25 =	sadd.s32 $0x8E20, s8;
	[dreg:$0x7] =	wrdreg s24  }
0x2d: {  	s26 =	sadd.s32 $0x162F0, s8;
	[dreg:$0x8] =	wrdreg s25  }
0x2e: {  	s2 =	sadd.s32 $0x168F0, s8;
	[dreg:$0x9] =	wrdreg s26  }
0x2f: {  	s3 =	sadd.s32 $0x7DE0, s8;
	[dreg:$0xa] =	wrdreg s2  }
0x30: {  	s4 =	sadd.s32 $0x9230, s8;
	[dreg:$0xb] =	wrdreg s3  }
0x31: {  	s5 =	sadd.s32 $0x160D0, s8;
	[dreg:$0xc] =	wrdreg s4  }
0x32: {  	s6 =	sadd.s32 $0x16AD0, s8;
	[dreg:$0xd] =	wrdreg s5  }
0x33: {  	s7 =	sadd.s32 $0x79D0, s8;
	[dreg:$0xe] =	wrdreg s6  }
0x34: {  	s10 =	sadd.s32 $0x9640, s8;
	[dreg:$0xf] =	wrdreg s7  }
0x35: {  	s11 =	sadd.s32 $0x15EA0, s8;
	[dreg:$0x10] =	wrdreg s10  }
0x36: {  	s12 =	sadd.s32 $0x16CA0, s8;
	[dreg:$0x11] =	wrdreg s11  }
0x37: {  	s13 =	sadd.s32 $0x75C0, s8;
	[dreg:$0x12] =	wrdreg s12  }
0x38: {  	s14 =	sadd.s32 $0x9A50, s8;
	[dreg:$0x13] =	wrdreg s13  }
0x39: {  	s15 =	sadd.s32 $0x15C60, s8;
	[dreg:$0x14] =	wrdreg s14  }
0x3a: {  	s16 =	sadd.s32 $0x16E60, s8;
	s0 =	ssub.s32 $0x2, s0;
	[dreg:$0x15] =	wrdreg s15  }
0x3b: {  	s17 =	sadd.s32 $0x71B0, s8;
	s18 =	sshrl.u32 s0, $0x1;
	[dreg:$0x16] =	wrdreg s16  }
0x3c: {  	s9 =	ssub.s32 s0, s18;
	s18 =	sadd.s32 $0x9E60, s8;
	[dreg:$0x17] =	wrdreg s17  }
0x3d: {  	[dreg:$0x18] =	wrdreg s18;
	s19 =	sadd.s32 $0x15A10, s8  }
0x3e: {  	s20 =	sadd.s32 $0x17010, s8;
	[dreg:$0x19] =	wrdreg s19  }
0x3f: {  	s21 =	sadd.s32 $0x6DA0, s8;
	[dreg:$0x1a] =	wrdreg s20  }
0x40: {  	s22 =	sadd.s32 $0xA270, s8;
	[dreg:$0x1b] =	wrdreg s21  }
0x41: {  	s23 =	sadd.s32 $0x157B0, s8;
	[dreg:$0x1c] =	wrdreg s22  }
0x42: {  	s24 =	sadd.s32 $0x171B0, s8;
	[dreg:$0x1d] =	wrdreg s23  }
0x43: {  	s25 =	sadd.s32 $0x6990, s8;
	[dreg:$0x1e] =	wrdreg s24  }
0x44: {  	s26 =	sadd.s32 $0xA680, s8;
	[dreg:$0x1f] =	wrdreg s25  }
0x45: {  	s2 =	sadd.s32 $0x15540, s8;
	[smem:$0x7B4] =	sst s26  }
0x46: {  	s3 =	sadd.s32 $0x17340, s8;
	[smem:$0x7B5] =	sst s2  }
0x47: {  	s4 =	sadd.s32 $0x6580, s8;
	[smem:$0x7B6] =	sst s3  }
0x48: {  	s5 =	sadd.s32 $0xAA90, s8;
	[smem:$0x7B7] =	sst s4  }
0x49: {  	s6 =	sadd.s32 $0x152C0, s8;
	[smem:$0x7B8] =	sst s5  }
0x4a: {  	s7 =	sadd.s32 $0x174C0, s8;
	[smem:$0x7B9] =	sst s6  }
0x4b: {  	s10 =	sadd.s32 $0x6170, s8;
	[smem:$0x7BA] =	sst s7  }
0x4c: {  	s11 =	sadd.s32 $0xAEA0, s8;
	[smem:$0x7BB] =	sst s10  }
0x4d: {  	s12 =	sadd.s32 $0x15030, s8;
	[smem:$0x7BC] =	sst s11  }
0x4e: {  	s13 =	sadd.s32 $0x17630, s8;
	[smem:$0x7BD] =	sst s12  }
0x4f: {  	s14 =	sadd.s32 $0x5D60, s8;
	[smem:$0x7BE] =	sst s13  }
0x50: {  	s15 =	sadd.s32 $0xB2B0, s8;
	[smem:$0x7BF] =	sst s14  }
0x51: {  	s16 =	sadd.s32 $0x14D90, s8;
	[smem:$0x7C0] =	sst s15  }
0x52: {  	s17 =	sadd.s32 $0x17790, s8;
	[smem:$0x7C1] =	sst s16  }
0x53: {  	s18 =	sadd.s32 $0x5950, s8;
	[smem:$0x7C2] =	sst s17  }
0x54: {  	[smem:$0x7C3] =	sst s18;
	s19 =	sadd.s32 $0xB6C0, s8  }
0x55: {  	s20 =	sadd.s32 $0x14AE0, s8;
	[smem:$0x7C4] =	sst s19  }
0x56: {  	s21 =	sadd.s32 $0x178E0, s8;
	[smem:$0x7C5] =	sst s20  }
0x57: {  	s22 =	sadd.s32 $0x5540, s8;
	[smem:$0x7C6] =	sst s21  }
0x58: {  	s23 =	sadd.s32 $0xBAD0, s8;
	[smem:$0x7C7] =	sst s22  }
0x59: {  	s24 =	sadd.s32 $0x14820, s8;
	[smem:$0x7C8] =	sst s23  }
0x5a: {  	s25 =	sadd.s32 $0x17A20, s8;
	[smem:$0x7C9] =	sst s24  }
0x5b: {  	s26 =	sadd.s32 $0x5130, s8;
	[smem:$0x7CA] =	sst s25  }
0x5c: {  	s2 =	sadd.s32 $0xBEE0, s8;
	[smem:$0x7CB] =	sst s26  }
0x5d: {  	s3 =	sadd.s32 $0x14550, s8;
	[smem:$0x7CC] =	sst s2  }
0x5e: {  	s4 =	sadd.s32 $0x17B50, s8;
	[smem:$0x7CD] =	sst s3  }
0x5f: {  	s5 =	sadd.s32 $0x4D20, s8;
	[smem:$0x7CE] =	sst s4  }
0x60: {  	s6 =	sadd.s32 $0xC2F0, s8;
	[smem:$0x7CF] =	sst s5  }
0x61: {  	s7 =	sadd.s32 $0x14270, s8;
	[smem:$0x7D0] =	sst s6  }
0x62: {  	s10 =	sadd.s32 $0x17C70, s8;
	[smem:$0x7D1] =	sst s7  }
0x63: {  	s11 =	sadd.s32 $0x4910, s8;
	[smem:$0x7D2] =	sst s10  }
0x64: {  	s12 =	sadd.s32 $0xC700, s8;
	[smem:$0x7D3] =	sst s11  }
0x65: {  	s13 =	sadd.s32 $0x13F80, s8;
	[smem:$0x7D4] =	sst s12  }
0x66: {  	s14 =	sadd.s32 $0x17D80, s8;
	[smem:$0x7D5] =	sst s13  }
0x67: {  	s15 =	sadd.s32 $0x4500, s8;
	[smem:$0x7D6] =	sst s14  }
0x68: {  	s16 =	sadd.s32 $0xCB10, s8;
	[smem:$0x7D7] =	sst s15  }
0x69: {  	s17 =	sadd.s32 $0x13C80, s8;
	[smem:$0x7D8] =	sst s16  }
0x6a: {  	s18 =	sadd.s32 $0x17E80, s8;
	[smem:$0x7D9] =	sst s17  }
0x6b: {  	[smem:$0x7DA] =	sst s18;
	s19 =	sadd.s32 $0x40F0, s8  }
0x6c: {  	s20 =	sadd.s32 $0xCF20, s8;
	[smem:$0x7DB] =	sst s19  }
0x6d: {  	s21 =	sadd.s32 $0x13970, s8;
	[smem:$0x7DC] =	sst s20  }
0x6e: {  	s22 =	sadd.s32 $0x17F70, s8;
	[smem:$0x7DD] =	sst s21  }
0x6f: {  	s23 =	sadd.s32 $0x3CE0, s8;
	[smem:$0x7DE] =	sst s22  }
0x70: {  	s24 =	sadd.s32 $0xD330, s8;
	[smem:$0x7DF] =	sst s23  }
0x71: {  	s25 =	sadd.s32 $0x13650, s8;
	[smem:$0x7E0] =	sst s24  }
0x72: {  	s26 =	sadd.s32 $0x18050, s8;
	[smem:$0x7E1] =	sst s25  }
0x73: {  	s2 =	sadd.s32 $0x38D0, s8;
	[smem:$0x7E2] =	sst s26  }
0x74: {  	s3 =	sadd.s32 $0xD740, s8;
	[smem:$0x7E3] =	sst s2  }
0x75: {  	s4 =	sadd.s32 $0x13320, s8;
	[smem:$0x7E4] =	sst s3  }
0x76: {  	s5 =	sadd.s32 $0x18120, s8;
	[smem:$0x7E5] =	sst s4  }
0x77: {  	s28 =	sadd.s32 $0xFBD0, s8;
	s6 =	sadd.s32 $0x34C0, s8;
	[smem:$0x7E6] =	sst s5  }
0x78: {  	s29 =	sadd.s32 $0x113A0, s8;
	s7 =	sadd.s32 $0xDB50, s8;
	[smem:$0x7E7] =	sst s6  }
0x79: {  	s30 =	sadd.s32 $0x185A0, s8;
	s10 =	sadd.s32 $0x12FE0, s8;
	[smem:$0x7E8] =	sst s7  }
0x7a: {  	s31 =	sadd.s32 $0x1030, s8;
	s11 =	sadd.s32 $0x181E0, s8;
	[smem:$0x7E9] =	sst s10  }
0x7b: {  	s0 =	sadd.s32 $0x10FD0, s8;
	s12 =	sadd.s32 $0x30B0, s8;
	[smem:$0x7EA] =	sst s11  }
0x7c: {  	s9 =	smax.u32 s9, $0x1;
	s13 =	sadd.s32 $0xDF60, s8;
	[smem:$0x7EB] =	sst s12  }
0x7d: {  	p3 =	seq.s32 @!p0 s1, $0xC;
	s14 =	sadd.s32 $0x12C90, s8;
	[smem:$0x7EC] =	sst s13  }
0x7e: {  	p6 =	por p1, !p0;
	s15 =	sadd.s32 $0x18290, s8;
	[smem:$0x7ED] =	sst s14  }
0x7f: {  	p1 =	sgt.s32 s1, $0x7;
	s16 =	sadd.s32 $0x2CA0, s8;
	[smem:$0x7EE] =	sst s15  }
0x80: {  	p2 =	por !p3, p0;
	s17 =	sadd.s32 $0xE370, s8;
	[smem:$0x7EF] =	sst s16  }
0x81: {  	p0 =	por p3, p0;
	s18 =	sadd.s32 $0x12930, s8;
	[smem:$0x7F0] =	sst s17  }
0x82: {  	p3 =	sgt.s32 s1, $0xF;
	[smem:$0x7F1] =	sst s18;
	s19 =	sadd.s32 $0x18330, s8  }
0x83: {  	s20 =	sadd.s32 $0x2890, s8;
	s21 =	sadd.s32 $0xE780, s8;
	s22 =	sadd.s32 $0x125C0, s8  }
0x84: {  	s23 =	sadd.s32 $0x183C0, s8;
	s24 =	sadd.s32 $0x2480, s8;
	s25 =	sadd.s32 $0xEB90, s8  }
0x85: {  	s26 =	sadd.s32 $0x12240, s8;
	s13 =	sadd.s32 $0x18440, s8;
	[smem:$0x7F2] =	sst s19  }
0x86: {  	s14 =	sadd.s32 $0x2070, s8;
	s15 =	sadd.s32 $0xEFA0, s8;
	[smem:$0x7F3] =	sst s20  }
0x87: {  	s16 =	sadd.s32 $0x11EB0, s8;
	s17 =	sadd.s32 $0x184B0, s8;
	[smem:$0x7F4] =	sst s21  }
0x88: {  	s18 =	sadd.s32 $0x1C60, s8;
	s2 =	sadd.s32 $0xFFE0, s8;
	[smem:$0x7F5] =	sst s22  }
0x89: {  	s3 =	sadd.s32 $0x185D0, s8;
	s4 =	sadd.s32 $0xC20, s8;
	[smem:$0x7F6] =	sst s23  }
0x8a: {  	s5 =	sadd.s32 $0x103F0, s8;
	s6 =	sadd.s32 $0x10BF0, s8;
	[smem:$0x7F7] =	sst s24  }
0x8b: {  	s7 =	sadd.s32 $0x185F0, s8;
	s10 =	simm.s32 @!p1 $0x0;
	[smem:$0x7F8] =	sst s25  }
0x8c: {  	[smem:$0x7F9] =	sst s26;
	s10 =	simm.s32 @p1 $0x1;
	p1 =	sgt.s32 s1, $0x3  }
0x8d: {  	s19 =	sadd.s32 $0xF3B0, s8;
	[smem:$0x7FA] =	sst s10;
	s10 =	simm.s32 @!p1 $0x0  }
0x8e: {  	s20 =	sadd.s32 $0x11B10, s8;
	s10 =	simm.s32 @p1 $0x1;
	p1 =	sgt.s32 s1, $0xB  }
.Ltmp0:
0x8f: {  	[smem:$0x7FB] =	sst s10;
	s10 =	simm.s32 @!p1 $0x0;
	(pc) =	sbr.rel .LBB2_1-.Ltmp0, $4  }
0x90: {  	s21 =	sadd.s32 $0x18510, s8;
	s22 =	sadd.s32 $0x1850, s8;
	s10 =	simm.s32 @p1 $0x1  }
0x91: {  	s23 =	sadd.s32 $0xF7C0, s8;
	[smem:$0x7FC] =	sst s10;
	s10 =	simm.s32 @!p3 $0x0  }
0x92: {  	s24 =	sadd.s32 $0x11760, s8;
	s25 =	sadd.s32 $0x18560, s8;
	s10 =	simm.s32 @p3 $0x1  }
0x93: {  	s26 =	sadd.s32 $0x1440, s8;
	s8 =	sadd.s32 $0x810, s8;
	[smem:$0x7FD] =	sst s10  }
.LBB2_15:
0x94: {  	p1 =	sgt.s32 s1, $0x1D  }
0x95: {  	p3 =	seq.s32 @p1 s1, $0x1E  }
0x96: {  	p5 =	por !p3, !p1  }
0x97: {  	s11 =	rddreg [dreg:$0x7];
	s10 =	simm.s32 @!p5 $0x0  }
0x98: {  	[tilespmem:s10], [sflag:$0x1] =	stream.linear.gather @!p5 [hbm4b:s11+s10], $0x1080, $0x38;
	[tilespmem:$0x1F80] =	vst v63  }
0x99: {  	s12 =	rddreg [dreg:$0x8];
	s11 =	simm.s32 @!p5 $0x1080  }
0x9a: {  	[tilespmem:s11], [sflag:$0x2] =	stream.linear.gather @!p5 [hbm4b:s12+s10], $0xF00, $0x38;
	[tilespmem:$0x1F80] =	vst v63  }
0x9b: {  	s12 =	simm.s32 @!p5 $0x1  }
0x9c: {  	_ =	swait.ge @!p5 [sflag:s12], $0x1080  }
0x9d: {  	[sflag:s12] =	ssyncset.done @!p5 $0x0  }
0x9e: {  	[sflag:s12] =	ssyncadd.s32 @!p5 $0xFFFFEF80;
	s12 =	rddreg [dreg:$0x9]  }
0x9f: {  	[hbm4b:s12+s10] =	stream.linear.scatter @!p5 [tilespmem:s10], [sflag:$0x3], $0x1080, $0x38;
	[tilespmem:$0x1F80] =	vst v63  }
0xa0: {  	s12 =	simm.s32 @!p5 $0x2  }
0xa1: {  	_ =	swait.ge @!p5 [sflag:s12], $0xF00  }
0xa2: {  	[sflag:s12] =	ssyncset.done @!p5 $0x0  }
0xa3: {  	[sflag:s12] =	ssyncadd.s32 @!p5 $0xFFFFF100;
	s12 =	rddreg [dreg:$0xa]  }
0xa4: {  	[hbm4b:s12+s10] =	stream.linear.scatter @!p5 [tilespmem:s11], [sflag:$0x4], $0xF00, $0x38;
	[tilespmem:$0x1F80] =	vst v63  }
0xa5: {  	s10 =	simm.s32 @!p5 $0x4  }
0xa6: {  	_ =	swait.ge @!p5 [sflag:s10], $0xF00  }
0xa7: {  	[sflag:s10] =	ssyncset.done @!p5 $0x0  }
0xa8: {  	[sflag:s10] =	ssyncadd.s32 @!p5 $0xFFFFF100;
	s10 =	simm.s32 @!p5 $0x3  }
0xa9: {  	_ =	swait.ge @!p5 [sflag:s10], $0x1080  }
0xaa: {  	p4 =	por p3, !p1;
	[sflag:s10] =	ssyncset.done @!p5 $0x0  }
0xab: {  	s11 =	rddreg [dreg:$0x3];
	[sflag:s10] =	ssyncadd.s32 @!p5 $0xFFFFEF80;
	s10 =	simm.s32 @!p4 $0x0  }
0xac: {  	[tilespmem:s10], [sflag:$0x1] =	stream.linear.gather @!p4 [hbm4b:s11+s10], $0x1000, $0x38;
	[tilespmem:$0x1F80] =	vst v63  }
0xad: {  	s12 =	rddreg [dreg:$0x4];
	s11 =	simm.s32 @!p4 $0x1000  }
0xae: {  	[tilespmem:s11], [sflag:$0x2] =	stream.linear.gather @!p4 [hbm4b:s12+s10], $0xF80, $0x38;
	[tilespmem:$0x1F80] =	vst v63  }
0xaf: {  	s12 =	simm.s32 @!p4 $0x1  }
0xb0: {  	_ =	swait.ge @!p4 [sflag:s12], $0x1000  }
0xb1: {  	[sflag:s12] =	ssyncset.done @!p4 $0x0  }
0xb2: {  	[sflag:s12] =	ssyncadd.s32 @!p4 $0xFFFFF000;
	s12 =	rddreg [dreg:$0x5]  }
0xb3: {  	[hbm4b:s12+s10] =	stream.linear.scatter @!p4 [tilespmem:s10], [sflag:$0x3], $0x1000, $0x38;
	[tilespmem:$0x1F80] =	vst v63  }
0xb4: {  	s12 =	simm.s32 @!p4 $0x2  }
0xb5: {  	_ =	swait.ge @!p4 [sflag:s12], $0xF80  }
0xb6: {  	[sflag:s12] =	ssyncset.done @!p4 $0x0  }
0xb7: {  	[sflag:s12] =	ssyncadd.s32 @!p4 $0xFFFFF080;
	s12 =	rddreg [dreg:$0x6]  }
0xb8: {  	[hbm4b:s12+s10] =	stream.linear.scatter @!p4 [tilespmem:s11], [sflag:$0x4], $0xF80, $0x38;
	[tilespmem:$0x1F80] =	vst v63  }
0xb9: {  	s10 =	simm.s32 @!p4 $0x4  }
0xba: {  	_ =	swait.ge @!p4 [sflag:s10], $0xF80  }
0xbb: {  	[sflag:s10] =	ssyncset.done @!p4 $0x0  }
0xbc: {  	[sflag:s10] =	ssyncadd.s32 @!p4 $0xFFFFF080;
	s10 =	simm.s32 @!p4 $0x3  }
0xbd: {  	p3 =	seq.s32 @!p1 s1, $0x1C;
	_ =	swait.ge @!p4 [sflag:s10], $0x1000  }
0xbe: {  	p5 =	por !p3, p1;
	[sflag:s10] =	ssyncset.done @!p4 $0x0  }
0xbf: {  	s11 =	rddreg [dreg:$0xf];
	[sflag:s10] =	ssyncadd.s32 @!p4 $0xFFFFF000;
	s10 =	simm.s32 @!p5 $0x0  }
0xc0: {  	[tilespmem:s10], [sflag:$0x1] =	stream.linear.gather @!p5 [hbm4b:s11+s10], $0x1180, $0x38;
	[tilespmem:$0x1F80] =	vst v63  }
0xc1: {  	s12 =	rddreg [dreg:$0x10];
	s11 =	simm.s32 @!p5 $0x1180  }
0xc2: {  	[tilespmem:s11], [sflag:$0x2] =	stream.linear.gather @!p5 [hbm4b:s12+s10], $0xE00, $0x38;
	[tilespmem:$0x1F80] =	vst v63  }
0xc3: {  	s12 =	simm.s32 @!p5 $0x1  }
0xc4: {  	_ =	swait.ge @!p5 [sflag:s12], $0x1180  }
0xc5: {  	[sflag:s12] =	ssyncset.done @!p5 $0x0  }
0xc6: {  	[sflag:s12] =	ssyncadd.s32 @!p5 $0xFFFFEE80;
	s12 =	rddreg [dreg:$0x11]  }
0xc7: {  	[hbm4b:s12+s10] =	stream.linear.scatter @!p5 [tilespmem:s10], [sflag:$0x3], $0x1180, $0x38;
	[tilespmem:$0x1F80] =	vst v63  }
0xc8: {  	s12 =	simm.s32 @!p5 $0x2  }
0xc9: {  	_ =	swait.ge @!p5 [sflag:s12], $0xE00  }
0xca: {  	[sflag:s12] =	ssyncset.done @!p5 $0x0  }
0xcb: {  	[sflag:s12] =	ssyncadd.s32 @!p5 $0xFFFFF200;
	s12 =	rddreg [dreg:$0x12]  }
0xcc: {  	[hbm4b:s12+s10] =	stream.linear.scatter @!p5 [tilespmem:s11], [sflag:$0x4], $0xE00, $0x38;
	[tilespmem:$0x1F80] =	vst v63  }
0xcd: {  	s10 =	simm.s32 @!p5 $0x4  }
0xce: {  	_ =	swait.ge @!p5 [sflag:s10], $0xE00  }
0xcf: {  	[sflag:s10] =	ssyncset.done @!p5 $0x0  }
0xd0: {  	[sflag:s10] =	ssyncadd.s32 @!p5 $0xFFFFF200;
	s10 =	simm.s32 @!p5 $0x3  }
0xd1: {  	_ =	swait.ge @!p5 [sflag:s10], $0x1180  }
0xd2: {  	p1 =	por p3, p1;
	[sflag:s10] =	ssyncset.done @!p5 $0x0  }
0xd3: {  	s11 =	rddreg [dreg:$0xb];
	[sflag:s10] =	ssyncadd.s32 @!p5 $0xFFFFEE80;
	s10 =	simm.s32 @!p1 $0x0  }
0xd4: {  	[tilespmem:s10], [sflag:$0x1] =	stream.linear.gather @!p1 [hbm4b:s11+s10], $0x1100, $0x38;
	[tilespmem:$0x1F80] =	vst v63  }
0xd5: {  	s12 =	rddreg [dreg:$0xc];
	s11 =	simm.s32 @!p1 $0x1100  }
0xd6: {  	[tilespmem:s11], [sflag:$0x2] =	stream.linear.gather @!p1 [hbm4b:s12+s10], $0xE80, $0x38;
	[tilespmem:$0x1F80] =	vst v63  }
0xd7: {  	s12 =	simm.s32 @!p1 $0x1  }
0xd8: {  	_ =	swait.ge @!p1 [sflag:s12], $0x1100  }
0xd9: {  	[sflag:s12] =	ssyncset.done @!p1 $0x0  }
0xda: {  	[sflag:s12] =	ssyncadd.s32 @!p1 $0xFFFFEF00;
	s12 =	rddreg [dreg:$0xd]  }
0xdb: {  	[hbm4b:s12+s10] =	stream.linear.scatter @!p1 [tilespmem:s10], [sflag:$0x3], $0x1100, $0x38;
	[tilespmem:$0x1F80] =	vst v63  }
0xdc: {  	s12 =	simm.s32 @!p1 $0x2  }
0xdd: {  	_ =	swait.ge @!p1 [sflag:s12], $0xE80  }
0xde: {  	[sflag:s12] =	ssyncset.done @!p1 $0x0  }
0xdf: {  	[sflag:s12] =	ssyncadd.s32 @!p1 $0xFFFFF180;
	s12 =	rddreg [dreg:$0xe]  }
0xe0: {  	[hbm4b:s12+s10] =	stream.linear.scatter @!p1 [tilespmem:s11], [sflag:$0x4], $0xE80, $0x38;
	[tilespmem:$0x1F80] =	vst v63  }
0xe1: {  	s10 =	simm.s32 @!p1 $0x4  }
0xe2: {  	_ =	swait.ge @!p1 [sflag:s10], $0xE80  }
0xe3: {  	[sflag:s10] =	ssyncset.done @!p1 $0x0  }
0xe4: {  	[sflag:s10] =	ssyncadd.s32 @!p1 $0xFFFFF180;
	s10 =	simm.s32 @!p1 $0x3  }
0xe5: {  	_ =	swait.ge @!p1 [sflag:s10], $0x1100  }
0xe6: {  	s12 =	sld [smem:$0x7FD];
	_ =	sdelay $0x1  }
0xe7: {  	[sflag:s10] =	ssyncset.done @!p1 $0x0  }
0xe8: {  	[sflag:s10] =	ssyncadd.s32 @!p1 $0xFFFFEF00;
	p3 =	seq.s32 s12, $0x1  }
.LBB2_16:
0xe9: {  	s9 =	sadd.s32 $0xFFFFFFFF, s9  }
0xea: {  	p1 =	sne.s32 s9, $0x0  }
.Ltmp1:
0xeb: {  	_ = 	snop;
	(pc) =	sbr.rel @!p1 .LBB2_17-.Ltmp1, $1  }
0xec: {  	_ =	sdelay $0x3  }
.LBB2_1:
.Ltmp2:
0xed: {  	(pc) =	sbr.rel @p3 .LBB2_9-.Ltmp2, $1  }
0xee: {  	_ =	sdelay $0x3  }
0xef: {  	s10 =	sld [smem:$0x7FA];
	_ =	sdelay $0x2  }
0xf0: {  	p1 =	seq.s32 s10, $0x1  }
.Ltmp3:
0xf1: {  	_ = 	snop;
	(pc) =	sbr.rel @p1 .LBB2_6-.Ltmp3, $1  }
0xf2: {  	_ =	sdelay $0x3  }
0xf3: {  	s10 =	sld [smem:$0x7FB];
	_ =	sdelay $0x2  }
0xf4: {  	p1 =	seq.s32 s10, $0x1  }
.Ltmp4:
0xf5: {  	_ = 	snop;
	(pc) =	sbr.rel @p1 .LBB2_5-.Ltmp4, $1  }
0xf6: {  	_ =	sdelay $0x3  }
0xf7: {  	s10 =	sld [smem:$0x7A7];
	_ =	sdelay $0x2  }
0xf8: {  	p1 =	seq.s32 s10, $0x1  }
0xf9: {  	s10 =	simm.s32 @!p1 $0x0  }
0xfa: {  	[tilespmem:s10], [sflag:$0x1] =	stream.linear.gather @!p1 [hbm4b:s31+s10], $0x1E80, $0x38;
	[tilespmem:$0x1F80] =	vst v63  }
0xfb: {  	s11 =	simm.s32 @!p1 $0x1E80;
	s12 =	simm.s32 @!p1 $0x1  }
0xfc: {  	[tilespmem:s11], [sflag:$0x2] =	stream.linear.gather @!p1 [hbm4b:s2+s10], $0x100, $0x38;
	[tilespmem:$0x1F80] =	vst v63  }
0xfd: {  	_ =	swait.ge @!p1 [sflag:s12], $0x1E80  }
0xfe: {  	[sflag:s12] =	ssyncset.done @!p1 $0x0  }
0xff: {  	[sflag:s12] =	ssyncadd.s32 @!p1 $0xFFFFE180;
	s12 =	simm.s32 @!p1 $0x2  }
0x100: {  	[hbm4b:s0+s10] =	stream.linear.scatter @!p1 [tilespmem:s10], [sflag:$0x3], $0x1E80, $0x38;
	[tilespmem:$0x1F80] =	vst v63  }
0x101: {  	_ =	swait.ge @!p1 [sflag:s12], $0x100  }
0x102: {  	[sflag:s12] =	ssyncset.done @!p1 $0x0  }
0x103: {  	[sflag:s12] =	ssyncadd.s32 @!p1 $0xFFFFFF00  }
0x104: {  	[hbm4b:s3+s10] =	stream.linear.scatter @!p1 [tilespmem:s11], [sflag:$0x4], $0x100, $0x38;
	[tilespmem:$0x1F80] =	vst v63  }
0x105: {  	s10 =	simm.s32 @!p1 $0x4  }
0x106: {  	_ =	swait.ge @!p1 [sflag:s10], $0x100  }
0x107: {  	[sflag:s10] =	ssyncset.done @!p1 $0x0  }
0x108: {  	[sflag:s10] =	ssyncadd.s32 @!p1 $0xFFFFFF00;
	s10 =	simm.s32 @!p1 $0x3  }
0x109: {  	_ =	swait.ge @!p1 [sflag:s10], $0x1E80  }
0x10a: {  	s12 =	sld [smem:$0x7A8];
	_ =	sdelay $0x1  }
0x10b: {  	[sflag:s10] =	ssyncset.done @!p1 $0x0  }
0x10c: {  	[sflag:s10] =	ssyncadd.s32 @!p1 $0xFFFFE180;
	p1 =	seq.s32 s12, $0x1  }
0x10d: {  	s10 =	simm.s32 @!p1 $0x0  }
0x10e: {  	[tilespmem:s10], [sflag:$0x1] =	stream.linear.gather @!p1 [hbm4b:s26+s10], $0x1E00, $0x38;
	[tilespmem:$0x1F80] =	vst v63  }
0x10f: {  	s11 =	simm.s32 @!p1 $0x1E00;
	s12 =	simm.s32 @!p1 $0x1  }
0x110: {  	[tilespmem:s11], [sflag:$0x2] =	stream.linear.gather @!p1 [hbm4b:s28+s10], $0x180, $0x38;
	[tilespmem:$0x1F80] =	vst v63  }
0x111: {  	_ =	swait.ge @!p1 [sflag:s12], $0x1E00  }
0x112: {  	[sflag:s12] =	ssyncset.done @!p1 $0x0  }
0x113: {  	[sflag:s12] =	ssyncadd.s32 @!p1 $0xFFFFE200;
	s12 =	simm.s32 @!p1 $0x2  }
0x114: {  	[hbm4b:s29+s10] =	stream.linear.scatter @!p1 [tilespmem:s10], [sflag:$0x3], $0x1E00, $0x38;
	[tilespmem:$0x1F80] =	vst v63  }
0x115: {  	_ =	swait.ge @!p1 [sflag:s12], $0x180  }
0x116: {  	[sflag:s12] =	ssyncset.done @!p1 $0x0  }
0x117: {  	[sflag:s12] =	ssyncadd.s32 @!p1 $0xFFFFFE80  }
0x118: {  	[hbm4b:s30+s10] =	stream.linear.scatter @!p1 [tilespmem:s11], [sflag:$0x4], $0x180, $0x38;
	[tilespmem:$0x1F80] =	vst v63  }
0x119: {  	s10 =	simm.s32 @!p1 $0x4  }
0x11a: {  	_ =	swait.ge @!p1 [sflag:s10], $0x180  }
0x11b: {  	[sflag:s10] =	ssyncset.done @!p1 $0x0  }
0x11c: {  	[sflag:s10] =	ssyncadd.s32 @!p1 $0xFFFFFE80;
	s10 =	simm.s32 @!p1 $0x3  }
0x11d: {  	_ =	swait.ge @!p1 [sflag:s10], $0x1E00  }
0x11e: {  	s11 =	sld [smem:$0x7A9];
	_ =	sdelay $0x1  }
0x11f: {  	[sflag:s10] =	ssyncset.done @!p1 $0x0  }
0x120: {  	[sflag:s10] =	ssyncadd.s32 @!p1 $0xFFFFE200;
	p1 =	seq.s32 s11, $0x1  }
0x121: {  	s10 =	simm.s32 @!p1 $0x0;
	s11 =	simm.s32 @!p1 $0x1  }
0x122: {  	[tilespmem:s10], [sflag:$0x1] =	stream.linear.gather @!p1 [hbm4b:s8+s10], $0x1F80, $0x38;
	[tilespmem:$0x1F80] =	vst v63  }
0x123: {  	_ =	swait.ge @!p1 [sflag:s11], $0x1F80  }
0x124: {  	[sflag:s11] =	ssyncset.done @!p1 $0x0  }
0x125: {  	[sflag:s11] =	ssyncadd.s32 @!p1 $0xFFFFE080;
	s11 =	rddreg [dreg:$0x2]  }
0x126: {  	[hbm4b:s11+s10] =	stream.linear.scatter @!p1 [tilespmem:s10], [sflag:$0x3], $0x1F80, $0x38;
	[tilespmem:$0x1F80] =	vst v63  }
0x127: {  	s10 =	simm.s32 @!p1 $0x3  }
0x128: {  	_ =	swait.ge @!p1 [sflag:s10], $0x1F80  }
0x129: {  	s12 =	sld [smem:$0x7AA];
	_ =	sdelay $0x1  }
0x12a: {  	[sflag:s10] =	ssyncset.done @!p1 $0x0  }
0x12b: {  	[sflag:s10] =	ssyncadd.s32 @!p1 $0xFFFFE080;
	p1 =	seq.s32 s12, $0x1  }
0x12c: {  	s10 =	simm.s32 @!p1 $0x0  }
0x12d: {  	[tilespmem:s10], [sflag:$0x1] =	stream.linear.gather @!p1 [hbm4b:s4+s10], $0x1F00, $0x38;
	[tilespmem:$0x1F80] =	vst v63  }
0x12e: {  	s11 =	simm.s32 @!p1 $0x1F00;
	s12 =	simm.s32 @!p1 $0x1  }
0x12f: {  	[tilespmem:s11], [sflag:$0x2] =	stream.linear.gather @!p1 [hbm4b:s5+s10], $0x80, $0x38;
	[tilespmem:$0x1F80] =	vst v63  }
0x130: {  	_ =	swait.ge @!p1 [sflag:s12], $0x1F00  }
0x131: {  	[sflag:s12] =	ssyncset.done @!p1 $0x0  }
0x132: {  	[sflag:s12] =	ssyncadd.s32 @!p1 $0xFFFFE100;
	s12 =	simm.s32 @!p1 $0x2  }
0x133: {  	[hbm4b:s6+s10] =	stream.linear.scatter @!p1 [tilespmem:s10], [sflag:$0x3], $0x1F00, $0x38;
	[tilespmem:$0x1F80] =	vst v63  }
0x134: {  	_ =	swait.ge @!p1 [sflag:s12], $0x80  }
0x135: {  	[sflag:s12] =	ssyncset.done @!p1 $0x0  }
0x136: {  	[sflag:s12] =	ssyncadd.s32 @!p1 $0xFFFFFF80  }
0x137: {  	[hbm4b:s7+s10] =	stream.linear.scatter @!p1 [tilespmem:s11], [sflag:$0x4], $0x80, $0x38;
	[tilespmem:$0x1F80] =	vst v63  }
0x138: {  	s10 =	simm.s32 @!p1 $0x4  }
0x139: {  	_ =	swait.ge @!p1 [sflag:s10], $0x80  }
.Ltmp5:
0x13a: {  	[sflag:s10] =	ssyncset.done @!p1 $0x0;
	(pc) =	sbr.rel .LBB2_16-.Ltmp5, $4  }
0x13b: {  	[sflag:s10] =	ssyncadd.s32 @!p1 $0xFFFFFF80;
	s10 =	simm.s32 @!p1 $0x3  }
0x13c: {  	_ =	swait.ge @!p1 [sflag:s10], $0x1F00  }
0x13d: {  	[sflag:s10] =	ssyncset.done @!p1 $0x0  }
0x13e: {  	[sflag:s10] =	ssyncadd.s32 @!p1 $0xFFFFE100  }
.LBB2_9:
0x13f: {  	p1 =	sgt.s32 s1, $0x17  }
.Ltmp6:
0x140: {  	_ = 	snop;
	(pc) =	sbr.rel @p1 .LBB2_13-.Ltmp6, $1  }
0x141: {  	_ =	sdelay $0x3  }
0x142: {  	p1 =	sgt.s32 s1, $0x13  }
.Ltmp7:
0x143: {  	_ = 	snop;
	(pc) =	sbr.rel @p1 .LBB2_12-.Ltmp7, $1  }
0x144: {  	_ =	sdelay $0x3  }
0x145: {  	p1 =	sgt.s32 s1, $0x11  }
0x146: {  	s11 =	sld [smem:$0x7CB];
	p3 =	seq.s32 @p1 s1, $0x12  }
0x147: {  	p5 =	por !p3, !p1  }
0x148: {  	s12 =	sld [smem:$0x7CC];
	s10 =	simm.s32 @!p5 $0x0  }
0x149: {  	[tilespmem:s10], [sflag:$0x1] =	stream.linear.gather @!p5 [hbm4b:s11+s10], $0x1680, $0x38;
	[tilespmem:$0x1F80] =	vst v63  }
0x14a: {  	s11 =	simm.s32 @!p5 $0x1680  }
0x14b: {  	[tilespmem:s11], [sflag:$0x2] =	stream.linear.gather @!p5 [hbm4b:s12+s10], $0x900, $0x38;
	[tilespmem:$0x1F80] =	vst v63  }
0x14c: {  	s12 =	simm.s32 @!p5 $0x1  }
0x14d: {  	_ =	swait.ge @!p5 [sflag:s12], $0x1680  }
0x14e: {  	[sflag:s12] =	ssyncset.done @!p5 $0x0  }
0x14f: {  	[sflag:s12] =	ssyncadd.s32 @!p5 $0xFFFFE980;
	s12 =	sld [smem:$0x7CD];
	_ =	sdelay $0x2  }
0x150: {  	[hbm4b:s12+s10] =	stream.linear.scatter @!p5 [tilespmem:s10], [sflag:$0x3], $0x1680, $0x38;
	[tilespmem:$0x1F80] =	vst v63  }
0x151: {  	s12 =	simm.s32 @!p5 $0x2  }
0x152: {  	_ =	swait.ge @!p5 [sflag:s12], $0x900  }
0x153: {  	[sflag:s12] =	ssyncset.done @!p5 $0x0  }
0x154: {  	[sflag:s12] =	ssyncadd.s32 @!p5 $0xFFFFF700;
	s12 =	sld [smem:$0x7CE];
	_ =	sdelay $0x2  }
0x155: {  	[hbm4b:s12+s10] =	stream.linear.scatter @!p5 [tilespmem:s11], [sflag:$0x4], $0x900, $0x38;
	[tilespmem:$0x1F80] =	vst v63  }
0x156: {  	s10 =	simm.s32 @!p5 $0x4  }
0x157: {  	_ =	swait.ge @!p5 [sflag:s10], $0x900  }
0x158: {  	[sflag:s10] =	ssyncset.done @!p5 $0x0  }
0x159: {  	[sflag:s10] =	ssyncadd.s32 @!p5 $0xFFFFF700;
	s10 =	simm.s32 @!p5 $0x3  }
0x15a: {  	_ =	swait.ge @!p5 [sflag:s10], $0x1680  }
0x15b: {  	s11 =	sld [smem:$0x7C7]  }
0x15c: {  	p4 =	por p3, !p1;
	[sflag:s10] =	ssyncset.done @!p5 $0x0  }
0x15d: {  	s12 =	sld [smem:$0x7C8];
	[sflag:s10] =	ssyncadd.s32 @!p5 $0xFFFFE980;
	s10 =	simm.s32 @!p4 $0x0  }
0x15e: {  	[tilespmem:s10], [sflag:$0x1] =	stream.linear.gather @!p4 [hbm4b:s11+s10], $0x1600, $0x38;
	[tilespmem:$0x1F80] =	vst v63  }
0x15f: {  	s11 =	simm.s32 @!p4 $0x1600  }
0x160: {  	[tilespmem:s11], [sflag:$0x2] =	stream.linear.gather @!p4 [hbm4b:s12+s10], $0x980, $0x38;
	[tilespmem:$0x1F80] =	vst v63  }
0x161: {  	s12 =	simm.s32 @!p4 $0x1  }
0x162: {  	_ =	swait.ge @!p4 [sflag:s12], $0x1600  }
0x163: {  	[sflag:s12] =	ssyncset.done @!p4 $0x0  }
0x164: {  	[sflag:s12] =	ssyncadd.s32 @!p4 $0xFFFFEA00;
	s12 =	sld [smem:$0x7C9];
	_ =	sdelay $0x2  }
0x165: {  	[hbm4b:s12+s10] =	stream.linear.scatter @!p4 [tilespmem:s10], [sflag:$0x3], $0x1600, $0x38;
	[tilespmem:$0x1F80] =	vst v63  }
0x166: {  	s12 =	simm.s32 @!p4 $0x2  }
0x167: {  	_ =	swait.ge @!p4 [sflag:s12], $0x980  }
0x168: {  	[sflag:s12] =	ssyncset.done @!p4 $0x0  }
0x169: {  	[sflag:s12] =	ssyncadd.s32 @!p4 $0xFFFFF680;
	s12 =	sld [smem:$0x7CA];
	_ =	sdelay $0x2  }
0x16a: {  	[hbm4b:s12+s10] =	stream.linear.scatter @!p4 [tilespmem:s11], [sflag:$0x4], $0x980, $0x38;
	[tilespmem:$0x1F80] =	vst v63  }
0x16b: {  	s10 =	simm.s32 @!p4 $0x4  }
0x16c: {  	_ =	swait.ge @!p4 [sflag:s10], $0x980  }
0x16d: {  	[sflag:s10] =	ssyncset.done @!p4 $0x0  }
0x16e: {  	[sflag:s10] =	ssyncadd.s32 @!p4 $0xFFFFF680;
	s10 =	simm.s32 @!p4 $0x3  }
0x16f: {  	_ =	swait.ge @!p4 [sflag:s10], $0x1600  }
0x170: {  	p3 =	seq.s32 @!p1 s1, $0x10;
	s11 =	sld [smem:$0x7D3]  }
0x171: {  	p5 =	por !p3, p1;
	[sflag:s10] =	ssyncset.done @!p4 $0x0  }
0x172: {  	s12 =	sld [smem:$0x7D4];
	[sflag:s10] =	ssyncadd.s32 @!p4 $0xFFFFEA00;
	s10 =	simm.s32 @!p5 $0x0  }
0x173: {  	[tilespmem:s10], [sflag:$0x1] =	stream.linear.gather @!p5 [hbm4b:s11+s10], $0x1780, $0x38;
	[tilespmem:$0x1F80] =	vst v63  }
0x174: {  	s11 =	simm.s32 @!p5 $0x1780  }
0x175: {  	[tilespmem:s11], [sflag:$0x2] =	stream.linear.gather @!p5 [hbm4b:s12+s10], $0x800, $0x38;
	[tilespmem:$0x1F80] =	vst v63  }
0x176: {  	s12 =	simm.s32 @!p5 $0x1  }
0x177: {  	_ =	swait.ge @!p5 [sflag:s12], $0x1780  }
0x178: {  	[sflag:s12] =	ssyncset.done @!p5 $0x0  }
0x179: {  	[sflag:s12] =	ssyncadd.s32 @!p5 $0xFFFFE880;
	s12 =	sld [smem:$0x7D5];
	_ =	sdelay $0x2  }
0x17a: {  	[hbm4b:s12+s10] =	stream.linear.scatter @!p5 [tilespmem:s10], [sflag:$0x3], $0x1780, $0x38;
	[tilespmem:$0x1F80] =	vst v63  }
0x17b: {  	s12 =	simm.s32 @!p5 $0x2  }
0x17c: {  	_ =	swait.ge @!p5 [sflag:s12], $0x800  }
0x17d: {  	[sflag:s12] =	ssyncset.done @!p5 $0x0  }
0x17e: {  	[sflag:s12] =	ssyncadd.s32 @!p5 $0xFFFFF800;
	s12 =	sld [smem:$0x7D6];
	_ =	sdelay $0x2  }
0x17f: {  	[hbm4b:s12+s10] =	stream.linear.scatter @!p5 [tilespmem:s11], [sflag:$0x4], $0x800, $0x38;
	[tilespmem:$0x1F80] =	vst v63  }
0x180: {  	s10 =	simm.s32 @!p5 $0x4  }
0x181: {  	_ =	swait.ge @!p5 [sflag:s10], $0x800  }
0x182: {  	[sflag:s10] =	ssyncset.done @!p5 $0x0  }
0x183: {  	[sflag:s10] =	ssyncadd.s32 @!p5 $0xFFFFF800;
	s10 =	simm.s32 @!p5 $0x3  }
0x184: {  	_ =	swait.ge @!p5 [sflag:s10], $0x1780  }
0x185: {  	s11 =	sld [smem:$0x7CF]  }
0x186: {  	p1 =	por p3, p1;
	[sflag:s10] =	ssyncset.done @!p5 $0x0  }
0x187: {  	s12 =	sld [smem:$0x7D0];
	[sflag:s10] =	ssyncadd.s32 @!p5 $0xFFFFE880;
	s10 =	simm.s32 @!p1 $0x0  }
0x188: {  	[tilespmem:s10], [sflag:$0x1] =	stream.linear.gather @!p1 [hbm4b:s11+s10], $0x1700, $0x38;
	[tilespmem:$0x1F80] =	vst v63  }
0x189: {  	s11 =	simm.s32 @!p1 $0x1700  }
0x18a: {  	[tilespmem:s11], [sflag:$0x2] =	stream.linear.gather @!p1 [hbm4b:s12+s10], $0x880, $0x38;
	[tilespmem:$0x1F80] =	vst v63  }
0x18b: {  	s12 =	simm.s32 @!p1 $0x1  }
0x18c: {  	_ =	swait.ge @!p1 [sflag:s12], $0x1700  }
0x18d: {  	[sflag:s12] =	ssyncset.done @!p1 $0x0  }
0x18e: {  	[sflag:s12] =	ssyncadd.s32 @!p1 $0xFFFFE900;
	s12 =	sld [smem:$0x7D1];
	_ =	sdelay $0x2  }
0x18f: {  	[hbm4b:s12+s10] =	stream.linear.scatter @!p1 [tilespmem:s10], [sflag:$0x3], $0x1700, $0x38;
	[tilespmem:$0x1F80] =	vst v63  }
0x190: {  	s12 =	simm.s32 @!p1 $0x2  }
0x191: {  	_ =	swait.ge @!p1 [sflag:s12], $0x880  }
0x192: {  	[sflag:s12] =	ssyncset.done @!p1 $0x0  }
0x193: {  	[sflag:s12] =	ssyncadd.s32 @!p1 $0xFFFFF780;
	s12 =	sld [smem:$0x7D2];
	_ =	sdelay $0x2  }
0x194: {  	[hbm4b:s12+s10] =	stream.linear.scatter @!p1 [tilespmem:s11], [sflag:$0x4], $0x880, $0x38;
	[tilespmem:$0x1F80] =	vst v63  }
0x195: {  	s10 =	simm.s32 @!p1 $0x4  }
0x196: {  	_ =	swait.ge @!p1 [sflag:s10], $0x880  }
0x197: {  	[sflag:s10] =	ssyncset.done @!p1 $0x0  }
0x198: {  	[sflag:s10] =	ssyncadd.s32 @!p1 $0xFFFFF780;
	s10 =	simm.s32 @!p1 $0x3  }
.Ltmp8:
0x199: {  	_ =	swait.ge @!p1 [sflag:s10], $0x1700;
	(pc) =	sbr.rel .LBB2_16-.Ltmp8, $3  }
0x19a: {  	s12 =	sld [smem:$0x7FD];
	_ =	sdelay $0x1  }
0x19b: {  	[sflag:s10] =	ssyncset.done @!p1 $0x0  }
0x19c: {  	[sflag:s10] =	ssyncadd.s32 @!p1 $0xFFFFE900;
	p3 =	seq.s32 s12, $0x1  }
.LBB2_6:
0x19d: {  	s10 =	sld [smem:$0x7FC];
	_ =	sdelay $0x2  }
0x19e: {  	p1 =	seq.s32 s10, $0x1  }
.Ltmp9:
0x19f: {  	_ = 	snop;
	(pc) =	sbr.rel @p1 .LBB2_8-.Ltmp9, $1  }
0x1a0: {  	_ =	sdelay $0x3  }
0x1a1: {  	s10 =	sld [smem:$0x7AF];
	_ =	sdelay $0x1  }
0x1a2: {  	s11 =	sld [smem:$0x7EB]  }
0x1a3: {  	p1 =	seq.s32 s10, $0x1  }
0x1a4: {  	s12 =	sld [smem:$0x7EC];
	s10 =	simm.s32 @!p1 $0x0  }
0x1a5: {  	[tilespmem:s10], [sflag:$0x1] =	stream.linear.gather @!p1 [hbm4b:s11+s10], $0x1A80, $0x38;
	[tilespmem:$0x1F80] =	vst v63  }
0x1a6: {  	s11 =	simm.s32 @!p1 $0x1A80  }
0x1a7: {  	[tilespmem:s11], [sflag:$0x2] =	stream.linear.gather @!p1 [hbm4b:s12+s10], $0x500, $0x38;
	[tilespmem:$0x1F80] =	vst v63  }
0x1a8: {  	s12 =	simm.s32 @!p1 $0x1  }
0x1a9: {  	_ =	swait.ge @!p1 [sflag:s12], $0x1A80  }
0x1aa: {  	[sflag:s12] =	ssyncset.done @!p1 $0x0  }
0x1ab: {  	[sflag:s12] =	ssyncadd.s32 @!p1 $0xFFFFE580;
	s12 =	sld [smem:$0x7ED];
	_ =	sdelay $0x2  }
0x1ac: {  	[hbm4b:s12+s10] =	stream.linear.scatter @!p1 [tilespmem:s10], [sflag:$0x3], $0x1A80, $0x38;
	[tilespmem:$0x1F80] =	vst v63  }
0x1ad: {  	s12 =	simm.s32 @!p1 $0x2  }
0x1ae: {  	_ =	swait.ge @!p1 [sflag:s12], $0x500  }
0x1af: {  	[sflag:s12] =	ssyncset.done @!p1 $0x0  }
0x1b0: {  	[sflag:s12] =	ssyncadd.s32 @!p1 $0xFFFFFB00;
	s12 =	sld [smem:$0x7EE];
	_ =	sdelay $0x2  }
0x1b1: {  	[hbm4b:s12+s10] =	stream.linear.scatter @!p1 [tilespmem:s11], [sflag:$0x4], $0x500, $0x38;
	[tilespmem:$0x1F80] =	vst v63  }
0x1b2: {  	s10 =	simm.s32 @!p1 $0x4  }
0x1b3: {  	_ =	swait.ge @!p1 [sflag:s10], $0x500  }
0x1b4: {  	[sflag:s10] =	ssyncset.done @!p1 $0x0  }
0x1b5: {  	[sflag:s10] =	ssyncadd.s32 @!p1 $0xFFFFFB00;
	s10 =	simm.s32 @!p1 $0x3  }
0x1b6: {  	_ =	swait.ge @!p1 [sflag:s10], $0x1A80  }
0x1b7: {  	s12 =	sld [smem:$0x7B0];
	_ =	sdelay $0x1  }
0x1b8: {  	[sflag:s10] =	ssyncset.done @!p1 $0x0;
	s11 =	sld [smem:$0x7E7]  }
0x1b9: {  	[sflag:s10] =	ssyncadd.s32 @!p1 $0xFFFFE580;
	p1 =	seq.s32 s12, $0x1  }
0x1ba: {  	s12 =	sld [smem:$0x7E8];
	s10 =	simm.s32 @!p1 $0x0  }
0x1bb: {  	[tilespmem:s10], [sflag:$0x1] =	stream.linear.gather @!p1 [hbm4b:s11+s10], $0x1A00, $0x38;
	[tilespmem:$0x1F80] =	vst v63  }
0x1bc: {  	s11 =	simm.s32 @!p1 $0x1A00  }
0x1bd: {  	[tilespmem:s11], [sflag:$0x2] =	stream.linear.gather @!p1 [hbm4b:s12+s10], $0x580, $0x38;
	[tilespmem:$0x1F80] =	vst v63  }
0x1be: {  	s12 =	simm.s32 @!p1 $0x1  }
0x1bf: {  	_ =	swait.ge @!p1 [sflag:s12], $0x1A00  }
0x1c0: {  	[sflag:s12] =	ssyncset.done @!p1 $0x0  }
0x1c1: {  	[sflag:s12] =	ssyncadd.s32 @!p1 $0xFFFFE600;
	s12 =	sld [smem:$0x7E9];
	_ =	sdelay $0x2  }
0x1c2: {  	[hbm4b:s12+s10] =	stream.linear.scatter @!p1 [tilespmem:s10], [sflag:$0x3], $0x1A00, $0x38;
	[tilespmem:$0x1F80] =	vst v63  }
0x1c3: {  	s12 =	simm.s32 @!p1 $0x2  }
0x1c4: {  	_ =	swait.ge @!p1 [sflag:s12], $0x580  }
0x1c5: {  	[sflag:s12] =	ssyncset.done @!p1 $0x0  }
0x1c6: {  	[sflag:s12] =	ssyncadd.s32 @!p1 $0xFFFFFA80;
	s12 =	sld [smem:$0x7EA];
	_ =	sdelay $0x2  }
0x1c7: {  	[hbm4b:s12+s10] =	stream.linear.scatter @!p1 [tilespmem:s11], [sflag:$0x4], $0x580, $0x38;
	[tilespmem:$0x1F80] =	vst v63  }
0x1c8: {  	s10 =	simm.s32 @!p1 $0x4  }
0x1c9: {  	_ =	swait.ge @!p1 [sflag:s10], $0x580  }
0x1ca: {  	[sflag:s10] =	ssyncset.done @!p1 $0x0  }
0x1cb: {  	[sflag:s10] =	ssyncadd.s32 @!p1 $0xFFFFFA80;
	s10 =	simm.s32 @!p1 $0x3  }
0x1cc: {  	_ =	swait.ge @!p1 [sflag:s10], $0x1A00  }
0x1cd: {  	s11 =	sld [smem:$0x7B1];
	_ =	sdelay $0x1  }
0x1ce: {  	[sflag:s10] =	ssyncset.done @!p1 $0x0  }
0x1cf: {  	[sflag:s10] =	ssyncadd.s32 @!p1 $0xFFFFE600;
	p1 =	seq.s32 s11, $0x1;
	s11 =	sld [smem:$0x7F3]  }
0x1d0: {  	_ = 	snop  }
0x1d1: {  	s12 =	sld [smem:$0x7F4];
	s10 =	simm.s32 @!p1 $0x0  }
0x1d2: {  	[tilespmem:s10], [sflag:$0x1] =	stream.linear.gather @!p1 [hbm4b:s11+s10], $0x1B80, $0x38;
	[tilespmem:$0x1F80] =	vst v63  }
0x1d3: {  	s11 =	simm.s32 @!p1 $0x1B80  }
0x1d4: {  	[tilespmem:s11], [sflag:$0x2] =	stream.linear.gather @!p1 [hbm4b:s12+s10], $0x400, $0x38;
	[tilespmem:$0x1F80] =	vst v63  }
0x1d5: {  	s12 =	simm.s32 @!p1 $0x1  }
0x1d6: {  	_ =	swait.ge @!p1 [sflag:s12], $0x1B80  }
0x1d7: {  	[sflag:s12] =	ssyncset.done @!p1 $0x0  }
0x1d8: {  	[sflag:s12] =	ssyncadd.s32 @!p1 $0xFFFFE480;
	s12 =	sld [smem:$0x7F5];
	_ =	sdelay $0x2  }
0x1d9: {  	[hbm4b:s12+s10] =	stream.linear.scatter @!p1 [tilespmem:s10], [sflag:$0x3], $0x1B80, $0x38;
	[tilespmem:$0x1F80] =	vst v63  }
0x1da: {  	s12 =	simm.s32 @!p1 $0x2  }
0x1db: {  	_ =	swait.ge @!p1 [sflag:s12], $0x400  }
0x1dc: {  	[sflag:s12] =	ssyncset.done @!p1 $0x0  }
0x1dd: {  	[sflag:s12] =	ssyncadd.s32 @!p1 $0xFFFFFC00;
	s12 =	sld [smem:$0x7F6];
	_ =	sdelay $0x2  }
0x1de: {  	[hbm4b:s12+s10] =	stream.linear.scatter @!p1 [tilespmem:s11], [sflag:$0x4], $0x400, $0x38;
	[tilespmem:$0x1F80] =	vst v63  }
0x1df: {  	s10 =	simm.s32 @!p1 $0x4  }
0x1e0: {  	_ =	swait.ge @!p1 [sflag:s10], $0x400  }
0x1e1: {  	[sflag:s10] =	ssyncset.done @!p1 $0x0  }
0x1e2: {  	[sflag:s10] =	ssyncadd.s32 @!p1 $0xFFFFFC00;
	s10 =	simm.s32 @!p1 $0x3  }
0x1e3: {  	_ =	swait.ge @!p1 [sflag:s10], $0x1B80  }
0x1e4: {  	s12 =	sld [smem:$0x7B2];
	_ =	sdelay $0x1  }
0x1e5: {  	[sflag:s10] =	ssyncset.done @!p1 $0x0;
	s11 =	sld [smem:$0x7EF]  }
0x1e6: {  	[sflag:s10] =	ssyncadd.s32 @!p1 $0xFFFFE480;
	p1 =	seq.s32 s12, $0x1  }
0x1e7: {  	s12 =	sld [smem:$0x7F0];
	s10 =	simm.s32 @!p1 $0x0  }
0x1e8: {  	[tilespmem:s10], [sflag:$0x1] =	stream.linear.gather @!p1 [hbm4b:s11+s10], $0x1B00, $0x38;
	[tilespmem:$0x1F80] =	vst v63  }
0x1e9: {  	s11 =	simm.s32 @!p1 $0x1B00  }
0x1ea: {  	[tilespmem:s11], [sflag:$0x2] =	stream.linear.gather @!p1 [hbm4b:s12+s10], $0x480, $0x38;
	[tilespmem:$0x1F80] =	vst v63  }
0x1eb: {  	s12 =	simm.s32 @!p1 $0x1  }
0x1ec: {  	_ =	swait.ge @!p1 [sflag:s12], $0x1B00  }
0x1ed: {  	[sflag:s12] =	ssyncset.done @!p1 $0x0  }
0x1ee: {  	[sflag:s12] =	ssyncadd.s32 @!p1 $0xFFFFE500;
	s12 =	sld [smem:$0x7F1];
	_ =	sdelay $0x2  }
0x1ef: {  	[hbm4b:s12+s10] =	stream.linear.scatter @!p1 [tilespmem:s10], [sflag:$0x3], $0x1B00, $0x38;
	[tilespmem:$0x1F80] =	vst v63  }
0x1f0: {  	s12 =	simm.s32 @!p1 $0x2  }
0x1f1: {  	_ =	swait.ge @!p1 [sflag:s12], $0x480  }
0x1f2: {  	[sflag:s12] =	ssyncset.done @!p1 $0x0  }
0x1f3: {  	[sflag:s12] =	ssyncadd.s32 @!p1 $0xFFFFFB80;
	s12 =	sld [smem:$0x7F2];
	_ =	sdelay $0x2  }
0x1f4: {  	[hbm4b:s12+s10] =	stream.linear.scatter @!p1 [tilespmem:s11], [sflag:$0x4], $0x480, $0x38;
	[tilespmem:$0x1F80] =	vst v63  }
0x1f5: {  	s10 =	simm.s32 @!p1 $0x4  }
0x1f6: {  	_ =	swait.ge @!p1 [sflag:s10], $0x480  }
.Ltmp10:
0x1f7: {  	[sflag:s10] =	ssyncset.done @!p1 $0x0;
	(pc) =	sbr.rel .LBB2_16-.Ltmp10, $4  }
0x1f8: {  	[sflag:s10] =	ssyncadd.s32 @!p1 $0xFFFFFB80;
	s10 =	simm.s32 @!p1 $0x3  }
0x1f9: {  	_ =	swait.ge @!p1 [sflag:s10], $0x1B00  }
0x1fa: {  	[sflag:s10] =	ssyncset.done @!p1 $0x0  }
0x1fb: {  	[sflag:s10] =	ssyncadd.s32 @!p1 $0xFFFFE500  }
.LBB2_13:
0x1fc: {  	p1 =	sgt.s32 s1, $0x1B  }
.Ltmp11:
0x1fd: {  	_ = 	snop;
	(pc) =	sbr.rel @p1 .LBB2_15-.Ltmp11, $1  }
0x1fe: {  	_ =	sdelay $0x3  }
0x1ff: {  	p1 =	sgt.s32 s1, $0x19  }
0x200: {  	p3 =	seq.s32 @p1 s1, $0x1A  }
0x201: {  	p5 =	por !p3, !p1  }
0x202: {  	s11 =	rddreg [dreg:$0x17];
	s10 =	simm.s32 @!p5 $0x0  }
0x203: {  	[tilespmem:s10], [sflag:$0x1] =	stream.linear.gather @!p5 [hbm4b:s11+s10], $0x1280, $0x38;
	[tilespmem:$0x1F80] =	vst v63  }
0x204: {  	s12 =	rddreg [dreg:$0x18];
	s11 =	simm.s32 @!p5 $0x1280  }
0x205: {  	[tilespmem:s11], [sflag:$0x2] =	stream.linear.gather @!p5 [hbm4b:s12+s10], $0xD00, $0x38;
	[tilespmem:$0x1F80] =	vst v63  }
0x206: {  	s12 =	simm.s32 @!p5 $0x1  }
0x207: {  	_ =	swait.ge @!p5 [sflag:s12], $0x1280  }
0x208: {  	[sflag:s12] =	ssyncset.done @!p5 $0x0  }
0x209: {  	[sflag:s12] =	ssyncadd.s32 @!p5 $0xFFFFED80;
	s12 =	rddreg [dreg:$0x19]  }
0x20a: {  	[hbm4b:s12+s10] =	stream.linear.scatter @!p5 [tilespmem:s10], [sflag:$0x3], $0x1280, $0x38;
	[tilespmem:$0x1F80] =	vst v63  }
0x20b: {  	s12 =	simm.s32 @!p5 $0x2  }
0x20c: {  	_ =	swait.ge @!p5 [sflag:s12], $0xD00  }
0x20d: {  	[sflag:s12] =	ssyncset.done @!p5 $0x0  }
0x20e: {  	[sflag:s12] =	ssyncadd.s32 @!p5 $0xFFFFF300;
	s12 =	rddreg [dreg:$0x1a]  }
0x20f: {  	[hbm4b:s12+s10] =	stream.linear.scatter @!p5 [tilespmem:s11], [sflag:$0x4], $0xD00, $0x38;
	[tilespmem:$0x1F80] =	vst v63  }
0x210: {  	s10 =	simm.s32 @!p5 $0x4  }
0x211: {  	_ =	swait.ge @!p5 [sflag:s10], $0xD00  }
0x212: {  	[sflag:s10] =	ssyncset.done @!p5 $0x0  }
0x213: {  	[sflag:s10] =	ssyncadd.s32 @!p5 $0xFFFFF300;
	s10 =	simm.s32 @!p5 $0x3  }
0x214: {  	_ =	swait.ge @!p5 [sflag:s10], $0x1280  }
0x215: {  	p4 =	por p3, !p1;
	[sflag:s10] =	ssyncset.done @!p5 $0x0  }
0x216: {  	s11 =	rddreg [dreg:$0x13];
	[sflag:s10] =	ssyncadd.s32 @!p5 $0xFFFFED80;
	s10 =	simm.s32 @!p4 $0x0  }
0x217: {  	[tilespmem:s10], [sflag:$0x1] =	stream.linear.gather @!p4 [hbm4b:s11+s10], $0x1200, $0x38;
	[tilespmem:$0x1F80] =	vst v63  }
0x218: {  	s12 =	rddreg [dreg:$0x14];
	s11 =	simm.s32 @!p4 $0x1200  }
0x219: {  	[tilespmem:s11], [sflag:$0x2] =	stream.linear.gather @!p4 [hbm4b:s12+s10], $0xD80, $0x38;
	[tilespmem:$0x1F80] =	vst v63  }
0x21a: {  	s12 =	simm.s32 @!p4 $0x1  }
0x21b: {  	_ =	swait.ge @!p4 [sflag:s12], $0x1200  }
0x21c: {  	[sflag:s12] =	ssyncset.done @!p4 $0x0  }
0x21d: {  	[sflag:s12] =	ssyncadd.s32 @!p4 $0xFFFFEE00;
	s12 =	rddreg [dreg:$0x15]  }
0x21e: {  	[hbm4b:s12+s10] =	stream.linear.scatter @!p4 [tilespmem:s10], [sflag:$0x3], $0x1200, $0x38;
	[tilespmem:$0x1F80] =	vst v63  }
0x21f: {  	s12 =	simm.s32 @!p4 $0x2  }
0x220: {  	_ =	swait.ge @!p4 [sflag:s12], $0xD80  }
0x221: {  	[sflag:s12] =	ssyncset.done @!p4 $0x0  }
0x222: {  	[sflag:s12] =	ssyncadd.s32 @!p4 $0xFFFFF280;
	s12 =	rddreg [dreg:$0x16]  }
0x223: {  	[hbm4b:s12+s10] =	stream.linear.scatter @!p4 [tilespmem:s11], [sflag:$0x4], $0xD80, $0x38;
	[tilespmem:$0x1F80] =	vst v63  }
0x224: {  	s10 =	simm.s32 @!p4 $0x4  }
0x225: {  	_ =	swait.ge @!p4 [sflag:s10], $0xD80  }
0x226: {  	[sflag:s10] =	ssyncset.done @!p4 $0x0  }
0x227: {  	[sflag:s10] =	ssyncadd.s32 @!p4 $0xFFFFF280;
	s10 =	simm.s32 @!p4 $0x3  }
0x228: {  	p3 =	seq.s32 @!p1 s1, $0x18;
	_ =	swait.ge @!p4 [sflag:s10], $0x1200  }
0x229: {  	p5 =	por !p3, p1;
	[sflag:s10] =	ssyncset.done @!p4 $0x0;
	s11 =	rddreg [dreg:$0x1f]  }
0x22a: {  	s12 =	sld [smem:$0x7B4];
	[sflag:s10] =	ssyncadd.s32 @!p4 $0xFFFFEE00;
	s10 =	simm.s32 @!p5 $0x0  }
0x22b: {  	[tilespmem:s10], [sflag:$0x1] =	stream.linear.gather @!p5 [hbm4b:s11+s10], $0x1380, $0x38;
	[tilespmem:$0x1F80] =	vst v63  }
0x22c: {  	s11 =	simm.s32 @!p5 $0x1380  }
0x22d: {  	[tilespmem:s11], [sflag:$0x2] =	stream.linear.gather @!p5 [hbm4b:s12+s10], $0xC00, $0x38;
	[tilespmem:$0x1F80] =	vst v63  }
0x22e: {  	s12 =	simm.s32 @!p5 $0x1  }
0x22f: {  	_ =	swait.ge @!p5 [sflag:s12], $0x1380  }
0x230: {  	[sflag:s12] =	ssyncset.done @!p5 $0x0  }
0x231: {  	[sflag:s12] =	ssyncadd.s32 @!p5 $0xFFFFEC80;
	s12 =	sld [smem:$0x7B5];
	_ =	sdelay $0x2  }
0x232: {  	[hbm4b:s12+s10] =	stream.linear.scatter @!p5 [tilespmem:s10], [sflag:$0x3], $0x1380, $0x38;
	[tilespmem:$0x1F80] =	vst v63  }
0x233: {  	s12 =	simm.s32 @!p5 $0x2  }
0x234: {  	_ =	swait.ge @!p5 [sflag:s12], $0xC00  }
0x235: {  	[sflag:s12] =	ssyncset.done @!p5 $0x0  }
0x236: {  	[sflag:s12] =	ssyncadd.s32 @!p5 $0xFFFFF400;
	s12 =	sld [smem:$0x7B6];
	_ =	sdelay $0x2  }
0x237: {  	[hbm4b:s12+s10] =	stream.linear.scatter @!p5 [tilespmem:s11], [sflag:$0x4], $0xC00, $0x38;
	[tilespmem:$0x1F80] =	vst v63  }
0x238: {  	s10 =	simm.s32 @!p5 $0x4  }
0x239: {  	_ =	swait.ge @!p5 [sflag:s10], $0xC00  }
0x23a: {  	[sflag:s10] =	ssyncset.done @!p5 $0x0  }
0x23b: {  	[sflag:s10] =	ssyncadd.s32 @!p5 $0xFFFFF400;
	s10 =	simm.s32 @!p5 $0x3  }
0x23c: {  	_ =	swait.ge @!p5 [sflag:s10], $0x1380  }
0x23d: {  	p1 =	por p3, p1;
	[sflag:s10] =	ssyncset.done @!p5 $0x0  }
0x23e: {  	s11 =	rddreg [dreg:$0x1b];
	[sflag:s10] =	ssyncadd.s32 @!p5 $0xFFFFEC80;
	s10 =	simm.s32 @!p1 $0x0  }
0x23f: {  	[tilespmem:s10], [sflag:$0x1] =	stream.linear.gather @!p1 [hbm4b:s11+s10], $0x1300, $0x38;
	[tilespmem:$0x1F80] =	vst v63  }
0x240: {  	s12 =	rddreg [dreg:$0x1c];
	s11 =	simm.s32 @!p1 $0x1300  }
0x241: {  	[tilespmem:s11], [sflag:$0x2] =	stream.linear.gather @!p1 [hbm4b:s12+s10], $0xC80, $0x38;
	[tilespmem:$0x1F80] =	vst v63  }
0x242: {  	s12 =	simm.s32 @!p1 $0x1  }
0x243: {  	_ =	swait.ge @!p1 [sflag:s12], $0x1300  }
0x244: {  	[sflag:s12] =	ssyncset.done @!p1 $0x0  }
0x245: {  	[sflag:s12] =	ssyncadd.s32 @!p1 $0xFFFFED00;
	s12 =	rddreg [dreg:$0x1d]  }
0x246: {  	[hbm4b:s12+s10] =	stream.linear.scatter @!p1 [tilespmem:s10], [sflag:$0x3], $0x1300, $0x38;
	[tilespmem:$0x1F80] =	vst v63  }
0x247: {  	s12 =	simm.s32 @!p1 $0x2  }
0x248: {  	_ =	swait.ge @!p1 [sflag:s12], $0xC80  }
0x249: {  	[sflag:s12] =	ssyncset.done @!p1 $0x0  }
0x24a: {  	[sflag:s12] =	ssyncadd.s32 @!p1 $0xFFFFF380;
	s12 =	rddreg [dreg:$0x1e]  }
0x24b: {  	[hbm4b:s12+s10] =	stream.linear.scatter @!p1 [tilespmem:s11], [sflag:$0x4], $0xC80, $0x38;
	[tilespmem:$0x1F80] =	vst v63  }
0x24c: {  	s10 =	simm.s32 @!p1 $0x4  }
0x24d: {  	_ =	swait.ge @!p1 [sflag:s10], $0xC80  }
0x24e: {  	[sflag:s10] =	ssyncset.done @!p1 $0x0  }
0x24f: {  	[sflag:s10] =	ssyncadd.s32 @!p1 $0xFFFFF380;
	s10 =	simm.s32 @!p1 $0x3  }
.Ltmp12:
0x250: {  	_ =	swait.ge @!p1 [sflag:s10], $0x1300;
	(pc) =	sbr.rel .LBB2_16-.Ltmp12, $3  }
0x251: {  	s12 =	sld [smem:$0x7FD];
	_ =	sdelay $0x1  }
0x252: {  	[sflag:s10] =	ssyncset.done @!p1 $0x0  }
0x253: {  	[sflag:s10] =	ssyncadd.s32 @!p1 $0xFFFFED00;
	p3 =	seq.s32 s12, $0x1  }
.LBB2_5:
0x254: {  	s10 =	sld [smem:$0x7AB];
	_ =	sdelay $0x2  }
0x255: {  	p1 =	seq.s32 s10, $0x1  }
0x256: {  	s10 =	simm.s32 @!p1 $0x0  }
0x257: {  	[tilespmem:s10], [sflag:$0x1] =	stream.linear.gather @!p1 [hbm4b:s14+s10], $0x1C80, $0x38;
	[tilespmem:$0x1F80] =	vst v63  }
0x258: {  	s11 =	simm.s32 @!p1 $0x1C80;
	s12 =	simm.s32 @!p1 $0x1  }
0x259: {  	[tilespmem:s11], [sflag:$0x2] =	stream.linear.gather @!p1 [hbm4b:s15+s10], $0x300, $0x38;
	[tilespmem:$0x1F80] =	vst v63  }
0x25a: {  	_ =	swait.ge @!p1 [sflag:s12], $0x1C80  }
0x25b: {  	[sflag:s12] =	ssyncset.done @!p1 $0x0  }
0x25c: {  	[sflag:s12] =	ssyncadd.s32 @!p1 $0xFFFFE380;
	s12 =	simm.s32 @!p1 $0x2  }
0x25d: {  	[hbm4b:s16+s10] =	stream.linear.scatter @!p1 [tilespmem:s10], [sflag:$0x3], $0x1C80, $0x38;
	[tilespmem:$0x1F80] =	vst v63  }
0x25e: {  	_ =	swait.ge @!p1 [sflag:s12], $0x300  }
0x25f: {  	[sflag:s12] =	ssyncset.done @!p1 $0x0  }
0x260: {  	[sflag:s12] =	ssyncadd.s32 @!p1 $0xFFFFFD00  }
0x261: {  	[hbm4b:s17+s10] =	stream.linear.scatter @!p1 [tilespmem:s11], [sflag:$0x4], $0x300, $0x38;
	[tilespmem:$0x1F80] =	vst v63  }
0x262: {  	s10 =	simm.s32 @!p1 $0x4  }
0x263: {  	_ =	swait.ge @!p1 [sflag:s10], $0x300  }
0x264: {  	[sflag:s10] =	ssyncset.done @!p1 $0x0  }
0x265: {  	[sflag:s10] =	ssyncadd.s32 @!p1 $0xFFFFFD00;
	s10 =	simm.s32 @!p1 $0x3  }
0x266: {  	_ =	swait.ge @!p1 [sflag:s10], $0x1C80  }
0x267: {  	s12 =	sld [smem:$0x7AC];
	_ =	sdelay $0x1  }
0x268: {  	[sflag:s10] =	ssyncset.done @!p1 $0x0;
	s11 =	sld [smem:$0x7F7]  }
0x269: {  	[sflag:s10] =	ssyncadd.s32 @!p1 $0xFFFFE380;
	p1 =	seq.s32 s12, $0x1  }
0x26a: {  	s12 =	sld [smem:$0x7F8];
	s10 =	simm.s32 @!p1 $0x0  }
0x26b: {  	[tilespmem:s10], [sflag:$0x1] =	stream.linear.gather @!p1 [hbm4b:s11+s10], $0x1C00, $0x38;
	[tilespmem:$0x1F80] =	vst v63  }
0x26c: {  	s11 =	simm.s32 @!p1 $0x1C00  }
0x26d: {  	[tilespmem:s11], [sflag:$0x2] =	stream.linear.gather @!p1 [hbm4b:s12+s10], $0x380, $0x38;
	[tilespmem:$0x1F80] =	vst v63  }
0x26e: {  	s12 =	simm.s32 @!p1 $0x1  }
0x26f: {  	_ =	swait.ge @!p1 [sflag:s12], $0x1C00  }
0x270: {  	[sflag:s12] =	ssyncset.done @!p1 $0x0  }
0x271: {  	[sflag:s12] =	ssyncadd.s32 @!p1 $0xFFFFE400;
	s12 =	sld [smem:$0x7F9];
	_ =	sdelay $0x2  }
0x272: {  	[hbm4b:s12+s10] =	stream.linear.scatter @!p1 [tilespmem:s10], [sflag:$0x3], $0x1C00, $0x38;
	[tilespmem:$0x1F80] =	vst v63  }
0x273: {  	s12 =	simm.s32 @!p1 $0x2  }
0x274: {  	_ =	swait.ge @!p1 [sflag:s12], $0x380  }
0x275: {  	[sflag:s12] =	ssyncset.done @!p1 $0x0  }
0x276: {  	[sflag:s12] =	ssyncadd.s32 @!p1 $0xFFFFFC80  }
0x277: {  	[hbm4b:s13+s10] =	stream.linear.scatter @!p1 [tilespmem:s11], [sflag:$0x4], $0x380, $0x38;
	[tilespmem:$0x1F80] =	vst v63  }
0x278: {  	s10 =	simm.s32 @!p1 $0x4  }
0x279: {  	_ =	swait.ge @!p1 [sflag:s10], $0x380  }
0x27a: {  	[sflag:s10] =	ssyncset.done @!p1 $0x0  }
0x27b: {  	[sflag:s10] =	ssyncadd.s32 @!p1 $0xFFFFFC80;
	s10 =	simm.s32 @!p1 $0x3  }
0x27c: {  	_ =	swait.ge @!p1 [sflag:s10], $0x1C00  }
0x27d: {  	s11 =	sld [smem:$0x7AD];
	_ =	sdelay $0x1  }
0x27e: {  	[sflag:s10] =	ssyncset.done @!p1 $0x0  }
0x27f: {  	[sflag:s10] =	ssyncadd.s32 @!p1 $0xFFFFE400;
	p1 =	seq.s32 s11, $0x1  }
0x280: {  	s10 =	simm.s32 @!p1 $0x0  }
0x281: {  	[tilespmem:s10], [sflag:$0x1] =	stream.linear.gather @!p1 [hbm4b:s22+s10], $0x1D80, $0x38;
	[tilespmem:$0x1F80] =	vst v63  }
0x282: {  	s11 =	simm.s32 @!p1 $0x1D80;
	s12 =	simm.s32 @!p1 $0x1  }
0x283: {  	[tilespmem:s11], [sflag:$0x2] =	stream.linear.gather @!p1 [hbm4b:s23+s10], $0x200, $0x38;
	[tilespmem:$0x1F80] =	vst v63  }
0x284: {  	_ =	swait.ge @!p1 [sflag:s12], $0x1D80  }
0x285: {  	[sflag:s12] =	ssyncset.done @!p1 $0x0  }
0x286: {  	[sflag:s12] =	ssyncadd.s32 @!p1 $0xFFFFE280;
	s12 =	simm.s32 @!p1 $0x2  }
0x287: {  	[hbm4b:s24+s10] =	stream.linear.scatter @!p1 [tilespmem:s10], [sflag:$0x3], $0x1D80, $0x38;
	[tilespmem:$0x1F80] =	vst v63  }
0x288: {  	_ =	swait.ge @!p1 [sflag:s12], $0x200  }
0x289: {  	[sflag:s12] =	ssyncset.done @!p1 $0x0  }
0x28a: {  	[sflag:s12] =	ssyncadd.s32 @!p1 $0xFFFFFE00  }
0x28b: {  	[hbm4b:s25+s10] =	stream.linear.scatter @!p1 [tilespmem:s11], [sflag:$0x4], $0x200, $0x38;
	[tilespmem:$0x1F80] =	vst v63  }
0x28c: {  	s10 =	simm.s32 @!p1 $0x4  }
0x28d: {  	_ =	swait.ge @!p1 [sflag:s10], $0x200  }
0x28e: {  	[sflag:s10] =	ssyncset.done @!p1 $0x0  }
0x28f: {  	[sflag:s10] =	ssyncadd.s32 @!p1 $0xFFFFFE00;
	s10 =	simm.s32 @!p1 $0x3  }
0x290: {  	_ =	swait.ge @!p1 [sflag:s10], $0x1D80  }
0x291: {  	s12 =	sld [smem:$0x7AE];
	_ =	sdelay $0x1  }
0x292: {  	[sflag:s10] =	ssyncset.done @!p1 $0x0  }
0x293: {  	[sflag:s10] =	ssyncadd.s32 @!p1 $0xFFFFE280;
	p1 =	seq.s32 s12, $0x1  }
0x294: {  	s10 =	simm.s32 @!p1 $0x0  }
0x295: {  	[tilespmem:s10], [sflag:$0x1] =	stream.linear.gather @!p1 [hbm4b:s18+s10], $0x1D00, $0x38;
	[tilespmem:$0x1F80] =	vst v63  }
0x296: {  	s11 =	simm.s32 @!p1 $0x1D00;
	s12 =	simm.s32 @!p1 $0x1  }
0x297: {  	[tilespmem:s11], [sflag:$0x2] =	stream.linear.gather @!p1 [hbm4b:s19+s10], $0x280, $0x38;
	[tilespmem:$0x1F80] =	vst v63  }
0x298: {  	_ =	swait.ge @!p1 [sflag:s12], $0x1D00  }
0x299: {  	[sflag:s12] =	ssyncset.done @!p1 $0x0  }
0x29a: {  	[sflag:s12] =	ssyncadd.s32 @!p1 $0xFFFFE300;
	s12 =	simm.s32 @!p1 $0x2  }
0x29b: {  	[hbm4b:s20+s10] =	stream.linear.scatter @!p1 [tilespmem:s10], [sflag:$0x3], $0x1D00, $0x38;
	[tilespmem:$0x1F80] =	vst v63  }
0x29c: {  	_ =	swait.ge @!p1 [sflag:s12], $0x280  }
0x29d: {  	[sflag:s12] =	ssyncset.done @!p1 $0x0  }
0x29e: {  	[sflag:s12] =	ssyncadd.s32 @!p1 $0xFFFFFD80  }
0x29f: {  	[hbm4b:s21+s10] =	stream.linear.scatter @!p1 [tilespmem:s11], [sflag:$0x4], $0x280, $0x38;
	[tilespmem:$0x1F80] =	vst v63  }
0x2a0: {  	s10 =	simm.s32 @!p1 $0x4  }
0x2a1: {  	_ =	swait.ge @!p1 [sflag:s10], $0x280  }
.Ltmp13:
0x2a2: {  	[sflag:s10] =	ssyncset.done @!p1 $0x0;
	(pc) =	sbr.rel .LBB2_16-.Ltmp13, $4  }
0x2a3: {  	[sflag:s10] =	ssyncadd.s32 @!p1 $0xFFFFFD80;
	s10 =	simm.s32 @!p1 $0x3  }
0x2a4: {  	_ =	swait.ge @!p1 [sflag:s10], $0x1D00  }
0x2a5: {  	[sflag:s10] =	ssyncset.done @!p1 $0x0  }
0x2a6: {  	[sflag:s10] =	ssyncadd.s32 @!p1 $0xFFFFE300  }
.LBB2_12:
0x2a7: {  	p1 =	sgt.s32 s1, $0x15  }
0x2a8: {  	s11 =	sld [smem:$0x7BB];
	p3 =	seq.s32 @p1 s1, $0x16  }
0x2a9: {  	p5 =	por !p3, !p1  }
0x2aa: {  	s12 =	sld [smem:$0x7BC];
	s10 =	simm.s32 @!p5 $0x0  }
0x2ab: {  	[tilespmem:s10], [sflag:$0x1] =	stream.linear.gather @!p5 [hbm4b:s11+s10], $0x1480, $0x38;
	[tilespmem:$0x1F80] =	vst v63  }
0x2ac: {  	s11 =	simm.s32 @!p5 $0x1480  }
0x2ad: {  	[tilespmem:s11], [sflag:$0x2] =	stream.linear.gather @!p5 [hbm4b:s12+s10], $0xB00, $0x38;
	[tilespmem:$0x1F80] =	vst v63  }
0x2ae: {  	s12 =	simm.s32 @!p5 $0x1  }
0x2af: {  	_ =	swait.ge @!p5 [sflag:s12], $0x1480  }
0x2b0: {  	[sflag:s12] =	ssyncset.done @!p5 $0x0  }
0x2b1: {  	[sflag:s12] =	ssyncadd.s32 @!p5 $0xFFFFEB80;
	s12 =	sld [smem:$0x7BD];
	_ =	sdelay $0x2  }
0x2b2: {  	[hbm4b:s12+s10] =	stream.linear.scatter @!p5 [tilespmem:s10], [sflag:$0x3], $0x1480, $0x38;
	[tilespmem:$0x1F80] =	vst v63  }
0x2b3: {  	s12 =	simm.s32 @!p5 $0x2  }
0x2b4: {  	_ =	swait.ge @!p5 [sflag:s12], $0xB00  }
0x2b5: {  	[sflag:s12] =	ssyncset.done @!p5 $0x0  }
0x2b6: {  	[sflag:s12] =	ssyncadd.s32 @!p5 $0xFFFFF500;
	s12 =	sld [smem:$0x7BE];
	_ =	sdelay $0x2  }
0x2b7: {  	[hbm4b:s12+s10] =	stream.linear.scatter @!p5 [tilespmem:s11], [sflag:$0x4], $0xB00, $0x38;
	[tilespmem:$0x1F80] =	vst v63  }
0x2b8: {  	s10 =	simm.s32 @!p5 $0x4  }
0x2b9: {  	_ =	swait.ge @!p5 [sflag:s10], $0xB00  }
0x2ba: {  	[sflag:s10] =	ssyncset.done @!p5 $0x0  }
0x2bb: {  	[sflag:s10] =	ssyncadd.s32 @!p5 $0xFFFFF500;
	s10 =	simm.s32 @!p5 $0x3  }
0x2bc: {  	_ =	swait.ge @!p5 [sflag:s10], $0x1480  }
0x2bd: {  	s11 =	sld [smem:$0x7B7]  }
0x2be: {  	p4 =	por p3, !p1;
	[sflag:s10] =	ssyncset.done @!p5 $0x0  }
0x2bf: {  	s12 =	sld [smem:$0x7B8];
	[sflag:s10] =	ssyncadd.s32 @!p5 $0xFFFFEB80;
	s10 =	simm.s32 @!p4 $0x0  }
0x2c0: {  	[tilespmem:s10], [sflag:$0x1] =	stream.linear.gather @!p4 [hbm4b:s11+s10], $0x1400, $0x38;
	[tilespmem:$0x1F80] =	vst v63  }
0x2c1: {  	s11 =	simm.s32 @!p4 $0x1400  }
0x2c2: {  	[tilespmem:s11], [sflag:$0x2] =	stream.linear.gather @!p4 [hbm4b:s12+s10], $0xB80, $0x38;
	[tilespmem:$0x1F80] =	vst v63  }
0x2c3: {  	s12 =	simm.s32 @!p4 $0x1  }
0x2c4: {  	_ =	swait.ge @!p4 [sflag:s12], $0x1400  }
0x2c5: {  	[sflag:s12] =	ssyncset.done @!p4 $0x0  }
0x2c6: {  	[sflag:s12] =	ssyncadd.s32 @!p4 $0xFFFFEC00;
	s12 =	sld [smem:$0x7B9];
	_ =	sdelay $0x2  }
0x2c7: {  	[hbm4b:s12+s10] =	stream.linear.scatter @!p4 [tilespmem:s10], [sflag:$0x3], $0x1400, $0x38;
	[tilespmem:$0x1F80] =	vst v63  }
0x2c8: {  	s12 =	simm.s32 @!p4 $0x2  }
0x2c9: {  	_ =	swait.ge @!p4 [sflag:s12], $0xB80  }
0x2ca: {  	[sflag:s12] =	ssyncset.done @!p4 $0x0  }
0x2cb: {  	[sflag:s12] =	ssyncadd.s32 @!p4 $0xFFFFF480;
	s12 =	sld [smem:$0x7BA];
	_ =	sdelay $0x2  }
0x2cc: {  	[hbm4b:s12+s10] =	stream.linear.scatter @!p4 [tilespmem:s11], [sflag:$0x4], $0xB80, $0x38;
	[tilespmem:$0x1F80] =	vst v63  }
0x2cd: {  	s10 =	simm.s32 @!p4 $0x4  }
0x2ce: {  	_ =	swait.ge @!p4 [sflag:s10], $0xB80  }
0x2cf: {  	[sflag:s10] =	ssyncset.done @!p4 $0x0  }
0x2d0: {  	[sflag:s10] =	ssyncadd.s32 @!p4 $0xFFFFF480;
	s10 =	simm.s32 @!p4 $0x3  }
0x2d1: {  	_ =	swait.ge @!p4 [sflag:s10], $0x1400  }
0x2d2: {  	p3 =	seq.s32 @!p1 s1, $0x14;
	s11 =	sld [smem:$0x7C3]  }
0x2d3: {  	p5 =	por !p3, p1;
	[sflag:s10] =	ssyncset.done @!p4 $0x0  }
0x2d4: {  	s12 =	sld [smem:$0x7C4];
	[sflag:s10] =	ssyncadd.s32 @!p4 $0xFFFFEC00;
	s10 =	simm.s32 @!p5 $0x0  }
0x2d5: {  	[tilespmem:s10], [sflag:$0x1] =	stream.linear.gather @!p5 [hbm4b:s11+s10], $0x1580, $0x38;
	[tilespmem:$0x1F80] =	vst v63  }
0x2d6: {  	s11 =	simm.s32 @!p5 $0x1580  }
0x2d7: {  	[tilespmem:s11], [sflag:$0x2] =	stream.linear.gather @!p5 [hbm4b:s12+s10], $0xA00, $0x38;
	[tilespmem:$0x1F80] =	vst v63  }
0x2d8: {  	s12 =	simm.s32 @!p5 $0x1  }
0x2d9: {  	_ =	swait.ge @!p5 [sflag:s12], $0x1580  }
0x2da: {  	[sflag:s12] =	ssyncset.done @!p5 $0x0  }
0x2db: {  	[sflag:s12] =	ssyncadd.s32 @!p5 $0xFFFFEA80;
	s12 =	sld [smem:$0x7C5];
	_ =	sdelay $0x2  }
0x2dc: {  	[hbm4b:s12+s10] =	stream.linear.scatter @!p5 [tilespmem:s10], [sflag:$0x3], $0x1580, $0x38;
	[tilespmem:$0x1F80] =	vst v63  }
0x2dd: {  	s12 =	simm.s32 @!p5 $0x2  }
0x2de: {  	_ =	swait.ge @!p5 [sflag:s12], $0xA00  }
0x2df: {  	[sflag:s12] =	ssyncset.done @!p5 $0x0  }
0x2e0: {  	[sflag:s12] =	ssyncadd.s32 @!p5 $0xFFFFF600;
	s12 =	sld [smem:$0x7C6];
	_ =	sdelay $0x2  }
0x2e1: {  	[hbm4b:s12+s10] =	stream.linear.scatter @!p5 [tilespmem:s11], [sflag:$0x4], $0xA00, $0x38;
	[tilespmem:$0x1F80] =	vst v63  }
0x2e2: {  	s10 =	simm.s32 @!p5 $0x4  }
0x2e3: {  	_ =	swait.ge @!p5 [sflag:s10], $0xA00  }
0x2e4: {  	[sflag:s10] =	ssyncset.done @!p5 $0x0  }
0x2e5: {  	[sflag:s10] =	ssyncadd.s32 @!p5 $0xFFFFF600;
	s10 =	simm.s32 @!p5 $0x3  }
0x2e6: {  	_ =	swait.ge @!p5 [sflag:s10], $0x1580  }
0x2e7: {  	s11 =	sld [smem:$0x7BF]  }
0x2e8: {  	p1 =	por p3, p1;
	[sflag:s10] =	ssyncset.done @!p5 $0x0  }
0x2e9: {  	s12 =	sld [smem:$0x7C0];
	[sflag:s10] =	ssyncadd.s32 @!p5 $0xFFFFEA80;
	s10 =	simm.s32 @!p1 $0x0  }
0x2ea: {  	[tilespmem:s10], [sflag:$0x1] =	stream.linear.gather @!p1 [hbm4b:s11+s10], $0x1500, $0x38;
	[tilespmem:$0x1F80] =	vst v63  }
0x2eb: {  	s11 =	simm.s32 @!p1 $0x1500  }
0x2ec: {  	[tilespmem:s11], [sflag:$0x2] =	stream.linear.gather @!p1 [hbm4b:s12+s10], $0xA80, $0x38;
	[tilespmem:$0x1F80] =	vst v63  }
0x2ed: {  	s12 =	simm.s32 @!p1 $0x1  }
0x2ee: {  	_ =	swait.ge @!p1 [sflag:s12], $0x1500  }
0x2ef: {  	[sflag:s12] =	ssyncset.done @!p1 $0x0  }
0x2f0: {  	[sflag:s12] =	ssyncadd.s32 @!p1 $0xFFFFEB00;
	s12 =	sld [smem:$0x7C1];
	_ =	sdelay $0x2  }
0x2f1: {  	[hbm4b:s12+s10] =	stream.linear.scatter @!p1 [tilespmem:s10], [sflag:$0x3], $0x1500, $0x38;
	[tilespmem:$0x1F80] =	vst v63  }
0x2f2: {  	s12 =	simm.s32 @!p1 $0x2  }
0x2f3: {  	_ =	swait.ge @!p1 [sflag:s12], $0xA80  }
0x2f4: {  	[sflag:s12] =	ssyncset.done @!p1 $0x0  }
0x2f5: {  	[sflag:s12] =	ssyncadd.s32 @!p1 $0xFFFFF580;
	s12 =	sld [smem:$0x7C2];
	_ =	sdelay $0x2  }
0x2f6: {  	[hbm4b:s12+s10] =	stream.linear.scatter @!p1 [tilespmem:s11], [sflag:$0x4], $0xA80, $0x38;
	[tilespmem:$0x1F80] =	vst v63  }
0x2f7: {  	s10 =	simm.s32 @!p1 $0x4  }
0x2f8: {  	_ =	swait.ge @!p1 [sflag:s10], $0xA80  }
0x2f9: {  	[sflag:s10] =	ssyncset.done @!p1 $0x0  }
0x2fa: {  	[sflag:s10] =	ssyncadd.s32 @!p1 $0xFFFFF580;
	s10 =	simm.s32 @!p1 $0x3  }
.Ltmp14:
0x2fb: {  	_ =	swait.ge @!p1 [sflag:s10], $0x1500;
	(pc) =	sbr.rel .LBB2_16-.Ltmp14, $3  }
0x2fc: {  	s12 =	sld [smem:$0x7FD];
	_ =	sdelay $0x1  }
0x2fd: {  	[sflag:s10] =	ssyncset.done @!p1 $0x0  }
0x2fe: {  	[sflag:s10] =	ssyncadd.s32 @!p1 $0xFFFFEB00;
	p3 =	seq.s32 s12, $0x1  }
.LBB2_8:
0x2ff: {  	s10 =	sld [smem:$0x7B3];
	_ =	sdelay $0x1  }
0x300: {  	s11 =	sld [smem:$0x7DB]  }
0x301: {  	p1 =	seq.s32 s10, $0x1  }
0x302: {  	s12 =	sld [smem:$0x7DC];
	s10 =	simm.s32 @!p1 $0x0  }
0x303: {  	[tilespmem:s10], [sflag:$0x1] =	stream.linear.gather @!p1 [hbm4b:s11+s10], $0x1880, $0x38;
	[tilespmem:$0x1F80] =	vst v63  }
0x304: {  	s11 =	simm.s32 @!p1 $0x1880  }
0x305: {  	[tilespmem:s11], [sflag:$0x2] =	stream.linear.gather @!p1 [hbm4b:s12+s10], $0x700, $0x38;
	[tilespmem:$0x1F80] =	vst v63  }
0x306: {  	s12 =	simm.s32 @!p1 $0x1  }
0x307: {  	_ =	swait.ge @!p1 [sflag:s12], $0x1880  }
0x308: {  	[sflag:s12] =	ssyncset.done @!p1 $0x0  }
0x309: {  	[sflag:s12] =	ssyncadd.s32 @!p1 $0xFFFFE780;
	s12 =	sld [smem:$0x7DD];
	_ =	sdelay $0x2  }
0x30a: {  	[hbm4b:s12+s10] =	stream.linear.scatter @!p1 [tilespmem:s10], [sflag:$0x3], $0x1880, $0x38;
	[tilespmem:$0x1F80] =	vst v63  }
0x30b: {  	s12 =	simm.s32 @!p1 $0x2  }
0x30c: {  	_ =	swait.ge @!p1 [sflag:s12], $0x700  }
0x30d: {  	[sflag:s12] =	ssyncset.done @!p1 $0x0  }
0x30e: {  	[sflag:s12] =	ssyncadd.s32 @!p1 $0xFFFFF900;
	s12 =	sld [smem:$0x7DE];
	_ =	sdelay $0x2  }
0x30f: {  	[hbm4b:s12+s10] =	stream.linear.scatter @!p1 [tilespmem:s11], [sflag:$0x4], $0x700, $0x38;
	[tilespmem:$0x1F80] =	vst v63  }
0x310: {  	s10 =	simm.s32 @!p1 $0x4  }
0x311: {  	_ =	swait.ge @!p1 [sflag:s10], $0x700  }
0x312: {  	[sflag:s10] =	ssyncset.done @!p1 $0x0  }
0x313: {  	[sflag:s10] =	ssyncadd.s32 @!p1 $0xFFFFF900;
	s10 =	simm.s32 @!p1 $0x3  }
0x314: {  	_ =	swait.ge @!p1 [sflag:s10], $0x1880  }
0x315: {  	s11 =	sld [smem:$0x7D7]  }
0x316: {  	[sflag:s10] =	ssyncset.done @!p1 $0x0  }
0x317: {  	s12 =	sld [smem:$0x7D8];
	[sflag:s10] =	ssyncadd.s32 @!p1 $0xFFFFE780;
	s10 =	simm.s32 @!p6 $0x0  }
0x318: {  	[tilespmem:s10], [sflag:$0x1] =	stream.linear.gather @!p6 [hbm4b:s11+s10], $0x1800, $0x38;
	[tilespmem:$0x1F80] =	vst v63  }
0x319: {  	s11 =	simm.s32 @!p6 $0x1800  }
0x31a: {  	[tilespmem:s11], [sflag:$0x2] =	stream.linear.gather @!p6 [hbm4b:s12+s10], $0x780, $0x38;
	[tilespmem:$0x1F80] =	vst v63  }
0x31b: {  	s12 =	simm.s32 @!p6 $0x1  }
0x31c: {  	_ =	swait.ge @!p6 [sflag:s12], $0x1800  }
0x31d: {  	[sflag:s12] =	ssyncset.done @!p6 $0x0  }
0x31e: {  	[sflag:s12] =	ssyncadd.s32 @!p6 $0xFFFFE800;
	s12 =	sld [smem:$0x7D9];
	_ =	sdelay $0x2  }
0x31f: {  	[hbm4b:s12+s10] =	stream.linear.scatter @!p6 [tilespmem:s10], [sflag:$0x3], $0x1800, $0x38;
	[tilespmem:$0x1F80] =	vst v63  }
0x320: {  	s12 =	simm.s32 @!p6 $0x2  }
0x321: {  	_ =	swait.ge @!p6 [sflag:s12], $0x780  }
0x322: {  	[sflag:s12] =	ssyncset.done @!p6 $0x0  }
0x323: {  	[sflag:s12] =	ssyncadd.s32 @!p6 $0xFFFFF880;
	s12 =	sld [smem:$0x7DA];
	_ =	sdelay $0x2  }
0x324: {  	[hbm4b:s12+s10] =	stream.linear.scatter @!p6 [tilespmem:s11], [sflag:$0x4], $0x780, $0x38;
	[tilespmem:$0x1F80] =	vst v63  }
0x325: {  	s10 =	simm.s32 @!p6 $0x4  }
0x326: {  	_ =	swait.ge @!p6 [sflag:s10], $0x780  }
0x327: {  	[sflag:s10] =	ssyncset.done @!p6 $0x0  }
0x328: {  	[sflag:s10] =	ssyncadd.s32 @!p6 $0xFFFFF880;
	s10 =	simm.s32 @!p6 $0x3  }
0x329: {  	_ =	swait.ge @!p6 [sflag:s10], $0x1800  }
0x32a: {  	s11 =	sld [smem:$0x7E3]  }
0x32b: {  	[sflag:s10] =	ssyncset.done @!p6 $0x0  }
0x32c: {  	s12 =	sld [smem:$0x7E4];
	[sflag:s10] =	ssyncadd.s32 @!p6 $0xFFFFE800;
	s10 =	simm.s32 @!p2 $0x0  }
0x32d: {  	[tilespmem:s10], [sflag:$0x1] =	stream.linear.gather @!p2 [hbm4b:s11+s10], $0x1980, $0x38;
	[tilespmem:$0x1F80] =	vst v63  }
0x32e: {  	s11 =	simm.s32 @!p2 $0x1980  }
0x32f: {  	[tilespmem:s11], [sflag:$0x2] =	stream.linear.gather @!p2 [hbm4b:s12+s10], $0x600, $0x38;
	[tilespmem:$0x1F80] =	vst v63  }
0x330: {  	s12 =	simm.s32 @!p2 $0x1  }
0x331: {  	_ =	swait.ge @!p2 [sflag:s12], $0x1980  }
0x332: {  	[sflag:s12] =	ssyncset.done @!p2 $0x0  }
0x333: {  	[sflag:s12] =	ssyncadd.s32 @!p2 $0xFFFFE680;
	s12 =	sld [smem:$0x7E5];
	_ =	sdelay $0x2  }
0x334: {  	[hbm4b:s12+s10] =	stream.linear.scatter @!p2 [tilespmem:s10], [sflag:$0x3], $0x1980, $0x38;
	[tilespmem:$0x1F80] =	vst v63  }
0x335: {  	s12 =	simm.s32 @!p2 $0x2  }
0x336: {  	_ =	swait.ge @!p2 [sflag:s12], $0x600  }
0x337: {  	[sflag:s12] =	ssyncset.done @!p2 $0x0  }
0x338: {  	[sflag:s12] =	ssyncadd.s32 @!p2 $0xFFFFFA00;
	s12 =	sld [smem:$0x7E6];
	_ =	sdelay $0x2  }
0x339: {  	[hbm4b:s12+s10] =	stream.linear.scatter @!p2 [tilespmem:s11], [sflag:$0x4], $0x600, $0x38;
	[tilespmem:$0x1F80] =	vst v63  }
0x33a: {  	s10 =	simm.s32 @!p2 $0x4  }
0x33b: {  	_ =	swait.ge @!p2 [sflag:s10], $0x600  }
0x33c: {  	[sflag:s10] =	ssyncset.done @!p2 $0x0  }
0x33d: {  	[sflag:s10] =	ssyncadd.s32 @!p2 $0xFFFFFA00;
	s10 =	simm.s32 @!p2 $0x3  }
0x33e: {  	_ =	swait.ge @!p2 [sflag:s10], $0x1980  }
0x33f: {  	s11 =	sld [smem:$0x7DF]  }
0x340: {  	[sflag:s10] =	ssyncset.done @!p2 $0x0  }
0x341: {  	s12 =	sld [smem:$0x7E0];
	[sflag:s10] =	ssyncadd.s32 @!p2 $0xFFFFE680;
	s10 =	simm.s32 @!p0 $0x0  }
0x342: {  	[tilespmem:s10], [sflag:$0x1] =	stream.linear.gather @!p0 [hbm4b:s11+s10], $0x1900, $0x38;
	[tilespmem:$0x1F80] =	vst v63  }
0x343: {  	s11 =	simm.s32 @!p0 $0x1900  }
0x344: {  	[tilespmem:s11], [sflag:$0x2] =	stream.linear.gather @!p0 [hbm4b:s12+s10], $0x680, $0x38;
	[tilespmem:$0x1F80] =	vst v63  }
0x345: {  	s12 =	simm.s32 @!p0 $0x1  }
0x346: {  	_ =	swait.ge @!p0 [sflag:s12], $0x1900  }
0x347: {  	[sflag:s12] =	ssyncset.done @!p0 $0x0  }
0x348: {  	[sflag:s12] =	ssyncadd.s32 @!p0 $0xFFFFE700;
	s12 =	sld [smem:$0x7E1];
	_ =	sdelay $0x2  }
0x349: {  	[hbm4b:s12+s10] =	stream.linear.scatter @!p0 [tilespmem:s10], [sflag:$0x3], $0x1900, $0x38;
	[tilespmem:$0x1F80] =	vst v63  }
0x34a: {  	s12 =	simm.s32 @!p0 $0x2  }
0x34b: {  	_ =	swait.ge @!p0 [sflag:s12], $0x680  }
0x34c: {  	[sflag:s12] =	ssyncset.done @!p0 $0x0  }
0x34d: {  	[sflag:s12] =	ssyncadd.s32 @!p0 $0xFFFFF980;
	s12 =	sld [smem:$0x7E2];
	_ =	sdelay $0x2  }
0x34e: {  	[hbm4b:s12+s10] =	stream.linear.scatter @!p0 [tilespmem:s11], [sflag:$0x4], $0x680, $0x38;
	[tilespmem:$0x1F80] =	vst v63  }
0x34f: {  	s10 =	simm.s32 @!p0 $0x4  }
0x350: {  	_ =	swait.ge @!p0 [sflag:s10], $0x680  }
.Ltmp15:
0x351: {  	[sflag:s10] =	ssyncset.done @!p0 $0x0;
	(pc) =	sbr.rel .LBB2_16-.Ltmp15, $4  }
0x352: {  	[sflag:s10] =	ssyncadd.s32 @!p0 $0xFFFFF980;
	s10 =	simm.s32 @!p0 $0x3  }
0x353: {  	_ =	swait.ge @!p0 [sflag:s10], $0x1900  }
0x354: {  	[sflag:s10] =	ssyncset.done @!p0 $0x0  }
0x355: {  	[sflag:s10] =	ssyncadd.s32 @!p0 $0xFFFFE700  }
.LBB2_17:
0x356: {  	_ =	sfence.sel $0x180000  }
0x357: {  	[bflag:$0x0] =	sbarrier.arrive $0xFFFF  }
0x358: {  	_ =	strace $0x90000047  }
0x359: {  	s0 =	stileid.u32;
	[bflag:$0x2] =	sbarrier.arrive $0xFFFF  }
0x35a: {  	p0 =	sne.s32 s0, $0x0;
	s0 =	rddreg [dreg:$0x1]  }
0x35b: {  	s0 =	sadd.s32 @!p0 $0x100000, s0  }
0x35c: {  	[sflag:s0] =	ssyncadd.tile.s32 @!p0 $0x1;
	_ =	shalt  }
.Lfunc_end2:
_tile_overlayer_lowered:
.L_overlay_start_2:
0x35d: {  	(tag) =	ssettag $0x2  }
0x35e: {  	s0 =	rddreg [dreg:$0x0];
	s2 =	stileid.u32  }
0x35f: {  	s1 =	rddreg [dreg:$0x1];
	p0 =	sne.s32 s2, $0x0  }
0x360: {  	s3 =	rddreg [dreg:$0x2];
	[bflag:$0x3] =	sbarrier.arrive $0xFFFF;
	s2 =	simm.s32 @!p0 $0x1C05  }
0x361: {  	[timem:s3], [sflag:s2] =	dma.local @!p0 [hbm:s0], s1  }
0x362: {  	s0 =	simm.s32 @!p0 $0x5  }
0x363: {  	_ =	swait.ge @!p0 [sflag:s0], s1  }
0x364: {  	s1 =	ssub.s32 @!p0 $0x0, s1;
	[sflag:s0] =	ssyncset.done @!p0 $0x0  }
0x365: {  	[sflag:s0] =	ssyncadd.s32 @!p0 s1  }
0x366: {  	[bflag:$0x3] =	sbarrier.arrive $0xFFFF  }
0x367: {  	_ =	shalt  }

</sc_bundles>
